<compile_context>
chip_gen: v7x
topology: tpu7x:2x2x1
jax: 0.10.2.dev20260603
libtpu: 0.0.44.dev20260713+nightly
codegen_flags: <defaults>
</compile_context>

<pallas_src>
import functools

import jax
import jax.numpy as jnp
from jax import lax
from jax.experimental import pallas as pl
from jax.experimental.pallas import tpu as pltpu
from jax.experimental.pallas import tpu_sc as plsc

B = 16384
D = 128
NUM_WORKERS = 32
ROWS_PER_WORKER = B // NUM_WORKERS
MAX_CHUNK = 128
LANES = 16
D_VECS = D // LANES

_CHUNKS = ((0, 32), (32, 96), (128, 128), (256, 128), (384, 128))
_NBUF = 3


def _row_partial(urows, mrows, row):
    p0 = urows[row, pl.ds(0, LANES)] * mrows[row, pl.ds(0, LANES)]
    p1 = urows[row, pl.ds(LANES, LANES)] * mrows[row, pl.ds(LANES, LANES)]
    for j in range(2, D_VECS, 2):
        p0 = p0 + (urows[row, pl.ds(j * LANES, LANES)]
                   * mrows[row, pl.ds(j * LANES, LANES)])
        p1 = p1 + (urows[row, pl.ds((j + 1) * LANES, LANES)]
                   * mrows[row, pl.ds((j + 1) * LANES, LANES)])
    return p0 + p1


def _sc_kernel(uidx_hbm, midx_hbm, utab_hbm, mtab_hbm, out_hbm,
               uidx_v, midx_v, urows, mrows, outv, sems):
    wid = lax.axis_index("s") * 2 + lax.axis_index("c")
    pltpu.sync_copy(uidx_hbm.at[wid], uidx_v)
    pltpu.sync_copy(midx_hbm.at[wid], midx_v)
    iota = lax.iota(jnp.int32, LANES)

    def issue(k):
        off, n = _CHUNKS[k]
        buf = k % _NBUF
        cu = pltpu.async_copy(utab_hbm.at[uidx_v.at[pl.ds(off, n)]],
                              urows.at[buf, pl.ds(0, n)], sems.at[buf, 0])
        cm = pltpu.async_copy(mtab_hbm.at[midx_v.at[pl.ds(off, n)]],
                              mrows.at[buf, pl.ds(0, n)], sems.at[buf, 1])
        return cu, cm

    pending = [issue(0), issue(1)]
    for k in range(len(_CHUNKS)):
        cu, cm = pending.pop(0)
        if k + 2 < len(_CHUNKS):
            pending.append(issue(k + 2))
        cu.wait()
        cm.wait()
        off, n = _CHUNKS[k]
        buf = k % _NBUF
        ub = urows.at[buf]
        mb = mrows.at[buf]

        def group_body(g, _):
            row0 = g * LANES

            def row_body(r, accv):
                p = _row_partial(ub, mb, row0 + r)
                return jnp.where(iota == r, jnp.sum(p), accv)

            accv = lax.fori_loop(0, LANES, row_body,
                                 jnp.zeros((LANES,), jnp.float32),
                                 unroll=4)
            outv[pl.ds(off + row0, LANES)] = accv
            return 0

        lax.fori_loop(0, n // LANES, group_body, 0)

    base = wid * ROWS_PER_WORKER
    pltpu.sync_copy(outv, out_hbm.at[pl.ds(base, ROWS_PER_WORKER)])


@jax.jit
def _run(uidx, midx, user_table, movie_table):
    mesh = plsc.VectorSubcoreMesh(core_axis_name="c", subcore_axis_name="s")
    fn = functools.partial(
        pl.kernel,
        mesh=mesh,
        compiler_params=pltpu.CompilerParams(needs_layout_passes=False),
        out_type=jax.ShapeDtypeStruct((B,), jnp.float32),
        scratch_types=[
            pltpu.VMEM((ROWS_PER_WORKER,), jnp.int32),
            pltpu.VMEM((ROWS_PER_WORKER,), jnp.int32),
            pltpu.VMEM((_NBUF, MAX_CHUNK, D), jnp.float32),
            pltpu.VMEM((_NBUF, MAX_CHUNK, D), jnp.float32),
            pltpu.VMEM((ROWS_PER_WORKER,), jnp.float32),
            pltpu.SemaphoreType.DMA((_NBUF, 2)),
        ],
    )(_sc_kernel)
    return fn(uidx, midx, user_table, movie_table)


def kernel(inputs, user_table, movie_table):
    idx = inputs.astype(jnp.int32)
    uidx = idx[:, 0].reshape(NUM_WORKERS, ROWS_PER_WORKER)
    midx = idx[:, 1].reshape(NUM_WORKERS, ROWS_PER_WORKER)
    out = _run(uidx, midx, user_table, movie_table)
    return out.reshape(B, 1)

# --- scband reference (transcript-rebuilt; emitter-appended) ---
"""Pipeline reference for scband-recommender-model-77378130805356 (READ-ONLY COPY).

The authoritative reference and input builder live on the scoring server;
editing this copy changes nothing except your own understanding.
"""

import jax, jax.numpy as jnp
import numpy as np

NUM_USERS = 100000
NUM_MOVIES = 100000
EMBED_DIM = 128
BATCH = 16384

def setup_inputs(seed: int = 0) -> dict:
    key = jax.random.key(seed)
    k1, k2, k3 = jax.random.split(key, 3)
    inputs = jax.random.randint(k1, (BATCH, 2), 0, NUM_USERS, dtype=jnp.int64) if jax.config.jax_enable_x64 else jax.random.randint(k1, (BATCH, 2), 0, NUM_USERS, dtype=jnp.int32)
    user_table = jax.random.normal(k2, (NUM_USERS, EMBED_DIM), dtype=jnp.float32) * 0.05
    movie_table = jax.random.normal(k3, (NUM_MOVIES, EMBED_DIM), dtype=jnp.float32) * 0.05
    return {"inputs": inputs, "user_table": user_table, "movie_table": movie_table}

def reference(inputs, user_table, movie_table):
    # user_embedding lookup on column 0, movie_embedding lookup on column 1
    user_vector = jnp.take(user_table, inputs[:, 0], axis=0)   # [B, D]
    movie_vector = jnp.take(movie_table, inputs[:, 1], axis=0)  # [B, D]
    # keras Dot(axes=1) over two [B, D] tensors -> [B, 1]
    out = jnp.sum(user_vector * movie_vector, axis=1, keepdims=True)
    return out

if __name__ == "__main__":
    import jax
    _d = setup_inputs()
    print(jax.jit(kernel)(*tuple(_d.values())))

</pallas_src>

<mosaic_0001>
#map = affine_map<(d0, d1) -> (0, 0)>
#map1 = affine_map<(d0, d1) -> (0)>
module attributes {stable_mosaic.version = 14 : i64} {
  func.func @_sc_kernel(%arg0: i32, %arg1: i32, %arg2: memref<32x512xi32, #tpu.memory_space<hbm>>, %arg3: memref<32x512xi32, #tpu.memory_space<hbm>>, %arg4: memref<100000x128xf32, #tpu.memory_space<hbm>>, %arg5: memref<100000x128xf32, #tpu.memory_space<hbm>>, %arg6: memref<16384xf32, #tpu.memory_space<hbm>>, %arg7: memref<512xi32, #tpu.memory_space<vmem>>, %arg8: memref<512xi32, #tpu.memory_space<vmem>>, %arg9: memref<3x128x128xf32, #tpu.memory_space<vmem>>, %arg10: memref<3x128x128xf32, #tpu.memory_space<vmem>>, %arg11: memref<512xf32, #tpu.memory_space<vmem>>, %arg12: memref<3x2x!tpu.dma_semaphore, #tpu.memory_space<semaphore_mem>>) attributes {dimension_semantics = [#tpu.dimension_semantics<core_parallel>, #tpu.dimension_semantics<subcore_parallel>], iteration_bounds = array<i64: 2, 16>, scalar_prefetch = 0 : i64, scratch_operands = 6 : i64, tpu.core_type = #tpu.core_type<sc_vector_subcore>, window_params = [{transform_indices = #map}, {transform_indices = #map}, {transform_indices = #map}, {transform_indices = #map}, {transform_indices = #map1}]} {
    %mul3A = arith.constant 2 : i32
    %mul3A_0 = arith.muli %arg1, %mul3A : i32
    %add3A = arith.addi %mul3A_0, %arg0 : i32
    "tpu.region"() ({
      %run_scoped3A = tpu.sem_alloc : memref<!tpu.dma_semaphore, #tpu.memory_space<semaphore_mem>>
      %dma_start3A_325 = arith.constant 0 : i32
      %dma_start3A_326 = tpu.memref_slice %arg2[%add3A, %dma_start3A_325] : memref<32x512xi32, #tpu.memory_space<hbm>> -> memref<1x512xi32, #tpu.memory_space<hbm>>
      %dma_start3A_327 = tpu.memref_squeeze %dma_start3A_326 : memref<1x512xi32, #tpu.memory_space<hbm>> -> memref<512xi32, #tpu.memory_space<hbm>>
      %dma_start3A_328 = arith.constant 0 : i32
      %dma_start3A_329 = tpu.memref_slice %arg2[%add3A, %dma_start3A_328] : memref<32x512xi32, #tpu.memory_space<hbm>> -> memref<1x512xi32, #tpu.memory_space<hbm>>
      %dma_start3A_330 = tpu.memref_squeeze %dma_start3A_329 : memref<1x512xi32, #tpu.memory_space<hbm>> -> memref<512xi32, #tpu.memory_space<hbm>>
      tpu.enqueue_dma source(%dma_start3A_330 : memref<512xi32, #tpu.memory_space<hbm>>) target(%arg7 : memref<512xi32, #tpu.memory_space<vmem>>) target_semaphore(%run_scoped3A : memref<!tpu.dma_semaphore, #tpu.memory_space<semaphore_mem>>)
      %dma_wait3A_331 = arith.constant 0 : i32
      %dma_wait3A_332 = tpu.memref_slice %arg2[%add3A, %dma_wait3A_331] : memref<32x512xi32, #tpu.memory_space<hbm>> -> memref<1x512xi32, #tpu.memory_space<hbm>>
      %dma_wait3A_333 = tpu.memref_squeeze %dma_wait3A_332 : memref<1x512xi32, #tpu.memory_space<hbm>> -> memref<512xi32, #tpu.memory_space<hbm>>
      %dma_wait3A_334 = arith.constant 0 : i32
      %dma_wait3A_335 = tpu.memref_slice %arg2[%add3A, %dma_wait3A_334] : memref<32x512xi32, #tpu.memory_space<hbm>> -> memref<1x512xi32, #tpu.memory_space<hbm>>
      %dma_wait3A_336 = tpu.memref_squeeze %dma_wait3A_335 : memref<1x512xi32, #tpu.memory_space<hbm>> -> memref<512xi32, #tpu.memory_space<hbm>>
      tpu.wait_dma2 semaphore(%run_scoped3A : memref<!tpu.dma_semaphore, #tpu.memory_space<semaphore_mem>>) src(%dma_wait3A_336 : memref<512xi32, #tpu.memory_space<hbm>>) dst(%arg7 : memref<512xi32, #tpu.memory_space<vmem>>)
      tpu.yield
    }) : () -> ()
    "tpu.region"() ({
      %run_scoped3A = tpu.sem_alloc : memref<!tpu.dma_semaphore, #tpu.memory_space<semaphore_mem>>
      %dma_start3A_325 = arith.constant 0 : i32
      %dma_start3A_326 = tpu.memref_slice %arg3[%add3A, %dma_start3A_325] : memref<32x512xi32, #tpu.memory_space<hbm>> -> memref<1x512xi32, #tpu.memory_space<hbm>>
      %dma_start3A_327 = tpu.memref_squeeze %dma_start3A_326 : memref<1x512xi32, #tpu.memory_space<hbm>> -> memref<512xi32, #tpu.memory_space<hbm>>
      %dma_start3A_328 = arith.constant 0 : i32
      %dma_start3A_329 = tpu.memref_slice %arg3[%add3A, %dma_start3A_328] : memref<32x512xi32, #tpu.memory_space<hbm>> -> memref<1x512xi32, #tpu.memory_space<hbm>>
      %dma_start3A_330 = tpu.memref_squeeze %dma_start3A_329 : memref<1x512xi32, #tpu.memory_space<hbm>> -> memref<512xi32, #tpu.memory_space<hbm>>
      tpu.enqueue_dma source(%dma_start3A_330 : memref<512xi32, #tpu.memory_space<hbm>>) target(%arg8 : memref<512xi32, #tpu.memory_space<vmem>>) target_semaphore(%run_scoped3A : memref<!tpu.dma_semaphore, #tpu.memory_space<semaphore_mem>>)
      %dma_wait3A_331 = arith.constant 0 : i32
      %dma_wait3A_332 = tpu.memref_slice %arg3[%add3A, %dma_wait3A_331] : memref<32x512xi32, #tpu.memory_space<hbm>> -> memref<1x512xi32, #tpu.memory_space<hbm>>
      %dma_wait3A_333 = tpu.memref_squeeze %dma_wait3A_332 : memref<1x512xi32, #tpu.memory_space<hbm>> -> memref<512xi32, #tpu.memory_space<hbm>>
      %dma_wait3A_334 = arith.constant 0 : i32
      %dma_wait3A_335 = tpu.memref_slice %arg3[%add3A, %dma_wait3A_334] : memref<32x512xi32, #tpu.memory_space<hbm>> -> memref<1x512xi32, #tpu.memory_space<hbm>>
      %dma_wait3A_336 = tpu.memref_squeeze %dma_wait3A_335 : memref<1x512xi32, #tpu.memory_space<hbm>> -> memref<512xi32, #tpu.memory_space<hbm>>
      tpu.wait_dma2 semaphore(%run_scoped3A : memref<!tpu.dma_semaphore, #tpu.memory_space<semaphore_mem>>) src(%dma_wait3A_336 : memref<512xi32, #tpu.memory_space<hbm>>) dst(%arg8 : memref<512xi32, #tpu.memory_space<vmem>>)
      tpu.yield
    }) : () -> ()
    %iota3A = tpu.iota {dimensions = array<i32: 0>} : vector<16xi32>
    %dma_start3A = arith.constant 0 : i32
    %dma_start3A_1 = arith.constant 0 : i32
    %dma_start3A_2 = arith.constant 0 : i32
    %dma_start3A_3 = arith.constant 0 : i32
    %dma_start3A_4 = arith.constant 0 : i32
    %dma_start3A_5 = tpu.memref_slice %arg9[%dma_start3A, %dma_start3A_3, %dma_start3A_4] : memref<3x128x128xf32, #tpu.memory_space<vmem>> -> memref<1x32x128xf32, #tpu.memory_space<vmem>>
    %dma_start3A_6 = tpu.memref_squeeze %dma_start3A_5 : memref<1x32x128xf32, #tpu.memory_space<vmem>> -> memref<32x128xf32, #tpu.memory_space<vmem>>
    %dma_start3A_7 = arith.constant 0 : i32
    %dma_start3A_8 = tpu.memref_slice %arg7[%dma_start3A_7] : memref<512xi32, #tpu.memory_space<vmem>> -> memref<32xi32, #tpu.memory_space<vmem>>
    %dma_start3A_9 = arith.constant 0 : i32
    %dma_start3A_10 = arith.constant 0 : i32
    %dma_start3A_11 = tpu.memref_slice %arg4[%dma_start3A_9, %dma_start3A_10] : memref<100000x128xf32, #tpu.memory_space<hbm>> -> memref<100000x128xf32, #tpu.memory_space<hbm>>
    %dma_start3A_12 = tpu.memref_slice %arg12[%dma_start3A_1, %dma_start3A_2] : memref<3x2x!tpu.dma_semaphore, #tpu.memory_space<semaphore_mem>> -> memref<1x1x!tpu.dma_semaphore, #tpu.memory_space<semaphore_mem>>
    %dma_start3A_13 = tpu.memref_squeeze %dma_start3A_12 : memref<1x1x!tpu.dma_semaphore, #tpu.memory_space<semaphore_mem>> -> memref<!tpu.dma_semaphore, #tpu.memory_space<semaphore_mem>>
    tpu.enqueue_indirect_dma source(%dma_start3A_11 : memref<100000x128xf32, #tpu.memory_space<hbm>>) target(%dma_start3A_6 : memref<32x128xf32, #tpu.memory_space<vmem>>) offsets(%dma_start3A_8 : memref<32xi32, #tpu.memory_space<vmem>>) semaphore(%dma_start3A_13 : memref<!tpu.dma_semaphore, #tpu.memory_space<semaphore_mem>>)
    %dma_start3A_14 = arith.constant 0 : i32
    %dma_start3A_15 = arith.constant 0 : i32
    %dma_start3A_16 = arith.constant 1 : i32
    %dma_start3A_17 = arith.constant 0 : i32
    %dma_start3A_18 = arith.constant 0 : i32
    %dma_start3A_19 = tpu.memref_slice %arg10[%dma_start3A_14, %dma_start3A_17, %dma_start3A_18] : memref<3x128x128xf32, #tpu.memory_space<vmem>> -> memref<1x32x128xf32, #tpu.memory_space<vmem>>
    %dma_start3A_20 = tpu.memref_squeeze %dma_start3A_19 : memref<1x32x128xf32, #tpu.memory_space<vmem>> -> memref<32x128xf32, #tpu.memory_space<vmem>>
    %dma_start3A_21 = arith.constant 0 : i32
    %dma_start3A_22 = tpu.memref_slice %arg8[%dma_start3A_21] : memref<512xi32, #tpu.memory_space<vmem>> -> memref<32xi32, #tpu.memory_space<vmem>>
    %dma_start3A_23 = arith.constant 0 : i32
    %dma_start3A_24 = arith.constant 0 : i32
    %dma_start3A_25 = tpu.memref_slice %arg5[%dma_start3A_23, %dma_start3A_24] : memref<100000x128xf32, #tpu.memory_space<hbm>> -> memref<100000x128xf32, #tpu.memory_space<hbm>>
    %dma_start3A_26 = tpu.memref_slice %arg12[%dma_start3A_15, %dma_start3A_16] : memref<3x2x!tpu.dma_semaphore, #tpu.memory_space<semaphore_mem>> -> memref<1x1x!tpu.dma_semaphore, #tpu.memory_space<semaphore_mem>>
    %dma_start3A_27 = tpu.memref_squeeze %dma_start3A_26 : memref<1x1x!tpu.dma_semaphore, #tpu.memory_space<semaphore_mem>> -> memref<!tpu.dma_semaphore, #tpu.memory_space<semaphore_mem>>
    tpu.enqueue_indirect_dma source(%dma_start3A_25 : memref<100000x128xf32, #tpu.memory_space<hbm>>) target(%dma_start3A_20 : memref<32x128xf32, #tpu.memory_space<vmem>>) offsets(%dma_start3A_22 : memref<32xi32, #tpu.memory_space<vmem>>) semaphore(%dma_start3A_27 : memref<!tpu.dma_semaphore, #tpu.memory_space<semaphore_mem>>)
    %dma_start3A_28 = arith.constant 1 : i32
    %dma_start3A_29 = arith.constant 1 : i32
    %dma_start3A_30 = arith.constant 0 : i32
    %dma_start3A_31 = arith.constant 0 : i32
    %dma_start3A_32 = arith.constant 0 : i32
    %dma_start3A_33 = tpu.memref_slice %arg9[%dma_start3A_28, %dma_start3A_31, %dma_start3A_32] : memref<3x128x128xf32, #tpu.memory_space<vmem>> -> memref<1x96x128xf32, #tpu.memory_space<vmem>>
    %dma_start3A_34 = tpu.memref_squeeze %dma_start3A_33 : memref<1x96x128xf32, #tpu.memory_space<vmem>> -> memref<96x128xf32, #tpu.memory_space<vmem>>
    %dma_start3A_35 = arith.constant 32 : i32
    %dma_start3A_36 = tpu.memref_slice %arg7[%dma_start3A_35] : memref<512xi32, #tpu.memory_space<vmem>> -> memref<96xi32, #tpu.memory_space<vmem>>
    %dma_start3A_37 = arith.constant 0 : i32
    %dma_start3A_38 = arith.constant 0 : i32
    %dma_start3A_39 = tpu.memref_slice %arg4[%dma_start3A_37, %dma_start3A_38] : memref<100000x128xf32, #tpu.memory_space<hbm>> -> memref<100000x128xf32, #tpu.memory_space<hbm>>
    %dma_start3A_40 = tpu.memref_slice %arg12[%dma_start3A_29, %dma_start3A_30] : memref<3x2x!tpu.dma_semaphore, #tpu.memory_space<semaphore_mem>> -> memref<1x1x!tpu.dma_semaphore, #tpu.memory_space<semaphore_mem>>
    %dma_start3A_41 = tpu.memref_squeeze %dma_start3A_40 : memref<1x1x!tpu.dma_semaphore, #tpu.memory_space<semaphore_mem>> -> memref<!tpu.dma_semaphore, #tpu.memory_space<semaphore_mem>>
    tpu.enqueue_indirect_dma source(%dma_start3A_39 : memref<100000x128xf32, #tpu.memory_space<hbm>>) target(%dma_start3A_34 : memref<96x128xf32, #tpu.memory_space<vmem>>) offsets(%dma_start3A_36 : memref<96xi32, #tpu.memory_space<vmem>>) semaphore(%dma_start3A_41 : memref<!tpu.dma_semaphore, #tpu.memory_space<semaphore_mem>>)
    %dma_start3A_42 = arith.constant 1 : i32
    %dma_start3A_43 = arith.constant 1 : i32
    %dma_start3A_44 = arith.constant 1 : i32
    %dma_start3A_45 = arith.constant 0 : i32
    %dma_start3A_46 = arith.constant 0 : i32
    %dma_start3A_47 = tpu.memref_slice %arg10[%dma_start3A_42, %dma_start3A_45, %dma_start3A_46] : memref<3x128x128xf32, #tpu.memory_space<vmem>> -> memref<1x96x128xf32, #tpu.memory_space<vmem>>
    %dma_start3A_48 = tpu.memref_squeeze %dma_start3A_47 : memref<1x96x128xf32, #tpu.memory_space<vmem>> -> memref<96x128xf32, #tpu.memory_space<vmem>>
    %dma_start3A_49 = arith.constant 32 : i32
    %dma_start3A_50 = tpu.memref_slice %arg8[%dma_start3A_49] : memref<512xi32, #tpu.memory_space<vmem>> -> memref<96xi32, #tpu.memory_space<vmem>>
    %dma_start3A_51 = arith.constant 0 : i32
    %dma_start3A_52 = arith.constant 0 : i32
    %dma_start3A_53 = tpu.memref_slice %arg5[%dma_start3A_51, %dma_start3A_52] : memref<100000x128xf32, #tpu.memory_space<hbm>> -> memref<100000x128xf32, #tpu.memory_space<hbm>>
    %dma_start3A_54 = tpu.memref_slice %arg12[%dma_start3A_43, %dma_start3A_44] : memref<3x2x!tpu.dma_semaphore, #tpu.memory_space<semaphore_mem>> -> memref<1x1x!tpu.dma_semaphore, #tpu.memory_space<semaphore_mem>>
    %dma_start3A_55 = tpu.memref_squeeze %dma_start3A_54 : memref<1x1x!tpu.dma_semaphore, #tpu.memory_space<semaphore_mem>> -> memref<!tpu.dma_semaphore, #tpu.memory_space<semaphore_mem>>
    tpu.enqueue_indirect_dma source(%dma_start3A_53 : memref<100000x128xf32, #tpu.memory_space<hbm>>) target(%dma_start3A_48 : memref<96x128xf32, #tpu.memory_space<vmem>>) offsets(%dma_start3A_50 : memref<96xi32, #tpu.memory_space<vmem>>) semaphore(%dma_start3A_55 : memref<!tpu.dma_semaphore, #tpu.memory_space<semaphore_mem>>)
    %dma_start3A_56 = arith.constant 2 : i32
    %dma_start3A_57 = arith.constant 2 : i32
    %dma_start3A_58 = arith.constant 0 : i32
    %dma_start3A_59 = arith.constant 0 : i32
    %dma_start3A_60 = arith.constant 0 : i32
    %dma_start3A_61 = tpu.memref_slice %arg9[%dma_start3A_56, %dma_start3A_59, %dma_start3A_60] : memref<3x128x128xf32, #tpu.memory_space<vmem>> -> memref<1x128x128xf32, #tpu.memory_space<vmem>>
    %dma_start3A_62 = tpu.memref_squeeze %dma_start3A_61 : memref<1x128x128xf32, #tpu.memory_space<vmem>> -> memref<128x128xf32, #tpu.memory_space<vmem>>
    %dma_start3A_63 = arith.constant 128 : i32
    %dma_start3A_64 = tpu.memref_slice %arg7[%dma_start3A_63] : memref<512xi32, #tpu.memory_space<vmem>> -> memref<128xi32, #tpu.memory_space<vmem>>
    %dma_start3A_65 = arith.constant 0 : i32
    %dma_start3A_66 = arith.constant 0 : i32
    %dma_start3A_67 = tpu.memref_slice %arg4[%dma_start3A_65, %dma_start3A_66] : memref<100000x128xf32, #tpu.memory_space<hbm>> -> memref<100000x128xf32, #tpu.memory_space<hbm>>
    %dma_start3A_68 = tpu.memref_slice %arg12[%dma_start3A_57, %dma_start3A_58] : memref<3x2x!tpu.dma_semaphore, #tpu.memory_space<semaphore_mem>> -> memref<1x1x!tpu.dma_semaphore, #tpu.memory_space<semaphore_mem>>
    %dma_start3A_69 = tpu.memref_squeeze %dma_start3A_68 : memref<1x1x!tpu.dma_semaphore, #tpu.memory_space<semaphore_mem>> -> memref<!tpu.dma_semaphore, #tpu.memory_space<semaphore_mem>>
    tpu.enqueue_indirect_dma source(%dma_start3A_67 : memref<100000x128xf32, #tpu.memory_space<hbm>>) target(%dma_start3A_62 : memref<128x128xf32, #tpu.memory_space<vmem>>) offsets(%dma_start3A_64 : memref<128xi32, #tpu.memory_space<vmem>>) semaphore(%dma_start3A_69 : memref<!tpu.dma_semaphore, #tpu.memory_space<semaphore_mem>>)
    %dma_start3A_70 = arith.constant 2 : i32
    %dma_start3A_71 = arith.constant 2 : i32
    %dma_start3A_72 = arith.constant 1 : i32
    %dma_start3A_73 = arith.constant 0 : i32
    %dma_start3A_74 = arith.constant 0 : i32
    %dma_start3A_75 = tpu.memref_slice %arg10[%dma_start3A_70, %dma_start3A_73, %dma_start3A_74] : memref<3x128x128xf32, #tpu.memory_space<vmem>> -> memref<1x128x128xf32, #tpu.memory_space<vmem>>
    %dma_start3A_76 = tpu.memref_squeeze %dma_start3A_75 : memref<1x128x128xf32, #tpu.memory_space<vmem>> -> memref<128x128xf32, #tpu.memory_space<vmem>>
    %dma_start3A_77 = arith.constant 128 : i32
    %dma_start3A_78 = tpu.memref_slice %arg8[%dma_start3A_77] : memref<512xi32, #tpu.memory_space<vmem>> -> memref<128xi32, #tpu.memory_space<vmem>>
    %dma_start3A_79 = arith.constant 0 : i32
    %dma_start3A_80 = arith.constant 0 : i32
    %dma_start3A_81 = tpu.memref_slice %arg5[%dma_start3A_79, %dma_start3A_80] : memref<100000x128xf32, #tpu.memory_space<hbm>> -> memref<100000x128xf32, #tpu.memory_space<hbm>>
    %dma_start3A_82 = tpu.memref_slice %arg12[%dma_start3A_71, %dma_start3A_72] : memref<3x2x!tpu.dma_semaphore, #tpu.memory_space<semaphore_mem>> -> memref<1x1x!tpu.dma_semaphore, #tpu.memory_space<semaphore_mem>>
    %dma_start3A_83 = tpu.memref_squeeze %dma_start3A_82 : memref<1x1x!tpu.dma_semaphore, #tpu.memory_space<semaphore_mem>> -> memref<!tpu.dma_semaphore, #tpu.memory_space<semaphore_mem>>
    tpu.enqueue_indirect_dma source(%dma_start3A_81 : memref<100000x128xf32, #tpu.memory_space<hbm>>) target(%dma_start3A_76 : memref<128x128xf32, #tpu.memory_space<vmem>>) offsets(%dma_start3A_78 : memref<128xi32, #tpu.memory_space<vmem>>) semaphore(%dma_start3A_83 : memref<!tpu.dma_semaphore, #tpu.memory_space<semaphore_mem>>)
    %dma_wait3A = arith.constant 0 : i32
    %dma_wait3A_84 = arith.constant 0 : i32
    %dma_wait3A_85 = arith.constant 0 : i32
    %dma_wait3A_86 = arith.constant 0 : i32
    %dma_wait3A_87 = arith.constant 0 : i32
    %dma_wait3A_88 = tpu.memref_slice %arg9[%dma_wait3A, %dma_wait3A_86, %dma_wait3A_87] : memref<3x128x128xf32, #tpu.memory_space<vmem>> -> memref<1x32x128xf32, #tpu.memory_space<vmem>>
    %dma_wait3A_89 = tpu.memref_squeeze %dma_wait3A_88 : memref<1x32x128xf32, #tpu.memory_space<vmem>> -> memref<32x128xf32, #tpu.memory_space<vmem>>
    %dma_wait3A_90 = arith.constant 0 : i32
    %dma_wait3A_91 = tpu.memref_slice %arg7[%dma_wait3A_90] : memref<512xi32, #tpu.memory_space<vmem>> -> memref<32xi32, #tpu.memory_space<vmem>>
    %dma_wait3A_92 = arith.constant 0 : i32
    %dma_wait3A_93 = arith.constant 0 : i32
    %dma_wait3A_94 = tpu.memref_slice %arg4[%dma_wait3A_92, %dma_wait3A_93] : memref<100000x128xf32, #tpu.memory_space<hbm>> -> memref<100000x128xf32, #tpu.memory_space<hbm>>
    %dma_wait3A_95 = tpu.memref_slice %arg12[%dma_wait3A_84, %dma_wait3A_85] : memref<3x2x!tpu.dma_semaphore, #tpu.memory_space<semaphore_mem>> -> memref<1x1x!tpu.dma_semaphore, #tpu.memory_space<semaphore_mem>>
    %dma_wait3A_96 = tpu.memref_squeeze %dma_wait3A_95 : memref<1x1x!tpu.dma_semaphore, #tpu.memory_space<semaphore_mem>> -> memref<!tpu.dma_semaphore, #tpu.memory_space<semaphore_mem>>
    tpu.wait_indirect_dma semaphore(%dma_wait3A_96 : memref<!tpu.dma_semaphore, #tpu.memory_space<semaphore_mem>>) src(%dma_wait3A_94 : memref<100000x128xf32, #tpu.memory_space<hbm>>) dst(%dma_wait3A_89 : memref<32x128xf32, #tpu.memory_space<vmem>>)
    %dma_wait3A_97 = arith.constant 0 : i32
    %dma_wait3A_98 = arith.constant 0 : i32
    %dma_wait3A_99 = arith.constant 1 : i32
    %dma_wait3A_100 = arith.constant 0 : i32
    %dma_wait3A_101 = arith.constant 0 : i32
    %dma_wait3A_102 = tpu.memref_slice %arg10[%dma_wait3A_97, %dma_wait3A_100, %dma_wait3A_101] : memref<3x128x128xf32, #tpu.memory_space<vmem>> -> memref<1x32x128xf32, #tpu.memory_space<vmem>>
    %dma_wait3A_103 = tpu.memref_squeeze %dma_wait3A_102 : memref<1x32x128xf32, #tpu.memory_space<vmem>> -> memref<32x128xf32, #tpu.memory_space<vmem>>
    %dma_wait3A_104 = arith.constant 0 : i32
    %dma_wait3A_105 = tpu.memref_slice %arg8[%dma_wait3A_104] : memref<512xi32, #tpu.memory_space<vmem>> -> memref<32xi32, #tpu.memory_space<vmem>>
    %dma_wait3A_106 = arith.constant 0 : i32
    %dma_wait3A_107 = arith.constant 0 : i32
    %dma_wait3A_108 = tpu.memref_slice %arg5[%dma_wait3A_106, %dma_wait3A_107] : memref<100000x128xf32, #tpu.memory_space<hbm>> -> memref<100000x128xf32, #tpu.memory_space<hbm>>
    %dma_wait3A_109 = tpu.memref_slice %arg12[%dma_wait3A_98, %dma_wait3A_99] : memref<3x2x!tpu.dma_semaphore, #tpu.memory_space<semaphore_mem>> -> memref<1x1x!tpu.dma_semaphore, #tpu.memory_space<semaphore_mem>>
    %dma_wait3A_110 = tpu.memref_squeeze %dma_wait3A_109 : memref<1x1x!tpu.dma_semaphore, #tpu.memory_space<semaphore_mem>> -> memref<!tpu.dma_semaphore, #tpu.memory_space<semaphore_mem>>
    tpu.wait_indirect_dma semaphore(%dma_wait3A_110 : memref<!tpu.dma_semaphore, #tpu.memory_space<semaphore_mem>>) src(%dma_wait3A_108 : memref<100000x128xf32, #tpu.memory_space<hbm>>) dst(%dma_wait3A_103 : memref<32x128xf32, #tpu.memory_space<vmem>>)
    %scan3A = arith.constant 0 : i32
    %scan3A_111 = arith.constant 0 : i32
    %scan3A_112 = arith.constant 0 : i32
    %scan3A_113 = arith.constant 0 : i32
    %scan3A_114 = arith.constant 2 : i32
    %scan3A_115 = arith.addi %scan3A_113, %scan3A_114 : i32
    %scan3A_116 = arith.constant 1 : i32
    %scan3A_117 = scf.for %scan3A_325 = %scan3A_113 to %scan3A_115 step %scan3A_116 iter_args(%scan3A_326 = %scan3A_112) -> (i32)  : i32 {
      %mul3A_327 = arith.constant 16 : i32
      %mul3A_328 = arith.muli %scan3A_325, %mul3A_327 : i32
      %broadcast_in_dim3A = arith.constant 0.000000e+00 : f32
      %broadcast_in_dim3A_329 = vector.broadcast %broadcast_in_dim3A : f32 to vector<16xf32>
      %scan3A_330 = arith.constant 0 : i32
      %scan3A_331 = arith.constant 16 : i32
      %scan3A_332 = arith.addi %scan3A_330, %scan3A_331 : i32
      %scan3A_333 = arith.constant 4 : i32
      %scan3A_334 = scf.for %scan3A_340 = %scan3A_330 to %scan3A_332 step %scan3A_333 iter_args(%scan3A_341 = %broadcast_in_dim3A_329) -> (vector<16xf32>)  : i32 {
        %add3A_342 = arith.addi %mul3A_328, %scan3A_340 : i32
        %get3A = arith.constant 0 : i32
        %get3A_343 = arith.constant 0 : i32
        %get3A_344 = tpu.memref_slice %arg9[%scan3A, %get3A, %get3A_343] : memref<3x128x128xf32, #tpu.memory_space<vmem>> -> memref<1x128x128xf32, #tpu.memory_space<vmem>>
        %get3A_345 = tpu.memref_squeeze %get3A_344 : memref<1x128x128xf32, #tpu.memory_space<vmem>> -> memref<128x128xf32, #tpu.memory_space<vmem>>
        %get3A_346 = arith.index_cast %add3A_342 : i32 to index
        %get3A_347 = arith.constant 0 : index
        %get3A_348 = tpu.vector_load %get3A_345[%get3A_346, %get3A_347] {strides = array<i32>} : memref<128x128xf32, #tpu.memory_space<vmem>>, vector<16xf32>,
        %get3A_349 = arith.constant 0 : i32
        %get3A_350 = arith.constant 0 : i32
        %get3A_351 = tpu.memref_slice %arg10[%scan3A_111, %get3A_349, %get3A_350] : memref<3x128x128xf32, #tpu.memory_space<vmem>> -> memref<1x128x128xf32, #tpu.memory_space<vmem>>
        %get3A_352 = tpu.memref_squeeze %get3A_351 : memref<1x128x128xf32, #tpu.memory_space<vmem>> -> memref<128x128xf32, #tpu.memory_space<vmem>>
        %get3A_353 = arith.index_cast %add3A_342 : i32 to index
        %get3A_354 = arith.constant 0 : index
        %get3A_355 = tpu.vector_load %get3A_352[%get3A_353, %get3A_354] {strides = array<i32>} : memref<128x128xf32, #tpu.memory_space<vmem>>, vector<16xf32>,
        %mul3A_356 = arith.mulf %get3A_348, %get3A_355 : vector<16xf32>
        %get3A_357 = arith.constant 0 : i32
        %get3A_358 = arith.constant 0 : i32
        %get3A_359 = tpu.memref_slice %arg9[%scan3A, %get3A_357, %get3A_358] : memref<3x128x128xf32, #tpu.memory_space<vmem>> -> memref<1x128x128xf32, #tpu.memory_space<vmem>>
        %get3A_360 = tpu.memref_squeeze %get3A_359 : memref<1x128x128xf32, #tpu.memory_space<vmem>> -> memref<128x128xf32, #tpu.memory_space<vmem>>
        %get3A_361 = arith.index_cast %add3A_342 : i32 to index
        %get3A_362 = arith.constant 16 : index
        %get3A_363 = tpu.vector_load %get3A_360[%get3A_361, %get3A_362] {strides = array<i32>} : memref<128x128xf32, #tpu.memory_space<vmem>>, vector<16xf32>,
        %get3A_364 = arith.constant 0 : i32
        %get3A_365 = arith.constant 0 : i32
        %get3A_366 = tpu.memref_slice %arg10[%scan3A_111, %get3A_364, %get3A_365] : memref<3x128x128xf32, #tpu.memory_space<vmem>> -> memref<1x128x128xf32, #tpu.memory_space<vmem>>
        %get3A_367 = tpu.memref_squeeze %get3A_366 : memref<1x128x128xf32, #tpu.memory_space<vmem>> -> memref<128x128xf32, #tpu.memory_space<vmem>>
        %get3A_368 = arith.index_cast %add3A_342 : i32 to index
        %get3A_369 = arith.constant 16 : index
        %get3A_370 = tpu.vector_load %get3A_367[%get3A_368, %get3A_369] {strides = array<i32>} : memref<128x128xf32, #tpu.memory_space<vmem>>, vector<16xf32>,
        %mul3A_371 = arith.mulf %get3A_363, %get3A_370 : vector<16xf32>
        %get3A_372 = arith.constant 0 : i32
        %get3A_373 = arith.constant 0 : i32
        %get3A_374 = tpu.memref_slice %arg9[%scan3A, %get3A_372, %get3A_373] : memref<3x128x128xf32, #tpu.memory_space<vmem>> -> memref<1x128x128xf32, #tpu.memory_space<vmem>>
        %get3A_375 = tpu.memref_squeeze %get3A_374 : memref<1x128x128xf32, #tpu.memory_space<vmem>> -> memref<128x128xf32, #tpu.memory_space<vmem>>
        %get3A_376 = arith.index_cast %add3A_342 : i32 to index
        %get3A_377 = arith.constant 32 : index
        %get3A_378 = tpu.vector_load %get3A_375[%get3A_376, %get3A_377] {strides = array<i32>} : memref<128x128xf32, #tpu.memory_space<vmem>>, vector<16xf32>,
        %get3A_379 = arith.constant 0 : i32
        %get3A_380 = arith.constant 0 : i32
        %get3A_381 = tpu.memref_slice %arg10[%scan3A_111, %get3A_379, %get3A_380] : memref<3x128x128xf32, #tpu.memory_space<vmem>> -> memref<1x128x128xf32, #tpu.memory_space<vmem>>
        %get3A_382 = tpu.memref_squeeze %get3A_381 : memref<1x128x128xf32, #tpu.memory_space<vmem>> -> memref<128x128xf32, #tpu.memory_space<vmem>>
        %get3A_383 = arith.index_cast %add3A_342 : i32 to index
        %get3A_384 = arith.constant 32 : index
        %get3A_385 = tpu.vector_load %get3A_382[%get3A_383, %get3A_384] {strides = array<i32>} : memref<128x128xf32, #tpu.memory_space<vmem>>, vector<16xf32>,
        %mul3A_386 = arith.mulf %get3A_378, %get3A_385 : vector<16xf32>
        %add3A_387 = arith.addf %mul3A_356, %mul3A_386 : vector<16xf32>
        %get3A_388 = arith.constant 0 : i32
        %get3A_389 = arith.constant 0 : i32
        %get3A_390 = tpu.memref_slice %arg9[%scan3A, %get3A_388, %get3A_389] : memref<3x128x128xf32, #tpu.memory_space<vmem>> -> memref<1x128x128xf32, #tpu.memory_space<vmem>>
        %get3A_391 = tpu.memref_squeeze %get3A_390 : memref<1x128x128xf32, #tpu.memory_space<vmem>> -> memref<128x128xf32, #tpu.memory_space<vmem>>
        %get3A_392 = arith.index_cast %add3A_342 : i32 to index
        %get3A_393 = arith.constant 48 : index
        %get3A_394 = tpu.vector_load %get3A_391[%get3A_392, %get3A_393] {strides = array<i32>} : memref<128x128xf32, #tpu.memory_space<vmem>>, vector<16xf32>,
        %get3A_395 = arith.constant 0 : i32
        %get3A_396 = arith.constant 0 : i32
        %get3A_397 = tpu.memref_slice %arg10[%scan3A_111, %get3A_395, %get3A_396] : memref<3x128x128xf32, #tpu.memory_space<vmem>> -> memref<1x128x128xf32, #tpu.memory_space<vmem>>
        %get3A_398 = tpu.memref_squeeze %get3A_397 : memref<1x128x128xf32, #tpu.memory_space<vmem>> -> memref<128x128xf32, #tpu.memory_space<vmem>>
        %get3A_399 = arith.index_cast %add3A_342 : i32 to index
        %get3A_400 = arith.constant 48 : index
        %get3A_401 = tpu.vector_load %get3A_398[%get3A_399, %get3A_400] {strides = array<i32>} : memref<128x128xf32, #tpu.memory_space<vmem>>, vector<16xf32>,
        %mul3A_402 = arith.mulf %get3A_394, %get3A_401 : vector<16xf32>
        %add3A_403 = arith.addf %mul3A_371, %mul3A_402 : vector<16xf32>
        %get3A_404 = arith.constant 0 : i32
        %get3A_405 = arith.constant 0 : i32
        %get3A_406 = tpu.memref_slice %arg9[%scan3A, %get3A_404, %get3A_405] : memref<3x128x128xf32, #tpu.memory_space<vmem>> -> memref<1x128x128xf32, #tpu.memory_space<vmem>>
        %get3A_407 = tpu.memref_squeeze %get3A_406 : memref<1x128x128xf32, #tpu.memory_space<vmem>> -> memref<128x128xf32, #tpu.memory_space<vmem>>
        %get3A_408 = arith.index_cast %add3A_342 : i32 to index
        %get3A_409 = arith.constant 64 : index
        %get3A_410 = tpu.vector_load %get3A_407[%get3A_408, %get3A_409] {strides = array<i32>} : memref<128x128xf32, #tpu.memory_space<vmem>>, vector<16xf32>,
        %get3A_411 = arith.constant 0 : i32
        %get3A_412 = arith.constant 0 : i32
        %get3A_413 = tpu.memref_slice %arg10[%scan3A_111, %get3A_411, %get3A_412] : memref<3x128x128xf32, #tpu.memory_space<vmem>> -> memref<1x128x128xf32, #tpu.memory_space<vmem>>
        %get3A_414 = tpu.memref_squeeze %get3A_413 : memref<1x128x128xf32, #tpu.memory_space<vmem>> -> memref<128x128xf32, #tpu.memory_space<vmem>>
        %get3A_415 = arith.index_cast %add3A_342 : i32 to index
        %get3A_416 = arith.constant 64 : index
        %get3A_417 = tpu.vector_load %get3A_414[%get3A_415, %get3A_416] {strides = array<i32>} : memref<128x128xf32, #tpu.memory_space<vmem>>, vector<16xf32>,
        %mul3A_418 = arith.mulf %get3A_410, %get3A_417 : vector<16xf32>
        %add3A_419 = arith.addf %add3A_387, %mul3A_418 : vector<16xf32>
        %get3A_420 = arith.constant 0 : i32
        %get3A_421 = arith.constant 0 : i32
        %get3A_422 = tpu.memref_slice %arg9[%scan3A, %get3A_420, %get3A_421] : memref<3x128x128xf32, #tpu.memory_space<vmem>> -> memref<1x128x128xf32, #tpu.memory_space<vmem>>
        %get3A_423 = tpu.memref_squeeze %get3A_422 : memref<1x128x128xf32, #tpu.memory_space<vmem>> -> memref<128x128xf32, #tpu.memory_space<vmem>>
        %get3A_424 = arith.index_cast %add3A_342 : i32 to index
        %get3A_425 = arith.constant 80 : index
        %get3A_426 = tpu.vector_load %get3A_423[%get3A_424, %get3A_425] {strides = array<i32>} : memref<128x128xf32, #tpu.memory_space<vmem>>, vector<16xf32>,
        %get3A_427 = arith.constant 0 : i32
        %get3A_428 = arith.constant 0 : i32
        %get3A_429 = tpu.memref_slice %arg10[%scan3A_111, %get3A_427, %get3A_428] : memref<3x128x128xf32, #tpu.memory_space<vmem>> -> memref<1x128x128xf32, #tpu.memory_space<vmem>>
        %get3A_430 = tpu.memref_squeeze %get3A_429 : memref<1x128x128xf32, #tpu.memory_space<vmem>> -> memref<128x128xf32, #tpu.memory_space<vmem>>
        %get3A_431 = arith.index_cast %add3A_342 : i32 to index
        %get3A_432 = arith.constant 80 : index
        %get3A_433 = tpu.vector_load %get3A_430[%get3A_431, %get3A_432] {strides = array<i32>} : memref<128x128xf32, #tpu.memory_space<vmem>>, vector<16xf32>,
        %mul3A_434 = arith.mulf %get3A_426, %get3A_433 : vector<16xf32>
        %add3A_435 = arith.addf %add3A_403, %mul3A_434 : vector<16xf32>
        %get3A_436 = arith.constant 0 : i32
        %get3A_437 = arith.constant 0 : i32
        %get3A_438 = tpu.memref_slice %arg9[%scan3A, %get3A_436, %get3A_437] : memref<3x128x128xf32, #tpu.memory_space<vmem>> -> memref<1x128x128xf32, #tpu.memory_space<vmem>>
        %get3A_439 = tpu.memref_squeeze %get3A_438 : memref<1x128x128xf32, #tpu.memory_space<vmem>> -> memref<128x128xf32, #tpu.memory_space<vmem>>
        %get3A_440 = arith.index_cast %add3A_342 : i32 to index
        %get3A_441 = arith.constant 96 : index
        %get3A_442 = tpu.vector_load %get3A_439[%get3A_440, %get3A_441] {strides = array<i32>} : memref<128x128xf32, #tpu.memory_space<vmem>>, vector<16xf32>,
        %get3A_443 = arith.constant 0 : i32
        %get3A_444 = arith.constant 0 : i32
        %get3A_445 = tpu.memref_slice %arg10[%scan3A_111, %get3A_443, %get3A_444] : memref<3x128x128xf32, #tpu.memory_space<vmem>> -> memref<1x128x128xf32, #tpu.memory_space<vmem>>
        %get3A_446 = tpu.memref_squeeze %get3A_445 : memref<1x128x128xf32, #tpu.memory_space<vmem>> -> memref<128x128xf32, #tpu.memory_space<vmem>>
        %get3A_447 = arith.index_cast %add3A_342 : i32 to index
        %get3A_448 = arith.constant 96 : index
        %get3A_449 = tpu.vector_load %get3A_446[%get3A_447, %get3A_448] {strides = array<i32>} : memref<128x128xf32, #tpu.memory_space<vmem>>, vector<16xf32>,
        %mul3A_450 = arith.mulf %get3A_442, %get3A_449 : vector<16xf32>
        %add3A_451 = arith.addf %add3A_419, %mul3A_450 : vector<16xf32>
        %get3A_452 = arith.constant 0 : i32
        %get3A_453 = arith.constant 0 : i32
        %get3A_454 = tpu.memref_slice %arg9[%scan3A, %get3A_452, %get3A_453] : memref<3x128x128xf32, #tpu.memory_space<vmem>> -> memref<1x128x128xf32, #tpu.memory_space<vmem>>
        %get3A_455 = tpu.memref_squeeze %get3A_454 : memref<1x128x128xf32, #tpu.memory_space<vmem>> -> memref<128x128xf32, #tpu.memory_space<vmem>>
        %get3A_456 = arith.index_cast %add3A_342 : i32 to index
        %get3A_457 = arith.constant 112 : index
        %get3A_458 = tpu.vector_load %get3A_455[%get3A_456, %get3A_457] {strides = array<i32>} : memref<128x128xf32, #tpu.memory_space<vmem>>, vector<16xf32>,
        %get3A_459 = arith.constant 0 : i32
        %get3A_460 = arith.constant 0 : i32
        %get3A_461 = tpu.memref_slice %arg10[%scan3A_111, %get3A_459, %get3A_460] : memref<3x128x128xf32, #tpu.memory_space<vmem>> -> memref<1x128x128xf32, #tpu.memory_space<vmem>>
        %get3A_462 = tpu.memref_squeeze %get3A_461 : memref<1x128x128xf32, #tpu.memory_space<vmem>> -> memref<128x128xf32, #tpu.memory_space<vmem>>
        %get3A_463 = arith.index_cast %add3A_342 : i32 to index
        %get3A_464 = arith.constant 112 : index
        %get3A_465 = tpu.vector_load %get3A_462[%get3A_463, %get3A_464] {strides = array<i32>} : memref<128x128xf32, #tpu.memory_space<vmem>>, vector<16xf32>,
        %mul3A_466 = arith.mulf %get3A_458, %get3A_465 : vector<16xf32>
        %add3A_467 = arith.addf %add3A_435, %mul3A_466 : vector<16xf32>
        %add3A_468 = arith.addf %add3A_451, %add3A_467 : vector<16xf32>
        %eq3A = vector.broadcast %scan3A_340 : i32 to vector<16xi32>
        %eq3A_469 = arith.cmpi eq, %iota3A, %eq3A : vector<16xi32>
        %reduce_sum3A = arith.constant true
        %reduce_sum3A_470 = vector.broadcast %reduce_sum3A : i1 to vector<16xi1>
        %reduce_sum3A_471 = tpu.scan <sum>, %add3A_468 masked %reduce_sum3A_470 : vector<16xf32>, vector<16xi1> -> vector<16xf32>
        %reduce_sum3A_472 = vector.extract %reduce_sum3A_471[15] : f32 from vector<16xf32>
        %broadcast_in_dim3A_473 = vector.broadcast %reduce_sum3A_472 : f32 to vector<16xf32>
        %select_n3A = arith.select %eq3A_469, %broadcast_in_dim3A_473, %scan3A_341 : vector<16xi1>, vector<16xf32>
        %scan3A_474 = arith.constant 1 : i32
        %scan3A_475 = arith.addi %scan3A_340, %scan3A_474 : i32
        %add3A_476 = arith.addi %mul3A_328, %scan3A_475 : i32
        %get3A_477 = arith.constant 0 : i32
        %get3A_478 = arith.constant 0 : i32
        %get3A_479 = tpu.memref_slice %arg9[%scan3A, %get3A_477, %get3A_478] : memref<3x128x128xf32, #tpu.memory_space<vmem>> -> memref<1x128x128xf32, #tpu.memory_space<vmem>>
        %get3A_480 = tpu.memref_squeeze %get3A_479 : memref<1x128x128xf32, #tpu.memory_space<vmem>> -> memref<128x128xf32, #tpu.memory_space<vmem>>
        %get3A_481 = arith.index_cast %add3A_476 : i32 to index
        %get3A_482 = arith.constant 0 : index
        %get3A_483 = tpu.vector_load %get3A_480[%get3A_481, %get3A_482] {strides = array<i32>} : memref<128x128xf32, #tpu.memory_space<vmem>>, vector<16xf32>,
        %get3A_484 = arith.constant 0 : i32
        %get3A_485 = arith.constant 0 : i32
        %get3A_486 = tpu.memref_slice %arg10[%scan3A_111, %get3A_484, %get3A_485] : memref<3x128x128xf32, #tpu.memory_space<vmem>> -> memref<1x128x128xf32, #tpu.memory_space<vmem>>
        %get3A_487 = tpu.memref_squeeze %get3A_486 : memref<1x128x128xf32, #tpu.memory_space<vmem>> -> memref<128x128xf32, #tpu.memory_space<vmem>>
        %get3A_488 = arith.index_cast %add3A_476 : i32 to index
        %get3A_489 = arith.constant 0 : index
        %get3A_490 = tpu.vector_load %get3A_487[%get3A_488, %get3A_489] {strides = array<i32>} : memref<128x128xf32, #tpu.memory_space<vmem>>, vector<16xf32>,
        %mul3A_491 = arith.mulf %get3A_483, %get3A_490 : vector<16xf32>
        %get3A_492 = arith.constant 0 : i32
        %get3A_493 = arith.constant 0 : i32
        %get3A_494 = tpu.memref_slice %arg9[%scan3A, %get3A_492, %get3A_493] : memref<3x128x128xf32, #tpu.memory_space<vmem>> -> memref<1x128x128xf32, #tpu.memory_space<vmem>>
        %get3A_495 = tpu.memref_squeeze %get3A_494 : memref<1x128x128xf32, #tpu.memory_space<vmem>> -> memref<128x128xf32, #tpu.memory_space<vmem>>
        %get3A_496 = arith.index_cast %add3A_476 : i32 to index
        %get3A_497 = arith.constant 16 : index
        %get3A_498 = tpu.vector_load %get3A_495[%get3A_496, %get3A_497] {strides = array<i32>} : memref<128x128xf32, #tpu.memory_space<vmem>>, vector<16xf32>,
        %get3A_499 = arith.constant 0 : i32
        %get3A_500 = arith.constant 0 : i32
        %get3A_501 = tpu.memref_slice %arg10[%scan3A_111, %get3A_499, %get3A_500] : memref<3x128x128xf32, #tpu.memory_space<vmem>> -> memref<1x128x128xf32, #tpu.memory_space<vmem>>
        %get3A_502 = tpu.memref_squeeze %get3A_501 : memref<1x128x128xf32, #tpu.memory_space<vmem>> -> memref<128x128xf32, #tpu.memory_space<vmem>>
        %get3A_503 = arith.index_cast %add3A_476 : i32 to index
        %get3A_504 = arith.constant 16 : index
        %get3A_505 = tpu.vector_load %get3A_502[%get3A_503, %get3A_504] {strides = array<i32>} : memref<128x128xf32, #tpu.memory_space<vmem>>, vector<16xf32>,
        %mul3A_506 = arith.mulf %get3A_498, %get3A_505 : vector<16xf32>
        %get3A_507 = arith.constant 0 : i32
        %get3A_508 = arith.constant 0 : i32
        %get3A_509 = tpu.memref_slice %arg9[%scan3A, %get3A_507, %get3A_508] : memref<3x128x128xf32, #tpu.memory_space<vmem>> -> memref<1x128x128xf32, #tpu.memory_space<vmem>>
        %get3A_510 = tpu.memref_squeeze %get3A_509 : memref<1x128x128xf32, #tpu.memory_space<vmem>> -> memref<128x128xf32, #tpu.memory_space<vmem>>
        %get3A_511 = arith.index_cast %add3A_476 : i32 to index
        %get3A_512 = arith.constant 32 : index
        %get3A_513 = tpu.vector_load %get3A_510[%get3A_511, %get3A_512] {strides = array<i32>} : memref<128x128xf32, #tpu.memory_space<vmem>>, vector<16xf32>,
        %get3A_514 = arith.constant 0 : i32
        %get3A_515 = arith.constant 0 : i32
        %get3A_516 = tpu.memref_slice %arg10[%scan3A_111, %get3A_514, %get3A_515] : memref<3x128x128xf32, #tpu.memory_space<vmem>> -> memref<1x128x128xf32, #tpu.memory_space<vmem>>
        %get3A_517 = tpu.memref_squeeze %get3A_516 : memref<1x128x128xf32, #tpu.memory_space<vmem>> -> memref<128x128xf32, #tpu.memory_space<vmem>>
        %get3A_518 = arith.index_cast %add3A_476 : i32 to index
        %get3A_519 = arith.constant 32 : index
        %get3A_520 = tpu.vector_load %get3A_517[%get3A_518, %get3A_519] {strides = array<i32>} : memref<128x128xf32, #tpu.memory_space<vmem>>, vector<16xf32>,
        %mul3A_521 = arith.mulf %get3A_513, %get3A_520 : vector<16xf32>
        %add3A_522 = arith.addf %mul3A_491, %mul3A_521 : vector<16xf32>
        %get3A_523 = arith.constant 0 : i32
        %get3A_524 = arith.constant 0 : i32
        %get3A_525 = tpu.memref_slice %arg9[%scan3A, %get3A_523, %get3A_524] : memref<3x128x128xf32, #tpu.memory_space<vmem>> -> memref<1x128x128xf32, #tpu.memory_space<vmem>>
        %get3A_526 = tpu.memref_squeeze %get3A_525 : memref<1x128x128xf32, #tpu.memory_space<vmem>> -> memref<128x128xf32, #tpu.memory_space<vmem>>
        %get3A_527 = arith.index_cast %add3A_476 : i32 to index
        %get3A_528 = arith.constant 48 : index
        %get3A_529 = tpu.vector_load %get3A_526[%get3A_527, %get3A_528] {strides = array<i32>} : memref<128x128xf32, #tpu.memory_space<vmem>>, vector<16xf32>,
        %get3A_530 = arith.constant 0 : i32
        %get3A_531 = arith.constant 0 : i32
        %get3A_532 = tpu.memref_slice %arg10[%scan3A_111, %get3A_530, %get3A_531] : memref<3x128x128xf32, #tpu.memory_space<vmem>> -> memref<1x128x128xf32, #tpu.memory_space<vmem>>
        %get3A_533 = tpu.memref_squeeze %get3A_532 : memref<1x128x128xf32, #tpu.memory_space<vmem>> -> memref<128x128xf32, #tpu.memory_space<vmem>>
        %get3A_534 = arith.index_cast %add3A_476 : i32 to index
        %get3A_535 = arith.constant 48 : index
        %get3A_536 = tpu.vector_load %get3A_533[%get3A_534, %get3A_535] {strides = array<i32>} : memref<128x128xf32, #tpu.memory_space<vmem>>, vector<16xf32>,
        %mul3A_537 = arith.mulf %get3A_529, %get3A_536 : vector<16xf32>
        %add3A_538 = arith.addf %mul3A_506, %mul3A_537 : vector<16xf32>
        %get3A_539 = arith.constant 0 : i32
        %get3A_540 = arith.constant 0 : i32
        %get3A_541 = tpu.memref_slice %arg9[%scan3A, %get3A_539, %get3A_540] : memref<3x128x128xf32, #tpu.memory_space<vmem>> -> memref<1x128x128xf32, #tpu.memory_space<vmem>>
        %get3A_542 = tpu.memref_squeeze %get3A_541 : memref<1x128x128xf32, #tpu.memory_space<vmem>> -> memref<128x128xf32, #tpu.memory_space<vmem>>
        %get3A_543 = arith.index_cast %add3A_476 : i32 to index
        %get3A_544 = arith.constant 64 : index
        %get3A_545 = tpu.vector_load %get3A_542[%get3A_543, %get3A_544] {strides = array<i32>} : memref<128x128xf32, #tpu.memory_space<vmem>>, vector<16xf32>,
        %get3A_546 = arith.constant 0 : i32
        %get3A_547 = arith.constant 0 : i32
        %get3A_548 = tpu.memref_slice %arg10[%scan3A_111, %get3A_546, %get3A_547] : memref<3x128x128xf32, #tpu.memory_space<vmem>> -> memref<1x128x128xf32, #tpu.memory_space<vmem>>
        %get3A_549 = tpu.memref_squeeze %get3A_548 : memref<1x128x128xf32, #tpu.memory_space<vmem>> -> memref<128x128xf32, #tpu.memory_space<vmem>>
        %get3A_550 = arith.index_cast %add3A_476 : i32 to index
        %get3A_551 = arith.constant 64 : index
        %get3A_552 = tpu.vector_load %get3A_549[%get3A_550, %get3A_551] {strides = array<i32>} : memref<128x128xf32, #tpu.memory_space<vmem>>, vector<16xf32>,
        %mul3A_553 = arith.mulf %get3A_545, %get3A_552 : vector<16xf32>
        %add3A_554 = arith.addf %add3A_522, %mul3A_553 : vector<16xf32>
        %get3A_555 = arith.constant 0 : i32
        %get3A_556 = arith.constant 0 : i32
        %get3A_557 = tpu.memref_slice %arg9[%scan3A, %get3A_555, %get3A_556] : memref<3x128x128xf32, #tpu.memory_space<vmem>> -> memref<1x128x128xf32, #tpu.memory_space<vmem>>
        %get3A_558 = tpu.memref_squeeze %get3A_557 : memref<1x128x128xf32, #tpu.memory_space<vmem>> -> memref<128x128xf32, #tpu.memory_space<vmem>>
        %get3A_559 = arith.index_cast %add3A_476 : i32 to index
        %get3A_560 = arith.constant 80 : index
        %get3A_561 = tpu.vector_load %get3A_558[%get3A_559, %get3A_560] {strides = array<i32>} : memref<128x128xf32, #tpu.memory_space<vmem>>, vector<16xf32>,
        %get3A_562 = arith.constant 0 : i32
        %get3A_563 = arith.constant 0 : i32
        %get3A_564 = tpu.memref_slice %arg10[%scan3A_111, %get3A_562, %get3A_563] : memref<3x128x128xf32, #tpu.memory_space<vmem>> -> memref<1x128x128xf32, #tpu.memory_space<vmem>>
        %get3A_565 = tpu.memref_squeeze %get3A_564 : memref<1x128x128xf32, #tpu.memory_space<vmem>> -> memref<128x128xf32, #tpu.memory_space<vmem>>
        %get3A_566 = arith.index_cast %add3A_476 : i32 to index
        %get3A_567 = arith.constant 80 : index
        %get3A_568 = tpu.vector_load %get3A_565[%get3A_566, %get3A_567] {strides = array<i32>} : memref<128x128xf32, #tpu.memory_space<vmem>>, vector<16xf32>,
        %mul3A_569 = arith.mulf %get3A_561, %get3A_568 : vector<16xf32>
        %add3A_570 = arith.addf %add3A_538, %mul3A_569 : vector<16xf32>
        %get3A_571 = arith.constant 0 : i32
        %get3A_572 = arith.constant 0 : i32
        %get3A_573 = tpu.memref_slice %arg9[%scan3A, %get3A_571, %get3A_572] : memref<3x128x128xf32, #tpu.memory_space<vmem>> -> memref<1x128x128xf32, #tpu.memory_space<vmem>>
        %get3A_574 = tpu.memref_squeeze %get3A_573 : memref<1x128x128xf32, #tpu.memory_space<vmem>> -> memref<128x128xf32, #tpu.memory_space<vmem>>
        %get3A_575 = arith.index_cast %add3A_476 : i32 to index
        %get3A_576 = arith.constant 96 : index
        %get3A_577 = tpu.vector_load %get3A_574[%get3A_575, %get3A_576] {strides = array<i32>} : memref<128x128xf32, #tpu.memory_space<vmem>>, vector<16xf32>,
        %get3A_578 = arith.constant 0 : i32
        %get3A_579 = arith.constant 0 : i32
        %get3A_580 = tpu.memref_slice %arg10[%scan3A_111, %get3A_578, %get3A_579] : memref<3x128x128xf32, #tpu.memory_space<vmem>> -> memref<1x128x128xf32, #tpu.memory_space<vmem>>
        %get3A_581 = tpu.memref_squeeze %get3A_580 : memref<1x128x128xf32, #tpu.memory_space<vmem>> -> memref<128x128xf32, #tpu.memory_space<vmem>>
        %get3A_582 = arith.index_cast %add3A_476 : i32 to index
        %get3A_583 = arith.constant 96 : index
        %get3A_584 = tpu.vector_load %get3A_581[%get3A_582, %get3A_583] {strides = array<i32>} : memref<128x128xf32, #tpu.memory_space<vmem>>, vector<16xf32>,
        %mul3A_585 = arith.mulf %get3A_577, %get3A_584 : vector<16xf32>
        %add3A_586 = arith.addf %add3A_554, %mul3A_585 : vector<16xf32>
        %get3A_587 = arith.constant 0 : i32
        %get3A_588 = arith.constant 0 : i32
        %get3A_589 = tpu.memref_slice %arg9[%scan3A, %get3A_587, %get3A_588] : memref<3x128x128xf32, #tpu.memory_space<vmem>> -> memref<1x128x128xf32, #tpu.memory_space<vmem>>
        %get3A_590 = tpu.memref_squeeze %get3A_589 : memref<1x128x128xf32, #tpu.memory_space<vmem>> -> memref<128x128xf32, #tpu.memory_space<vmem>>
        %get3A_591 = arith.index_cast %add3A_476 : i32 to index
        %get3A_592 = arith.constant 112 : index
        %get3A_593 = tpu.vector_load %get3A_590[%get3A_591, %get3A_592] {strides = array<i32>} : memref<128x128xf32, #tpu.memory_space<vmem>>, vector<16xf32>,
        %get3A_594 = arith.constant 0 : i32
        %get3A_595 = arith.constant 0 : i32
        %get3A_596 = tpu.memref_slice %arg10[%scan3A_111, %get3A_594, %get3A_595] : memref<3x128x128xf32, #tpu.memory_space<vmem>> -> memref<1x128x128xf32, #tpu.memory_space<vmem>>
        %get3A_597 = tpu.memref_squeeze %get3A_596 : memref<1x128x128xf32, #tpu.memory_space<vmem>> -> memref<128x128xf32, #tpu.memory_space<vmem>>
        %get3A_598 = arith.index_cast %add3A_476 : i32 to index
        %get3A_599 = arith.constant 112 : index
        %get3A_600 = tpu.vector_load %get3A_597[%get3A_598, %get3A_599] {strides = array<i32>} : memref<128x128xf32, #tpu.memory_space<vmem>>, vector<16xf32>,
        %mul3A_601 = arith.mulf %get3A_593, %get3A_600 : vector<16xf32>
        %add3A_602 = arith.addf %add3A_570, %mul3A_601 : vector<16xf32>
        %add3A_603 = arith.addf %add3A_586, %add3A_602 : vector<16xf32>
        %eq3A_604 = vector.broadcast %scan3A_475 : i32 to vector<16xi32>
        %eq3A_605 = arith.cmpi eq, %iota3A, %eq3A_604 : vector<16xi32>
        %reduce_sum3A_606 = arith.constant true
        %reduce_sum3A_607 = vector.broadcast %reduce_sum3A_606 : i1 to vector<16xi1>
        %reduce_sum3A_608 = tpu.scan <sum>, %add3A_603 masked %reduce_sum3A_607 : vector<16xf32>, vector<16xi1> -> vector<16xf32>
        %reduce_sum3A_609 = vector.extract %reduce_sum3A_608[15] : f32 from vector<16xf32>
        %broadcast_in_dim3A_610 = vector.broadcast %reduce_sum3A_609 : f32 to vector<16xf32>
        %select_n3A_611 = arith.select %eq3A_605, %broadcast_in_dim3A_610, %select_n3A : vector<16xi1>, vector<16xf32>
        %scan3A_612 = arith.constant 2 : i32
        %scan3A_613 = arith.addi %scan3A_340, %scan3A_612 : i32
        %add3A_614 = arith.addi %mul3A_328, %scan3A_613 : i32
        %get3A_615 = arith.constant 0 : i32
        %get3A_616 = arith.constant 0 : i32
        %get3A_617 = tpu.memref_slice %arg9[%scan3A, %get3A_615, %get3A_616] : memref<3x128x128xf32, #tpu.memory_space<vmem>> -> memref<1x128x128xf32, #tpu.memory_space<vmem>>
        %get3A_618 = tpu.memref_squeeze %get3A_617 : memref<1x128x128xf32, #tpu.memory_space<vmem>> -> memref<128x128xf32, #tpu.memory_space<vmem>>
        %get3A_619 = arith.index_cast %add3A_614 : i32 to index
        %get3A_620 = arith.constant 0 : index
        %get3A_621 = tpu.vector_load %get3A_618[%get3A_619, %get3A_620] {strides = array<i32>} : memref<128x128xf32, #tpu.memory_space<vmem>>, vector<16xf32>,
        %get3A_622 = arith.constant 0 : i32
        %get3A_623 = arith.constant 0 : i32
        %get3A_624 = tpu.memref_slice %arg10[%scan3A_111, %get3A_622, %get3A_623] : memref<3x128x128xf32, #tpu.memory_space<vmem>> -> memref<1x128x128xf32, #tpu.memory_space<vmem>>
        %get3A_625 = tpu.memref_squeeze %get3A_624 : memref<1x128x128xf32, #tpu.memory_space<vmem>> -> memref<128x128xf32, #tpu.memory_space<vmem>>
        %get3A_626 = arith.index_cast %add3A_614 : i32 to index
        %get3A_627 = arith.constant 0 : index
        %get3A_628 = tpu.vector_load %get3A_625[%get3A_626, %get3A_627] {strides = array<i32>} : memref<128x128xf32, #tpu.memory_space<vmem>>, vector<16xf32>,
        %mul3A_629 = arith.mulf %get3A_621, %get3A_628 : vector<16xf32>
        %get3A_630 = arith.constant 0 : i32
        %get3A_631 = arith.constant 0 : i32
        %get3A_632 = tpu.memref_slice %arg9[%scan3A, %get3A_630, %get3A_631] : memref<3x128x128xf32, #tpu.memory_space<vmem>> -> memref<1x128x128xf32, #tpu.memory_space<vmem>>
        %get3A_633 = tpu.memref_squeeze %get3A_632 : memref<1x128x128xf32, #tpu.memory_space<vmem>> -> memref<128x128xf32, #tpu.memory_space<vmem>>
        %get3A_634 = arith.index_cast %add3A_614 : i32 to index
        %get3A_635 = arith.constant 16 : index
        %get3A_636 = tpu.vector_load %get3A_633[%get3A_634, %get3A_635] {strides = array<i32>} : memref<128x128xf32, #tpu.memory_space<vmem>>, vector<16xf32>,
        %get3A_637 = arith.constant 0 : i32
        %get3A_638 = arith.constant 0 : i32
        %get3A_639 = tpu.memref_slice %arg10[%scan3A_111, %get3A_637, %get3A_638] : memref<3x128x128xf32, #tpu.memory_space<vmem>> -> memref<1x128x128xf32, #tpu.memory_space<vmem>>
        %get3A_640 = tpu.memref_squeeze %get3A_639 : memref<1x128x128xf32, #tpu.memory_space<vmem>> -> memref<128x128xf32, #tpu.memory_space<vmem>>
        %get3A_641 = arith.index_cast %add3A_614 : i32 to index
        %get3A_642 = arith.constant 16 : index
        %get3A_643 = tpu.vector_load %get3A_640[%get3A_641, %get3A_642] {strides = array<i32>} : memref<128x128xf32, #tpu.memory_space<vmem>>, vector<16xf32>,
        %mul3A_644 = arith.mulf %get3A_636, %get3A_643 : vector<16xf32>
        %get3A_645 = arith.constant 0 : i32
        %get3A_646 = arith.constant 0 : i32
        %get3A_647 = tpu.memref_slice %arg9[%scan3A, %get3A_645, %get3A_646] : memref<3x128x128xf32, #tpu.memory_space<vmem>> -> memref<1x128x128xf32, #tpu.memory_space<vmem>>
        %get3A_648 = tpu.memref_squeeze %get3A_647 : memref<1x128x128xf32, #tpu.memory_space<vmem>> -> memref<128x128xf32, #tpu.memory_space<vmem>>
        %get3A_649 = arith.index_cast %add3A_614 : i32 to index
        %get3A_650 = arith.constant 32 : index
        %get3A_651 = tpu.vector_load %get3A_648[%get3A_649, %get3A_650] {strides = array<i32>} : memref<128x128xf32, #tpu.memory_space<vmem>>, vector<16xf32>,
        %get3A_652 = arith.constant 0 : i32
        %get3A_653 = arith.constant 0 : i32
        %get3A_654 = tpu.memref_slice %arg10[%scan3A_111, %get3A_652, %get3A_653] : memref<3x128x128xf32, #tpu.memory_space<vmem>> -> memref<1x128x128xf32, #tpu.memory_space<vmem>>
        %get3A_655 = tpu.memref_squeeze %get3A_654 : memref<1x128x128xf32, #tpu.memory_space<vmem>> -> memref<128x128xf32, #tpu.memory_space<vmem>>
        %get3A_656 = arith.index_cast %add3A_614 : i32 to index
        %get3A_657 = arith.constant 32 : index
        %get3A_658 = tpu.vector_load %get3A_655[%get3A_656, %get3A_657] {strides = array<i32>} : memref<128x128xf32, #tpu.memory_space<vmem>>, vector<16xf32>,
        %mul3A_659 = arith.mulf %get3A_651, %get3A_658 : vector<16xf32>
        %add3A_660 = arith.addf %mul3A_629, %mul3A_659 : vector<16xf32>
        %get3A_661 = arith.constant 0 : i32
        %get3A_662 = arith.constant 0 : i32
        %get3A_663 = tpu.memref_slice %arg9[%scan3A, %get3A_661, %get3A_662] : memref<3x128x128xf32, #tpu.memory_space<vmem>> -> memref<1x128x128xf32, #tpu.memory_space<vmem>>
        %get3A_664 = tpu.memref_squeeze %get3A_663 : memref<1x128x128xf32, #tpu.memory_space<vmem>> -> memref<128x128xf32, #tpu.memory_space<vmem>>
        %get3A_665 = arith.index_cast %add3A_614 : i32 to index
        %get3A_666 = arith.constant 48 : index
        %get3A_667 = tpu.vector_load %get3A_664[%get3A_665, %get3A_666] {strides = array<i32>} : memref<128x128xf32, #tpu.memory_space<vmem>>, vector<16xf32>,
        %get3A_668 = arith.constant 0 : i32
        %get3A_669 = arith.constant 0 : i32
        %get3A_670 = tpu.memref_slice %arg10[%scan3A_111, %get3A_668, %get3A_669] : memref<3x128x128xf32, #tpu.memory_space<vmem>> -> memref<1x128x128xf32, #tpu.memory_space<vmem>>
        %get3A_671 = tpu.memref_squeeze %get3A_670 : memref<1x128x128xf32, #tpu.memory_space<vmem>> -> memref<128x128xf32, #tpu.memory_space<vmem>>
        %get3A_672 = arith.index_cast %add3A_614 : i32 to index
        %get3A_673 = arith.constant 48 : index
        %get3A_674 = tpu.vector_load %get3A_671[%get3A_672, %get3A_673] {strides = array<i32>} : memref<128x128xf32, #tpu.memory_space<vmem>>, vector<16xf32>,
        %mul3A_675 = arith.mulf %get3A_667, %get3A_674 : vector<16xf32>
        %add3A_676 = arith.addf %mul3A_644, %mul3A_675 : vector<16xf32>
        %get3A_677 = arith.constant 0 : i32
        %get3A_678 = arith.constant 0 : i32
        %get3A_679 = tpu.memref_slice %arg9[%scan3A, %get3A_677, %get3A_678] : memref<3x128x128xf32, #tpu.memory_space<vmem>> -> memref<1x128x128xf32, #tpu.memory_space<vmem>>
        %get3A_680 = tpu.memref_squeeze %get3A_679 : memref<1x128x128xf32, #tpu.memory_space<vmem>> -> memref<128x128xf32, #tpu.memory_space<vmem>>
        %get3A_681 = arith.index_cast %add3A_614 : i32 to index
        %get3A_682 = arith.constant 64 : index
        %get3A_683 = tpu.vector_load %get3A_680[%get3A_681, %get3A_682] {strides = array<i32>} : memref<128x128xf32, #tpu.memory_space<vmem>>, vector<16xf32>,
        %get3A_684 = arith.constant 0 : i32
        %get3A_685 = arith.constant 0 : i32
        %get3A_686 = tpu.memref_slice %arg10[%scan3A_111, %get3A_684, %get3A_685] : memref<3x128x128xf32, #tpu.memory_space<vmem>> -> memref<1x128x128xf32, #tpu.memory_space<vmem>>
        %get3A_687 = tpu.memref_squeeze %get3A_686 : memref<1x128x128xf32, #tpu.memory_space<vmem>> -> memref<128x128xf32, #tpu.memory_space<vmem>>
        %get3A_688 = arith.index_cast %add3A_614 : i32 to index
        %get3A_689 = arith.constant 64 : index
        %get3A_690 = tpu.vector_load %get3A_687[%get3A_688, %get3A_689] {strides = array<i32>} : memref<128x128xf32, #tpu.memory_space<vmem>>, vector<16xf32>,
        %mul3A_691 = arith.mulf %get3A_683, %get3A_690 : vector<16xf32>
        %add3A_692 = arith.addf %add3A_660, %mul3A_691 : vector<16xf32>
        %get3A_693 = arith.constant 0 : i32
        %get3A_694 = arith.constant 0 : i32
        %get3A_695 = tpu.memref_slice %arg9[%scan3A, %get3A_693, %get3A_694] : memref<3x128x128xf32, #tpu.memory_space<vmem>> -> memref<1x128x128xf32, #tpu.memory_space<vmem>>
        %get3A_696 = tpu.memref_squeeze %get3A_695 : memref<1x128x128xf32, #tpu.memory_space<vmem>> -> memref<128x128xf32, #tpu.memory_space<vmem>>
        %get3A_697 = arith.index_cast %add3A_614 : i32 to index
        %get3A_698 = arith.constant 80 : index
        %get3A_699 = tpu.vector_load %get3A_696[%get3A_697, %get3A_698] {strides = array<i32>} : memref<128x128xf32, #tpu.memory_space<vmem>>, vector<16xf32>,
        %get3A_700 = arith.constant 0 : i32
        %get3A_701 = arith.constant 0 : i32
        %get3A_702 = tpu.memref_slice %arg10[%scan3A_111, %get3A_700, %get3A_701] : memref<3x128x128xf32, #tpu.memory_space<vmem>> -> memref<1x128x128xf32, #tpu.memory_space<vmem>>
        %get3A_703 = tpu.memref_squeeze %get3A_702 : memref<1x128x128xf32, #tpu.memory_space<vmem>> -> memref<128x128xf32, #tpu.memory_space<vmem>>
        %get3A_704 = arith.index_cast %add3A_614 : i32 to index
        %get3A_705 = arith.constant 80 : index
        %get3A_706 = tpu.vector_load %get3A_703[%get3A_704, %get3A_705] {strides = array<i32>} : memref<128x128xf32, #tpu.memory_space<vmem>>, vector<16xf32>,
        %mul3A_707 = arith.mulf %get3A_699, %get3A_706 : vector<16xf32>
        %add3A_708 = arith.addf %add3A_676, %mul3A_707 : vector<16xf32>
        %get3A_709 = arith.constant 0 : i32
        %get3A_710 = arith.constant 0 : i32
        %get3A_711 = tpu.memref_slice %arg9[%scan3A, %get3A_709, %get3A_710] : memref<3x128x128xf32, #tpu.memory_space<vmem>> -> memref<1x128x128xf32, #tpu.memory_space<vmem>>
        %get3A_712 = tpu.memref_squeeze %get3A_711 : memref<1x128x128xf32, #tpu.memory_space<vmem>> -> memref<128x128xf32, #tpu.memory_space<vmem>>
        %get3A_713 = arith.index_cast %add3A_614 : i32 to index
        %get3A_714 = arith.constant 96 : index
        %get3A_715 = tpu.vector_load %get3A_712[%get3A_713, %get3A_714] {strides = array<i32>} : memref<128x128xf32, #tpu.memory_space<vmem>>, vector<16xf32>,
        %get3A_716 = arith.constant 0 : i32
        %get3A_717 = arith.constant 0 : i32
        %get3A_718 = tpu.memref_slice %arg10[%scan3A_111, %get3A_716, %get3A_717] : memref<3x128x128xf32, #tpu.memory_space<vmem>> -> memref<1x128x128xf32, #tpu.memory_space<vmem>>
        %get3A_719 = tpu.memref_squeeze %get3A_718 : memref<1x128x128xf32, #tpu.memory_space<vmem>> -> memref<128x128xf32, #tpu.memory_space<vmem>>
        %get3A_720 = arith.index_cast %add3A_614 : i32 to index
        %get3A_721 = arith.constant 96 : index
        %get3A_722 = tpu.vector_load %get3A_719[%get3A_720, %get3A_721] {strides = array<i32>} : memref<128x128xf32, #tpu.memory_space<vmem>>, vector<16xf32>,
        %mul3A_723 = arith.mulf %get3A_715, %get3A_722 : vector<16xf32>
        %add3A_724 = arith.addf %add3A_692, %mul3A_723 : vector<16xf32>
        %get3A_725 = arith.constant 0 : i32
        %get3A_726 = arith.constant 0 : i32
        %get3A_727 = tpu.memref_slice %arg9[%scan3A, %get3A_725, %get3A_726] : memref<3x128x128xf32, #tpu.memory_space<vmem>> -> memref<1x128x128xf32, #tpu.memory_space<vmem>>
        %get3A_728 = tpu.memref_squeeze %get3A_727 : memref<1x128x128xf32, #tpu.memory_space<vmem>> -> memref<128x128xf32, #tpu.memory_space<vmem>>
        %get3A_729 = arith.index_cast %add3A_614 : i32 to index
        %get3A_730 = arith.constant 112 : index
        %get3A_731 = tpu.vector_load %get3A_728[%get3A_729, %get3A_730] {strides = array<i32>} : memref<128x128xf32, #tpu.memory_space<vmem>>, vector<16xf32>,
        %get3A_732 = arith.constant 0 : i32
        %get3A_733 = arith.constant 0 : i32
        %get3A_734 = tpu.memref_slice %arg10[%scan3A_111, %get3A_732, %get3A_733] : memref<3x128x128xf32, #tpu.memory_space<vmem>> -> memref<1x128x128xf32, #tpu.memory_space<vmem>>
        %get3A_735 = tpu.memref_squeeze %get3A_734 : memref<1x128x128xf32, #tpu.memory_space<vmem>> -> memref<128x128xf32, #tpu.memory_space<vmem>>
        %get3A_736 = arith.index_cast %add3A_614 : i32 to index
        %get3A_737 = arith.constant 112 : index
        %get3A_738 = tpu.vector_load %get3A_735[%get3A_736, %get3A_737] {strides = array<i32>} : memref<128x128xf32, #tpu.memory_space<vmem>>, vector<16xf32>,
        %mul3A_739 = arith.mulf %get3A_731, %get3A_738 : vector<16xf32>
        %add3A_740 = arith.addf %add3A_708, %mul3A_739 : vector<16xf32>
        %add3A_741 = arith.addf %add3A_724, %add3A_740 : vector<16xf32>
        %eq3A_742 = vector.broadcast %scan3A_613 : i32 to vector<16xi32>
        %eq3A_743 = arith.cmpi eq, %iota3A, %eq3A_742 : vector<16xi32>
        %reduce_sum3A_744 = arith.constant true
        %reduce_sum3A_745 = vector.broadcast %reduce_sum3A_744 : i1 to vector<16xi1>
        %reduce_sum3A_746 = tpu.scan <sum>, %add3A_741 masked %reduce_sum3A_745 : vector<16xf32>, vector<16xi1> -> vector<16xf32>
        %reduce_sum3A_747 = vector.extract %reduce_sum3A_746[15] : f32 from vector<16xf32>
        %broadcast_in_dim3A_748 = vector.broadcast %reduce_sum3A_747 : f32 to vector<16xf32>
        %select_n3A_749 = arith.select %eq3A_743, %broadcast_in_dim3A_748, %select_n3A_611 : vector<16xi1>, vector<16xf32>
        %scan3A_750 = arith.constant 3 : i32
        %scan3A_751 = arith.addi %scan3A_340, %scan3A_750 : i32
        %add3A_752 = arith.addi %mul3A_328, %scan3A_751 : i32
        %get3A_753 = arith.constant 0 : i32
        %get3A_754 = arith.constant 0 : i32
        %get3A_755 = tpu.memref_slice %arg9[%scan3A, %get3A_753, %get3A_754] : memref<3x128x128xf32, #tpu.memory_space<vmem>> -> memref<1x128x128xf32, #tpu.memory_space<vmem>>
        %get3A_756 = tpu.memref_squeeze %get3A_755 : memref<1x128x128xf32, #tpu.memory_space<vmem>> -> memref<128x128xf32, #tpu.memory_space<vmem>>
        %get3A_757 = arith.index_cast %add3A_752 : i32 to index
        %get3A_758 = arith.constant 0 : index
        %get3A_759 = tpu.vector_load %get3A_756[%get3A_757, %get3A_758] {strides = array<i32>} : memref<128x128xf32, #tpu.memory_space<vmem>>, vector<16xf32>,
        %get3A_760 = arith.constant 0 : i32
        %get3A_761 = arith.constant 0 : i32
        %get3A_762 = tpu.memref_slice %arg10[%scan3A_111, %get3A_760, %get3A_761] : memref<3x128x128xf32, #tpu.memory_space<vmem>> -> memref<1x128x128xf32, #tpu.memory_space<vmem>>
        %get3A_763 = tpu.memref_squeeze %get3A_762 : memref<1x128x128xf32, #tpu.memory_space<vmem>> -> memref<128x128xf32, #tpu.memory_space<vmem>>
        %get3A_764 = arith.index_cast %add3A_752 : i32 to index
        %get3A_765 = arith.constant 0 : index
        %get3A_766 = tpu.vector_load %get3A_763[%get3A_764, %get3A_765] {strides = array<i32>} : memref<128x128xf32, #tpu.memory_space<vmem>>, vector<16xf32>,
        %mul3A_767 = arith.mulf %get3A_759, %get3A_766 : vector<16xf32>
        %get3A_768 = arith.constant 0 : i32
        %get3A_769 = arith.constant 0 : i32
        %get3A_770 = tpu.memref_slice %arg9[%scan3A, %get3A_768, %get3A_769] : memref<3x128x128xf32, #tpu.memory_space<vmem>> -> memref<1x128x128xf32, #tpu.memory_space<vmem>>
        %get3A_771 = tpu.memref_squeeze %get3A_770 : memref<1x128x128xf32, #tpu.memory_space<vmem>> -> memref<128x128xf32, #tpu.memory_space<vmem>>
        %get3A_772 = arith.index_cast %add3A_752 : i32 to index
        %get3A_773 = arith.constant 16 : index
        %get3A_774 = tpu.vector_load %get3A_771[%get3A_772, %get3A_773] {strides = array<i32>} : memref<128x128xf32, #tpu.memory_space<vmem>>, vector<16xf32>,
        %get3A_775 = arith.constant 0 : i32
        %get3A_776 = arith.constant 0 : i32
        %get3A_777 = tpu.memref_slice %arg10[%scan3A_111, %get3A_775, %get3A_776] : memref<3x128x128xf32, #tpu.memory_space<vmem>> -> memref<1x128x128xf32, #tpu.memory_space<vmem>>
        %get3A_778 = tpu.memref_squeeze %get3A_777 : memref<1x128x128xf32, #tpu.memory_space<vmem>> -> memref<128x128xf32, #tpu.memory_space<vmem>>
        %get3A_779 = arith.index_cast %add3A_752 : i32 to index
        %get3A_780 = arith.constant 16 : index
        %get3A_781 = tpu.vector_load %get3A_778[%get3A_779, %get3A_780] {strides = array<i32>} : memref<128x128xf32, #tpu.memory_space<vmem>>, vector<16xf32>,
        %mul3A_782 = arith.mulf %get3A_774, %get3A_781 : vector<16xf32>
        %get3A_783 = arith.constant 0 : i32
        %get3A_784 = arith.constant 0 : i32
        %get3A_785 = tpu.memref_slice %arg9[%scan3A, %get3A_783, %get3A_784] : memref<3x128x128xf32, #tpu.memory_space<vmem>> -> memref<1x128x128xf32, #tpu.memory_space<vmem>>
        %get3A_786 = tpu.memref_squeeze %get3A_785 : memref<1x128x128xf32, #tpu.memory_space<vmem>> -> memref<128x128xf32, #tpu.memory_space<vmem>>
        %get3A_787 = arith.index_cast %add3A_752 : i32 to index
        %get3A_788 = arith.constant 32 : index
        %get3A_789 = tpu.vector_load %get3A_786[%get3A_787, %get3A_788] {strides = array<i32>} : memref<128x128xf32, #tpu.memory_space<vmem>>, vector<16xf32>,
        %get3A_790 = arith.constant 0 : i32
        %get3A_791 = arith.constant 0 : i32
        %get3A_792 = tpu.memref_slice %arg10[%scan3A_111, %get3A_790, %get3A_791] : memref<3x128x128xf32, #tpu.memory_space<vmem>> -> memref<1x128x128xf32, #tpu.memory_space<vmem>>
        %get3A_793 = tpu.memref_squeeze %get3A_792 : memref<1x128x128xf32, #tpu.memory_space<vmem>> -> memref<128x128xf32, #tpu.memory_space<vmem>>
        %get3A_794 = arith.index_cast %add3A_752 : i32 to index
        %get3A_795 = arith.constant 32 : index
        %get3A_796 = tpu.vector_load %get3A_793[%get3A_794, %get3A_795] {strides = array<i32>} : memref<128x128xf32, #tpu.memory_space<vmem>>, vector<16xf32>,
        %mul3A_797 = arith.mulf %get3A_789, %get3A_796 : vector<16xf32>
        %add3A_798 = arith.addf %mul3A_767, %mul3A_797 : vector<16xf32>
        %get3A_799 = arith.constant 0 : i32
        %get3A_800 = arith.constant 0 : i32
        %get3A_801 = tpu.memref_slice %arg9[%scan3A, %get3A_799, %get3A_800] : memref<3x128x128xf32, #tpu.memory_space<vmem>> -> memref<1x128x128xf32, #tpu.memory_space<vmem>>
        %get3A_802 = tpu.memref_squeeze %get3A_801 : memref<1x128x128xf32, #tpu.memory_space<vmem>> -> memref<128x128xf32, #tpu.memory_space<vmem>>
        %get3A_803 = arith.index_cast %add3A_752 : i32 to index
        %get3A_804 = arith.constant 48 : index
        %get3A_805 = tpu.vector_load %get3A_802[%get3A_803, %get3A_804] {strides = array<i32>} : memref<128x128xf32, #tpu.memory_space<vmem>>, vector<16xf32>,
        %get3A_806 = arith.constant 0 : i32
        %get3A_807 = arith.constant 0 : i32
        %get3A_808 = tpu.memref_slice %arg10[%scan3A_111, %get3A_806, %get3A_807] : memref<3x128x128xf32, #tpu.memory_space<vmem>> -> memref<1x128x128xf32, #tpu.memory_space<vmem>>
        %get3A_809 = tpu.memref_squeeze %get3A_808 : memref<1x128x128xf32, #tpu.memory_space<vmem>> -> memref<128x128xf32, #tpu.memory_space<vmem>>
        %get3A_810 = arith.index_cast %add3A_752 : i32 to index
        %get3A_811 = arith.constant 48 : index
        %get3A_812 = tpu.vector_load %get3A_809[%get3A_810, %get3A_811] {strides = array<i32>} : memref<128x128xf32, #tpu.memory_space<vmem>>, vector<16xf32>,
        %mul3A_813 = arith.mulf %get3A_805, %get3A_812 : vector<16xf32>
        %add3A_814 = arith.addf %mul3A_782, %mul3A_813 : vector<16xf32>
        %get3A_815 = arith.constant 0 : i32
        %get3A_816 = arith.constant 0 : i32
        %get3A_817 = tpu.memref_slice %arg9[%scan3A, %get3A_815, %get3A_816] : memref<3x128x128xf32, #tpu.memory_space<vmem>> -> memref<1x128x128xf32, #tpu.memory_space<vmem>>
        %get3A_818 = tpu.memref_squeeze %get3A_817 : memref<1x128x128xf32, #tpu.memory_space<vmem>> -> memref<128x128xf32, #tpu.memory_space<vmem>>
        %get3A_819 = arith.index_cast %add3A_752 : i32 to index
        %get3A_820 = arith.constant 64 : index
        %get3A_821 = tpu.vector_load %get3A_818[%get3A_819, %get3A_820] {strides = array<i32>} : memref<128x128xf32, #tpu.memory_space<vmem>>, vector<16xf32>,
        %get3A_822 = arith.constant 0 : i32
        %get3A_823 = arith.constant 0 : i32
        %get3A_824 = tpu.memref_slice %arg10[%scan3A_111, %get3A_822, %get3A_823] : memref<3x128x128xf32, #tpu.memory_space<vmem>> -> memref<1x128x128xf32, #tpu.memory_space<vmem>>
        %get3A_825 = tpu.memref_squeeze %get3A_824 : memref<1x128x128xf32, #tpu.memory_space<vmem>> -> memref<128x128xf32, #tpu.memory_space<vmem>>
        %get3A_826 = arith.index_cast %add3A_752 : i32 to index
        %get3A_827 = arith.constant 64 : index
        %get3A_828 = tpu.vector_load %get3A_825[%get3A_826, %get3A_827] {strides = array<i32>} : memref<128x128xf32, #tpu.memory_space<vmem>>, vector<16xf32>,
        %mul3A_829 = arith.mulf %get3A_821, %get3A_828 : vector<16xf32>
        %add3A_830 = arith.addf %add3A_798, %mul3A_829 : vector<16xf32>
        %get3A_831 = arith.constant 0 : i32
        %get3A_832 = arith.constant 0 : i32
        %get3A_833 = tpu.memref_slice %arg9[%scan3A, %get3A_831, %get3A_832] : memref<3x128x128xf32, #tpu.memory_space<vmem>> -> memref<1x128x128xf32, #tpu.memory_space<vmem>>
        %get3A_834 = tpu.memref_squeeze %get3A_833 : memref<1x128x128xf32, #tpu.memory_space<vmem>> -> memref<128x128xf32, #tpu.memory_space<vmem>>
        %get3A_835 = arith.index_cast %add3A_752 : i32 to index
        %get3A_836 = arith.constant 80 : index
        %get3A_837 = tpu.vector_load %get3A_834[%get3A_835, %get3A_836] {strides = array<i32>} : memref<128x128xf32, #tpu.memory_space<vmem>>, vector<16xf32>,
        %get3A_838 = arith.constant 0 : i32
        %get3A_839 = arith.constant 0 : i32
        %get3A_840 = tpu.memref_slice %arg10[%scan3A_111, %get3A_838, %get3A_839] : memref<3x128x128xf32, #tpu.memory_space<vmem>> -> memref<1x128x128xf32, #tpu.memory_space<vmem>>
        %get3A_841 = tpu.memref_squeeze %get3A_840 : memref<1x128x128xf32, #tpu.memory_space<vmem>> -> memref<128x128xf32, #tpu.memory_space<vmem>>
        %get3A_842 = arith.index_cast %add3A_752 : i32 to index
        %get3A_843 = arith.constant 80 : index
        %get3A_844 = tpu.vector_load %get3A_841[%get3A_842, %get3A_843] {strides = array<i32>} : memref<128x128xf32, #tpu.memory_space<vmem>>, vector<16xf32>,
        %mul3A_845 = arith.mulf %get3A_837, %get3A_844 : vector<16xf32>
        %add3A_846 = arith.addf %add3A_814, %mul3A_845 : vector<16xf32>
        %get3A_847 = arith.constant 0 : i32
        %get3A_848 = arith.constant 0 : i32
        %get3A_849 = tpu.memref_slice %arg9[%scan3A, %get3A_847, %get3A_848] : memref<3x128x128xf32, #tpu.memory_space<vmem>> -> memref<1x128x128xf32, #tpu.memory_space<vmem>>
        %get3A_850 = tpu.memref_squeeze %get3A_849 : memref<1x128x128xf32, #tpu.memory_space<vmem>> -> memref<128x128xf32, #tpu.memory_space<vmem>>
        %get3A_851 = arith.index_cast %add3A_752 : i32 to index
        %get3A_852 = arith.constant 96 : index
        %get3A_853 = tpu.vector_load %get3A_850[%get3A_851, %get3A_852] {strides = array<i32>} : memref<128x128xf32, #tpu.memory_space<vmem>>, vector<16xf32>,
        %get3A_854 = arith.constant 0 : i32
        %get3A_855 = arith.constant 0 : i32
        %get3A_856 = tpu.memref_slice %arg10[%scan3A_111, %get3A_854, %get3A_855] : memref<3x128x128xf32, #tpu.memory_space<vmem>> -> memref<1x128x128xf32, #tpu.memory_space<vmem>>
        %get3A_857 = tpu.memref_squeeze %get3A_856 : memref<1x128x128xf32, #tpu.memory_space<vmem>> -> memref<128x128xf32, #tpu.memory_space<vmem>>
        %get3A_858 = arith.index_cast %add3A_752 : i32 to index
        %get3A_859 = arith.constant 96 : index
        %get3A_860 = tpu.vector_load %get3A_857[%get3A_858, %get3A_859] {strides = array<i32>} : memref<128x128xf32, #tpu.memory_space<vmem>>, vector<16xf32>,
        %mul3A_861 = arith.mulf %get3A_853, %get3A_860 : vector<16xf32>
        %add3A_862 = arith.addf %add3A_830, %mul3A_861 : vector<16xf32>
        %get3A_863 = arith.constant 0 : i32
        %get3A_864 = arith.constant 0 : i32
        %get3A_865 = tpu.memref_slice %arg9[%scan3A, %get3A_863, %get3A_864] : memref<3x128x128xf32, #tpu.memory_space<vmem>> -> memref<1x128x128xf32, #tpu.memory_space<vmem>>
        %get3A_866 = tpu.memref_squeeze %get3A_865 : memref<1x128x128xf32, #tpu.memory_space<vmem>> -> memref<128x128xf32, #tpu.memory_space<vmem>>
        %get3A_867 = arith.index_cast %add3A_752 : i32 to index
        %get3A_868 = arith.constant 112 : index
        %get3A_869 = tpu.vector_load %get3A_866[%get3A_867, %get3A_868] {strides = array<i32>} : memref<128x128xf32, #tpu.memory_space<vmem>>, vector<16xf32>,
        %get3A_870 = arith.constant 0 : i32
        %get3A_871 = arith.constant 0 : i32
        %get3A_872 = tpu.memref_slice %arg10[%scan3A_111, %get3A_870, %get3A_871] : memref<3x128x128xf32, #tpu.memory_space<vmem>> -> memref<1x128x128xf32, #tpu.memory_space<vmem>>
        %get3A_873 = tpu.memref_squeeze %get3A_872 : memref<1x128x128xf32, #tpu.memory_space<vmem>> -> memref<128x128xf32, #tpu.memory_space<vmem>>
        %get3A_874 = arith.index_cast %add3A_752 : i32 to index
        %get3A_875 = arith.constant 112 : index
        %get3A_876 = tpu.vector_load %get3A_873[%get3A_874, %get3A_875] {strides = array<i32>} : memref<128x128xf32, #tpu.memory_space<vmem>>, vector<16xf32>,
        %mul3A_877 = arith.mulf %get3A_869, %get3A_876 : vector<16xf32>
        %add3A_878 = arith.addf %add3A_846, %mul3A_877 : vector<16xf32>
        %add3A_879 = arith.addf %add3A_862, %add3A_878 : vector<16xf32>
        %eq3A_880 = vector.broadcast %scan3A_751 : i32 to vector<16xi32>
        %eq3A_881 = arith.cmpi eq, %iota3A, %eq3A_880 : vector<16xi32>
        %reduce_sum3A_882 = arith.constant true
        %reduce_sum3A_883 = vector.broadcast %reduce_sum3A_882 : i1 to vector<16xi1>
        %reduce_sum3A_884 = tpu.scan <sum>, %add3A_879 masked %reduce_sum3A_883 : vector<16xf32>, vector<16xi1> -> vector<16xf32>
        %reduce_sum3A_885 = vector.extract %reduce_sum3A_884[15] : f32 from vector<16xf32>
        %broadcast_in_dim3A_886 = vector.broadcast %reduce_sum3A_885 : f32 to vector<16xf32>
        %select_n3A_887 = arith.select %eq3A_881, %broadcast_in_dim3A_886, %select_n3A_749 : vector<16xi1>, vector<16xf32>
        scf.yield %select_n3A_887 : vector<16xf32>
      }
      %scan3A_335 = arith.constant 16 : i32
      %add3A_336 = arith.constant 0 : i32
      %add3A_337 = arith.addi %add3A_336, %mul3A_328 : i32
      %swap3A = arith.index_cast %add3A_337 : i32 to index
      %swap3A_338 = tpu.vector_load %arg11[%swap3A] {strides = array<i32>} : memref<512xf32, #tpu.memory_space<vmem>>, vector<16xf32>,
      tpu.vector_store %arg11[%swap3A], %scan3A_334 {strides = array<i32>} : memref<512xf32, #tpu.memory_space<vmem>>, vector<16xf32>,
      %scan3A_339 = arith.constant 0 : i32
      scf.yield %scan3A_339 : i32
    }
    %scan3A_118 = arith.constant 2 : i32
    %dma_start3A_119 = arith.constant 0 : i32
    %dma_start3A_120 = arith.constant 0 : i32
    %dma_start3A_121 = arith.constant 0 : i32
    %dma_start3A_122 = arith.constant 0 : i32
    %dma_start3A_123 = arith.constant 0 : i32
    %dma_start3A_124 = tpu.memref_slice %arg9[%dma_start3A_119, %dma_start3A_122, %dma_start3A_123] : memref<3x128x128xf32, #tpu.memory_space<vmem>> -> memref<1x128x128xf32, #tpu.memory_space<vmem>>
    %dma_start3A_125 = tpu.memref_squeeze %dma_start3A_124 : memref<1x128x128xf32, #tpu.memory_space<vmem>> -> memref<128x128xf32, #tpu.memory_space<vmem>>
    %dma_start3A_126 = arith.constant 256 : i32
    %dma_start3A_127 = tpu.memref_slice %arg7[%dma_start3A_126] : memref<512xi32, #tpu.memory_space<vmem>> -> memref<128xi32, #tpu.memory_space<vmem>>
    %dma_start3A_128 = arith.constant 0 : i32
    %dma_start3A_129 = arith.constant 0 : i32
    %dma_start3A_130 = tpu.memref_slice %arg4[%dma_start3A_128, %dma_start3A_129] : memref<100000x128xf32, #tpu.memory_space<hbm>> -> memref<100000x128xf32, #tpu.memory_space<hbm>>
    %dma_start3A_131 = tpu.memref_slice %arg12[%dma_start3A_120, %dma_start3A_121] : memref<3x2x!tpu.dma_semaphore, #tpu.memory_space<semaphore_mem>> -> memref<1x1x!tpu.dma_semaphore, #tpu.memory_space<semaphore_mem>>
    %dma_start3A_132 = tpu.memref_squeeze %dma_start3A_131 : memref<1x1x!tpu.dma_semaphore, #tpu.memory_space<semaphore_mem>> -> memref<!tpu.dma_semaphore, #tpu.memory_space<semaphore_mem>>
    tpu.enqueue_indirect_dma source(%dma_start3A_130 : memref<100000x128xf32, #tpu.memory_space<hbm>>) target(%dma_start3A_125 : memref<128x128xf32, #tpu.memory_space<vmem>>) offsets(%dma_start3A_127 : memref<128xi32, #tpu.memory_space<vmem>>) semaphore(%dma_start3A_132 : memref<!tpu.dma_semaphore, #tpu.memory_space<semaphore_mem>>)
    %dma_start3A_133 = arith.constant 0 : i32
    %dma_start3A_134 = arith.constant 0 : i32
    %dma_start3A_135 = arith.constant 1 : i32
    %dma_start3A_136 = arith.constant 0 : i32
    %dma_start3A_137 = arith.constant 0 : i32
    %dma_start3A_138 = tpu.memref_slice %arg10[%dma_start3A_133, %dma_start3A_136, %dma_start3A_137] : memref<3x128x128xf32, #tpu.memory_space<vmem>> -> memref<1x128x128xf32, #tpu.memory_space<vmem>>
    %dma_start3A_139 = tpu.memref_squeeze %dma_start3A_138 : memref<1x128x128xf32, #tpu.memory_space<vmem>> -> memref<128x128xf32, #tpu.memory_space<vmem>>
    %dma_start3A_140 = arith.constant 256 : i32
    %dma_start3A_141 = tpu.memref_slice %arg8[%dma_start3A_140] : memref<512xi32, #tpu.memory_space<vmem>> -> memref<128xi32, #tpu.memory_space<vmem>>
    %dma_start3A_142 = arith.constant 0 : i32
    %dma_start3A_143 = arith.constant 0 : i32
    %dma_start3A_144 = tpu.memref_slice %arg5[%dma_start3A_142, %dma_start3A_143] : memref<100000x128xf32, #tpu.memory_space<hbm>> -> memref<100000x128xf32, #tpu.memory_space<hbm>>
    %dma_start3A_145 = tpu.memref_slice %arg12[%dma_start3A_134, %dma_start3A_135] : memref<3x2x!tpu.dma_semaphore, #tpu.memory_space<semaphore_mem>> -> memref<1x1x!tpu.dma_semaphore, #tpu.memory_space<semaphore_mem>>
    %dma_start3A_146 = tpu.memref_squeeze %dma_start3A_145 : memref<1x1x!tpu.dma_semaphore, #tpu.memory_space<semaphore_mem>> -> memref<!tpu.dma_semaphore, #tpu.memory_space<semaphore_mem>>
    tpu.enqueue_indirect_dma source(%dma_start3A_144 : memref<100000x128xf32, #tpu.memory_space<hbm>>) target(%dma_start3A_139 : memref<128x128xf32, #tpu.memory_space<vmem>>) offsets(%dma_start3A_141 : memref<128xi32, #tpu.memory_space<vmem>>) semaphore(%dma_start3A_146 : memref<!tpu.dma_semaphore, #tpu.memory_space<semaphore_mem>>)
    %dma_wait3A_147 = arith.constant 1 : i32
    %dma_wait3A_148 = arith.constant 1 : i32
    %dma_wait3A_149 = arith.constant 0 : i32
    %dma_wait3A_150 = arith.constant 0 : i32
    %dma_wait3A_151 = arith.constant 0 : i32
    %dma_wait3A_152 = tpu.memref_slice %arg9[%dma_wait3A_147, %dma_wait3A_150, %dma_wait3A_151] : memref<3x128x128xf32, #tpu.memory_space<vmem>> -> memref<1x96x128xf32, #tpu.memory_space<vmem>>
    %dma_wait3A_153 = tpu.memref_squeeze %dma_wait3A_152 : memref<1x96x128xf32, #tpu.memory_space<vmem>> -> memref<96x128xf32, #tpu.memory_space<vmem>>
    %dma_wait3A_154 = arith.constant 32 : i32
    %dma_wait3A_155 = tpu.memref_slice %arg7[%dma_wait3A_154] : memref<512xi32, #tpu.memory_space<vmem>> -> memref<96xi32, #tpu.memory_space<vmem>>
    %dma_wait3A_156 = arith.constant 0 : i32
    %dma_wait3A_157 = arith.constant 0 : i32
    %dma_wait3A_158 = tpu.memref_slice %arg4[%dma_wait3A_156, %dma_wait3A_157] : memref<100000x128xf32, #tpu.memory_space<hbm>> -> memref<100000x128xf32, #tpu.memory_space<hbm>>
    %dma_wait3A_159 = tpu.memref_slice %arg12[%dma_wait3A_148, %dma_wait3A_149] : memref<3x2x!tpu.dma_semaphore, #tpu.memory_space<semaphore_mem>> -> memref<1x1x!tpu.dma_semaphore, #tpu.memory_space<semaphore_mem>>
    %dma_wait3A_160 = tpu.memref_squeeze %dma_wait3A_159 : memref<1x1x!tpu.dma_semaphore, #tpu.memory_space<semaphore_mem>> -> memref<!tpu.dma_semaphore, #tpu.memory_space<semaphore_mem>>
    tpu.wait_indirect_dma semaphore(%dma_wait3A_160 : memref<!tpu.dma_semaphore, #tpu.memory_space<semaphore_mem>>) src(%dma_wait3A_158 : memref<100000x128xf32, #tpu.memory_space<hbm>>) dst(%dma_wait3A_153 : memref<96x128xf32, #tpu.memory_space<vmem>>)
    %dma_wait3A_161 = arith.constant 1 : i32
    %dma_wait3A_162 = arith.constant 1 : i32
    %dma_wait3A_163 = arith.constant 1 : i32
    %dma_wait3A_164 = arith.constant 0 : i32
    %dma_wait3A_165 = arith.constant 0 : i32
    %dma_wait3A_166 = tpu.memref_slice %arg10[%dma_wait3A_161, %dma_wait3A_164, %dma_wait3A_165] : memref<3x128x128xf32, #tpu.memory_space<vmem>> -> memref<1x96x128xf32, #tpu.memory_space<vmem>>
    %dma_wait3A_167 = tpu.memref_squeeze %dma_wait3A_166 : memref<1x96x128xf32, #tpu.memory_space<vmem>> -> memref<96x128xf32, #tpu.memory_space<vmem>>
    %dma_wait3A_168 = arith.constant 32 : i32
    %dma_wait3A_169 = tpu.memref_slice %arg8[%dma_wait3A_168] : memref<512xi32, #tpu.memory_space<vmem>> -> memref<96xi32, #tpu.memory_space<vmem>>
    %dma_wait3A_170 = arith.constant 0 : i32
    %dma_wait3A_171 = arith.constant 0 : i32
    %dma_wait3A_172 = tpu.memref_slice %arg5[%dma_wait3A_170, %dma_wait3A_171] : memref<100000x128xf32, #tpu.memory_space<hbm>> -> memref<100000x128xf32, #tpu.memory_space<hbm>>
    %dma_wait3A_173 = tpu.memref_slice %arg12[%dma_wait3A_162, %dma_wait3A_163] : memref<3x2x!tpu.dma_semaphore, #tpu.memory_space<semaphore_mem>> -> memref<1x1x!tpu.dma_semaphore, #tpu.memory_space<semaphore_mem>>
    %dma_wait3A_174 = tpu.memref_squeeze %dma_wait3A_173 : memref<1x1x!tpu.dma_semaphore, #tpu.memory_space<semaphore_mem>> -> memref<!tpu.dma_semaphore, #tpu.memory_space<semaphore_mem>>
    tpu.wait_indirect_dma semaphore(%dma_wait3A_174 : memref<!tpu.dma_semaphore, #tpu.memory_space<semaphore_mem>>) src(%dma_wait3A_172 : memref<100000x128xf32, #tpu.memory_space<hbm>>) dst(%dma_wait3A_167 : memref<96x128xf32, #tpu.memory_space<vmem>>)
    %scan3A_175 = arith.constant 1 : i32
    %scan3A_176 = arith.constant 1 : i32
    %scan3A_177 = arith.constant 0 : i32
    %scan3A_178 = arith.constant 0 : i32
    %scan3A_179 = arith.constant 6 : i32
    %scan3A_180 = arith.addi %scan3A_178, %scan3A_179 : i32
    %scan3A_181 = arith.constant 1 : i32
    %scan3A_182 = scf.for %scan3A_325 = %scan3A_178 to %scan3A_180 step %scan3A_181 iter_args(%scan3A_326 = %scan3A_177) -> (i32)  : i32 {
      %mul3A_327 = arith.constant 16 : i32
      %mul3A_328 = arith.muli %scan3A_325, %mul3A_327 : i32
      %broadcast_in_dim3A = arith.constant 0.000000e+00 : f32
      %broadcast_in_dim3A_329 = vector.broadcast %broadcast_in_dim3A : f32 to vector<16xf32>
      %scan3A_330 = arith.constant 0 : i32
      %scan3A_331 = arith.constant 16 : i32
      %scan3A_332 = arith.addi %scan3A_330, %scan3A_331 : i32
      %scan3A_333 = arith.constant 4 : i32
      %scan3A_334 = scf.for %scan3A_340 = %scan3A_330 to %scan3A_332 step %scan3A_333 iter_args(%scan3A_341 = %broadcast_in_dim3A_329) -> (vector<16xf32>)  : i32 {
        %add3A_342 = arith.addi %mul3A_328, %scan3A_340 : i32
        %get3A = arith.constant 0 : i32
        %get3A_343 = arith.constant 0 : i32
        %get3A_344 = tpu.memref_slice %arg9[%scan3A_175, %get3A, %get3A_343] : memref<3x128x128xf32, #tpu.memory_space<vmem>> -> memref<1x128x128xf32, #tpu.memory_space<vmem>>
        %get3A_345 = tpu.memref_squeeze %get3A_344 : memref<1x128x128xf32, #tpu.memory_space<vmem>> -> memref<128x128xf32, #tpu.memory_space<vmem>>
        %get3A_346 = arith.index_cast %add3A_342 : i32 to index
        %get3A_347 = arith.constant 0 : index
        %get3A_348 = tpu.vector_load %get3A_345[%get3A_346, %get3A_347] {strides = array<i32>} : memref<128x128xf32, #tpu.memory_space<vmem>>, vector<16xf32>,
        %get3A_349 = arith.constant 0 : i32
        %get3A_350 = arith.constant 0 : i32
        %get3A_351 = tpu.memref_slice %arg10[%scan3A_176, %get3A_349, %get3A_350] : memref<3x128x128xf32, #tpu.memory_space<vmem>> -> memref<1x128x128xf32, #tpu.memory_space<vmem>>
        %get3A_352 = tpu.memref_squeeze %get3A_351 : memref<1x128x128xf32, #tpu.memory_space<vmem>> -> memref<128x128xf32, #tpu.memory_space<vmem>>
        %get3A_353 = arith.index_cast %add3A_342 : i32 to index
        %get3A_354 = arith.constant 0 : index
        %get3A_355 = tpu.vector_load %get3A_352[%get3A_353, %get3A_354] {strides = array<i32>} : memref<128x128xf32, #tpu.memory_space<vmem>>, vector<16xf32>,
        %mul3A_356 = arith.mulf %get3A_348, %get3A_355 : vector<16xf32>
        %get3A_357 = arith.constant 0 : i32
        %get3A_358 = arith.constant 0 : i32
        %get3A_359 = tpu.memref_slice %arg9[%scan3A_175, %get3A_357, %get3A_358] : memref<3x128x128xf32, #tpu.memory_space<vmem>> -> memref<1x128x128xf32, #tpu.memory_space<vmem>>
        %get3A_360 = tpu.memref_squeeze %get3A_359 : memref<1x128x128xf32, #tpu.memory_space<vmem>> -> memref<128x128xf32, #tpu.memory_space<vmem>>
        %get3A_361 = arith.index_cast %add3A_342 : i32 to index
        %get3A_362 = arith.constant 16 : index
        %get3A_363 = tpu.vector_load %get3A_360[%get3A_361, %get3A_362] {strides = array<i32>} : memref<128x128xf32, #tpu.memory_space<vmem>>, vector<16xf32>,
        %get3A_364 = arith.constant 0 : i32
        %get3A_365 = arith.constant 0 : i32
        %get3A_366 = tpu.memref_slice %arg10[%scan3A_176, %get3A_364, %get3A_365] : memref<3x128x128xf32, #tpu.memory_space<vmem>> -> memref<1x128x128xf32, #tpu.memory_space<vmem>>
        %get3A_367 = tpu.memref_squeeze %get3A_366 : memref<1x128x128xf32, #tpu.memory_space<vmem>> -> memref<128x128xf32, #tpu.memory_space<vmem>>
        %get3A_368 = arith.index_cast %add3A_342 : i32 to index
        %get3A_369 = arith.constant 16 : index
        %get3A_370 = tpu.vector_load %get3A_367[%get3A_368, %get3A_369] {strides = array<i32>} : memref<128x128xf32, #tpu.memory_space<vmem>>, vector<16xf32>,
        %mul3A_371 = arith.mulf %get3A_363, %get3A_370 : vector<16xf32>
        %get3A_372 = arith.constant 0 : i32
        %get3A_373 = arith.constant 0 : i32
        %get3A_374 = tpu.memref_slice %arg9[%scan3A_175, %get3A_372, %get3A_373] : memref<3x128x128xf32, #tpu.memory_space<vmem>> -> memref<1x128x128xf32, #tpu.memory_space<vmem>>
        %get3A_375 = tpu.memref_squeeze %get3A_374 : memref<1x128x128xf32, #tpu.memory_space<vmem>> -> memref<128x128xf32, #tpu.memory_space<vmem>>
        %get3A_376 = arith.index_cast %add3A_342 : i32 to index
        %get3A_377 = arith.constant 32 : index
        %get3A_378 = tpu.vector_load %get3A_375[%get3A_376, %get3A_377] {strides = array<i32>} : memref<128x128xf32, #tpu.memory_space<vmem>>, vector<16xf32>,
        %get3A_379 = arith.constant 0 : i32
        %get3A_380 = arith.constant 0 : i32
        %get3A_381 = tpu.memref_slice %arg10[%scan3A_176, %get3A_379, %get3A_380] : memref<3x128x128xf32, #tpu.memory_space<vmem>> -> memref<1x128x128xf32, #tpu.memory_space<vmem>>
        %get3A_382 = tpu.memref_squeeze %get3A_381 : memref<1x128x128xf32, #tpu.memory_space<vmem>> -> memref<128x128xf32, #tpu.memory_space<vmem>>
        %get3A_383 = arith.index_cast %add3A_342 : i32 to index
        %get3A_384 = arith.constant 32 : index
        %get3A_385 = tpu.vector_load %get3A_382[%get3A_383, %get3A_384] {strides = array<i32>} : memref<128x128xf32, #tpu.memory_space<vmem>>, vector<16xf32>,
        %mul3A_386 = arith.mulf %get3A_378, %get3A_385 : vector<16xf32>
        %add3A_387 = arith.addf %mul3A_356, %mul3A_386 : vector<16xf32>
        %get3A_388 = arith.constant 0 : i32
        %get3A_389 = arith.constant 0 : i32
        %get3A_390 = tpu.memref_slice %arg9[%scan3A_175, %get3A_388, %get3A_389] : memref<3x128x128xf32, #tpu.memory_space<vmem>> -> memref<1x128x128xf32, #tpu.memory_space<vmem>>
        %get3A_391 = tpu.memref_squeeze %get3A_390 : memref<1x128x128xf32, #tpu.memory_space<vmem>> -> memref<128x128xf32, #tpu.memory_space<vmem>>
        %get3A_392 = arith.index_cast %add3A_342 : i32 to index
        %get3A_393 = arith.constant 48 : index
        %get3A_394 = tpu.vector_load %get3A_391[%get3A_392, %get3A_393] {strides = array<i32>} : memref<128x128xf32, #tpu.memory_space<vmem>>, vector<16xf32>,
        %get3A_395 = arith.constant 0 : i32
        %get3A_396 = arith.constant 0 : i32
        %get3A_397 = tpu.memref_slice %arg10[%scan3A_176, %get3A_395, %get3A_396] : memref<3x128x128xf32, #tpu.memory_space<vmem>> -> memref<1x128x128xf32, #tpu.memory_space<vmem>>
        %get3A_398 = tpu.memref_squeeze %get3A_397 : memref<1x128x128xf32, #tpu.memory_space<vmem>> -> memref<128x128xf32, #tpu.memory_space<vmem>>
        %get3A_399 = arith.index_cast %add3A_342 : i32 to index
        %get3A_400 = arith.constant 48 : index
        %get3A_401 = tpu.vector_load %get3A_398[%get3A_399, %get3A_400] {strides = array<i32>} : memref<128x128xf32, #tpu.memory_space<vmem>>, vector<16xf32>,
        %mul3A_402 = arith.mulf %get3A_394, %get3A_401 : vector<16xf32>
        %add3A_403 = arith.addf %mul3A_371, %mul3A_402 : vector<16xf32>
        %get3A_404 = arith.constant 0 : i32
        %get3A_405 = arith.constant 0 : i32
        %get3A_406 = tpu.memref_slice %arg9[%scan3A_175, %get3A_404, %get3A_405] : memref<3x128x128xf32, #tpu.memory_space<vmem>> -> memref<1x128x128xf32, #tpu.memory_space<vmem>>
        %get3A_407 = tpu.memref_squeeze %get3A_406 : memref<1x128x128xf32, #tpu.memory_space<vmem>> -> memref<128x128xf32, #tpu.memory_space<vmem>>
        %get3A_408 = arith.index_cast %add3A_342 : i32 to index
        %get3A_409 = arith.constant 64 : index
        %get3A_410 = tpu.vector_load %get3A_407[%get3A_408, %get3A_409] {strides = array<i32>} : memref<128x128xf32, #tpu.memory_space<vmem>>, vector<16xf32>,
        %get3A_411 = arith.constant 0 : i32
        %get3A_412 = arith.constant 0 : i32
        %get3A_413 = tpu.memref_slice %arg10[%scan3A_176, %get3A_411, %get3A_412] : memref<3x128x128xf32, #tpu.memory_space<vmem>> -> memref<1x128x128xf32, #tpu.memory_space<vmem>>
        %get3A_414 = tpu.memref_squeeze %get3A_413 : memref<1x128x128xf32, #tpu.memory_space<vmem>> -> memref<128x128xf32, #tpu.memory_space<vmem>>
        %get3A_415 = arith.index_cast %add3A_342 : i32 to index
        %get3A_416 = arith.constant 64 : index
        %get3A_417 = tpu.vector_load %get3A_414[%get3A_415, %get3A_416] {strides = array<i32>} : memref<128x128xf32, #tpu.memory_space<vmem>>, vector<16xf32>,
        %mul3A_418 = arith.mulf %get3A_410, %get3A_417 : vector<16xf32>
        %add3A_419 = arith.addf %add3A_387, %mul3A_418 : vector<16xf32>
        %get3A_420 = arith.constant 0 : i32
        %get3A_421 = arith.constant 0 : i32
        %get3A_422 = tpu.memref_slice %arg9[%scan3A_175, %get3A_420, %get3A_421] : memref<3x128x128xf32, #tpu.memory_space<vmem>> -> memref<1x128x128xf32, #tpu.memory_space<vmem>>
        %get3A_423 = tpu.memref_squeeze %get3A_422 : memref<1x128x128xf32, #tpu.memory_space<vmem>> -> memref<128x128xf32, #tpu.memory_space<vmem>>
        %get3A_424 = arith.index_cast %add3A_342 : i32 to index
        %get3A_425 = arith.constant 80 : index
        %get3A_426 = tpu.vector_load %get3A_423[%get3A_424, %get3A_425] {strides = array<i32>} : memref<128x128xf32, #tpu.memory_space<vmem>>, vector<16xf32>,
        %get3A_427 = arith.constant 0 : i32
        %get3A_428 = arith.constant 0 : i32
        %get3A_429 = tpu.memref_slice %arg10[%scan3A_176, %get3A_427, %get3A_428] : memref<3x128x128xf32, #tpu.memory_space<vmem>> -> memref<1x128x128xf32, #tpu.memory_space<vmem>>
        %get3A_430 = tpu.memref_squeeze %get3A_429 : memref<1x128x128xf32, #tpu.memory_space<vmem>> -> memref<128x128xf32, #tpu.memory_space<vmem>>
        %get3A_431 = arith.index_cast %add3A_342 : i32 to index
        %get3A_432 = arith.constant 80 : index
        %get3A_433 = tpu.vector_load %get3A_430[%get3A_431, %get3A_432] {strides = array<i32>} : memref<128x128xf32, #tpu.memory_space<vmem>>, vector<16xf32>,
        %mul3A_434 = arith.mulf %get3A_426, %get3A_433 : vector<16xf32>
        %add3A_435 = arith.addf %add3A_403, %mul3A_434 : vector<16xf32>
        %get3A_436 = arith.constant 0 : i32
        %get3A_437 = arith.constant 0 : i32
        %get3A_438 = tpu.memref_slice %arg9[%scan3A_175, %get3A_436, %get3A_437] : memref<3x128x128xf32, #tpu.memory_space<vmem>> -> memref<1x128x128xf32, #tpu.memory_space<vmem>>
        %get3A_439 = tpu.memref_squeeze %get3A_438 : memref<1x128x128xf32, #tpu.memory_space<vmem>> -> memref<128x128xf32, #tpu.memory_space<vmem>>
        %get3A_440 = arith.index_cast %add3A_342 : i32 to index
        %get3A_441 = arith.constant 96 : index
        %get3A_442 = tpu.vector_load %get3A_439[%get3A_440, %get3A_441] {strides = array<i32>} : memref<128x128xf32, #tpu.memory_space<vmem>>, vector<16xf32>,
        %get3A_443 = arith.constant 0 : i32
        %get3A_444 = arith.constant 0 : i32
        %get3A_445 = tpu.memref_slice %arg10[%scan3A_176, %get3A_443, %get3A_444] : memref<3x128x128xf32, #tpu.memory_space<vmem>> -> memref<1x128x128xf32, #tpu.memory_space<vmem>>
        %get3A_446 = tpu.memref_squeeze %get3A_445 : memref<1x128x128xf32, #tpu.memory_space<vmem>> -> memref<128x128xf32, #tpu.memory_space<vmem>>
        %get3A_447 = arith.index_cast %add3A_342 : i32 to index
        %get3A_448 = arith.constant 96 : index
        %get3A_449 = tpu.vector_load %get3A_446[%get3A_447, %get3A_448] {strides = array<i32>} : memref<128x128xf32, #tpu.memory_space<vmem>>, vector<16xf32>,
        %mul3A_450 = arith.mulf %get3A_442, %get3A_449 : vector<16xf32>
        %add3A_451 = arith.addf %add3A_419, %mul3A_450 : vector<16xf32>
        %get3A_452 = arith.constant 0 : i32
        %get3A_453 = arith.constant 0 : i32
        %get3A_454 = tpu.memref_slice %arg9[%scan3A_175, %get3A_452, %get3A_453] : memref<3x128x128xf32, #tpu.memory_space<vmem>> -> memref<1x128x128xf32, #tpu.memory_space<vmem>>
        %get3A_455 = tpu.memref_squeeze %get3A_454 : memref<1x128x128xf32, #tpu.memory_space<vmem>> -> memref<128x128xf32, #tpu.memory_space<vmem>>
        %get3A_456 = arith.index_cast %add3A_342 : i32 to index
        %get3A_457 = arith.constant 112 : index
        %get3A_458 = tpu.vector_load %get3A_455[%get3A_456, %get3A_457] {strides = array<i32>} : memref<128x128xf32, #tpu.memory_space<vmem>>, vector<16xf32>,
        %get3A_459 = arith.constant 0 : i32
        %get3A_460 = arith.constant 0 : i32
        %get3A_461 = tpu.memref_slice %arg10[%scan3A_176, %get3A_459, %get3A_460] : memref<3x128x128xf32, #tpu.memory_space<vmem>> -> memref<1x128x128xf32, #tpu.memory_space<vmem>>
        %get3A_462 = tpu.memref_squeeze %get3A_461 : memref<1x128x128xf32, #tpu.memory_space<vmem>> -> memref<128x128xf32, #tpu.memory_space<vmem>>
        %get3A_463 = arith.index_cast %add3A_342 : i32 to index
        %get3A_464 = arith.constant 112 : index
        %get3A_465 = tpu.vector_load %get3A_462[%get3A_463, %get3A_464] {strides = array<i32>} : memref<128x128xf32, #tpu.memory_space<vmem>>, vector<16xf32>,
        %mul3A_466 = arith.mulf %get3A_458, %get3A_465 : vector<16xf32>
        %add3A_467 = arith.addf %add3A_435, %mul3A_466 : vector<16xf32>
        %add3A_468 = arith.addf %add3A_451, %add3A_467 : vector<16xf32>
        %eq3A = vector.broadcast %scan3A_340 : i32 to vector<16xi32>
        %eq3A_469 = arith.cmpi eq, %iota3A, %eq3A : vector<16xi32>
        %reduce_sum3A = arith.constant true
        %reduce_sum3A_470 = vector.broadcast %reduce_sum3A : i1 to vector<16xi1>
        %reduce_sum3A_471 = tpu.scan <sum>, %add3A_468 masked %reduce_sum3A_470 : vector<16xf32>, vector<16xi1> -> vector<16xf32>
        %reduce_sum3A_472 = vector.extract %reduce_sum3A_471[15] : f32 from vector<16xf32>
        %broadcast_in_dim3A_473 = vector.broadcast %reduce_sum3A_472 : f32 to vector<16xf32>
        %select_n3A = arith.select %eq3A_469, %broadcast_in_dim3A_473, %scan3A_341 : vector<16xi1>, vector<16xf32>
        %scan3A_474 = arith.constant 1 : i32
        %scan3A_475 = arith.addi %scan3A_340, %scan3A_474 : i32
        %add3A_476 = arith.addi %mul3A_328, %scan3A_475 : i32
        %get3A_477 = arith.constant 0 : i32
        %get3A_478 = arith.constant 0 : i32
        %get3A_479 = tpu.memref_slice %arg9[%scan3A_175, %get3A_477, %get3A_478] : memref<3x128x128xf32, #tpu.memory_space<vmem>> -> memref<1x128x128xf32, #tpu.memory_space<vmem>>
        %get3A_480 = tpu.memref_squeeze %get3A_479 : memref<1x128x128xf32, #tpu.memory_space<vmem>> -> memref<128x128xf32, #tpu.memory_space<vmem>>
        %get3A_481 = arith.index_cast %add3A_476 : i32 to index
        %get3A_482 = arith.constant 0 : index
        %get3A_483 = tpu.vector_load %get3A_480[%get3A_481, %get3A_482] {strides = array<i32>} : memref<128x128xf32, #tpu.memory_space<vmem>>, vector<16xf32>,
        %get3A_484 = arith.constant 0 : i32
        %get3A_485 = arith.constant 0 : i32
        %get3A_486 = tpu.memref_slice %arg10[%scan3A_176, %get3A_484, %get3A_485] : memref<3x128x128xf32, #tpu.memory_space<vmem>> -> memref<1x128x128xf32, #tpu.memory_space<vmem>>
        %get3A_487 = tpu.memref_squeeze %get3A_486 : memref<1x128x128xf32, #tpu.memory_space<vmem>> -> memref<128x128xf32, #tpu.memory_space<vmem>>
        %get3A_488 = arith.index_cast %add3A_476 : i32 to index
        %get3A_489 = arith.constant 0 : index
        %get3A_490 = tpu.vector_load %get3A_487[%get3A_488, %get3A_489] {strides = array<i32>} : memref<128x128xf32, #tpu.memory_space<vmem>>, vector<16xf32>,
        %mul3A_491 = arith.mulf %get3A_483, %get3A_490 : vector<16xf32>
        %get3A_492 = arith.constant 0 : i32
        %get3A_493 = arith.constant 0 : i32
        %get3A_494 = tpu.memref_slice %arg9[%scan3A_175, %get3A_492, %get3A_493] : memref<3x128x128xf32, #tpu.memory_space<vmem>> -> memref<1x128x128xf32, #tpu.memory_space<vmem>>
        %get3A_495 = tpu.memref_squeeze %get3A_494 : memref<1x128x128xf32, #tpu.memory_space<vmem>> -> memref<128x128xf32, #tpu.memory_space<vmem>>
        %get3A_496 = arith.index_cast %add3A_476 : i32 to index
        %get3A_497 = arith.constant 16 : index
        %get3A_498 = tpu.vector_load %get3A_495[%get3A_496, %get3A_497] {strides = array<i32>} : memref<128x128xf32, #tpu.memory_space<vmem>>, vector<16xf32>,
        %get3A_499 = arith.constant 0 : i32
        %get3A_500 = arith.constant 0 : i32
        %get3A_501 = tpu.memref_slice %arg10[%scan3A_176, %get3A_499, %get3A_500] : memref<3x128x128xf32, #tpu.memory_space<vmem>> -> memref<1x128x128xf32, #tpu.memory_space<vmem>>
        %get3A_502 = tpu.memref_squeeze %get3A_501 : memref<1x128x128xf32, #tpu.memory_space<vmem>> -> memref<128x128xf32, #tpu.memory_space<vmem>>
        %get3A_503 = arith.index_cast %add3A_476 : i32 to index
        %get3A_504 = arith.constant 16 : index
        %get3A_505 = tpu.vector_load %get3A_502[%get3A_503, %get3A_504] {strides = array<i32>} : memref<128x128xf32, #tpu.memory_space<vmem>>, vector<16xf32>,
        %mul3A_506 = arith.mulf %get3A_498, %get3A_505 : vector<16xf32>
        %get3A_507 = arith.constant 0 : i32
        %get3A_508 = arith.constant 0 : i32
        %get3A_509 = tpu.memref_slice %arg9[%scan3A_175, %get3A_507, %get3A_508] : memref<3x128x128xf32, #tpu.memory_space<vmem>> -> memref<1x128x128xf32, #tpu.memory_space<vmem>>
        %get3A_510 = tpu.memref_squeeze %get3A_509 : memref<1x128x128xf32, #tpu.memory_space<vmem>> -> memref<128x128xf32, #tpu.memory_space<vmem>>
        %get3A_511 = arith.index_cast %add3A_476 : i32 to index
        %get3A_512 = arith.constant 32 : index
        %get3A_513 = tpu.vector_load %get3A_510[%get3A_511, %get3A_512] {strides = array<i32>} : memref<128x128xf32, #tpu.memory_space<vmem>>, vector<16xf32>,
        %get3A_514 = arith.constant 0 : i32
        %get3A_515 = arith.constant 0 : i32
        %get3A_516 = tpu.memref_slice %arg10[%scan3A_176, %get3A_514, %get3A_515] : memref<3x128x128xf32, #tpu.memory_space<vmem>> -> memref<1x128x128xf32, #tpu.memory_space<vmem>>
        %get3A_517 = tpu.memref_squeeze %get3A_516 : memref<1x128x128xf32, #tpu.memory_space<vmem>> -> memref<128x128xf32, #tpu.memory_space<vmem>>
        %get3A_518 = arith.index_cast %add3A_476 : i32 to index
        %get3A_519 = arith.constant 32 : index
        %get3A_520 = tpu.vector_load %get3A_517[%get3A_518, %get3A_519] {strides = array<i32>} : memref<128x128xf32, #tpu.memory_space<vmem>>, vector<16xf32>,
        %mul3A_521 = arith.mulf %get3A_513, %get3A_520 : vector<16xf32>
        %add3A_522 = arith.addf %mul3A_491, %mul3A_521 : vector<16xf32>
        %get3A_523 = arith.constant 0 : i32
        %get3A_524 = arith.constant 0 : i32
        %get3A_525 = tpu.memref_slice %arg9[%scan3A_175, %get3A_523, %get3A_524] : memref<3x128x128xf32, #tpu.memory_space<vmem>> -> memref<1x128x128xf32, #tpu.memory_space<vmem>>
        %get3A_526 = tpu.memref_squeeze %get3A_525 : memref<1x128x128xf32, #tpu.memory_space<vmem>> -> memref<128x128xf32, #tpu.memory_space<vmem>>
        %get3A_527 = arith.index_cast %add3A_476 : i32 to index
        %get3A_528 = arith.constant 48 : index
        %get3A_529 = tpu.vector_load %get3A_526[%get3A_527, %get3A_528] {strides = array<i32>} : memref<128x128xf32, #tpu.memory_space<vmem>>, vector<16xf32>,
        %get3A_530 = arith.constant 0 : i32
        %get3A_531 = arith.constant 0 : i32
        %get3A_532 = tpu.memref_slice %arg10[%scan3A_176, %get3A_530, %get3A_531] : memref<3x128x128xf32, #tpu.memory_space<vmem>> -> memref<1x128x128xf32, #tpu.memory_space<vmem>>
        %get3A_533 = tpu.memref_squeeze %get3A_532 : memref<1x128x128xf32, #tpu.memory_space<vmem>> -> memref<128x128xf32, #tpu.memory_space<vmem>>
        %get3A_534 = arith.index_cast %add3A_476 : i32 to index
        %get3A_535 = arith.constant 48 : index
        %get3A_536 = tpu.vector_load %get3A_533[%get3A_534, %get3A_535] {strides = array<i32>} : memref<128x128xf32, #tpu.memory_space<vmem>>, vector<16xf32>,
        %mul3A_537 = arith.mulf %get3A_529, %get3A_536 : vector<16xf32>
        %add3A_538 = arith.addf %mul3A_506, %mul3A_537 : vector<16xf32>
        %get3A_539 = arith.constant 0 : i32
        %get3A_540 = arith.constant 0 : i32
        %get3A_541 = tpu.memref_slice %arg9[%scan3A_175, %get3A_539, %get3A_540] : memref<3x128x128xf32, #tpu.memory_space<vmem>> -> memref<1x128x128xf32, #tpu.memory_space<vmem>>
        %get3A_542 = tpu.memref_squeeze %get3A_541 : memref<1x128x128xf32, #tpu.memory_space<vmem>> -> memref<128x128xf32, #tpu.memory_space<vmem>>
        %get3A_543 = arith.index_cast %add3A_476 : i32 to index
        %get3A_544 = arith.constant 64 : index
        %get3A_545 = tpu.vector_load %get3A_542[%get3A_543, %get3A_544] {strides = array<i32>} : memref<128x128xf32, #tpu.memory_space<vmem>>, vector<16xf32>,
        %get3A_546 = arith.constant 0 : i32
        %get3A_547 = arith.constant 0 : i32
        %get3A_548 = tpu.memref_slice %arg10[%scan3A_176, %get3A_546, %get3A_547] : memref<3x128x128xf32, #tpu.memory_space<vmem>> -> memref<1x128x128xf32, #tpu.memory_space<vmem>>
        %get3A_549 = tpu.memref_squeeze %get3A_548 : memref<1x128x128xf32, #tpu.memory_space<vmem>> -> memref<128x128xf32, #tpu.memory_space<vmem>>
        %get3A_550 = arith.index_cast %add3A_476 : i32 to index
        %get3A_551 = arith.constant 64 : index
        %get3A_552 = tpu.vector_load %get3A_549[%get3A_550, %get3A_551] {strides = array<i32>} : memref<128x128xf32, #tpu.memory_space<vmem>>, vector<16xf32>,
        %mul3A_553 = arith.mulf %get3A_545, %get3A_552 : vector<16xf32>
        %add3A_554 = arith.addf %add3A_522, %mul3A_553 : vector<16xf32>
        %get3A_555 = arith.constant 0 : i32
        %get3A_556 = arith.constant 0 : i32
        %get3A_557 = tpu.memref_slice %arg9[%scan3A_175, %get3A_555, %get3A_556] : memref<3x128x128xf32, #tpu.memory_space<vmem>> -> memref<1x128x128xf32, #tpu.memory_space<vmem>>
        %get3A_558 = tpu.memref_squeeze %get3A_557 : memref<1x128x128xf32, #tpu.memory_space<vmem>> -> memref<128x128xf32, #tpu.memory_space<vmem>>
        %get3A_559 = arith.index_cast %add3A_476 : i32 to index
        %get3A_560 = arith.constant 80 : index
        %get3A_561 = tpu.vector_load %get3A_558[%get3A_559, %get3A_560] {strides = array<i32>} : memref<128x128xf32, #tpu.memory_space<vmem>>, vector<16xf32>,
        %get3A_562 = arith.constant 0 : i32
        %get3A_563 = arith.constant 0 : i32
        %get3A_564 = tpu.memref_slice %arg10[%scan3A_176, %get3A_562, %get3A_563] : memref<3x128x128xf32, #tpu.memory_space<vmem>> -> memref<1x128x128xf32, #tpu.memory_space<vmem>>
        %get3A_565 = tpu.memref_squeeze %get3A_564 : memref<1x128x128xf32, #tpu.memory_space<vmem>> -> memref<128x128xf32, #tpu.memory_space<vmem>>
        %get3A_566 = arith.index_cast %add3A_476 : i32 to index
        %get3A_567 = arith.constant 80 : index
        %get3A_568 = tpu.vector_load %get3A_565[%get3A_566, %get3A_567] {strides = array<i32>} : memref<128x128xf32, #tpu.memory_space<vmem>>, vector<16xf32>,
        %mul3A_569 = arith.mulf %get3A_561, %get3A_568 : vector<16xf32>
        %add3A_570 = arith.addf %add3A_538, %mul3A_569 : vector<16xf32>
        %get3A_571 = arith.constant 0 : i32
        %get3A_572 = arith.constant 0 : i32
        %get3A_573 = tpu.memref_slice %arg9[%scan3A_175, %get3A_571, %get3A_572] : memref<3x128x128xf32, #tpu.memory_space<vmem>> -> memref<1x128x128xf32, #tpu.memory_space<vmem>>
        %get3A_574 = tpu.memref_squeeze %get3A_573 : memref<1x128x128xf32, #tpu.memory_space<vmem>> -> memref<128x128xf32, #tpu.memory_space<vmem>>
        %get3A_575 = arith.index_cast %add3A_476 : i32 to index
        %get3A_576 = arith.constant 96 : index
        %get3A_577 = tpu.vector_load %get3A_574[%get3A_575, %get3A_576] {strides = array<i32>} : memref<128x128xf32, #tpu.memory_space<vmem>>, vector<16xf32>,
        %get3A_578 = arith.constant 0 : i32
        %get3A_579 = arith.constant 0 : i32
        %get3A_580 = tpu.memref_slice %arg10[%scan3A_176, %get3A_578, %get3A_579] : memref<3x128x128xf32, #tpu.memory_space<vmem>> -> memref<1x128x128xf32, #tpu.memory_space<vmem>>
        %get3A_581 = tpu.memref_squeeze %get3A_580 : memref<1x128x128xf32, #tpu.memory_space<vmem>> -> memref<128x128xf32, #tpu.memory_space<vmem>>
        %get3A_582 = arith.index_cast %add3A_476 : i32 to index
        %get3A_583 = arith.constant 96 : index
        %get3A_584 = tpu.vector_load %get3A_581[%get3A_582, %get3A_583] {strides = array<i32>} : memref<128x128xf32, #tpu.memory_space<vmem>>, vector<16xf32>,
        %mul3A_585 = arith.mulf %get3A_577, %get3A_584 : vector<16xf32>
        %add3A_586 = arith.addf %add3A_554, %mul3A_585 : vector<16xf32>
        %get3A_587 = arith.constant 0 : i32
        %get3A_588 = arith.constant 0 : i32
        %get3A_589 = tpu.memref_slice %arg9[%scan3A_175, %get3A_587, %get3A_588] : memref<3x128x128xf32, #tpu.memory_space<vmem>> -> memref<1x128x128xf32, #tpu.memory_space<vmem>>
        %get3A_590 = tpu.memref_squeeze %get3A_589 : memref<1x128x128xf32, #tpu.memory_space<vmem>> -> memref<128x128xf32, #tpu.memory_space<vmem>>
        %get3A_591 = arith.index_cast %add3A_476 : i32 to index
        %get3A_592 = arith.constant 112 : index
        %get3A_593 = tpu.vector_load %get3A_590[%get3A_591, %get3A_592] {strides = array<i32>} : memref<128x128xf32, #tpu.memory_space<vmem>>, vector<16xf32>,
        %get3A_594 = arith.constant 0 : i32
        %get3A_595 = arith.constant 0 : i32
        %get3A_596 = tpu.memref_slice %arg10[%scan3A_176, %get3A_594, %get3A_595] : memref<3x128x128xf32, #tpu.memory_space<vmem>> -> memref<1x128x128xf32, #tpu.memory_space<vmem>>
        %get3A_597 = tpu.memref_squeeze %get3A_596 : memref<1x128x128xf32, #tpu.memory_space<vmem>> -> memref<128x128xf32, #tpu.memory_space<vmem>>
        %get3A_598 = arith.index_cast %add3A_476 : i32 to index
        %get3A_599 = arith.constant 112 : index
        %get3A_600 = tpu.vector_load %get3A_597[%get3A_598, %get3A_599] {strides = array<i32>} : memref<128x128xf32, #tpu.memory_space<vmem>>, vector<16xf32>,
        %mul3A_601 = arith.mulf %get3A_593, %get3A_600 : vector<16xf32>
        %add3A_602 = arith.addf %add3A_570, %mul3A_601 : vector<16xf32>
        %add3A_603 = arith.addf %add3A_586, %add3A_602 : vector<16xf32>
        %eq3A_604 = vector.broadcast %scan3A_475 : i32 to vector<16xi32>
        %eq3A_605 = arith.cmpi eq, %iota3A, %eq3A_604 : vector<16xi32>
        %reduce_sum3A_606 = arith.constant true
        %reduce_sum3A_607 = vector.broadcast %reduce_sum3A_606 : i1 to vector<16xi1>
        %reduce_sum3A_608 = tpu.scan <sum>, %add3A_603 masked %reduce_sum3A_607 : vector<16xf32>, vector<16xi1> -> vector<16xf32>
        %reduce_sum3A_609 = vector.extract %reduce_sum3A_608[15] : f32 from vector<16xf32>
        %broadcast_in_dim3A_610 = vector.broadcast %reduce_sum3A_609 : f32 to vector<16xf32>
        %select_n3A_611 = arith.select %eq3A_605, %broadcast_in_dim3A_610, %select_n3A : vector<16xi1>, vector<16xf32>
        %scan3A_612 = arith.constant 2 : i32
        %scan3A_613 = arith.addi %scan3A_340, %scan3A_612 : i32
        %add3A_614 = arith.addi %mul3A_328, %scan3A_613 : i32
        %get3A_615 = arith.constant 0 : i32
        %get3A_616 = arith.constant 0 : i32
        %get3A_617 = tpu.memref_slice %arg9[%scan3A_175, %get3A_615, %get3A_616] : memref<3x128x128xf32, #tpu.memory_space<vmem>> -> memref<1x128x128xf32, #tpu.memory_space<vmem>>
        %get3A_618 = tpu.memref_squeeze %get3A_617 : memref<1x128x128xf32, #tpu.memory_space<vmem>> -> memref<128x128xf32, #tpu.memory_space<vmem>>
        %get3A_619 = arith.index_cast %add3A_614 : i32 to index
        %get3A_620 = arith.constant 0 : index
        %get3A_621 = tpu.vector_load %get3A_618[%get3A_619, %get3A_620] {strides = array<i32>} : memref<128x128xf32, #tpu.memory_space<vmem>>, vector<16xf32>,
        %get3A_622 = arith.constant 0 : i32
        %get3A_623 = arith.constant 0 : i32
        %get3A_624 = tpu.memref_slice %arg10[%scan3A_176, %get3A_622, %get3A_623] : memref<3x128x128xf32, #tpu.memory_space<vmem>> -> memref<1x128x128xf32, #tpu.memory_space<vmem>>
        %get3A_625 = tpu.memref_squeeze %get3A_624 : memref<1x128x128xf32, #tpu.memory_space<vmem>> -> memref<128x128xf32, #tpu.memory_space<vmem>>
        %get3A_626 = arith.index_cast %add3A_614 : i32 to index
        %get3A_627 = arith.constant 0 : index
        %get3A_628 = tpu.vector_load %get3A_625[%get3A_626, %get3A_627] {strides = array<i32>} : memref<128x128xf32, #tpu.memory_space<vmem>>, vector<16xf32>,
        %mul3A_629 = arith.mulf %get3A_621, %get3A_628 : vector<16xf32>
        %get3A_630 = arith.constant 0 : i32
        %get3A_631 = arith.constant 0 : i32
        %get3A_632 = tpu.memref_slice %arg9[%scan3A_175, %get3A_630, %get3A_631] : memref<3x128x128xf32, #tpu.memory_space<vmem>> -> memref<1x128x128xf32, #tpu.memory_space<vmem>>
        %get3A_633 = tpu.memref_squeeze %get3A_632 : memref<1x128x128xf32, #tpu.memory_space<vmem>> -> memref<128x128xf32, #tpu.memory_space<vmem>>
        %get3A_634 = arith.index_cast %add3A_614 : i32 to index
        %get3A_635 = arith.constant 16 : index
        %get3A_636 = tpu.vector_load %get3A_633[%get3A_634, %get3A_635] {strides = array<i32>} : memref<128x128xf32, #tpu.memory_space<vmem>>, vector<16xf32>,
        %get3A_637 = arith.constant 0 : i32
        %get3A_638 = arith.constant 0 : i32
        %get3A_639 = tpu.memref_slice %arg10[%scan3A_176, %get3A_637, %get3A_638] : memref<3x128x128xf32, #tpu.memory_space<vmem>> -> memref<1x128x128xf32, #tpu.memory_space<vmem>>
        %get3A_640 = tpu.memref_squeeze %get3A_639 : memref<1x128x128xf32, #tpu.memory_space<vmem>> -> memref<128x128xf32, #tpu.memory_space<vmem>>
        %get3A_641 = arith.index_cast %add3A_614 : i32 to index
        %get3A_642 = arith.constant 16 : index
        %get3A_643 = tpu.vector_load %get3A_640[%get3A_641, %get3A_642] {strides = array<i32>} : memref<128x128xf32, #tpu.memory_space<vmem>>, vector<16xf32>,
        %mul3A_644 = arith.mulf %get3A_636, %get3A_643 : vector<16xf32>
        %get3A_645 = arith.constant 0 : i32
        %get3A_646 = arith.constant 0 : i32
        %get3A_647 = tpu.memref_slice %arg9[%scan3A_175, %get3A_645, %get3A_646] : memref<3x128x128xf32, #tpu.memory_space<vmem>> -> memref<1x128x128xf32, #tpu.memory_space<vmem>>
        %get3A_648 = tpu.memref_squeeze %get3A_647 : memref<1x128x128xf32, #tpu.memory_space<vmem>> -> memref<128x128xf32, #tpu.memory_space<vmem>>
        %get3A_649 = arith.index_cast %add3A_614 : i32 to index
        %get3A_650 = arith.constant 32 : index
        %get3A_651 = tpu.vector_load %get3A_648[%get3A_649, %get3A_650] {strides = array<i32>} : memref<128x128xf32, #tpu.memory_space<vmem>>, vector<16xf32>,
        %get3A_652 = arith.constant 0 : i32
        %get3A_653 = arith.constant 0 : i32
        %get3A_654 = tpu.memref_slice %arg10[%scan3A_176, %get3A_652, %get3A_653] : memref<3x128x128xf32, #tpu.memory_space<vmem>> -> memref<1x128x128xf32, #tpu.memory_space<vmem>>
        %get3A_655 = tpu.memref_squeeze %get3A_654 : memref<1x128x128xf32, #tpu.memory_space<vmem>> -> memref<128x128xf32, #tpu.memory_space<vmem>>
        %get3A_656 = arith.index_cast %add3A_614 : i32 to index
        %get3A_657 = arith.constant 32 : index
        %get3A_658 = tpu.vector_load %get3A_655[%get3A_656, %get3A_657] {strides = array<i32>} : memref<128x128xf32, #tpu.memory_space<vmem>>, vector<16xf32>,
        %mul3A_659 = arith.mulf %get3A_651, %get3A_658 : vector<16xf32>
        %add3A_660 = arith.addf %mul3A_629, %mul3A_659 : vector<16xf32>
        %get3A_661 = arith.constant 0 : i32
        %get3A_662 = arith.constant 0 : i32
        %get3A_663 = tpu.memref_slice %arg9[%scan3A_175, %get3A_661, %get3A_662] : memref<3x128x128xf32, #tpu.memory_space<vmem>> -> memref<1x128x128xf32, #tpu.memory_space<vmem>>
        %get3A_664 = tpu.memref_squeeze %get3A_663 : memref<1x128x128xf32, #tpu.memory_space<vmem>> -> memref<128x128xf32, #tpu.memory_space<vmem>>
        %get3A_665 = arith.index_cast %add3A_614 : i32 to index
        %get3A_666 = arith.constant 48 : index
        %get3A_667 = tpu.vector_load %get3A_664[%get3A_665, %get3A_666] {strides = array<i32>} : memref<128x128xf32, #tpu.memory_space<vmem>>, vector<16xf32>,
        %get3A_668 = arith.constant 0 : i32
        %get3A_669 = arith.constant 0 : i32
        %get3A_670 = tpu.memref_slice %arg10[%scan3A_176, %get3A_668, %get3A_669] : memref<3x128x128xf32, #tpu.memory_space<vmem>> -> memref<1x128x128xf32, #tpu.memory_space<vmem>>
        %get3A_671 = tpu.memref_squeeze %get3A_670 : memref<1x128x128xf32, #tpu.memory_space<vmem>> -> memref<128x128xf32, #tpu.memory_space<vmem>>
        %get3A_672 = arith.index_cast %add3A_614 : i32 to index
        %get3A_673 = arith.constant 48 : index
        %get3A_674 = tpu.vector_load %get3A_671[%get3A_672, %get3A_673] {strides = array<i32>} : memref<128x128xf32, #tpu.memory_space<vmem>>, vector<16xf32>,
        %mul3A_675 = arith.mulf %get3A_667, %get3A_674 : vector<16xf32>
        %add3A_676 = arith.addf %mul3A_644, %mul3A_675 : vector<16xf32>
        %get3A_677 = arith.constant 0 : i32
        %get3A_678 = arith.constant 0 : i32
        %get3A_679 = tpu.memref_slice %arg9[%scan3A_175, %get3A_677, %get3A_678] : memref<3x128x128xf32, #tpu.memory_space<vmem>> -> memref<1x128x128xf32, #tpu.memory_space<vmem>>
        %get3A_680 = tpu.memref_squeeze %get3A_679 : memref<1x128x128xf32, #tpu.memory_space<vmem>> -> memref<128x128xf32, #tpu.memory_space<vmem>>
        %get3A_681 = arith.index_cast %add3A_614 : i32 to index
        %get3A_682 = arith.constant 64 : index
        %get3A_683 = tpu.vector_load %get3A_680[%get3A_681, %get3A_682] {strides = array<i32>} : memref<128x128xf32, #tpu.memory_space<vmem>>, vector<16xf32>,
        %get3A_684 = arith.constant 0 : i32
        %get3A_685 = arith.constant 0 : i32
        %get3A_686 = tpu.memref_slice %arg10[%scan3A_176, %get3A_684, %get3A_685] : memref<3x128x128xf32, #tpu.memory_space<vmem>> -> memref<1x128x128xf32, #tpu.memory_space<vmem>>
        %get3A_687 = tpu.memref_squeeze %get3A_686 : memref<1x128x128xf32, #tpu.memory_space<vmem>> -> memref<128x128xf32, #tpu.memory_space<vmem>>
        %get3A_688 = arith.index_cast %add3A_614 : i32 to index
        %get3A_689 = arith.constant 64 : index
        %get3A_690 = tpu.vector_load %get3A_687[%get3A_688, %get3A_689] {strides = array<i32>} : memref<128x128xf32, #tpu.memory_space<vmem>>, vector<16xf32>,
        %mul3A_691 = arith.mulf %get3A_683, %get3A_690 : vector<16xf32>
        %add3A_692 = arith.addf %add3A_660, %mul3A_691 : vector<16xf32>
        %get3A_693 = arith.constant 0 : i32
        %get3A_694 = arith.constant 0 : i32
        %get3A_695 = tpu.memref_slice %arg9[%scan3A_175, %get3A_693, %get3A_694] : memref<3x128x128xf32, #tpu.memory_space<vmem>> -> memref<1x128x128xf32, #tpu.memory_space<vmem>>
        %get3A_696 = tpu.memref_squeeze %get3A_695 : memref<1x128x128xf32, #tpu.memory_space<vmem>> -> memref<128x128xf32, #tpu.memory_space<vmem>>
        %get3A_697 = arith.index_cast %add3A_614 : i32 to index
        %get3A_698 = arith.constant 80 : index
        %get3A_699 = tpu.vector_load %get3A_696[%get3A_697, %get3A_698] {strides = array<i32>} : memref<128x128xf32, #tpu.memory_space<vmem>>, vector<16xf32>,
        %get3A_700 = arith.constant 0 : i32
        %get3A_701 = arith.constant 0 : i32
        %get3A_702 = tpu.memref_slice %arg10[%scan3A_176, %get3A_700, %get3A_701] : memref<3x128x128xf32, #tpu.memory_space<vmem>> -> memref<1x128x128xf32, #tpu.memory_space<vmem>>
        %get3A_703 = tpu.memref_squeeze %get3A_702 : memref<1x128x128xf32, #tpu.memory_space<vmem>> -> memref<128x128xf32, #tpu.memory_space<vmem>>
        %get3A_704 = arith.index_cast %add3A_614 : i32 to index
        %get3A_705 = arith.constant 80 : index
        %get3A_706 = tpu.vector_load %get3A_703[%get3A_704, %get3A_705] {strides = array<i32>} : memref<128x128xf32, #tpu.memory_space<vmem>>, vector<16xf32>,
        %mul3A_707 = arith.mulf %get3A_699, %get3A_706 : vector<16xf32>
        %add3A_708 = arith.addf %add3A_676, %mul3A_707 : vector<16xf32>
        %get3A_709 = arith.constant 0 : i32
        %get3A_710 = arith.constant 0 : i32
        %get3A_711 = tpu.memref_slice %arg9[%scan3A_175, %get3A_709, %get3A_710] : memref<3x128x128xf32, #tpu.memory_space<vmem>> -> memref<1x128x128xf32, #tpu.memory_space<vmem>>
        %get3A_712 = tpu.memref_squeeze %get3A_711 : memref<1x128x128xf32, #tpu.memory_space<vmem>> -> memref<128x128xf32, #tpu.memory_space<vmem>>
        %get3A_713 = arith.index_cast %add3A_614 : i32 to index
        %get3A_714 = arith.constant 96 : index
        %get3A_715 = tpu.vector_load %get3A_712[%get3A_713, %get3A_714] {strides = array<i32>} : memref<128x128xf32, #tpu.memory_space<vmem>>, vector<16xf32>,
        %get3A_716 = arith.constant 0 : i32
        %get3A_717 = arith.constant 0 : i32
        %get3A_718 = tpu.memref_slice %arg10[%scan3A_176, %get3A_716, %get3A_717] : memref<3x128x128xf32, #tpu.memory_space<vmem>> -> memref<1x128x128xf32, #tpu.memory_space<vmem>>
        %get3A_719 = tpu.memref_squeeze %get3A_718 : memref<1x128x128xf32, #tpu.memory_space<vmem>> -> memref<128x128xf32, #tpu.memory_space<vmem>>
        %get3A_720 = arith.index_cast %add3A_614 : i32 to index
        %get3A_721 = arith.constant 96 : index
        %get3A_722 = tpu.vector_load %get3A_719[%get3A_720, %get3A_721] {strides = array<i32>} : memref<128x128xf32, #tpu.memory_space<vmem>>, vector<16xf32>,
        %mul3A_723 = arith.mulf %get3A_715, %get3A_722 : vector<16xf32>
        %add3A_724 = arith.addf %add3A_692, %mul3A_723 : vector<16xf32>
        %get3A_725 = arith.constant 0 : i32
        %get3A_726 = arith.constant 0 : i32
        %get3A_727 = tpu.memref_slice %arg9[%scan3A_175, %get3A_725, %get3A_726] : memref<3x128x128xf32, #tpu.memory_space<vmem>> -> memref<1x128x128xf32, #tpu.memory_space<vmem>>
        %get3A_728 = tpu.memref_squeeze %get3A_727 : memref<1x128x128xf32, #tpu.memory_space<vmem>> -> memref<128x128xf32, #tpu.memory_space<vmem>>
        %get3A_729 = arith.index_cast %add3A_614 : i32 to index
        %get3A_730 = arith.constant 112 : index
        %get3A_731 = tpu.vector_load %get3A_728[%get3A_729, %get3A_730] {strides = array<i32>} : memref<128x128xf32, #tpu.memory_space<vmem>>, vector<16xf32>,
        %get3A_732 = arith.constant 0 : i32
        %get3A_733 = arith.constant 0 : i32
        %get3A_734 = tpu.memref_slice %arg10[%scan3A_176, %get3A_732, %get3A_733] : memref<3x128x128xf32, #tpu.memory_space<vmem>> -> memref<1x128x128xf32, #tpu.memory_space<vmem>>
        %get3A_735 = tpu.memref_squeeze %get3A_734 : memref<1x128x128xf32, #tpu.memory_space<vmem>> -> memref<128x128xf32, #tpu.memory_space<vmem>>
        %get3A_736 = arith.index_cast %add3A_614 : i32 to index
        %get3A_737 = arith.constant 112 : index
        %get3A_738 = tpu.vector_load %get3A_735[%get3A_736, %get3A_737] {strides = array<i32>} : memref<128x128xf32, #tpu.memory_space<vmem>>, vector<16xf32>,
        %mul3A_739 = arith.mulf %get3A_731, %get3A_738 : vector<16xf32>
        %add3A_740 = arith.addf %add3A_708, %mul3A_739 : vector<16xf32>
        %add3A_741 = arith.addf %add3A_724, %add3A_740 : vector<16xf32>
        %eq3A_742 = vector.broadcast %scan3A_613 : i32 to vector<16xi32>
        %eq3A_743 = arith.cmpi eq, %iota3A, %eq3A_742 : vector<16xi32>
        %reduce_sum3A_744 = arith.constant true
        %reduce_sum3A_745 = vector.broadcast %reduce_sum3A_744 : i1 to vector<16xi1>
        %reduce_sum3A_746 = tpu.scan <sum>, %add3A_741 masked %reduce_sum3A_745 : vector<16xf32>, vector<16xi1> -> vector<16xf32>
        %reduce_sum3A_747 = vector.extract %reduce_sum3A_746[15] : f32 from vector<16xf32>
        %broadcast_in_dim3A_748 = vector.broadcast %reduce_sum3A_747 : f32 to vector<16xf32>
        %select_n3A_749 = arith.select %eq3A_743, %broadcast_in_dim3A_748, %select_n3A_611 : vector<16xi1>, vector<16xf32>
        %scan3A_750 = arith.constant 3 : i32
        %scan3A_751 = arith.addi %scan3A_340, %scan3A_750 : i32
        %add3A_752 = arith.addi %mul3A_328, %scan3A_751 : i32
        %get3A_753 = arith.constant 0 : i32
        %get3A_754 = arith.constant 0 : i32
        %get3A_755 = tpu.memref_slice %arg9[%scan3A_175, %get3A_753, %get3A_754] : memref<3x128x128xf32, #tpu.memory_space<vmem>> -> memref<1x128x128xf32, #tpu.memory_space<vmem>>
        %get3A_756 = tpu.memref_squeeze %get3A_755 : memref<1x128x128xf32, #tpu.memory_space<vmem>> -> memref<128x128xf32, #tpu.memory_space<vmem>>
        %get3A_757 = arith.index_cast %add3A_752 : i32 to index
        %get3A_758 = arith.constant 0 : index
        %get3A_759 = tpu.vector_load %get3A_756[%get3A_757, %get3A_758] {strides = array<i32>} : memref<128x128xf32, #tpu.memory_space<vmem>>, vector<16xf32>,
        %get3A_760 = arith.constant 0 : i32
        %get3A_761 = arith.constant 0 : i32
        %get3A_762 = tpu.memref_slice %arg10[%scan3A_176, %get3A_760, %get3A_761] : memref<3x128x128xf32, #tpu.memory_space<vmem>> -> memref<1x128x128xf32, #tpu.memory_space<vmem>>
        %get3A_763 = tpu.memref_squeeze %get3A_762 : memref<1x128x128xf32, #tpu.memory_space<vmem>> -> memref<128x128xf32, #tpu.memory_space<vmem>>
        %get3A_764 = arith.index_cast %add3A_752 : i32 to index
        %get3A_765 = arith.constant 0 : index
        %get3A_766 = tpu.vector_load %get3A_763[%get3A_764, %get3A_765] {strides = array<i32>} : memref<128x128xf32, #tpu.memory_space<vmem>>, vector<16xf32>,
        %mul3A_767 = arith.mulf %get3A_759, %get3A_766 : vector<16xf32>
        %get3A_768 = arith.constant 0 : i32
        %get3A_769 = arith.constant 0 : i32
        %get3A_770 = tpu.memref_slice %arg9[%scan3A_175, %get3A_768, %get3A_769] : memref<3x128x128xf32, #tpu.memory_space<vmem>> -> memref<1x128x128xf32, #tpu.memory_space<vmem>>
        %get3A_771 = tpu.memref_squeeze %get3A_770 : memref<1x128x128xf32, #tpu.memory_space<vmem>> -> memref<128x128xf32, #tpu.memory_space<vmem>>
        %get3A_772 = arith.index_cast %add3A_752 : i32 to index
        %get3A_773 = arith.constant 16 : index
        %get3A_774 = tpu.vector_load %get3A_771[%get3A_772, %get3A_773] {strides = array<i32>} : memref<128x128xf32, #tpu.memory_space<vmem>>, vector<16xf32>,
        %get3A_775 = arith.constant 0 : i32
        %get3A_776 = arith.constant 0 : i32
        %get3A_777 = tpu.memref_slice %arg10[%scan3A_176, %get3A_775, %get3A_776] : memref<3x128x128xf32, #tpu.memory_space<vmem>> -> memref<1x128x128xf32, #tpu.memory_space<vmem>>
        %get3A_778 = tpu.memref_squeeze %get3A_777 : memref<1x128x128xf32, #tpu.memory_space<vmem>> -> memref<128x128xf32, #tpu.memory_space<vmem>>
        %get3A_779 = arith.index_cast %add3A_752 : i32 to index
        %get3A_780 = arith.constant 16 : index
        %get3A_781 = tpu.vector_load %get3A_778[%get3A_779, %get3A_780] {strides = array<i32>} : memref<128x128xf32, #tpu.memory_space<vmem>>, vector<16xf32>,
        %mul3A_782 = arith.mulf %get3A_774, %get3A_781 : vector<16xf32>
        %get3A_783 = arith.constant 0 : i32
        %get3A_784 = arith.constant 0 : i32
        %get3A_785 = tpu.memref_slice %arg9[%scan3A_175, %get3A_783, %get3A_784] : memref<3x128x128xf32, #tpu.memory_space<vmem>> -> memref<1x128x128xf32, #tpu.memory_space<vmem>>
        %get3A_786 = tpu.memref_squeeze %get3A_785 : memref<1x128x128xf32, #tpu.memory_space<vmem>> -> memref<128x128xf32, #tpu.memory_space<vmem>>
        %get3A_787 = arith.index_cast %add3A_752 : i32 to index
        %get3A_788 = arith.constant 32 : index
        %get3A_789 = tpu.vector_load %get3A_786[%get3A_787, %get3A_788] {strides = array<i32>} : memref<128x128xf32, #tpu.memory_space<vmem>>, vector<16xf32>,
        %get3A_790 = arith.constant 0 : i32
        %get3A_791 = arith.constant 0 : i32
        %get3A_792 = tpu.memref_slice %arg10[%scan3A_176, %get3A_790, %get3A_791] : memref<3x128x128xf32, #tpu.memory_space<vmem>> -> memref<1x128x128xf32, #tpu.memory_space<vmem>>
        %get3A_793 = tpu.memref_squeeze %get3A_792 : memref<1x128x128xf32, #tpu.memory_space<vmem>> -> memref<128x128xf32, #tpu.memory_space<vmem>>
        %get3A_794 = arith.index_cast %add3A_752 : i32 to index
        %get3A_795 = arith.constant 32 : index
        %get3A_796 = tpu.vector_load %get3A_793[%get3A_794, %get3A_795] {strides = array<i32>} : memref<128x128xf32, #tpu.memory_space<vmem>>, vector<16xf32>,
        %mul3A_797 = arith.mulf %get3A_789, %get3A_796 : vector<16xf32>
        %add3A_798 = arith.addf %mul3A_767, %mul3A_797 : vector<16xf32>
        %get3A_799 = arith.constant 0 : i32
        %get3A_800 = arith.constant 0 : i32
        %get3A_801 = tpu.memref_slice %arg9[%scan3A_175, %get3A_799, %get3A_800] : memref<3x128x128xf32, #tpu.memory_space<vmem>> -> memref<1x128x128xf32, #tpu.memory_space<vmem>>
        %get3A_802 = tpu.memref_squeeze %get3A_801 : memref<1x128x128xf32, #tpu.memory_space<vmem>> -> memref<128x128xf32, #tpu.memory_space<vmem>>
        %get3A_803 = arith.index_cast %add3A_752 : i32 to index
        %get3A_804 = arith.constant 48 : index
        %get3A_805 = tpu.vector_load %get3A_802[%get3A_803, %get3A_804] {strides = array<i32>} : memref<128x128xf32, #tpu.memory_space<vmem>>, vector<16xf32>,
        %get3A_806 = arith.constant 0 : i32
        %get3A_807 = arith.constant 0 : i32
        %get3A_808 = tpu.memref_slice %arg10[%scan3A_176, %get3A_806, %get3A_807] : memref<3x128x128xf32, #tpu.memory_space<vmem>> -> memref<1x128x128xf32, #tpu.memory_space<vmem>>
        %get3A_809 = tpu.memref_squeeze %get3A_808 : memref<1x128x128xf32, #tpu.memory_space<vmem>> -> memref<128x128xf32, #tpu.memory_space<vmem>>
        %get3A_810 = arith.index_cast %add3A_752 : i32 to index
        %get3A_811 = arith.constant 48 : index
        %get3A_812 = tpu.vector_load %get3A_809[%get3A_810, %get3A_811] {strides = array<i32>} : memref<128x128xf32, #tpu.memory_space<vmem>>, vector<16xf32>,
        %mul3A_813 = arith.mulf %get3A_805, %get3A_812 : vector<16xf32>
        %add3A_814 = arith.addf %mul3A_782, %mul3A_813 : vector<16xf32>
        %get3A_815 = arith.constant 0 : i32
        %get3A_816 = arith.constant 0 : i32
        %get3A_817 = tpu.memref_slice %arg9[%scan3A_175, %get3A_815, %get3A_816] : memref<3x128x128xf32, #tpu.memory_space<vmem>> -> memref<1x128x128xf32, #tpu.memory_space<vmem>>
        %get3A_818 = tpu.memref_squeeze %get3A_817 : memref<1x128x128xf32, #tpu.memory_space<vmem>> -> memref<128x128xf32, #tpu.memory_space<vmem>>
        %get3A_819 = arith.index_cast %add3A_752 : i32 to index
        %get3A_820 = arith.constant 64 : index
        %get3A_821 = tpu.vector_load %get3A_818[%get3A_819, %get3A_820] {strides = array<i32>} : memref<128x128xf32, #tpu.memory_space<vmem>>, vector<16xf32>,
        %get3A_822 = arith.constant 0 : i32
        %get3A_823 = arith.constant 0 : i32
        %get3A_824 = tpu.memref_slice %arg10[%scan3A_176, %get3A_822, %get3A_823] : memref<3x128x128xf32, #tpu.memory_space<vmem>> -> memref<1x128x128xf32, #tpu.memory_space<vmem>>
        %get3A_825 = tpu.memref_squeeze %get3A_824 : memref<1x128x128xf32, #tpu.memory_space<vmem>> -> memref<128x128xf32, #tpu.memory_space<vmem>>
        %get3A_826 = arith.index_cast %add3A_752 : i32 to index
        %get3A_827 = arith.constant 64 : index
        %get3A_828 = tpu.vector_load %get3A_825[%get3A_826, %get3A_827] {strides = array<i32>} : memref<128x128xf32, #tpu.memory_space<vmem>>, vector<16xf32>,
        %mul3A_829 = arith.mulf %get3A_821, %get3A_828 : vector<16xf32>
        %add3A_830 = arith.addf %add3A_798, %mul3A_829 : vector<16xf32>
        %get3A_831 = arith.constant 0 : i32
        %get3A_832 = arith.constant 0 : i32
        %get3A_833 = tpu.memref_slice %arg9[%scan3A_175, %get3A_831, %get3A_832] : memref<3x128x128xf32, #tpu.memory_space<vmem>> -> memref<1x128x128xf32, #tpu.memory_space<vmem>>
        %get3A_834 = tpu.memref_squeeze %get3A_833 : memref<1x128x128xf32, #tpu.memory_space<vmem>> -> memref<128x128xf32, #tpu.memory_space<vmem>>
        %get3A_835 = arith.index_cast %add3A_752 : i32 to index
        %get3A_836 = arith.constant 80 : index
        %get3A_837 = tpu.vector_load %get3A_834[%get3A_835, %get3A_836] {strides = array<i32>} : memref<128x128xf32, #tpu.memory_space<vmem>>, vector<16xf32>,
        %get3A_838 = arith.constant 0 : i32
        %get3A_839 = arith.constant 0 : i32
        %get3A_840 = tpu.memref_slice %arg10[%scan3A_176, %get3A_838, %get3A_839] : memref<3x128x128xf32, #tpu.memory_space<vmem>> -> memref<1x128x128xf32, #tpu.memory_space<vmem>>
        %get3A_841 = tpu.memref_squeeze %get3A_840 : memref<1x128x128xf32, #tpu.memory_space<vmem>> -> memref<128x128xf32, #tpu.memory_space<vmem>>
        %get3A_842 = arith.index_cast %add3A_752 : i32 to index
        %get3A_843 = arith.constant 80 : index
        %get3A_844 = tpu.vector_load %get3A_841[%get3A_842, %get3A_843] {strides = array<i32>} : memref<128x128xf32, #tpu.memory_space<vmem>>, vector<16xf32>,
        %mul3A_845 = arith.mulf %get3A_837, %get3A_844 : vector<16xf32>
        %add3A_846 = arith.addf %add3A_814, %mul3A_845 : vector<16xf32>
        %get3A_847 = arith.constant 0 : i32
        %get3A_848 = arith.constant 0 : i32
        %get3A_849 = tpu.memref_slice %arg9[%scan3A_175, %get3A_847, %get3A_848] : memref<3x128x128xf32, #tpu.memory_space<vmem>> -> memref<1x128x128xf32, #tpu.memory_space<vmem>>
        %get3A_850 = tpu.memref_squeeze %get3A_849 : memref<1x128x128xf32, #tpu.memory_space<vmem>> -> memref<128x128xf32, #tpu.memory_space<vmem>>
        %get3A_851 = arith.index_cast %add3A_752 : i32 to index
        %get3A_852 = arith.constant 96 : index
        %get3A_853 = tpu.vector_load %get3A_850[%get3A_851, %get3A_852] {strides = array<i32>} : memref<128x128xf32, #tpu.memory_space<vmem>>, vector<16xf32>,
        %get3A_854 = arith.constant 0 : i32
        %get3A_855 = arith.constant 0 : i32
        %get3A_856 = tpu.memref_slice %arg10[%scan3A_176, %get3A_854, %get3A_855] : memref<3x128x128xf32, #tpu.memory_space<vmem>> -> memref<1x128x128xf32, #tpu.memory_space<vmem>>
        %get3A_857 = tpu.memref_squeeze %get3A_856 : memref<1x128x128xf32, #tpu.memory_space<vmem>> -> memref<128x128xf32, #tpu.memory_space<vmem>>
        %get3A_858 = arith.index_cast %add3A_752 : i32 to index
        %get3A_859 = arith.constant 96 : index
        %get3A_860 = tpu.vector_load %get3A_857[%get3A_858, %get3A_859] {strides = array<i32>} : memref<128x128xf32, #tpu.memory_space<vmem>>, vector<16xf32>,
        %mul3A_861 = arith.mulf %get3A_853, %get3A_860 : vector<16xf32>
        %add3A_862 = arith.addf %add3A_830, %mul3A_861 : vector<16xf32>
        %get3A_863 = arith.constant 0 : i32
        %get3A_864 = arith.constant 0 : i32
        %get3A_865 = tpu.memref_slice %arg9[%scan3A_175, %get3A_863, %get3A_864] : memref<3x128x128xf32, #tpu.memory_space<vmem>> -> memref<1x128x128xf32, #tpu.memory_space<vmem>>
        %get3A_866 = tpu.memref_squeeze %get3A_865 : memref<1x128x128xf32, #tpu.memory_space<vmem>> -> memref<128x128xf32, #tpu.memory_space<vmem>>
        %get3A_867 = arith.index_cast %add3A_752 : i32 to index
        %get3A_868 = arith.constant 112 : index
        %get3A_869 = tpu.vector_load %get3A_866[%get3A_867, %get3A_868] {strides = array<i32>} : memref<128x128xf32, #tpu.memory_space<vmem>>, vector<16xf32>,
        %get3A_870 = arith.constant 0 : i32
        %get3A_871 = arith.constant 0 : i32
        %get3A_872 = tpu.memref_slice %arg10[%scan3A_176, %get3A_870, %get3A_871] : memref<3x128x128xf32, #tpu.memory_space<vmem>> -> memref<1x128x128xf32, #tpu.memory_space<vmem>>
        %get3A_873 = tpu.memref_squeeze %get3A_872 : memref<1x128x128xf32, #tpu.memory_space<vmem>> -> memref<128x128xf32, #tpu.memory_space<vmem>>
        %get3A_874 = arith.index_cast %add3A_752 : i32 to index
        %get3A_875 = arith.constant 112 : index
        %get3A_876 = tpu.vector_load %get3A_873[%get3A_874, %get3A_875] {strides = array<i32>} : memref<128x128xf32, #tpu.memory_space<vmem>>, vector<16xf32>,
        %mul3A_877 = arith.mulf %get3A_869, %get3A_876 : vector<16xf32>
        %add3A_878 = arith.addf %add3A_846, %mul3A_877 : vector<16xf32>
        %add3A_879 = arith.addf %add3A_862, %add3A_878 : vector<16xf32>
        %eq3A_880 = vector.broadcast %scan3A_751 : i32 to vector<16xi32>
        %eq3A_881 = arith.cmpi eq, %iota3A, %eq3A_880 : vector<16xi32>
        %reduce_sum3A_882 = arith.constant true
        %reduce_sum3A_883 = vector.broadcast %reduce_sum3A_882 : i1 to vector<16xi1>
        %reduce_sum3A_884 = tpu.scan <sum>, %add3A_879 masked %reduce_sum3A_883 : vector<16xf32>, vector<16xi1> -> vector<16xf32>
        %reduce_sum3A_885 = vector.extract %reduce_sum3A_884[15] : f32 from vector<16xf32>
        %broadcast_in_dim3A_886 = vector.broadcast %reduce_sum3A_885 : f32 to vector<16xf32>
        %select_n3A_887 = arith.select %eq3A_881, %broadcast_in_dim3A_886, %select_n3A_749 : vector<16xi1>, vector<16xf32>
        scf.yield %select_n3A_887 : vector<16xf32>
      }
      %scan3A_335 = arith.constant 16 : i32
      %add3A_336 = arith.constant 32 : i32
      %add3A_337 = arith.addi %add3A_336, %mul3A_328 : i32
      %swap3A = arith.index_cast %add3A_337 : i32 to index
      %swap3A_338 = tpu.vector_load %arg11[%swap3A] {strides = array<i32>} : memref<512xf32, #tpu.memory_space<vmem>>, vector<16xf32>,
      tpu.vector_store %arg11[%swap3A], %scan3A_334 {strides = array<i32>} : memref<512xf32, #tpu.memory_space<vmem>>, vector<16xf32>,
      %scan3A_339 = arith.constant 0 : i32
      scf.yield %scan3A_339 : i32
    }
    %scan3A_183 = arith.constant 6 : i32
    %dma_start3A_184 = arith.constant 1 : i32
    %dma_start3A_185 = arith.constant 1 : i32
    %dma_start3A_186 = arith.constant 0 : i32
    %dma_start3A_187 = arith.constant 0 : i32
    %dma_start3A_188 = arith.constant 0 : i32
    %dma_start3A_189 = tpu.memref_slice %arg9[%dma_start3A_184, %dma_start3A_187, %dma_start3A_188] : memref<3x128x128xf32, #tpu.memory_space<vmem>> -> memref<1x128x128xf32, #tpu.memory_space<vmem>>
    %dma_start3A_190 = tpu.memref_squeeze %dma_start3A_189 : memref<1x128x128xf32, #tpu.memory_space<vmem>> -> memref<128x128xf32, #tpu.memory_space<vmem>>
    %dma_start3A_191 = arith.constant 384 : i32
    %dma_start3A_192 = tpu.memref_slice %arg7[%dma_start3A_191] : memref<512xi32, #tpu.memory_space<vmem>> -> memref<128xi32, #tpu.memory_space<vmem>>
    %dma_start3A_193 = arith.constant 0 : i32
    %dma_start3A_194 = arith.constant 0 : i32
    %dma_start3A_195 = tpu.memref_slice %arg4[%dma_start3A_193, %dma_start3A_194] : memref<100000x128xf32, #tpu.memory_space<hbm>> -> memref<100000x128xf32, #tpu.memory_space<hbm>>
    %dma_start3A_196 = tpu.memref_slice %arg12[%dma_start3A_185, %dma_start3A_186] : memref<3x2x!tpu.dma_semaphore, #tpu.memory_space<semaphore_mem>> -> memref<1x1x!tpu.dma_semaphore, #tpu.memory_space<semaphore_mem>>
    %dma_start3A_197 = tpu.memref_squeeze %dma_start3A_196 : memref<1x1x!tpu.dma_semaphore, #tpu.memory_space<semaphore_mem>> -> memref<!tpu.dma_semaphore, #tpu.memory_space<semaphore_mem>>
    tpu.enqueue_indirect_dma source(%dma_start3A_195 : memref<100000x128xf32, #tpu.memory_space<hbm>>) target(%dma_start3A_190 : memref<128x128xf32, #tpu.memory_space<vmem>>) offsets(%dma_start3A_192 : memref<128xi32, #tpu.memory_space<vmem>>) semaphore(%dma_start3A_197 : memref<!tpu.dma_semaphore, #tpu.memory_space<semaphore_mem>>)
    %dma_start3A_198 = arith.constant 1 : i32
    %dma_start3A_199 = arith.constant 1 : i32
    %dma_start3A_200 = arith.constant 1 : i32
    %dma_start3A_201 = arith.constant 0 : i32
    %dma_start3A_202 = arith.constant 0 : i32
    %dma_start3A_203 = tpu.memref_slice %arg10[%dma_start3A_198, %dma_start3A_201, %dma_start3A_202] : memref<3x128x128xf32, #tpu.memory_space<vmem>> -> memref<1x128x128xf32, #tpu.memory_space<vmem>>
    %dma_start3A_204 = tpu.memref_squeeze %dma_start3A_203 : memref<1x128x128xf32, #tpu.memory_space<vmem>> -> memref<128x128xf32, #tpu.memory_space<vmem>>
    %dma_start3A_205 = arith.constant 384 : i32
    %dma_start3A_206 = tpu.memref_slice %arg8[%dma_start3A_205] : memref<512xi32, #tpu.memory_space<vmem>> -> memref<128xi32, #tpu.memory_space<vmem>>
    %dma_start3A_207 = arith.constant 0 : i32
    %dma_start3A_208 = arith.constant 0 : i32
    %dma_start3A_209 = tpu.memref_slice %arg5[%dma_start3A_207, %dma_start3A_208] : memref<100000x128xf32, #tpu.memory_space<hbm>> -> memref<100000x128xf32, #tpu.memory_space<hbm>>
    %dma_start3A_210 = tpu.memref_slice %arg12[%dma_start3A_199, %dma_start3A_200] : memref<3x2x!tpu.dma_semaphore, #tpu.memory_space<semaphore_mem>> -> memref<1x1x!tpu.dma_semaphore, #tpu.memory_space<semaphore_mem>>
    %dma_start3A_211 = tpu.memref_squeeze %dma_start3A_210 : memref<1x1x!tpu.dma_semaphore, #tpu.memory_space<semaphore_mem>> -> memref<!tpu.dma_semaphore, #tpu.memory_space<semaphore_mem>>
    tpu.enqueue_indirect_dma source(%dma_start3A_209 : memref<100000x128xf32, #tpu.memory_space<hbm>>) target(%dma_start3A_204 : memref<128x128xf32, #tpu.memory_space<vmem>>) offsets(%dma_start3A_206 : memref<128xi32, #tpu.memory_space<vmem>>) semaphore(%dma_start3A_211 : memref<!tpu.dma_semaphore, #tpu.memory_space<semaphore_mem>>)
    %dma_wait3A_212 = arith.constant 2 : i32
    %dma_wait3A_213 = arith.constant 2 : i32
    %dma_wait3A_214 = arith.constant 0 : i32
    %dma_wait3A_215 = arith.constant 0 : i32
    %dma_wait3A_216 = arith.constant 0 : i32
    %dma_wait3A_217 = tpu.memref_slice %arg9[%dma_wait3A_212, %dma_wait3A_215, %dma_wait3A_216] : memref<3x128x128xf32, #tpu.memory_space<vmem>> -> memref<1x128x128xf32, #tpu.memory_space<vmem>>
    %dma_wait3A_218 = tpu.memref_squeeze %dma_wait3A_217 : memref<1x128x128xf32, #tpu.memory_space<vmem>> -> memref<128x128xf32, #tpu.memory_space<vmem>>
    %dma_wait3A_219 = arith.constant 128 : i32
    %dma_wait3A_220 = tpu.memref_slice %arg7[%dma_wait3A_219] : memref<512xi32, #tpu.memory_space<vmem>> -> memref<128xi32, #tpu.memory_space<vmem>>
    %dma_wait3A_221 = arith.constant 0 : i32
    %dma_wait3A_222 = arith.constant 0 : i32
    %dma_wait3A_223 = tpu.memref_slice %arg4[%dma_wait3A_221, %dma_wait3A_222] : memref<100000x128xf32, #tpu.memory_space<hbm>> -> memref<100000x128xf32, #tpu.memory_space<hbm>>
    %dma_wait3A_224 = tpu.memref_slice %arg12[%dma_wait3A_213, %dma_wait3A_214] : memref<3x2x!tpu.dma_semaphore, #tpu.memory_space<semaphore_mem>> -> memref<1x1x!tpu.dma_semaphore, #tpu.memory_space<semaphore_mem>>
    %dma_wait3A_225 = tpu.memref_squeeze %dma_wait3A_224 : memref<1x1x!tpu.dma_semaphore, #tpu.memory_space<semaphore_mem>> -> memref<!tpu.dma_semaphore, #tpu.memory_space<semaphore_mem>>
    tpu.wait_indirect_dma semaphore(%dma_wait3A_225 : memref<!tpu.dma_semaphore, #tpu.memory_space<semaphore_mem>>) src(%dma_wait3A_223 : memref<100000x128xf32, #tpu.memory_space<hbm>>) dst(%dma_wait3A_218 : memref<128x128xf32, #tpu.memory_space<vmem>>)
    %dma_wait3A_226 = arith.constant 2 : i32
    %dma_wait3A_227 = arith.constant 2 : i32
    %dma_wait3A_228 = arith.constant 1 : i32
    %dma_wait3A_229 = arith.constant 0 : i32
    %dma_wait3A_230 = arith.constant 0 : i32
    %dma_wait3A_231 = tpu.memref_slice %arg10[%dma_wait3A_226, %dma_wait3A_229, %dma_wait3A_230] : memref<3x128x128xf32, #tpu.memory_space<vmem>> -> memref<1x128x128xf32, #tpu.memory_space<vmem>>
    %dma_wait3A_232 = tpu.memref_squeeze %dma_wait3A_231 : memref<1x128x128xf32, #tpu.memory_space<vmem>> -> memref<128x128xf32, #tpu.memory_space<vmem>>
    %dma_wait3A_233 = arith.constant 128 : i32
    %dma_wait3A_234 = tpu.memref_slice %arg8[%dma_wait3A_233] : memref<512xi32, #tpu.memory_space<vmem>> -> memref<128xi32, #tpu.memory_space<vmem>>
    %dma_wait3A_235 = arith.constant 0 : i32
    %dma_wait3A_236 = arith.constant 0 : i32
    %dma_wait3A_237 = tpu.memref_slice %arg5[%dma_wait3A_235, %dma_wait3A_236] : memref<100000x128xf32, #tpu.memory_space<hbm>> -> memref<100000x128xf32, #tpu.memory_space<hbm>>
    %dma_wait3A_238 = tpu.memref_slice %arg12[%dma_wait3A_227, %dma_wait3A_228] : memref<3x2x!tpu.dma_semaphore, #tpu.memory_space<semaphore_mem>> -> memref<1x1x!tpu.dma_semaphore, #tpu.memory_space<semaphore_mem>>
    %dma_wait3A_239 = tpu.memref_squeeze %dma_wait3A_238 : memref<1x1x!tpu.dma_semaphore, #tpu.memory_space<semaphore_mem>> -> memref<!tpu.dma_semaphore, #tpu.memory_space<semaphore_mem>>
    tpu.wait_indirect_dma semaphore(%dma_wait3A_239 : memref<!tpu.dma_semaphore, #tpu.memory_space<semaphore_mem>>) src(%dma_wait3A_237 : memref<100000x128xf32, #tpu.memory_space<hbm>>) dst(%dma_wait3A_232 : memref<128x128xf32, #tpu.memory_space<vmem>>)
    %scan3A_240 = arith.constant 2 : i32
    %scan3A_241 = arith.constant 2 : i32
    %scan3A_242 = arith.constant 0 : i32
    %scan3A_243 = arith.constant 0 : i32
    %scan3A_244 = arith.constant 8 : i32
    %scan3A_245 = arith.addi %scan3A_243, %scan3A_244 : i32
    %scan3A_246 = arith.constant 1 : i32
    %scan3A_247 = scf.for %scan3A_325 = %scan3A_243 to %scan3A_245 step %scan3A_246 iter_args(%scan3A_326 = %scan3A_242) -> (i32)  : i32 {
      %mul3A_327 = arith.constant 16 : i32
      %mul3A_328 = arith.muli %scan3A_325, %mul3A_327 : i32
      %broadcast_in_dim3A = arith.constant 0.000000e+00 : f32
      %broadcast_in_dim3A_329 = vector.broadcast %broadcast_in_dim3A : f32 to vector<16xf32>
      %scan3A_330 = arith.constant 0 : i32
      %scan3A_331 = arith.constant 16 : i32
      %scan3A_332 = arith.addi %scan3A_330, %scan3A_331 : i32
      %scan3A_333 = arith.constant 4 : i32
      %scan3A_334 = scf.for %scan3A_340 = %scan3A_330 to %scan3A_332 step %scan3A_333 iter_args(%scan3A_341 = %broadcast_in_dim3A_329) -> (vector<16xf32>)  : i32 {
        %add3A_342 = arith.addi %mul3A_328, %scan3A_340 : i32
        %get3A = arith.constant 0 : i32
        %get3A_343 = arith.constant 0 : i32
        %get3A_344 = tpu.memref_slice %arg9[%scan3A_240, %get3A, %get3A_343] : memref<3x128x128xf32, #tpu.memory_space<vmem>> -> memref<1x128x128xf32, #tpu.memory_space<vmem>>
        %get3A_345 = tpu.memref_squeeze %get3A_344 : memref<1x128x128xf32, #tpu.memory_space<vmem>> -> memref<128x128xf32, #tpu.memory_space<vmem>>
        %get3A_346 = arith.index_cast %add3A_342 : i32 to index
        %get3A_347 = arith.constant 0 : index
        %get3A_348 = tpu.vector_load %get3A_345[%get3A_346, %get3A_347] {strides = array<i32>} : memref<128x128xf32, #tpu.memory_space<vmem>>, vector<16xf32>,
        %get3A_349 = arith.constant 0 : i32
        %get3A_350 = arith.constant 0 : i32
        %get3A_351 = tpu.memref_slice %arg10[%scan3A_241, %get3A_349, %get3A_350] : memref<3x128x128xf32, #tpu.memory_space<vmem>> -> memref<1x128x128xf32, #tpu.memory_space<vmem>>
        %get3A_352 = tpu.memref_squeeze %get3A_351 : memref<1x128x128xf32, #tpu.memory_space<vmem>> -> memref<128x128xf32, #tpu.memory_space<vmem>>
        %get3A_353 = arith.index_cast %add3A_342 : i32 to index
        %get3A_354 = arith.constant 0 : index
        %get3A_355 = tpu.vector_load %get3A_352[%get3A_353, %get3A_354] {strides = array<i32>} : memref<128x128xf32, #tpu.memory_space<vmem>>, vector<16xf32>,
        %mul3A_356 = arith.mulf %get3A_348, %get3A_355 : vector<16xf32>
        %get3A_357 = arith.constant 0 : i32
        %get3A_358 = arith.constant 0 : i32
        %get3A_359 = tpu.memref_slice %arg9[%scan3A_240, %get3A_357, %get3A_358] : memref<3x128x128xf32, #tpu.memory_space<vmem>> -> memref<1x128x128xf32, #tpu.memory_space<vmem>>
        %get3A_360 = tpu.memref_squeeze %get3A_359 : memref<1x128x128xf32, #tpu.memory_space<vmem>> -> memref<128x128xf32, #tpu.memory_space<vmem>>
        %get3A_361 = arith.index_cast %add3A_342 : i32 to index
        %get3A_362 = arith.constant 16 : index
        %get3A_363 = tpu.vector_load %get3A_360[%get3A_361, %get3A_362] {strides = array<i32>} : memref<128x128xf32, #tpu.memory_space<vmem>>, vector<16xf32>,
        %get3A_364 = arith.constant 0 : i32
        %get3A_365 = arith.constant 0 : i32
        %get3A_366 = tpu.memref_slice %arg10[%scan3A_241, %get3A_364, %get3A_365] : memref<3x128x128xf32, #tpu.memory_space<vmem>> -> memref<1x128x128xf32, #tpu.memory_space<vmem>>
        %get3A_367 = tpu.memref_squeeze %get3A_366 : memref<1x128x128xf32, #tpu.memory_space<vmem>> -> memref<128x128xf32, #tpu.memory_space<vmem>>
        %get3A_368 = arith.index_cast %add3A_342 : i32 to index
        %get3A_369 = arith.constant 16 : index
        %get3A_370 = tpu.vector_load %get3A_367[%get3A_368, %get3A_369] {strides = array<i32>} : memref<128x128xf32, #tpu.memory_space<vmem>>, vector<16xf32>,
        %mul3A_371 = arith.mulf %get3A_363, %get3A_370 : vector<16xf32>
        %get3A_372 = arith.constant 0 : i32
        %get3A_373 = arith.constant 0 : i32
        %get3A_374 = tpu.memref_slice %arg9[%scan3A_240, %get3A_372, %get3A_373] : memref<3x128x128xf32, #tpu.memory_space<vmem>> -> memref<1x128x128xf32, #tpu.memory_space<vmem>>
        %get3A_375 = tpu.memref_squeeze %get3A_374 : memref<1x128x128xf32, #tpu.memory_space<vmem>> -> memref<128x128xf32, #tpu.memory_space<vmem>>
        %get3A_376 = arith.index_cast %add3A_342 : i32 to index
        %get3A_377 = arith.constant 32 : index
        %get3A_378 = tpu.vector_load %get3A_375[%get3A_376, %get3A_377] {strides = array<i32>} : memref<128x128xf32, #tpu.memory_space<vmem>>, vector<16xf32>,
        %get3A_379 = arith.constant 0 : i32
        %get3A_380 = arith.constant 0 : i32
        %get3A_381 = tpu.memref_slice %arg10[%scan3A_241, %get3A_379, %get3A_380] : memref<3x128x128xf32, #tpu.memory_space<vmem>> -> memref<1x128x128xf32, #tpu.memory_space<vmem>>
        %get3A_382 = tpu.memref_squeeze %get3A_381 : memref<1x128x128xf32, #tpu.memory_space<vmem>> -> memref<128x128xf32, #tpu.memory_space<vmem>>
        %get3A_383 = arith.index_cast %add3A_342 : i32 to index
        %get3A_384 = arith.constant 32 : index
        %get3A_385 = tpu.vector_load %get3A_382[%get3A_383, %get3A_384] {strides = array<i32>} : memref<128x128xf32, #tpu.memory_space<vmem>>, vector<16xf32>,
        %mul3A_386 = arith.mulf %get3A_378, %get3A_385 : vector<16xf32>
        %add3A_387 = arith.addf %mul3A_356, %mul3A_386 : vector<16xf32>
        %get3A_388 = arith.constant 0 : i32
        %get3A_389 = arith.constant 0 : i32
        %get3A_390 = tpu.memref_slice %arg9[%scan3A_240, %get3A_388, %get3A_389] : memref<3x128x128xf32, #tpu.memory_space<vmem>> -> memref<1x128x128xf32, #tpu.memory_space<vmem>>
        %get3A_391 = tpu.memref_squeeze %get3A_390 : memref<1x128x128xf32, #tpu.memory_space<vmem>> -> memref<128x128xf32, #tpu.memory_space<vmem>>
        %get3A_392 = arith.index_cast %add3A_342 : i32 to index
        %get3A_393 = arith.constant 48 : index
        %get3A_394 = tpu.vector_load %get3A_391[%get3A_392, %get3A_393] {strides = array<i32>} : memref<128x128xf32, #tpu.memory_space<vmem>>, vector<16xf32>,
        %get3A_395 = arith.constant 0 : i32
        %get3A_396 = arith.constant 0 : i32
        %get3A_397 = tpu.memref_slice %arg10[%scan3A_241, %get3A_395, %get3A_396] : memref<3x128x128xf32, #tpu.memory_space<vmem>> -> memref<1x128x128xf32, #tpu.memory_space<vmem>>
        %get3A_398 = tpu.memref_squeeze %get3A_397 : memref<1x128x128xf32, #tpu.memory_space<vmem>> -> memref<128x128xf32, #tpu.memory_space<vmem>>
        %get3A_399 = arith.index_cast %add3A_342 : i32 to index
        %get3A_400 = arith.constant 48 : index
        %get3A_401 = tpu.vector_load %get3A_398[%get3A_399, %get3A_400] {strides = array<i32>} : memref<128x128xf32, #tpu.memory_space<vmem>>, vector<16xf32>,
        %mul3A_402 = arith.mulf %get3A_394, %get3A_401 : vector<16xf32>
        %add3A_403 = arith.addf %mul3A_371, %mul3A_402 : vector<16xf32>
        %get3A_404 = arith.constant 0 : i32
        %get3A_405 = arith.constant 0 : i32
        %get3A_406 = tpu.memref_slice %arg9[%scan3A_240, %get3A_404, %get3A_405] : memref<3x128x128xf32, #tpu.memory_space<vmem>> -> memref<1x128x128xf32, #tpu.memory_space<vmem>>
        %get3A_407 = tpu.memref_squeeze %get3A_406 : memref<1x128x128xf32, #tpu.memory_space<vmem>> -> memref<128x128xf32, #tpu.memory_space<vmem>>
        %get3A_408 = arith.index_cast %add3A_342 : i32 to index
        %get3A_409 = arith.constant 64 : index
        %get3A_410 = tpu.vector_load %get3A_407[%get3A_408, %get3A_409] {strides = array<i32>} : memref<128x128xf32, #tpu.memory_space<vmem>>, vector<16xf32>,
        %get3A_411 = arith.constant 0 : i32
        %get3A_412 = arith.constant 0 : i32
        %get3A_413 = tpu.memref_slice %arg10[%scan3A_241, %get3A_411, %get3A_412] : memref<3x128x128xf32, #tpu.memory_space<vmem>> -> memref<1x128x128xf32, #tpu.memory_space<vmem>>
        %get3A_414 = tpu.memref_squeeze %get3A_413 : memref<1x128x128xf32, #tpu.memory_space<vmem>> -> memref<128x128xf32, #tpu.memory_space<vmem>>
        %get3A_415 = arith.index_cast %add3A_342 : i32 to index
        %get3A_416 = arith.constant 64 : index
        %get3A_417 = tpu.vector_load %get3A_414[%get3A_415, %get3A_416] {strides = array<i32>} : memref<128x128xf32, #tpu.memory_space<vmem>>, vector<16xf32>,
        %mul3A_418 = arith.mulf %get3A_410, %get3A_417 : vector<16xf32>
        %add3A_419 = arith.addf %add3A_387, %mul3A_418 : vector<16xf32>
        %get3A_420 = arith.constant 0 : i32
        %get3A_421 = arith.constant 0 : i32
        %get3A_422 = tpu.memref_slice %arg9[%scan3A_240, %get3A_420, %get3A_421] : memref<3x128x128xf32, #tpu.memory_space<vmem>> -> memref<1x128x128xf32, #tpu.memory_space<vmem>>
        %get3A_423 = tpu.memref_squeeze %get3A_422 : memref<1x128x128xf32, #tpu.memory_space<vmem>> -> memref<128x128xf32, #tpu.memory_space<vmem>>
        %get3A_424 = arith.index_cast %add3A_342 : i32 to index
        %get3A_425 = arith.constant 80 : index
        %get3A_426 = tpu.vector_load %get3A_423[%get3A_424, %get3A_425] {strides = array<i32>} : memref<128x128xf32, #tpu.memory_space<vmem>>, vector<16xf32>,
        %get3A_427 = arith.constant 0 : i32
        %get3A_428 = arith.constant 0 : i32
        %get3A_429 = tpu.memref_slice %arg10[%scan3A_241, %get3A_427, %get3A_428] : memref<3x128x128xf32, #tpu.memory_space<vmem>> -> memref<1x128x128xf32, #tpu.memory_space<vmem>>
        %get3A_430 = tpu.memref_squeeze %get3A_429 : memref<1x128x128xf32, #tpu.memory_space<vmem>> -> memref<128x128xf32, #tpu.memory_space<vmem>>
        %get3A_431 = arith.index_cast %add3A_342 : i32 to index
        %get3A_432 = arith.constant 80 : index
        %get3A_433 = tpu.vector_load %get3A_430[%get3A_431, %get3A_432] {strides = array<i32>} : memref<128x128xf32, #tpu.memory_space<vmem>>, vector<16xf32>,
        %mul3A_434 = arith.mulf %get3A_426, %get3A_433 : vector<16xf32>
        %add3A_435 = arith.addf %add3A_403, %mul3A_434 : vector<16xf32>
        %get3A_436 = arith.constant 0 : i32
        %get3A_437 = arith.constant 0 : i32
        %get3A_438 = tpu.memref_slice %arg9[%scan3A_240, %get3A_436, %get3A_437] : memref<3x128x128xf32, #tpu.memory_space<vmem>> -> memref<1x128x128xf32, #tpu.memory_space<vmem>>
        %get3A_439 = tpu.memref_squeeze %get3A_438 : memref<1x128x128xf32, #tpu.memory_space<vmem>> -> memref<128x128xf32, #tpu.memory_space<vmem>>
        %get3A_440 = arith.index_cast %add3A_342 : i32 to index
        %get3A_441 = arith.constant 96 : index
        %get3A_442 = tpu.vector_load %get3A_439[%get3A_440, %get3A_441] {strides = array<i32>} : memref<128x128xf32, #tpu.memory_space<vmem>>, vector<16xf32>,
        %get3A_443 = arith.constant 0 : i32
        %get3A_444 = arith.constant 0 : i32
        %get3A_445 = tpu.memref_slice %arg10[%scan3A_241, %get3A_443, %get3A_444] : memref<3x128x128xf32, #tpu.memory_space<vmem>> -> memref<1x128x128xf32, #tpu.memory_space<vmem>>
        %get3A_446 = tpu.memref_squeeze %get3A_445 : memref<1x128x128xf32, #tpu.memory_space<vmem>> -> memref<128x128xf32, #tpu.memory_space<vmem>>
        %get3A_447 = arith.index_cast %add3A_342 : i32 to index
        %get3A_448 = arith.constant 96 : index
        %get3A_449 = tpu.vector_load %get3A_446[%get3A_447, %get3A_448] {strides = array<i32>} : memref<128x128xf32, #tpu.memory_space<vmem>>, vector<16xf32>,
        %mul3A_450 = arith.mulf %get3A_442, %get3A_449 : vector<16xf32>
        %add3A_451 = arith.addf %add3A_419, %mul3A_450 : vector<16xf32>
        %get3A_452 = arith.constant 0 : i32
        %get3A_453 = arith.constant 0 : i32
        %get3A_454 = tpu.memref_slice %arg9[%scan3A_240, %get3A_452, %get3A_453] : memref<3x128x128xf32, #tpu.memory_space<vmem>> -> memref<1x128x128xf32, #tpu.memory_space<vmem>>
        %get3A_455 = tpu.memref_squeeze %get3A_454 : memref<1x128x128xf32, #tpu.memory_space<vmem>> -> memref<128x128xf32, #tpu.memory_space<vmem>>
        %get3A_456 = arith.index_cast %add3A_342 : i32 to index
        %get3A_457 = arith.constant 112 : index
        %get3A_458 = tpu.vector_load %get3A_455[%get3A_456, %get3A_457] {strides = array<i32>} : memref<128x128xf32, #tpu.memory_space<vmem>>, vector<16xf32>,
        %get3A_459 = arith.constant 0 : i32
        %get3A_460 = arith.constant 0 : i32
        %get3A_461 = tpu.memref_slice %arg10[%scan3A_241, %get3A_459, %get3A_460] : memref<3x128x128xf32, #tpu.memory_space<vmem>> -> memref<1x128x128xf32, #tpu.memory_space<vmem>>
        %get3A_462 = tpu.memref_squeeze %get3A_461 : memref<1x128x128xf32, #tpu.memory_space<vmem>> -> memref<128x128xf32, #tpu.memory_space<vmem>>
        %get3A_463 = arith.index_cast %add3A_342 : i32 to index
        %get3A_464 = arith.constant 112 : index
        %get3A_465 = tpu.vector_load %get3A_462[%get3A_463, %get3A_464] {strides = array<i32>} : memref<128x128xf32, #tpu.memory_space<vmem>>, vector<16xf32>,
        %mul3A_466 = arith.mulf %get3A_458, %get3A_465 : vector<16xf32>
        %add3A_467 = arith.addf %add3A_435, %mul3A_466 : vector<16xf32>
        %add3A_468 = arith.addf %add3A_451, %add3A_467 : vector<16xf32>
        %eq3A = vector.broadcast %scan3A_340 : i32 to vector<16xi32>
        %eq3A_469 = arith.cmpi eq, %iota3A, %eq3A : vector<16xi32>
        %reduce_sum3A = arith.constant true
        %reduce_sum3A_470 = vector.broadcast %reduce_sum3A : i1 to vector<16xi1>
        %reduce_sum3A_471 = tpu.scan <sum>, %add3A_468 masked %reduce_sum3A_470 : vector<16xf32>, vector<16xi1> -> vector<16xf32>
        %reduce_sum3A_472 = vector.extract %reduce_sum3A_471[15] : f32 from vector<16xf32>
        %broadcast_in_dim3A_473 = vector.broadcast %reduce_sum3A_472 : f32 to vector<16xf32>
        %select_n3A = arith.select %eq3A_469, %broadcast_in_dim3A_473, %scan3A_341 : vector<16xi1>, vector<16xf32>
        %scan3A_474 = arith.constant 1 : i32
        %scan3A_475 = arith.addi %scan3A_340, %scan3A_474 : i32
        %add3A_476 = arith.addi %mul3A_328, %scan3A_475 : i32
        %get3A_477 = arith.constant 0 : i32
        %get3A_478 = arith.constant 0 : i32
        %get3A_479 = tpu.memref_slice %arg9[%scan3A_240, %get3A_477, %get3A_478] : memref<3x128x128xf32, #tpu.memory_space<vmem>> -> memref<1x128x128xf32, #tpu.memory_space<vmem>>
        %get3A_480 = tpu.memref_squeeze %get3A_479 : memref<1x128x128xf32, #tpu.memory_space<vmem>> -> memref<128x128xf32, #tpu.memory_space<vmem>>
        %get3A_481 = arith.index_cast %add3A_476 : i32 to index
        %get3A_482 = arith.constant 0 : index
        %get3A_483 = tpu.vector_load %get3A_480[%get3A_481, %get3A_482] {strides = array<i32>} : memref<128x128xf32, #tpu.memory_space<vmem>>, vector<16xf32>,
        %get3A_484 = arith.constant 0 : i32
        %get3A_485 = arith.constant 0 : i32
        %get3A_486 = tpu.memref_slice %arg10[%scan3A_241, %get3A_484, %get3A_485] : memref<3x128x128xf32, #tpu.memory_space<vmem>> -> memref<1x128x128xf32, #tpu.memory_space<vmem>>
        %get3A_487 = tpu.memref_squeeze %get3A_486 : memref<1x128x128xf32, #tpu.memory_space<vmem>> -> memref<128x128xf32, #tpu.memory_space<vmem>>
        %get3A_488 = arith.index_cast %add3A_476 : i32 to index
        %get3A_489 = arith.constant 0 : index
        %get3A_490 = tpu.vector_load %get3A_487[%get3A_488, %get3A_489] {strides = array<i32>} : memref<128x128xf32, #tpu.memory_space<vmem>>, vector<16xf32>,
        %mul3A_491 = arith.mulf %get3A_483, %get3A_490 : vector<16xf32>
        %get3A_492 = arith.constant 0 : i32
        %get3A_493 = arith.constant 0 : i32
        %get3A_494 = tpu.memref_slice %arg9[%scan3A_240, %get3A_492, %get3A_493] : memref<3x128x128xf32, #tpu.memory_space<vmem>> -> memref<1x128x128xf32, #tpu.memory_space<vmem>>
        %get3A_495 = tpu.memref_squeeze %get3A_494 : memref<1x128x128xf32, #tpu.memory_space<vmem>> -> memref<128x128xf32, #tpu.memory_space<vmem>>
        %get3A_496 = arith.index_cast %add3A_476 : i32 to index
        %get3A_497 = arith.constant 16 : index
        %get3A_498 = tpu.vector_load %get3A_495[%get3A_496, %get3A_497] {strides = array<i32>} : memref<128x128xf32, #tpu.memory_space<vmem>>, vector<16xf32>,
        %get3A_499 = arith.constant 0 : i32
        %get3A_500 = arith.constant 0 : i32
        %get3A_501 = tpu.memref_slice %arg10[%scan3A_241, %get3A_499, %get3A_500] : memref<3x128x128xf32, #tpu.memory_space<vmem>> -> memref<1x128x128xf32, #tpu.memory_space<vmem>>
        %get3A_502 = tpu.memref_squeeze %get3A_501 : memref<1x128x128xf32, #tpu.memory_space<vmem>> -> memref<128x128xf32, #tpu.memory_space<vmem>>
        %get3A_503 = arith.index_cast %add3A_476 : i32 to index
        %get3A_504 = arith.constant 16 : index
        %get3A_505 = tpu.vector_load %get3A_502[%get3A_503, %get3A_504] {strides = array<i32>} : memref<128x128xf32, #tpu.memory_space<vmem>>, vector<16xf32>,
        %mul3A_506 = arith.mulf %get3A_498, %get3A_505 : vector<16xf32>
        %get3A_507 = arith.constant 0 : i32
        %get3A_508 = arith.constant 0 : i32
        %get3A_509 = tpu.memref_slice %arg9[%scan3A_240, %get3A_507, %get3A_508] : memref<3x128x128xf32, #tpu.memory_space<vmem>> -> memref<1x128x128xf32, #tpu.memory_space<vmem>>
        %get3A_510 = tpu.memref_squeeze %get3A_509 : memref<1x128x128xf32, #tpu.memory_space<vmem>> -> memref<128x128xf32, #tpu.memory_space<vmem>>
        %get3A_511 = arith.index_cast %add3A_476 : i32 to index
        %get3A_512 = arith.constant 32 : index
        %get3A_513 = tpu.vector_load %get3A_510[%get3A_511, %get3A_512] {strides = array<i32>} : memref<128x128xf32, #tpu.memory_space<vmem>>, vector<16xf32>,
        %get3A_514 = arith.constant 0 : i32
        %get3A_515 = arith.constant 0 : i32
        %get3A_516 = tpu.memref_slice %arg10[%scan3A_241, %get3A_514, %get3A_515] : memref<3x128x128xf32, #tpu.memory_space<vmem>> -> memref<1x128x128xf32, #tpu.memory_space<vmem>>
        %get3A_517 = tpu.memref_squeeze %get3A_516 : memref<1x128x128xf32, #tpu.memory_space<vmem>> -> memref<128x128xf32, #tpu.memory_space<vmem>>
        %get3A_518 = arith.index_cast %add3A_476 : i32 to index
        %get3A_519 = arith.constant 32 : index
        %get3A_520 = tpu.vector_load %get3A_517[%get3A_518, %get3A_519] {strides = array<i32>} : memref<128x128xf32, #tpu.memory_space<vmem>>, vector<16xf32>,
        %mul3A_521 = arith.mulf %get3A_513, %get3A_520 : vector<16xf32>
        %add3A_522 = arith.addf %mul3A_491, %mul3A_521 : vector<16xf32>
        %get3A_523 = arith.constant 0 : i32
        %get3A_524 = arith.constant 0 : i32
        %get3A_525 = tpu.memref_slice %arg9[%scan3A_240, %get3A_523, %get3A_524] : memref<3x128x128xf32, #tpu.memory_space<vmem>> -> memref<1x128x128xf32, #tpu.memory_space<vmem>>
        %get3A_526 = tpu.memref_squeeze %get3A_525 : memref<1x128x128xf32, #tpu.memory_space<vmem>> -> memref<128x128xf32, #tpu.memory_space<vmem>>
        %get3A_527 = arith.index_cast %add3A_476 : i32 to index
        %get3A_528 = arith.constant 48 : index
        %get3A_529 = tpu.vector_load %get3A_526[%get3A_527, %get3A_528] {strides = array<i32>} : memref<128x128xf32, #tpu.memory_space<vmem>>, vector<16xf32>,
        %get3A_530 = arith.constant 0 : i32
        %get3A_531 = arith.constant 0 : i32
        %get3A_532 = tpu.memref_slice %arg10[%scan3A_241, %get3A_530, %get3A_531] : memref<3x128x128xf32, #tpu.memory_space<vmem>> -> memref<1x128x128xf32, #tpu.memory_space<vmem>>
        %get3A_533 = tpu.memref_squeeze %get3A_532 : memref<1x128x128xf32, #tpu.memory_space<vmem>> -> memref<128x128xf32, #tpu.memory_space<vmem>>
        %get3A_534 = arith.index_cast %add3A_476 : i32 to index
        %get3A_535 = arith.constant 48 : index
        %get3A_536 = tpu.vector_load %get3A_533[%get3A_534, %get3A_535] {strides = array<i32>} : memref<128x128xf32, #tpu.memory_space<vmem>>, vector<16xf32>,
        %mul3A_537 = arith.mulf %get3A_529, %get3A_536 : vector<16xf32>
        %add3A_538 = arith.addf %mul3A_506, %mul3A_537 : vector<16xf32>
        %get3A_539 = arith.constant 0 : i32
        %get3A_540 = arith.constant 0 : i32
        %get3A_541 = tpu.memref_slice %arg9[%scan3A_240, %get3A_539, %get3A_540] : memref<3x128x128xf32, #tpu.memory_space<vmem>> -> memref<1x128x128xf32, #tpu.memory_space<vmem>>
        %get3A_542 = tpu.memref_squeeze %get3A_541 : memref<1x128x128xf32, #tpu.memory_space<vmem>> -> memref<128x128xf32, #tpu.memory_space<vmem>>
        %get3A_543 = arith.index_cast %add3A_476 : i32 to index
        %get3A_544 = arith.constant 64 : index
        %get3A_545 = tpu.vector_load %get3A_542[%get3A_543, %get3A_544] {strides = array<i32>} : memref<128x128xf32, #tpu.memory_space<vmem>>, vector<16xf32>,
        %get3A_546 = arith.constant 0 : i32
        %get3A_547 = arith.constant 0 : i32
        %get3A_548 = tpu.memref_slice %arg10[%scan3A_241, %get3A_546, %get3A_547] : memref<3x128x128xf32, #tpu.memory_space<vmem>> -> memref<1x128x128xf32, #tpu.memory_space<vmem>>
        %get3A_549 = tpu.memref_squeeze %get3A_548 : memref<1x128x128xf32, #tpu.memory_space<vmem>> -> memref<128x128xf32, #tpu.memory_space<vmem>>
        %get3A_550 = arith.index_cast %add3A_476 : i32 to index
        %get3A_551 = arith.constant 64 : index
        %get3A_552 = tpu.vector_load %get3A_549[%get3A_550, %get3A_551] {strides = array<i32>} : memref<128x128xf32, #tpu.memory_space<vmem>>, vector<16xf32>,
        %mul3A_553 = arith.mulf %get3A_545, %get3A_552 : vector<16xf32>
        %add3A_554 = arith.addf %add3A_522, %mul3A_553 : vector<16xf32>
        %get3A_555 = arith.constant 0 : i32
        %get3A_556 = arith.constant 0 : i32
        %get3A_557 = tpu.memref_slice %arg9[%scan3A_240, %get3A_555, %get3A_556] : memref<3x128x128xf32, #tpu.memory_space<vmem>> -> memref<1x128x128xf32, #tpu.memory_space<vmem>>
        %get3A_558 = tpu.memref_squeeze %get3A_557 : memref<1x128x128xf32, #tpu.memory_space<vmem>> -> memref<128x128xf32, #tpu.memory_space<vmem>>
        %get3A_559 = arith.index_cast %add3A_476 : i32 to index
        %get3A_560 = arith.constant 80 : index
        %get3A_561 = tpu.vector_load %get3A_558[%get3A_559, %get3A_560] {strides = array<i32>} : memref<128x128xf32, #tpu.memory_space<vmem>>, vector<16xf32>,
        %get3A_562 = arith.constant 0 : i32
        %get3A_563 = arith.constant 0 : i32
        %get3A_564 = tpu.memref_slice %arg10[%scan3A_241, %get3A_562, %get3A_563] : memref<3x128x128xf32, #tpu.memory_space<vmem>> -> memref<1x128x128xf32, #tpu.memory_space<vmem>>
        %get3A_565 = tpu.memref_squeeze %get3A_564 : memref<1x128x128xf32, #tpu.memory_space<vmem>> -> memref<128x128xf32, #tpu.memory_space<vmem>>
        %get3A_566 = arith.index_cast %add3A_476 : i32 to index
        %get3A_567 = arith.constant 80 : index
        %get3A_568 = tpu.vector_load %get3A_565[%get3A_566, %get3A_567] {strides = array<i32>} : memref<128x128xf32, #tpu.memory_space<vmem>>, vector<16xf32>,
        %mul3A_569 = arith.mulf %get3A_561, %get3A_568 : vector<16xf32>
        %add3A_570 = arith.addf %add3A_538, %mul3A_569 : vector<16xf32>
        %get3A_571 = arith.constant 0 : i32
        %get3A_572 = arith.constant 0 : i32
        %get3A_573 = tpu.memref_slice %arg9[%scan3A_240, %get3A_571, %get3A_572] : memref<3x128x128xf32, #tpu.memory_space<vmem>> -> memref<1x128x128xf32, #tpu.memory_space<vmem>>
        %get3A_574 = tpu.memref_squeeze %get3A_573 : memref<1x128x128xf32, #tpu.memory_space<vmem>> -> memref<128x128xf32, #tpu.memory_space<vmem>>
        %get3A_575 = arith.index_cast %add3A_476 : i32 to index
        %get3A_576 = arith.constant 96 : index
        %get3A_577 = tpu.vector_load %get3A_574[%get3A_575, %get3A_576] {strides = array<i32>} : memref<128x128xf32, #tpu.memory_space<vmem>>, vector<16xf32>,
        %get3A_578 = arith.constant 0 : i32
        %get3A_579 = arith.constant 0 : i32
        %get3A_580 = tpu.memref_slice %arg10[%scan3A_241, %get3A_578, %get3A_579] : memref<3x128x128xf32, #tpu.memory_space<vmem>> -> memref<1x128x128xf32, #tpu.memory_space<vmem>>
        %get3A_581 = tpu.memref_squeeze %get3A_580 : memref<1x128x128xf32, #tpu.memory_space<vmem>> -> memref<128x128xf32, #tpu.memory_space<vmem>>
        %get3A_582 = arith.index_cast %add3A_476 : i32 to index
        %get3A_583 = arith.constant 96 : index
        %get3A_584 = tpu.vector_load %get3A_581[%get3A_582, %get3A_583] {strides = array<i32>} : memref<128x128xf32, #tpu.memory_space<vmem>>, vector<16xf32>,
        %mul3A_585 = arith.mulf %get3A_577, %get3A_584 : vector<16xf32>
        %add3A_586 = arith.addf %add3A_554, %mul3A_585 : vector<16xf32>
        %get3A_587 = arith.constant 0 : i32
        %get3A_588 = arith.constant 0 : i32
        %get3A_589 = tpu.memref_slice %arg9[%scan3A_240, %get3A_587, %get3A_588] : memref<3x128x128xf32, #tpu.memory_space<vmem>> -> memref<1x128x128xf32, #tpu.memory_space<vmem>>
        %get3A_590 = tpu.memref_squeeze %get3A_589 : memref<1x128x128xf32, #tpu.memory_space<vmem>> -> memref<128x128xf32, #tpu.memory_space<vmem>>
        %get3A_591 = arith.index_cast %add3A_476 : i32 to index
        %get3A_592 = arith.constant 112 : index
        %get3A_593 = tpu.vector_load %get3A_590[%get3A_591, %get3A_592] {strides = array<i32>} : memref<128x128xf32, #tpu.memory_space<vmem>>, vector<16xf32>,
        %get3A_594 = arith.constant 0 : i32
        %get3A_595 = arith.constant 0 : i32
        %get3A_596 = tpu.memref_slice %arg10[%scan3A_241, %get3A_594, %get3A_595] : memref<3x128x128xf32, #tpu.memory_space<vmem>> -> memref<1x128x128xf32, #tpu.memory_space<vmem>>
        %get3A_597 = tpu.memref_squeeze %get3A_596 : memref<1x128x128xf32, #tpu.memory_space<vmem>> -> memref<128x128xf32, #tpu.memory_space<vmem>>
        %get3A_598 = arith.index_cast %add3A_476 : i32 to index
        %get3A_599 = arith.constant 112 : index
        %get3A_600 = tpu.vector_load %get3A_597[%get3A_598, %get3A_599] {strides = array<i32>} : memref<128x128xf32, #tpu.memory_space<vmem>>, vector<16xf32>,
        %mul3A_601 = arith.mulf %get3A_593, %get3A_600 : vector<16xf32>
        %add3A_602 = arith.addf %add3A_570, %mul3A_601 : vector<16xf32>
        %add3A_603 = arith.addf %add3A_586, %add3A_602 : vector<16xf32>
        %eq3A_604 = vector.broadcast %scan3A_475 : i32 to vector<16xi32>
        %eq3A_605 = arith.cmpi eq, %iota3A, %eq3A_604 : vector<16xi32>
        %reduce_sum3A_606 = arith.constant true
        %reduce_sum3A_607 = vector.broadcast %reduce_sum3A_606 : i1 to vector<16xi1>
        %reduce_sum3A_608 = tpu.scan <sum>, %add3A_603 masked %reduce_sum3A_607 : vector<16xf32>, vector<16xi1> -> vector<16xf32>
        %reduce_sum3A_609 = vector.extract %reduce_sum3A_608[15] : f32 from vector<16xf32>
        %broadcast_in_dim3A_610 = vector.broadcast %reduce_sum3A_609 : f32 to vector<16xf32>
        %select_n3A_611 = arith.select %eq3A_605, %broadcast_in_dim3A_610, %select_n3A : vector<16xi1>, vector<16xf32>
        %scan3A_612 = arith.constant 2 : i32
        %scan3A_613 = arith.addi %scan3A_340, %scan3A_612 : i32
        %add3A_614 = arith.addi %mul3A_328, %scan3A_613 : i32
        %get3A_615 = arith.constant 0 : i32
        %get3A_616 = arith.constant 0 : i32
        %get3A_617 = tpu.memref_slice %arg9[%scan3A_240, %get3A_615, %get3A_616] : memref<3x128x128xf32, #tpu.memory_space<vmem>> -> memref<1x128x128xf32, #tpu.memory_space<vmem>>
        %get3A_618 = tpu.memref_squeeze %get3A_617 : memref<1x128x128xf32, #tpu.memory_space<vmem>> -> memref<128x128xf32, #tpu.memory_space<vmem>>
        %get3A_619 = arith.index_cast %add3A_614 : i32 to index
        %get3A_620 = arith.constant 0 : index
        %get3A_621 = tpu.vector_load %get3A_618[%get3A_619, %get3A_620] {strides = array<i32>} : memref<128x128xf32, #tpu.memory_space<vmem>>, vector<16xf32>,
        %get3A_622 = arith.constant 0 : i32
        %get3A_623 = arith.constant 0 : i32
        %get3A_624 = tpu.memref_slice %arg10[%scan3A_241, %get3A_622, %get3A_623] : memref<3x128x128xf32, #tpu.memory_space<vmem>> -> memref<1x128x128xf32, #tpu.memory_space<vmem>>
        %get3A_625 = tpu.memref_squeeze %get3A_624 : memref<1x128x128xf32, #tpu.memory_space<vmem>> -> memref<128x128xf32, #tpu.memory_space<vmem>>
        %get3A_626 = arith.index_cast %add3A_614 : i32 to index
        %get3A_627 = arith.constant 0 : index
        %get3A_628 = tpu.vector_load %get3A_625[%get3A_626, %get3A_627] {strides = array<i32>} : memref<128x128xf32, #tpu.memory_space<vmem>>, vector<16xf32>,
        %mul3A_629 = arith.mulf %get3A_621, %get3A_628 : vector<16xf32>
        %get3A_630 = arith.constant 0 : i32
        %get3A_631 = arith.constant 0 : i32
        %get3A_632 = tpu.memref_slice %arg9[%scan3A_240, %get3A_630, %get3A_631] : memref<3x128x128xf32, #tpu.memory_space<vmem>> -> memref<1x128x128xf32, #tpu.memory_space<vmem>>
        %get3A_633 = tpu.memref_squeeze %get3A_632 : memref<1x128x128xf32, #tpu.memory_space<vmem>> -> memref<128x128xf32, #tpu.memory_space<vmem>>
        %get3A_634 = arith.index_cast %add3A_614 : i32 to index
        %get3A_635 = arith.constant 16 : index
        %get3A_636 = tpu.vector_load %get3A_633[%get3A_634, %get3A_635] {strides = array<i32>} : memref<128x128xf32, #tpu.memory_space<vmem>>, vector<16xf32>,
        %get3A_637 = arith.constant 0 : i32
        %get3A_638 = arith.constant 0 : i32
        %get3A_639 = tpu.memref_slice %arg10[%scan3A_241, %get3A_637, %get3A_638] : memref<3x128x128xf32, #tpu.memory_space<vmem>> -> memref<1x128x128xf32, #tpu.memory_space<vmem>>
        %get3A_640 = tpu.memref_squeeze %get3A_639 : memref<1x128x128xf32, #tpu.memory_space<vmem>> -> memref<128x128xf32, #tpu.memory_space<vmem>>
        %get3A_641 = arith.index_cast %add3A_614 : i32 to index
        %get3A_642 = arith.constant 16 : index
        %get3A_643 = tpu.vector_load %get3A_640[%get3A_641, %get3A_642] {strides = array<i32>} : memref<128x128xf32, #tpu.memory_space<vmem>>, vector<16xf32>,
        %mul3A_644 = arith.mulf %get3A_636, %get3A_643 : vector<16xf32>
        %get3A_645 = arith.constant 0 : i32
        %get3A_646 = arith.constant 0 : i32
        %get3A_647 = tpu.memref_slice %arg9[%scan3A_240, %get3A_645, %get3A_646] : memref<3x128x128xf32, #tpu.memory_space<vmem>> -> memref<1x128x128xf32, #tpu.memory_space<vmem>>
        %get3A_648 = tpu.memref_squeeze %get3A_647 : memref<1x128x128xf32, #tpu.memory_space<vmem>> -> memref<128x128xf32, #tpu.memory_space<vmem>>
        %get3A_649 = arith.index_cast %add3A_614 : i32 to index
        %get3A_650 = arith.constant 32 : index
        %get3A_651 = tpu.vector_load %get3A_648[%get3A_649, %get3A_650] {strides = array<i32>} : memref<128x128xf32, #tpu.memory_space<vmem>>, vector<16xf32>,
        %get3A_652 = arith.constant 0 : i32
        %get3A_653 = arith.constant 0 : i32
        %get3A_654 = tpu.memref_slice %arg10[%scan3A_241, %get3A_652, %get3A_653] : memref<3x128x128xf32, #tpu.memory_space<vmem>> -> memref<1x128x128xf32, #tpu.memory_space<vmem>>
        %get3A_655 = tpu.memref_squeeze %get3A_654 : memref<1x128x128xf32, #tpu.memory_space<vmem>> -> memref<128x128xf32, #tpu.memory_space<vmem>>
        %get3A_656 = arith.index_cast %add3A_614 : i32 to index
        %get3A_657 = arith.constant 32 : index
        %get3A_658 = tpu.vector_load %get3A_655[%get3A_656, %get3A_657] {strides = array<i32>} : memref<128x128xf32, #tpu.memory_space<vmem>>, vector<16xf32>,
        %mul3A_659 = arith.mulf %get3A_651, %get3A_658 : vector<16xf32>
        %add3A_660 = arith.addf %mul3A_629, %mul3A_659 : vector<16xf32>
        %get3A_661 = arith.constant 0 : i32
        %get3A_662 = arith.constant 0 : i32
        %get3A_663 = tpu.memref_slice %arg9[%scan3A_240, %get3A_661, %get3A_662] : memref<3x128x128xf32, #tpu.memory_space<vmem>> -> memref<1x128x128xf32, #tpu.memory_space<vmem>>
        %get3A_664 = tpu.memref_squeeze %get3A_663 : memref<1x128x128xf32, #tpu.memory_space<vmem>> -> memref<128x128xf32, #tpu.memory_space<vmem>>
        %get3A_665 = arith.index_cast %add3A_614 : i32 to index
        %get3A_666 = arith.constant 48 : index
        %get3A_667 = tpu.vector_load %get3A_664[%get3A_665, %get3A_666] {strides = array<i32>} : memref<128x128xf32, #tpu.memory_space<vmem>>, vector<16xf32>,
        %get3A_668 = arith.constant 0 : i32
        %get3A_669 = arith.constant 0 : i32
        %get3A_670 = tpu.memref_slice %arg10[%scan3A_241, %get3A_668, %get3A_669] : memref<3x128x128xf32, #tpu.memory_space<vmem>> -> memref<1x128x128xf32, #tpu.memory_space<vmem>>
        %get3A_671 = tpu.memref_squeeze %get3A_670 : memref<1x128x128xf32, #tpu.memory_space<vmem>> -> memref<128x128xf32, #tpu.memory_space<vmem>>
        %get3A_672 = arith.index_cast %add3A_614 : i32 to index
        %get3A_673 = arith.constant 48 : index
        %get3A_674 = tpu.vector_load %get3A_671[%get3A_672, %get3A_673] {strides = array<i32>} : memref<128x128xf32, #tpu.memory_space<vmem>>, vector<16xf32>,
        %mul3A_675 = arith.mulf %get3A_667, %get3A_674 : vector<16xf32>
        %add3A_676 = arith.addf %mul3A_644, %mul3A_675 : vector<16xf32>
        %get3A_677 = arith.constant 0 : i32
        %get3A_678 = arith.constant 0 : i32
        %get3A_679 = tpu.memref_slice %arg9[%scan3A_240, %get3A_677, %get3A_678] : memref<3x128x128xf32, #tpu.memory_space<vmem>> -> memref<1x128x128xf32, #tpu.memory_space<vmem>>
        %get3A_680 = tpu.memref_squeeze %get3A_679 : memref<1x128x128xf32, #tpu.memory_space<vmem>> -> memref<128x128xf32, #tpu.memory_space<vmem>>
        %get3A_681 = arith.index_cast %add3A_614 : i32 to index
        %get3A_682 = arith.constant 64 : index
        %get3A_683 = tpu.vector_load %get3A_680[%get3A_681, %get3A_682] {strides = array<i32>} : memref<128x128xf32, #tpu.memory_space<vmem>>, vector<16xf32>,
        %get3A_684 = arith.constant 0 : i32
        %get3A_685 = arith.constant 0 : i32
        %get3A_686 = tpu.memref_slice %arg10[%scan3A_241, %get3A_684, %get3A_685] : memref<3x128x128xf32, #tpu.memory_space<vmem>> -> memref<1x128x128xf32, #tpu.memory_space<vmem>>
        %get3A_687 = tpu.memref_squeeze %get3A_686 : memref<1x128x128xf32, #tpu.memory_space<vmem>> -> memref<128x128xf32, #tpu.memory_space<vmem>>
        %get3A_688 = arith.index_cast %add3A_614 : i32 to index
        %get3A_689 = arith.constant 64 : index
        %get3A_690 = tpu.vector_load %get3A_687[%get3A_688, %get3A_689] {strides = array<i32>} : memref<128x128xf32, #tpu.memory_space<vmem>>, vector<16xf32>,
        %mul3A_691 = arith.mulf %get3A_683, %get3A_690 : vector<16xf32>
        %add3A_692 = arith.addf %add3A_660, %mul3A_691 : vector<16xf32>
        %get3A_693 = arith.constant 0 : i32
        %get3A_694 = arith.constant 0 : i32
        %get3A_695 = tpu.memref_slice %arg9[%scan3A_240, %get3A_693, %get3A_694] : memref<3x128x128xf32, #tpu.memory_space<vmem>> -> memref<1x128x128xf32, #tpu.memory_space<vmem>>
        %get3A_696 = tpu.memref_squeeze %get3A_695 : memref<1x128x128xf32, #tpu.memory_space<vmem>> -> memref<128x128xf32, #tpu.memory_space<vmem>>
        %get3A_697 = arith.index_cast %add3A_614 : i32 to index
        %get3A_698 = arith.constant 80 : index
        %get3A_699 = tpu.vector_load %get3A_696[%get3A_697, %get3A_698] {strides = array<i32>} : memref<128x128xf32, #tpu.memory_space<vmem>>, vector<16xf32>,
        %get3A_700 = arith.constant 0 : i32
        %get3A_701 = arith.constant 0 : i32
        %get3A_702 = tpu.memref_slice %arg10[%scan3A_241, %get3A_700, %get3A_701] : memref<3x128x128xf32, #tpu.memory_space<vmem>> -> memref<1x128x128xf32, #tpu.memory_space<vmem>>
        %get3A_703 = tpu.memref_squeeze %get3A_702 : memref<1x128x128xf32, #tpu.memory_space<vmem>> -> memref<128x128xf32, #tpu.memory_space<vmem>>
        %get3A_704 = arith.index_cast %add3A_614 : i32 to index
        %get3A_705 = arith.constant 80 : index
        %get3A_706 = tpu.vector_load %get3A_703[%get3A_704, %get3A_705] {strides = array<i32>} : memref<128x128xf32, #tpu.memory_space<vmem>>, vector<16xf32>,
        %mul3A_707 = arith.mulf %get3A_699, %get3A_706 : vector<16xf32>
        %add3A_708 = arith.addf %add3A_676, %mul3A_707 : vector<16xf32>
        %get3A_709 = arith.constant 0 : i32
        %get3A_710 = arith.constant 0 : i32
        %get3A_711 = tpu.memref_slice %arg9[%scan3A_240, %get3A_709, %get3A_710] : memref<3x128x128xf32, #tpu.memory_space<vmem>> -> memref<1x128x128xf32, #tpu.memory_space<vmem>>
        %get3A_712 = tpu.memref_squeeze %get3A_711 : memref<1x128x128xf32, #tpu.memory_space<vmem>> -> memref<128x128xf32, #tpu.memory_space<vmem>>
        %get3A_713 = arith.index_cast %add3A_614 : i32 to index
        %get3A_714 = arith.constant 96 : index
        %get3A_715 = tpu.vector_load %get3A_712[%get3A_713, %get3A_714] {strides = array<i32>} : memref<128x128xf32, #tpu.memory_space<vmem>>, vector<16xf32>,
        %get3A_716 = arith.constant 0 : i32
        %get3A_717 = arith.constant 0 : i32
        %get3A_718 = tpu.memref_slice %arg10[%scan3A_241, %get3A_716, %get3A_717] : memref<3x128x128xf32, #tpu.memory_space<vmem>> -> memref<1x128x128xf32, #tpu.memory_space<vmem>>
        %get3A_719 = tpu.memref_squeeze %get3A_718 : memref<1x128x128xf32, #tpu.memory_space<vmem>> -> memref<128x128xf32, #tpu.memory_space<vmem>>
        %get3A_720 = arith.index_cast %add3A_614 : i32 to index
        %get3A_721 = arith.constant 96 : index
        %get3A_722 = tpu.vector_load %get3A_719[%get3A_720, %get3A_721] {strides = array<i32>} : memref<128x128xf32, #tpu.memory_space<vmem>>, vector<16xf32>,
        %mul3A_723 = arith.mulf %get3A_715, %get3A_722 : vector<16xf32>
        %add3A_724 = arith.addf %add3A_692, %mul3A_723 : vector<16xf32>
        %get3A_725 = arith.constant 0 : i32
        %get3A_726 = arith.constant 0 : i32
        %get3A_727 = tpu.memref_slice %arg9[%scan3A_240, %get3A_725, %get3A_726] : memref<3x128x128xf32, #tpu.memory_space<vmem>> -> memref<1x128x128xf32, #tpu.memory_space<vmem>>
        %get3A_728 = tpu.memref_squeeze %get3A_727 : memref<1x128x128xf32, #tpu.memory_space<vmem>> -> memref<128x128xf32, #tpu.memory_space<vmem>>
        %get3A_729 = arith.index_cast %add3A_614 : i32 to index
        %get3A_730 = arith.constant 112 : index
        %get3A_731 = tpu.vector_load %get3A_728[%get3A_729, %get3A_730] {strides = array<i32>} : memref<128x128xf32, #tpu.memory_space<vmem>>, vector<16xf32>,
        %get3A_732 = arith.constant 0 : i32
        %get3A_733 = arith.constant 0 : i32
        %get3A_734 = tpu.memref_slice %arg10[%scan3A_241, %get3A_732, %get3A_733] : memref<3x128x128xf32, #tpu.memory_space<vmem>> -> memref<1x128x128xf32, #tpu.memory_space<vmem>>
        %get3A_735 = tpu.memref_squeeze %get3A_734 : memref<1x128x128xf32, #tpu.memory_space<vmem>> -> memref<128x128xf32, #tpu.memory_space<vmem>>
        %get3A_736 = arith.index_cast %add3A_614 : i32 to index
        %get3A_737 = arith.constant 112 : index
        %get3A_738 = tpu.vector_load %get3A_735[%get3A_736, %get3A_737] {strides = array<i32>} : memref<128x128xf32, #tpu.memory_space<vmem>>, vector<16xf32>,
        %mul3A_739 = arith.mulf %get3A_731, %get3A_738 : vector<16xf32>
        %add3A_740 = arith.addf %add3A_708, %mul3A_739 : vector<16xf32>
        %add3A_741 = arith.addf %add3A_724, %add3A_740 : vector<16xf32>
        %eq3A_742 = vector.broadcast %scan3A_613 : i32 to vector<16xi32>
        %eq3A_743 = arith.cmpi eq, %iota3A, %eq3A_742 : vector<16xi32>
        %reduce_sum3A_744 = arith.constant true
        %reduce_sum3A_745 = vector.broadcast %reduce_sum3A_744 : i1 to vector<16xi1>
        %reduce_sum3A_746 = tpu.scan <sum>, %add3A_741 masked %reduce_sum3A_745 : vector<16xf32>, vector<16xi1> -> vector<16xf32>
        %reduce_sum3A_747 = vector.extract %reduce_sum3A_746[15] : f32 from vector<16xf32>
        %broadcast_in_dim3A_748 = vector.broadcast %reduce_sum3A_747 : f32 to vector<16xf32>
        %select_n3A_749 = arith.select %eq3A_743, %broadcast_in_dim3A_748, %select_n3A_611 : vector<16xi1>, vector<16xf32>
        %scan3A_750 = arith.constant 3 : i32
        %scan3A_751 = arith.addi %scan3A_340, %scan3A_750 : i32
        %add3A_752 = arith.addi %mul3A_328, %scan3A_751 : i32
        %get3A_753 = arith.constant 0 : i32
        %get3A_754 = arith.constant 0 : i32
        %get3A_755 = tpu.memref_slice %arg9[%scan3A_240, %get3A_753, %get3A_754] : memref<3x128x128xf32, #tpu.memory_space<vmem>> -> memref<1x128x128xf32, #tpu.memory_space<vmem>>
        %get3A_756 = tpu.memref_squeeze %get3A_755 : memref<1x128x128xf32, #tpu.memory_space<vmem>> -> memref<128x128xf32, #tpu.memory_space<vmem>>
        %get3A_757 = arith.index_cast %add3A_752 : i32 to index
        %get3A_758 = arith.constant 0 : index
        %get3A_759 = tpu.vector_load %get3A_756[%get3A_757, %get3A_758] {strides = array<i32>} : memref<128x128xf32, #tpu.memory_space<vmem>>, vector<16xf32>,
        %get3A_760 = arith.constant 0 : i32
        %get3A_761 = arith.constant 0 : i32
        %get3A_762 = tpu.memref_slice %arg10[%scan3A_241, %get3A_760, %get3A_761] : memref<3x128x128xf32, #tpu.memory_space<vmem>> -> memref<1x128x128xf32, #tpu.memory_space<vmem>>
        %get3A_763 = tpu.memref_squeeze %get3A_762 : memref<1x128x128xf32, #tpu.memory_space<vmem>> -> memref<128x128xf32, #tpu.memory_space<vmem>>
        %get3A_764 = arith.index_cast %add3A_752 : i32 to index
        %get3A_765 = arith.constant 0 : index
        %get3A_766 = tpu.vector_load %get3A_763[%get3A_764, %get3A_765] {strides = array<i32>} : memref<128x128xf32, #tpu.memory_space<vmem>>, vector<16xf32>,
        %mul3A_767 = arith.mulf %get3A_759, %get3A_766 : vector<16xf32>
        %get3A_768 = arith.constant 0 : i32
        %get3A_769 = arith.constant 0 : i32
        %get3A_770 = tpu.memref_slice %arg9[%scan3A_240, %get3A_768, %get3A_769] : memref<3x128x128xf32, #tpu.memory_space<vmem>> -> memref<1x128x128xf32, #tpu.memory_space<vmem>>
        %get3A_771 = tpu.memref_squeeze %get3A_770 : memref<1x128x128xf32, #tpu.memory_space<vmem>> -> memref<128x128xf32, #tpu.memory_space<vmem>>
        %get3A_772 = arith.index_cast %add3A_752 : i32 to index
        %get3A_773 = arith.constant 16 : index
        %get3A_774 = tpu.vector_load %get3A_771[%get3A_772, %get3A_773] {strides = array<i32>} : memref<128x128xf32, #tpu.memory_space<vmem>>, vector<16xf32>,
        %get3A_775 = arith.constant 0 : i32
        %get3A_776 = arith.constant 0 : i32
        %get3A_777 = tpu.memref_slice %arg10[%scan3A_241, %get3A_775, %get3A_776] : memref<3x128x128xf32, #tpu.memory_space<vmem>> -> memref<1x128x128xf32, #tpu.memory_space<vmem>>
        %get3A_778 = tpu.memref_squeeze %get3A_777 : memref<1x128x128xf32, #tpu.memory_space<vmem>> -> memref<128x128xf32, #tpu.memory_space<vmem>>
        %get3A_779 = arith.index_cast %add3A_752 : i32 to index
        %get3A_780 = arith.constant 16 : index
        %get3A_781 = tpu.vector_load %get3A_778[%get3A_779, %get3A_780] {strides = array<i32>} : memref<128x128xf32, #tpu.memory_space<vmem>>, vector<16xf32>,
        %mul3A_782 = arith.mulf %get3A_774, %get3A_781 : vector<16xf32>
        %get3A_783 = arith.constant 0 : i32
        %get3A_784 = arith.constant 0 : i32
        %get3A_785 = tpu.memref_slice %arg9[%scan3A_240, %get3A_783, %get3A_784] : memref<3x128x128xf32, #tpu.memory_space<vmem>> -> memref<1x128x128xf32, #tpu.memory_space<vmem>>
        %get3A_786 = tpu.memref_squeeze %get3A_785 : memref<1x128x128xf32, #tpu.memory_space<vmem>> -> memref<128x128xf32, #tpu.memory_space<vmem>>
        %get3A_787 = arith.index_cast %add3A_752 : i32 to index
        %get3A_788 = arith.constant 32 : index
        %get3A_789 = tpu.vector_load %get3A_786[%get3A_787, %get3A_788] {strides = array<i32>} : memref<128x128xf32, #tpu.memory_space<vmem>>, vector<16xf32>,
        %get3A_790 = arith.constant 0 : i32
        %get3A_791 = arith.constant 0 : i32
        %get3A_792 = tpu.memref_slice %arg10[%scan3A_241, %get3A_790, %get3A_791] : memref<3x128x128xf32, #tpu.memory_space<vmem>> -> memref<1x128x128xf32, #tpu.memory_space<vmem>>
        %get3A_793 = tpu.memref_squeeze %get3A_792 : memref<1x128x128xf32, #tpu.memory_space<vmem>> -> memref<128x128xf32, #tpu.memory_space<vmem>>
        %get3A_794 = arith.index_cast %add3A_752 : i32 to index
        %get3A_795 = arith.constant 32 : index
        %get3A_796 = tpu.vector_load %get3A_793[%get3A_794, %get3A_795] {strides = array<i32>} : memref<128x128xf32, #tpu.memory_space<vmem>>, vector<16xf32>,
        %mul3A_797 = arith.mulf %get3A_789, %get3A_796 : vector<16xf32>
        %add3A_798 = arith.addf %mul3A_767, %mul3A_797 : vector<16xf32>
        %get3A_799 = arith.constant 0 : i32
        %get3A_800 = arith.constant 0 : i32
        %get3A_801 = tpu.memref_slice %arg9[%scan3A_240, %get3A_799, %get3A_800] : memref<3x128x128xf32, #tpu.memory_space<vmem>> -> memref<1x128x128xf32, #tpu.memory_space<vmem>>
        %get3A_802 = tpu.memref_squeeze %get3A_801 : memref<1x128x128xf32, #tpu.memory_space<vmem>> -> memref<128x128xf32, #tpu.memory_space<vmem>>
        %get3A_803 = arith.index_cast %add3A_752 : i32 to index
        %get3A_804 = arith.constant 48 : index
        %get3A_805 = tpu.vector_load %get3A_802[%get3A_803, %get3A_804] {strides = array<i32>} : memref<128x128xf32, #tpu.memory_space<vmem>>, vector<16xf32>,
        %get3A_806 = arith.constant 0 : i32
        %get3A_807 = arith.constant 0 : i32
        %get3A_808 = tpu.memref_slice %arg10[%scan3A_241, %get3A_806, %get3A_807] : memref<3x128x128xf32, #tpu.memory_space<vmem>> -> memref<1x128x128xf32, #tpu.memory_space<vmem>>
        %get3A_809 = tpu.memref_squeeze %get3A_808 : memref<1x128x128xf32, #tpu.memory_space<vmem>> -> memref<128x128xf32, #tpu.memory_space<vmem>>
        %get3A_810 = arith.index_cast %add3A_752 : i32 to index
        %get3A_811 = arith.constant 48 : index
        %get3A_812 = tpu.vector_load %get3A_809[%get3A_810, %get3A_811] {strides = array<i32>} : memref<128x128xf32, #tpu.memory_space<vmem>>, vector<16xf32>,
        %mul3A_813 = arith.mulf %get3A_805, %get3A_812 : vector<16xf32>
        %add3A_814 = arith.addf %mul3A_782, %mul3A_813 : vector<16xf32>
        %get3A_815 = arith.constant 0 : i32
        %get3A_816 = arith.constant 0 : i32
        %get3A_817 = tpu.memref_slice %arg9[%scan3A_240, %get3A_815, %get3A_816] : memref<3x128x128xf32, #tpu.memory_space<vmem>> -> memref<1x128x128xf32, #tpu.memory_space<vmem>>
        %get3A_818 = tpu.memref_squeeze %get3A_817 : memref<1x128x128xf32, #tpu.memory_space<vmem>> -> memref<128x128xf32, #tpu.memory_space<vmem>>
        %get3A_819 = arith.index_cast %add3A_752 : i32 to index
        %get3A_820 = arith.constant 64 : index
        %get3A_821 = tpu.vector_load %get3A_818[%get3A_819, %get3A_820] {strides = array<i32>} : memref<128x128xf32, #tpu.memory_space<vmem>>, vector<16xf32>,
        %get3A_822 = arith.constant 0 : i32
        %get3A_823 = arith.constant 0 : i32
        %get3A_824 = tpu.memref_slice %arg10[%scan3A_241, %get3A_822, %get3A_823] : memref<3x128x128xf32, #tpu.memory_space<vmem>> -> memref<1x128x128xf32, #tpu.memory_space<vmem>>
        %get3A_825 = tpu.memref_squeeze %get3A_824 : memref<1x128x128xf32, #tpu.memory_space<vmem>> -> memref<128x128xf32, #tpu.memory_space<vmem>>
        %get3A_826 = arith.index_cast %add3A_752 : i32 to index
        %get3A_827 = arith.constant 64 : index
        %get3A_828 = tpu.vector_load %get3A_825[%get3A_826, %get3A_827] {strides = array<i32>} : memref<128x128xf32, #tpu.memory_space<vmem>>, vector<16xf32>,
        %mul3A_829 = arith.mulf %get3A_821, %get3A_828 : vector<16xf32>
        %add3A_830 = arith.addf %add3A_798, %mul3A_829 : vector<16xf32>
        %get3A_831 = arith.constant 0 : i32
        %get3A_832 = arith.constant 0 : i32
        %get3A_833 = tpu.memref_slice %arg9[%scan3A_240, %get3A_831, %get3A_832] : memref<3x128x128xf32, #tpu.memory_space<vmem>> -> memref<1x128x128xf32, #tpu.memory_space<vmem>>
        %get3A_834 = tpu.memref_squeeze %get3A_833 : memref<1x128x128xf32, #tpu.memory_space<vmem>> -> memref<128x128xf32, #tpu.memory_space<vmem>>
        %get3A_835 = arith.index_cast %add3A_752 : i32 to index
        %get3A_836 = arith.constant 80 : index
        %get3A_837 = tpu.vector_load %get3A_834[%get3A_835, %get3A_836] {strides = array<i32>} : memref<128x128xf32, #tpu.memory_space<vmem>>, vector<16xf32>,
        %get3A_838 = arith.constant 0 : i32
        %get3A_839 = arith.constant 0 : i32
        %get3A_840 = tpu.memref_slice %arg10[%scan3A_241, %get3A_838, %get3A_839] : memref<3x128x128xf32, #tpu.memory_space<vmem>> -> memref<1x128x128xf32, #tpu.memory_space<vmem>>
        %get3A_841 = tpu.memref_squeeze %get3A_840 : memref<1x128x128xf32, #tpu.memory_space<vmem>> -> memref<128x128xf32, #tpu.memory_space<vmem>>
        %get3A_842 = arith.index_cast %add3A_752 : i32 to index
        %get3A_843 = arith.constant 80 : index
        %get3A_844 = tpu.vector_load %get3A_841[%get3A_842, %get3A_843] {strides = array<i32>} : memref<128x128xf32, #tpu.memory_space<vmem>>, vector<16xf32>,
        %mul3A_845 = arith.mulf %get3A_837, %get3A_844 : vector<16xf32>
        %add3A_846 = arith.addf %add3A_814, %mul3A_845 : vector<16xf32>
        %get3A_847 = arith.constant 0 : i32
        %get3A_848 = arith.constant 0 : i32
        %get3A_849 = tpu.memref_slice %arg9[%scan3A_240, %get3A_847, %get3A_848] : memref<3x128x128xf32, #tpu.memory_space<vmem>> -> memref<1x128x128xf32, #tpu.memory_space<vmem>>
        %get3A_850 = tpu.memref_squeeze %get3A_849 : memref<1x128x128xf32, #tpu.memory_space<vmem>> -> memref<128x128xf32, #tpu.memory_space<vmem>>
        %get3A_851 = arith.index_cast %add3A_752 : i32 to index
        %get3A_852 = arith.constant 96 : index
        %get3A_853 = tpu.vector_load %get3A_850[%get3A_851, %get3A_852] {strides = array<i32>} : memref<128x128xf32, #tpu.memory_space<vmem>>, vector<16xf32>,
        %get3A_854 = arith.constant 0 : i32
        %get3A_855 = arith.constant 0 : i32
        %get3A_856 = tpu.memref_slice %arg10[%scan3A_241, %get3A_854, %get3A_855] : memref<3x128x128xf32, #tpu.memory_space<vmem>> -> memref<1x128x128xf32, #tpu.memory_space<vmem>>
        %get3A_857 = tpu.memref_squeeze %get3A_856 : memref<1x128x128xf32, #tpu.memory_space<vmem>> -> memref<128x128xf32, #tpu.memory_space<vmem>>
        %get3A_858 = arith.index_cast %add3A_752 : i32 to index
        %get3A_859 = arith.constant 96 : index
        %get3A_860 = tpu.vector_load %get3A_857[%get3A_858, %get3A_859] {strides = array<i32>} : memref<128x128xf32, #tpu.memory_space<vmem>>, vector<16xf32>,
        %mul3A_861 = arith.mulf %get3A_853, %get3A_860 : vector<16xf32>
        %add3A_862 = arith.addf %add3A_830, %mul3A_861 : vector<16xf32>
        %get3A_863 = arith.constant 0 : i32
        %get3A_864 = arith.constant 0 : i32
        %get3A_865 = tpu.memref_slice %arg9[%scan3A_240, %get3A_863, %get3A_864] : memref<3x128x128xf32, #tpu.memory_space<vmem>> -> memref<1x128x128xf32, #tpu.memory_space<vmem>>
        %get3A_866 = tpu.memref_squeeze %get3A_865 : memref<1x128x128xf32, #tpu.memory_space<vmem>> -> memref<128x128xf32, #tpu.memory_space<vmem>>
        %get3A_867 = arith.index_cast %add3A_752 : i32 to index
        %get3A_868 = arith.constant 112 : index
        %get3A_869 = tpu.vector_load %get3A_866[%get3A_867, %get3A_868] {strides = array<i32>} : memref<128x128xf32, #tpu.memory_space<vmem>>, vector<16xf32>,
        %get3A_870 = arith.constant 0 : i32
        %get3A_871 = arith.constant 0 : i32
        %get3A_872 = tpu.memref_slice %arg10[%scan3A_241, %get3A_870, %get3A_871] : memref<3x128x128xf32, #tpu.memory_space<vmem>> -> memref<1x128x128xf32, #tpu.memory_space<vmem>>
        %get3A_873 = tpu.memref_squeeze %get3A_872 : memref<1x128x128xf32, #tpu.memory_space<vmem>> -> memref<128x128xf32, #tpu.memory_space<vmem>>
        %get3A_874 = arith.index_cast %add3A_752 : i32 to index
        %get3A_875 = arith.constant 112 : index
        %get3A_876 = tpu.vector_load %get3A_873[%get3A_874, %get3A_875] {strides = array<i32>} : memref<128x128xf32, #tpu.memory_space<vmem>>, vector<16xf32>,
        %mul3A_877 = arith.mulf %get3A_869, %get3A_876 : vector<16xf32>
        %add3A_878 = arith.addf %add3A_846, %mul3A_877 : vector<16xf32>
        %add3A_879 = arith.addf %add3A_862, %add3A_878 : vector<16xf32>
        %eq3A_880 = vector.broadcast %scan3A_751 : i32 to vector<16xi32>
        %eq3A_881 = arith.cmpi eq, %iota3A, %eq3A_880 : vector<16xi32>
        %reduce_sum3A_882 = arith.constant true
        %reduce_sum3A_883 = vector.broadcast %reduce_sum3A_882 : i1 to vector<16xi1>
        %reduce_sum3A_884 = tpu.scan <sum>, %add3A_879 masked %reduce_sum3A_883 : vector<16xf32>, vector<16xi1> -> vector<16xf32>
        %reduce_sum3A_885 = vector.extract %reduce_sum3A_884[15] : f32 from vector<16xf32>
        %broadcast_in_dim3A_886 = vector.broadcast %reduce_sum3A_885 : f32 to vector<16xf32>
        %select_n3A_887 = arith.select %eq3A_881, %broadcast_in_dim3A_886, %select_n3A_749 : vector<16xi1>, vector<16xf32>
        scf.yield %select_n3A_887 : vector<16xf32>
      }
      %scan3A_335 = arith.constant 16 : i32
      %add3A_336 = arith.constant 128 : i32
      %add3A_337 = arith.addi %add3A_336, %mul3A_328 : i32
      %swap3A = arith.index_cast %add3A_337 : i32 to index
      %swap3A_338 = tpu.vector_load %arg11[%swap3A] {strides = array<i32>} : memref<512xf32, #tpu.memory_space<vmem>>, vector<16xf32>,
      tpu.vector_store %arg11[%swap3A], %scan3A_334 {strides = array<i32>} : memref<512xf32, #tpu.memory_space<vmem>>, vector<16xf32>,
      %scan3A_339 = arith.constant 0 : i32
      scf.yield %scan3A_339 : i32
    }
    %scan3A_248 = arith.constant 8 : i32
    %dma_wait3A_249 = arith.constant 0 : i32
    %dma_wait3A_250 = arith.constant 0 : i32
    %dma_wait3A_251 = arith.constant 0 : i32
    %dma_wait3A_252 = arith.constant 0 : i32
    %dma_wait3A_253 = arith.constant 0 : i32
    %dma_wait3A_254 = tpu.memref_slice %arg9[%dma_wait3A_249, %dma_wait3A_252, %dma_wait3A_253] : memref<3x128x128xf32, #tpu.memory_space<vmem>> -> memref<1x128x128xf32, #tpu.memory_space<vmem>>
    %dma_wait3A_255 = tpu.memref_squeeze %dma_wait3A_254 : memref<1x128x128xf32, #tpu.memory_space<vmem>> -> memref<128x128xf32, #tpu.memory_space<vmem>>
    %dma_wait3A_256 = arith.constant 256 : i32
    %dma_wait3A_257 = tpu.memref_slice %arg7[%dma_wait3A_256] : memref<512xi32, #tpu.memory_space<vmem>> -> memref<128xi32, #tpu.memory_space<vmem>>
    %dma_wait3A_258 = arith.constant 0 : i32
    %dma_wait3A_259 = arith.constant 0 : i32
    %dma_wait3A_260 = tpu.memref_slice %arg4[%dma_wait3A_258, %dma_wait3A_259] : memref<100000x128xf32, #tpu.memory_space<hbm>> -> memref<100000x128xf32, #tpu.memory_space<hbm>>
    %dma_wait3A_261 = tpu.memref_slice %arg12[%dma_wait3A_250, %dma_wait3A_251] : memref<3x2x!tpu.dma_semaphore, #tpu.memory_space<semaphore_mem>> -> memref<1x1x!tpu.dma_semaphore, #tpu.memory_space<semaphore_mem>>
    %dma_wait3A_262 = tpu.memref_squeeze %dma_wait3A_261 : memref<1x1x!tpu.dma_semaphore, #tpu.memory_space<semaphore_mem>> -> memref<!tpu.dma_semaphore, #tpu.memory_space<semaphore_mem>>
    tpu.wait_indirect_dma semaphore(%dma_wait3A_262 : memref<!tpu.dma_semaphore, #tpu.memory_space<semaphore_mem>>) src(%dma_wait3A_260 : memref<100000x128xf32, #tpu.memory_space<hbm>>) dst(%dma_wait3A_255 : memref<128x128xf32, #tpu.memory_space<vmem>>)
    %dma_wait3A_263 = arith.constant 0 : i32
    %dma_wait3A_264 = arith.constant 0 : i32
    %dma_wait3A_265 = arith.constant 1 : i32
    %dma_wait3A_266 = arith.constant 0 : i32
    %dma_wait3A_267 = arith.constant 0 : i32
    %dma_wait3A_268 = tpu.memref_slice %arg10[%dma_wait3A_263, %dma_wait3A_266, %dma_wait3A_267] : memref<3x128x128xf32, #tpu.memory_space<vmem>> -> memref<1x128x128xf32, #tpu.memory_space<vmem>>
    %dma_wait3A_269 = tpu.memref_squeeze %dma_wait3A_268 : memref<1x128x128xf32, #tpu.memory_space<vmem>> -> memref<128x128xf32, #tpu.memory_space<vmem>>
    %dma_wait3A_270 = arith.constant 256 : i32
    %dma_wait3A_271 = tpu.memref_slice %arg8[%dma_wait3A_270] : memref<512xi32, #tpu.memory_space<vmem>> -> memref<128xi32, #tpu.memory_space<vmem>>
    %dma_wait3A_272 = arith.constant 0 : i32
    %dma_wait3A_273 = arith.constant 0 : i32
    %dma_wait3A_274 = tpu.memref_slice %arg5[%dma_wait3A_272, %dma_wait3A_273] : memref<100000x128xf32, #tpu.memory_space<hbm>> -> memref<100000x128xf32, #tpu.memory_space<hbm>>
    %dma_wait3A_275 = tpu.memref_slice %arg12[%dma_wait3A_264, %dma_wait3A_265] : memref<3x2x!tpu.dma_semaphore, #tpu.memory_space<semaphore_mem>> -> memref<1x1x!tpu.dma_semaphore, #tpu.memory_space<semaphore_mem>>
    %dma_wait3A_276 = tpu.memref_squeeze %dma_wait3A_275 : memref<1x1x!tpu.dma_semaphore, #tpu.memory_space<semaphore_mem>> -> memref<!tpu.dma_semaphore, #tpu.memory_space<semaphore_mem>>
    tpu.wait_indirect_dma semaphore(%dma_wait3A_276 : memref<!tpu.dma_semaphore, #tpu.memory_space<semaphore_mem>>) src(%dma_wait3A_274 : memref<100000x128xf32, #tpu.memory_space<hbm>>) dst(%dma_wait3A_269 : memref<128x128xf32, #tpu.memory_space<vmem>>)
    %scan3A_277 = arith.constant 0 : i32
    %scan3A_278 = arith.constant 0 : i32
    %scan3A_279 = arith.constant 0 : i32
    %scan3A_280 = arith.constant 0 : i32
    %scan3A_281 = arith.constant 8 : i32
    %scan3A_282 = arith.addi %scan3A_280, %scan3A_281 : i32
    %scan3A_283 = arith.constant 1 : i32
    %scan3A_284 = scf.for %scan3A_325 = %scan3A_280 to %scan3A_282 step %scan3A_283 iter_args(%scan3A_326 = %scan3A_279) -> (i32)  : i32 {
      %mul3A_327 = arith.constant 16 : i32
      %mul3A_328 = arith.muli %scan3A_325, %mul3A_327 : i32
      %broadcast_in_dim3A = arith.constant 0.000000e+00 : f32
      %broadcast_in_dim3A_329 = vector.broadcast %broadcast_in_dim3A : f32 to vector<16xf32>
      %scan3A_330 = arith.constant 0 : i32
      %scan3A_331 = arith.constant 16 : i32
      %scan3A_332 = arith.addi %scan3A_330, %scan3A_331 : i32
      %scan3A_333 = arith.constant 4 : i32
      %scan3A_334 = scf.for %scan3A_340 = %scan3A_330 to %scan3A_332 step %scan3A_333 iter_args(%scan3A_341 = %broadcast_in_dim3A_329) -> (vector<16xf32>)  : i32 {
        %add3A_342 = arith.addi %mul3A_328, %scan3A_340 : i32
        %get3A = arith.constant 0 : i32
        %get3A_343 = arith.constant 0 : i32
        %get3A_344 = tpu.memref_slice %arg9[%scan3A_277, %get3A, %get3A_343] : memref<3x128x128xf32, #tpu.memory_space<vmem>> -> memref<1x128x128xf32, #tpu.memory_space<vmem>>
        %get3A_345 = tpu.memref_squeeze %get3A_344 : memref<1x128x128xf32, #tpu.memory_space<vmem>> -> memref<128x128xf32, #tpu.memory_space<vmem>>
        %get3A_346 = arith.index_cast %add3A_342 : i32 to index
        %get3A_347 = arith.constant 0 : index
        %get3A_348 = tpu.vector_load %get3A_345[%get3A_346, %get3A_347] {strides = array<i32>} : memref<128x128xf32, #tpu.memory_space<vmem>>, vector<16xf32>,
        %get3A_349 = arith.constant 0 : i32
        %get3A_350 = arith.constant 0 : i32
        %get3A_351 = tpu.memref_slice %arg10[%scan3A_278, %get3A_349, %get3A_350] : memref<3x128x128xf32, #tpu.memory_space<vmem>> -> memref<1x128x128xf32, #tpu.memory_space<vmem>>
        %get3A_352 = tpu.memref_squeeze %get3A_351 : memref<1x128x128xf32, #tpu.memory_space<vmem>> -> memref<128x128xf32, #tpu.memory_space<vmem>>
        %get3A_353 = arith.index_cast %add3A_342 : i32 to index
        %get3A_354 = arith.constant 0 : index
        %get3A_355 = tpu.vector_load %get3A_352[%get3A_353, %get3A_354] {strides = array<i32>} : memref<128x128xf32, #tpu.memory_space<vmem>>, vector<16xf32>,
        %mul3A_356 = arith.mulf %get3A_348, %get3A_355 : vector<16xf32>
        %get3A_357 = arith.constant 0 : i32
        %get3A_358 = arith.constant 0 : i32
        %get3A_359 = tpu.memref_slice %arg9[%scan3A_277, %get3A_357, %get3A_358] : memref<3x128x128xf32, #tpu.memory_space<vmem>> -> memref<1x128x128xf32, #tpu.memory_space<vmem>>
        %get3A_360 = tpu.memref_squeeze %get3A_359 : memref<1x128x128xf32, #tpu.memory_space<vmem>> -> memref<128x128xf32, #tpu.memory_space<vmem>>
        %get3A_361 = arith.index_cast %add3A_342 : i32 to index
        %get3A_362 = arith.constant 16 : index
        %get3A_363 = tpu.vector_load %get3A_360[%get3A_361, %get3A_362] {strides = array<i32>} : memref<128x128xf32, #tpu.memory_space<vmem>>, vector<16xf32>,
        %get3A_364 = arith.constant 0 : i32
        %get3A_365 = arith.constant 0 : i32
        %get3A_366 = tpu.memref_slice %arg10[%scan3A_278, %get3A_364, %get3A_365] : memref<3x128x128xf32, #tpu.memory_space<vmem>> -> memref<1x128x128xf32, #tpu.memory_space<vmem>>
        %get3A_367 = tpu.memref_squeeze %get3A_366 : memref<1x128x128xf32, #tpu.memory_space<vmem>> -> memref<128x128xf32, #tpu.memory_space<vmem>>
        %get3A_368 = arith.index_cast %add3A_342 : i32 to index
        %get3A_369 = arith.constant 16 : index
        %get3A_370 = tpu.vector_load %get3A_367[%get3A_368, %get3A_369] {strides = array<i32>} : memref<128x128xf32, #tpu.memory_space<vmem>>, vector<16xf32>,
        %mul3A_371 = arith.mulf %get3A_363, %get3A_370 : vector<16xf32>
        %get3A_372 = arith.constant 0 : i32
        %get3A_373 = arith.constant 0 : i32
        %get3A_374 = tpu.memref_slice %arg9[%scan3A_277, %get3A_372, %get3A_373] : memref<3x128x128xf32, #tpu.memory_space<vmem>> -> memref<1x128x128xf32, #tpu.memory_space<vmem>>
        %get3A_375 = tpu.memref_squeeze %get3A_374 : memref<1x128x128xf32, #tpu.memory_space<vmem>> -> memref<128x128xf32, #tpu.memory_space<vmem>>
        %get3A_376 = arith.index_cast %add3A_342 : i32 to index
        %get3A_377 = arith.constant 32 : index
        %get3A_378 = tpu.vector_load %get3A_375[%get3A_376, %get3A_377] {strides = array<i32>} : memref<128x128xf32, #tpu.memory_space<vmem>>, vector<16xf32>,
        %get3A_379 = arith.constant 0 : i32
        %get3A_380 = arith.constant 0 : i32
        %get3A_381 = tpu.memref_slice %arg10[%scan3A_278, %get3A_379, %get3A_380] : memref<3x128x128xf32, #tpu.memory_space<vmem>> -> memref<1x128x128xf32, #tpu.memory_space<vmem>>
        %get3A_382 = tpu.memref_squeeze %get3A_381 : memref<1x128x128xf32, #tpu.memory_space<vmem>> -> memref<128x128xf32, #tpu.memory_space<vmem>>
        %get3A_383 = arith.index_cast %add3A_342 : i32 to index
        %get3A_384 = arith.constant 32 : index
        %get3A_385 = tpu.vector_load %get3A_382[%get3A_383, %get3A_384] {strides = array<i32>} : memref<128x128xf32, #tpu.memory_space<vmem>>, vector<16xf32>,
        %mul3A_386 = arith.mulf %get3A_378, %get3A_385 : vector<16xf32>
        %add3A_387 = arith.addf %mul3A_356, %mul3A_386 : vector<16xf32>
        %get3A_388 = arith.constant 0 : i32
        %get3A_389 = arith.constant 0 : i32
        %get3A_390 = tpu.memref_slice %arg9[%scan3A_277, %get3A_388, %get3A_389] : memref<3x128x128xf32, #tpu.memory_space<vmem>> -> memref<1x128x128xf32, #tpu.memory_space<vmem>>
        %get3A_391 = tpu.memref_squeeze %get3A_390 : memref<1x128x128xf32, #tpu.memory_space<vmem>> -> memref<128x128xf32, #tpu.memory_space<vmem>>
        %get3A_392 = arith.index_cast %add3A_342 : i32 to index
        %get3A_393 = arith.constant 48 : index
        %get3A_394 = tpu.vector_load %get3A_391[%get3A_392, %get3A_393] {strides = array<i32>} : memref<128x128xf32, #tpu.memory_space<vmem>>, vector<16xf32>,
        %get3A_395 = arith.constant 0 : i32
        %get3A_396 = arith.constant 0 : i32
        %get3A_397 = tpu.memref_slice %arg10[%scan3A_278, %get3A_395, %get3A_396] : memref<3x128x128xf32, #tpu.memory_space<vmem>> -> memref<1x128x128xf32, #tpu.memory_space<vmem>>
        %get3A_398 = tpu.memref_squeeze %get3A_397 : memref<1x128x128xf32, #tpu.memory_space<vmem>> -> memref<128x128xf32, #tpu.memory_space<vmem>>
        %get3A_399 = arith.index_cast %add3A_342 : i32 to index
        %get3A_400 = arith.constant 48 : index
        %get3A_401 = tpu.vector_load %get3A_398[%get3A_399, %get3A_400] {strides = array<i32>} : memref<128x128xf32, #tpu.memory_space<vmem>>, vector<16xf32>,
        %mul3A_402 = arith.mulf %get3A_394, %get3A_401 : vector<16xf32>
        %add3A_403 = arith.addf %mul3A_371, %mul3A_402 : vector<16xf32>
        %get3A_404 = arith.constant 0 : i32
        %get3A_405 = arith.constant 0 : i32
        %get3A_406 = tpu.memref_slice %arg9[%scan3A_277, %get3A_404, %get3A_405] : memref<3x128x128xf32, #tpu.memory_space<vmem>> -> memref<1x128x128xf32, #tpu.memory_space<vmem>>
        %get3A_407 = tpu.memref_squeeze %get3A_406 : memref<1x128x128xf32, #tpu.memory_space<vmem>> -> memref<128x128xf32, #tpu.memory_space<vmem>>
        %get3A_408 = arith.index_cast %add3A_342 : i32 to index
        %get3A_409 = arith.constant 64 : index
        %get3A_410 = tpu.vector_load %get3A_407[%get3A_408, %get3A_409] {strides = array<i32>} : memref<128x128xf32, #tpu.memory_space<vmem>>, vector<16xf32>,
        %get3A_411 = arith.constant 0 : i32
        %get3A_412 = arith.constant 0 : i32
        %get3A_413 = tpu.memref_slice %arg10[%scan3A_278, %get3A_411, %get3A_412] : memref<3x128x128xf32, #tpu.memory_space<vmem>> -> memref<1x128x128xf32, #tpu.memory_space<vmem>>
        %get3A_414 = tpu.memref_squeeze %get3A_413 : memref<1x128x128xf32, #tpu.memory_space<vmem>> -> memref<128x128xf32, #tpu.memory_space<vmem>>
        %get3A_415 = arith.index_cast %add3A_342 : i32 to index
        %get3A_416 = arith.constant 64 : index
        %get3A_417 = tpu.vector_load %get3A_414[%get3A_415, %get3A_416] {strides = array<i32>} : memref<128x128xf32, #tpu.memory_space<vmem>>, vector<16xf32>,
        %mul3A_418 = arith.mulf %get3A_410, %get3A_417 : vector<16xf32>
        %add3A_419 = arith.addf %add3A_387, %mul3A_418 : vector<16xf32>
        %get3A_420 = arith.constant 0 : i32
        %get3A_421 = arith.constant 0 : i32
        %get3A_422 = tpu.memref_slice %arg9[%scan3A_277, %get3A_420, %get3A_421] : memref<3x128x128xf32, #tpu.memory_space<vmem>> -> memref<1x128x128xf32, #tpu.memory_space<vmem>>
        %get3A_423 = tpu.memref_squeeze %get3A_422 : memref<1x128x128xf32, #tpu.memory_space<vmem>> -> memref<128x128xf32, #tpu.memory_space<vmem>>
        %get3A_424 = arith.index_cast %add3A_342 : i32 to index
        %get3A_425 = arith.constant 80 : index
        %get3A_426 = tpu.vector_load %get3A_423[%get3A_424, %get3A_425] {strides = array<i32>} : memref<128x128xf32, #tpu.memory_space<vmem>>, vector<16xf32>,
        %get3A_427 = arith.constant 0 : i32
        %get3A_428 = arith.constant 0 : i32
        %get3A_429 = tpu.memref_slice %arg10[%scan3A_278, %get3A_427, %get3A_428] : memref<3x128x128xf32, #tpu.memory_space<vmem>> -> memref<1x128x128xf32, #tpu.memory_space<vmem>>
        %get3A_430 = tpu.memref_squeeze %get3A_429 : memref<1x128x128xf32, #tpu.memory_space<vmem>> -> memref<128x128xf32, #tpu.memory_space<vmem>>
        %get3A_431 = arith.index_cast %add3A_342 : i32 to index
        %get3A_432 = arith.constant 80 : index
        %get3A_433 = tpu.vector_load %get3A_430[%get3A_431, %get3A_432] {strides = array<i32>} : memref<128x128xf32, #tpu.memory_space<vmem>>, vector<16xf32>,
        %mul3A_434 = arith.mulf %get3A_426, %get3A_433 : vector<16xf32>
        %add3A_435 = arith.addf %add3A_403, %mul3A_434 : vector<16xf32>
        %get3A_436 = arith.constant 0 : i32
        %get3A_437 = arith.constant 0 : i32
        %get3A_438 = tpu.memref_slice %arg9[%scan3A_277, %get3A_436, %get3A_437] : memref<3x128x128xf32, #tpu.memory_space<vmem>> -> memref<1x128x128xf32, #tpu.memory_space<vmem>>
        %get3A_439 = tpu.memref_squeeze %get3A_438 : memref<1x128x128xf32, #tpu.memory_space<vmem>> -> memref<128x128xf32, #tpu.memory_space<vmem>>
        %get3A_440 = arith.index_cast %add3A_342 : i32 to index
        %get3A_441 = arith.constant 96 : index
        %get3A_442 = tpu.vector_load %get3A_439[%get3A_440, %get3A_441] {strides = array<i32>} : memref<128x128xf32, #tpu.memory_space<vmem>>, vector<16xf32>,
        %get3A_443 = arith.constant 0 : i32
        %get3A_444 = arith.constant 0 : i32
        %get3A_445 = tpu.memref_slice %arg10[%scan3A_278, %get3A_443, %get3A_444] : memref<3x128x128xf32, #tpu.memory_space<vmem>> -> memref<1x128x128xf32, #tpu.memory_space<vmem>>
        %get3A_446 = tpu.memref_squeeze %get3A_445 : memref<1x128x128xf32, #tpu.memory_space<vmem>> -> memref<128x128xf32, #tpu.memory_space<vmem>>
        %get3A_447 = arith.index_cast %add3A_342 : i32 to index
        %get3A_448 = arith.constant 96 : index
        %get3A_449 = tpu.vector_load %get3A_446[%get3A_447, %get3A_448] {strides = array<i32>} : memref<128x128xf32, #tpu.memory_space<vmem>>, vector<16xf32>,
        %mul3A_450 = arith.mulf %get3A_442, %get3A_449 : vector<16xf32>
        %add3A_451 = arith.addf %add3A_419, %mul3A_450 : vector<16xf32>
        %get3A_452 = arith.constant 0 : i32
        %get3A_453 = arith.constant 0 : i32
        %get3A_454 = tpu.memref_slice %arg9[%scan3A_277, %get3A_452, %get3A_453] : memref<3x128x128xf32, #tpu.memory_space<vmem>> -> memref<1x128x128xf32, #tpu.memory_space<vmem>>
        %get3A_455 = tpu.memref_squeeze %get3A_454 : memref<1x128x128xf32, #tpu.memory_space<vmem>> -> memref<128x128xf32, #tpu.memory_space<vmem>>
        %get3A_456 = arith.index_cast %add3A_342 : i32 to index
        %get3A_457 = arith.constant 112 : index
        %get3A_458 = tpu.vector_load %get3A_455[%get3A_456, %get3A_457] {strides = array<i32>} : memref<128x128xf32, #tpu.memory_space<vmem>>, vector<16xf32>,
        %get3A_459 = arith.constant 0 : i32
        %get3A_460 = arith.constant 0 : i32
        %get3A_461 = tpu.memref_slice %arg10[%scan3A_278, %get3A_459, %get3A_460] : memref<3x128x128xf32, #tpu.memory_space<vmem>> -> memref<1x128x128xf32, #tpu.memory_space<vmem>>
        %get3A_462 = tpu.memref_squeeze %get3A_461 : memref<1x128x128xf32, #tpu.memory_space<vmem>> -> memref<128x128xf32, #tpu.memory_space<vmem>>
        %get3A_463 = arith.index_cast %add3A_342 : i32 to index
        %get3A_464 = arith.constant 112 : index
        %get3A_465 = tpu.vector_load %get3A_462[%get3A_463, %get3A_464] {strides = array<i32>} : memref<128x128xf32, #tpu.memory_space<vmem>>, vector<16xf32>,
        %mul3A_466 = arith.mulf %get3A_458, %get3A_465 : vector<16xf32>
        %add3A_467 = arith.addf %add3A_435, %mul3A_466 : vector<16xf32>
        %add3A_468 = arith.addf %add3A_451, %add3A_467 : vector<16xf32>
        %eq3A = vector.broadcast %scan3A_340 : i32 to vector<16xi32>
        %eq3A_469 = arith.cmpi eq, %iota3A, %eq3A : vector<16xi32>
        %reduce_sum3A = arith.constant true
        %reduce_sum3A_470 = vector.broadcast %reduce_sum3A : i1 to vector<16xi1>
        %reduce_sum3A_471 = tpu.scan <sum>, %add3A_468 masked %reduce_sum3A_470 : vector<16xf32>, vector<16xi1> -> vector<16xf32>
        %reduce_sum3A_472 = vector.extract %reduce_sum3A_471[15] : f32 from vector<16xf32>
        %broadcast_in_dim3A_473 = vector.broadcast %reduce_sum3A_472 : f32 to vector<16xf32>
        %select_n3A = arith.select %eq3A_469, %broadcast_in_dim3A_473, %scan3A_341 : vector<16xi1>, vector<16xf32>
        %scan3A_474 = arith.constant 1 : i32
        %scan3A_475 = arith.addi %scan3A_340, %scan3A_474 : i32
        %add3A_476 = arith.addi %mul3A_328, %scan3A_475 : i32
        %get3A_477 = arith.constant 0 : i32
        %get3A_478 = arith.constant 0 : i32
        %get3A_479 = tpu.memref_slice %arg9[%scan3A_277, %get3A_477, %get3A_478] : memref<3x128x128xf32, #tpu.memory_space<vmem>> -> memref<1x128x128xf32, #tpu.memory_space<vmem>>
        %get3A_480 = tpu.memref_squeeze %get3A_479 : memref<1x128x128xf32, #tpu.memory_space<vmem>> -> memref<128x128xf32, #tpu.memory_space<vmem>>
        %get3A_481 = arith.index_cast %add3A_476 : i32 to index
        %get3A_482 = arith.constant 0 : index
        %get3A_483 = tpu.vector_load %get3A_480[%get3A_481, %get3A_482] {strides = array<i32>} : memref<128x128xf32, #tpu.memory_space<vmem>>, vector<16xf32>,
        %get3A_484 = arith.constant 0 : i32
        %get3A_485 = arith.constant 0 : i32
        %get3A_486 = tpu.memref_slice %arg10[%scan3A_278, %get3A_484, %get3A_485] : memref<3x128x128xf32, #tpu.memory_space<vmem>> -> memref<1x128x128xf32, #tpu.memory_space<vmem>>
        %get3A_487 = tpu.memref_squeeze %get3A_486 : memref<1x128x128xf32, #tpu.memory_space<vmem>> -> memref<128x128xf32, #tpu.memory_space<vmem>>
        %get3A_488 = arith.index_cast %add3A_476 : i32 to index
        %get3A_489 = arith.constant 0 : index
        %get3A_490 = tpu.vector_load %get3A_487[%get3A_488, %get3A_489] {strides = array<i32>} : memref<128x128xf32, #tpu.memory_space<vmem>>, vector<16xf32>,
        %mul3A_491 = arith.mulf %get3A_483, %get3A_490 : vector<16xf32>
        %get3A_492 = arith.constant 0 : i32
        %get3A_493 = arith.constant 0 : i32
        %get3A_494 = tpu.memref_slice %arg9[%scan3A_277, %get3A_492, %get3A_493] : memref<3x128x128xf32, #tpu.memory_space<vmem>> -> memref<1x128x128xf32, #tpu.memory_space<vmem>>
        %get3A_495 = tpu.memref_squeeze %get3A_494 : memref<1x128x128xf32, #tpu.memory_space<vmem>> -> memref<128x128xf32, #tpu.memory_space<vmem>>
        %get3A_496 = arith.index_cast %add3A_476 : i32 to index
        %get3A_497 = arith.constant 16 : index
        %get3A_498 = tpu.vector_load %get3A_495[%get3A_496, %get3A_497] {strides = array<i32>} : memref<128x128xf32, #tpu.memory_space<vmem>>, vector<16xf32>,
        %get3A_499 = arith.constant 0 : i32
        %get3A_500 = arith.constant 0 : i32
        %get3A_501 = tpu.memref_slice %arg10[%scan3A_278, %get3A_499, %get3A_500] : memref<3x128x128xf32, #tpu.memory_space<vmem>> -> memref<1x128x128xf32, #tpu.memory_space<vmem>>
        %get3A_502 = tpu.memref_squeeze %get3A_501 : memref<1x128x128xf32, #tpu.memory_space<vmem>> -> memref<128x128xf32, #tpu.memory_space<vmem>>
        %get3A_503 = arith.index_cast %add3A_476 : i32 to index
        %get3A_504 = arith.constant 16 : index
        %get3A_505 = tpu.vector_load %get3A_502[%get3A_503, %get3A_504] {strides = array<i32>} : memref<128x128xf32, #tpu.memory_space<vmem>>, vector<16xf32>,
        %mul3A_506 = arith.mulf %get3A_498, %get3A_505 : vector<16xf32>
        %get3A_507 = arith.constant 0 : i32
        %get3A_508 = arith.constant 0 : i32
        %get3A_509 = tpu.memref_slice %arg9[%scan3A_277, %get3A_507, %get3A_508] : memref<3x128x128xf32, #tpu.memory_space<vmem>> -> memref<1x128x128xf32, #tpu.memory_space<vmem>>
        %get3A_510 = tpu.memref_squeeze %get3A_509 : memref<1x128x128xf32, #tpu.memory_space<vmem>> -> memref<128x128xf32, #tpu.memory_space<vmem>>
        %get3A_511 = arith.index_cast %add3A_476 : i32 to index
        %get3A_512 = arith.constant 32 : index
        %get3A_513 = tpu.vector_load %get3A_510[%get3A_511, %get3A_512] {strides = array<i32>} : memref<128x128xf32, #tpu.memory_space<vmem>>, vector<16xf32>,
        %get3A_514 = arith.constant 0 : i32
        %get3A_515 = arith.constant 0 : i32
        %get3A_516 = tpu.memref_slice %arg10[%scan3A_278, %get3A_514, %get3A_515] : memref<3x128x128xf32, #tpu.memory_space<vmem>> -> memref<1x128x128xf32, #tpu.memory_space<vmem>>
        %get3A_517 = tpu.memref_squeeze %get3A_516 : memref<1x128x128xf32, #tpu.memory_space<vmem>> -> memref<128x128xf32, #tpu.memory_space<vmem>>
        %get3A_518 = arith.index_cast %add3A_476 : i32 to index
        %get3A_519 = arith.constant 32 : index
        %get3A_520 = tpu.vector_load %get3A_517[%get3A_518, %get3A_519] {strides = array<i32>} : memref<128x128xf32, #tpu.memory_space<vmem>>, vector<16xf32>,
        %mul3A_521 = arith.mulf %get3A_513, %get3A_520 : vector<16xf32>
        %add3A_522 = arith.addf %mul3A_491, %mul3A_521 : vector<16xf32>
        %get3A_523 = arith.constant 0 : i32
        %get3A_524 = arith.constant 0 : i32
        %get3A_525 = tpu.memref_slice %arg9[%scan3A_277, %get3A_523, %get3A_524] : memref<3x128x128xf32, #tpu.memory_space<vmem>> -> memref<1x128x128xf32, #tpu.memory_space<vmem>>
        %get3A_526 = tpu.memref_squeeze %get3A_525 : memref<1x128x128xf32, #tpu.memory_space<vmem>> -> memref<128x128xf32, #tpu.memory_space<vmem>>
        %get3A_527 = arith.index_cast %add3A_476 : i32 to index
        %get3A_528 = arith.constant 48 : index
        %get3A_529 = tpu.vector_load %get3A_526[%get3A_527, %get3A_528] {strides = array<i32>} : memref<128x128xf32, #tpu.memory_space<vmem>>, vector<16xf32>,
        %get3A_530 = arith.constant 0 : i32
        %get3A_531 = arith.constant 0 : i32
        %get3A_532 = tpu.memref_slice %arg10[%scan3A_278, %get3A_530, %get3A_531] : memref<3x128x128xf32, #tpu.memory_space<vmem>> -> memref<1x128x128xf32, #tpu.memory_space<vmem>>
        %get3A_533 = tpu.memref_squeeze %get3A_532 : memref<1x128x128xf32, #tpu.memory_space<vmem>> -> memref<128x128xf32, #tpu.memory_space<vmem>>
        %get3A_534 = arith.index_cast %add3A_476 : i32 to index
        %get3A_535 = arith.constant 48 : index
        %get3A_536 = tpu.vector_load %get3A_533[%get3A_534, %get3A_535] {strides = array<i32>} : memref<128x128xf32, #tpu.memory_space<vmem>>, vector<16xf32>,
        %mul3A_537 = arith.mulf %get3A_529, %get3A_536 : vector<16xf32>
        %add3A_538 = arith.addf %mul3A_506, %mul3A_537 : vector<16xf32>
        %get3A_539 = arith.constant 0 : i32
        %get3A_540 = arith.constant 0 : i32
        %get3A_541 = tpu.memref_slice %arg9[%scan3A_277, %get3A_539, %get3A_540] : memref<3x128x128xf32, #tpu.memory_space<vmem>> -> memref<1x128x128xf32, #tpu.memory_space<vmem>>
        %get3A_542 = tpu.memref_squeeze %get3A_541 : memref<1x128x128xf32, #tpu.memory_space<vmem>> -> memref<128x128xf32, #tpu.memory_space<vmem>>
        %get3A_543 = arith.index_cast %add3A_476 : i32 to index
        %get3A_544 = arith.constant 64 : index
        %get3A_545 = tpu.vector_load %get3A_542[%get3A_543, %get3A_544] {strides = array<i32>} : memref<128x128xf32, #tpu.memory_space<vmem>>, vector<16xf32>,
        %get3A_546 = arith.constant 0 : i32
        %get3A_547 = arith.constant 0 : i32
        %get3A_548 = tpu.memref_slice %arg10[%scan3A_278, %get3A_546, %get3A_547] : memref<3x128x128xf32, #tpu.memory_space<vmem>> -> memref<1x128x128xf32, #tpu.memory_space<vmem>>
        %get3A_549 = tpu.memref_squeeze %get3A_548 : memref<1x128x128xf32, #tpu.memory_space<vmem>> -> memref<128x128xf32, #tpu.memory_space<vmem>>
        %get3A_550 = arith.index_cast %add3A_476 : i32 to index
        %get3A_551 = arith.constant 64 : index
        %get3A_552 = tpu.vector_load %get3A_549[%get3A_550, %get3A_551] {strides = array<i32>} : memref<128x128xf32, #tpu.memory_space<vmem>>, vector<16xf32>,
        %mul3A_553 = arith.mulf %get3A_545, %get3A_552 : vector<16xf32>
        %add3A_554 = arith.addf %add3A_522, %mul3A_553 : vector<16xf32>
        %get3A_555 = arith.constant 0 : i32
        %get3A_556 = arith.constant 0 : i32
        %get3A_557 = tpu.memref_slice %arg9[%scan3A_277, %get3A_555, %get3A_556] : memref<3x128x128xf32, #tpu.memory_space<vmem>> -> memref<1x128x128xf32, #tpu.memory_space<vmem>>
        %get3A_558 = tpu.memref_squeeze %get3A_557 : memref<1x128x128xf32, #tpu.memory_space<vmem>> -> memref<128x128xf32, #tpu.memory_space<vmem>>
        %get3A_559 = arith.index_cast %add3A_476 : i32 to index
        %get3A_560 = arith.constant 80 : index
        %get3A_561 = tpu.vector_load %get3A_558[%get3A_559, %get3A_560] {strides = array<i32>} : memref<128x128xf32, #tpu.memory_space<vmem>>, vector<16xf32>,
        %get3A_562 = arith.constant 0 : i32
        %get3A_563 = arith.constant 0 : i32
        %get3A_564 = tpu.memref_slice %arg10[%scan3A_278, %get3A_562, %get3A_563] : memref<3x128x128xf32, #tpu.memory_space<vmem>> -> memref<1x128x128xf32, #tpu.memory_space<vmem>>
        %get3A_565 = tpu.memref_squeeze %get3A_564 : memref<1x128x128xf32, #tpu.memory_space<vmem>> -> memref<128x128xf32, #tpu.memory_space<vmem>>
        %get3A_566 = arith.index_cast %add3A_476 : i32 to index
        %get3A_567 = arith.constant 80 : index
        %get3A_568 = tpu.vector_load %get3A_565[%get3A_566, %get3A_567] {strides = array<i32>} : memref<128x128xf32, #tpu.memory_space<vmem>>, vector<16xf32>,
        %mul3A_569 = arith.mulf %get3A_561, %get3A_568 : vector<16xf32>
        %add3A_570 = arith.addf %add3A_538, %mul3A_569 : vector<16xf32>
        %get3A_571 = arith.constant 0 : i32
        %get3A_572 = arith.constant 0 : i32
        %get3A_573 = tpu.memref_slice %arg9[%scan3A_277, %get3A_571, %get3A_572] : memref<3x128x128xf32, #tpu.memory_space<vmem>> -> memref<1x128x128xf32, #tpu.memory_space<vmem>>
        %get3A_574 = tpu.memref_squeeze %get3A_573 : memref<1x128x128xf32, #tpu.memory_space<vmem>> -> memref<128x128xf32, #tpu.memory_space<vmem>>
        %get3A_575 = arith.index_cast %add3A_476 : i32 to index
        %get3A_576 = arith.constant 96 : index
        %get3A_577 = tpu.vector_load %get3A_574[%get3A_575, %get3A_576] {strides = array<i32>} : memref<128x128xf32, #tpu.memory_space<vmem>>, vector<16xf32>,
        %get3A_578 = arith.constant 0 : i32
        %get3A_579 = arith.constant 0 : i32
        %get3A_580 = tpu.memref_slice %arg10[%scan3A_278, %get3A_578, %get3A_579] : memref<3x128x128xf32, #tpu.memory_space<vmem>> -> memref<1x128x128xf32, #tpu.memory_space<vmem>>
        %get3A_581 = tpu.memref_squeeze %get3A_580 : memref<1x128x128xf32, #tpu.memory_space<vmem>> -> memref<128x128xf32, #tpu.memory_space<vmem>>
        %get3A_582 = arith.index_cast %add3A_476 : i32 to index
        %get3A_583 = arith.constant 96 : index
        %get3A_584 = tpu.vector_load %get3A_581[%get3A_582, %get3A_583] {strides = array<i32>} : memref<128x128xf32, #tpu.memory_space<vmem>>, vector<16xf32>,
        %mul3A_585 = arith.mulf %get3A_577, %get3A_584 : vector<16xf32>
        %add3A_586 = arith.addf %add3A_554, %mul3A_585 : vector<16xf32>
        %get3A_587 = arith.constant 0 : i32
        %get3A_588 = arith.constant 0 : i32
        %get3A_589 = tpu.memref_slice %arg9[%scan3A_277, %get3A_587, %get3A_588] : memref<3x128x128xf32, #tpu.memory_space<vmem>> -> memref<1x128x128xf32, #tpu.memory_space<vmem>>
        %get3A_590 = tpu.memref_squeeze %get3A_589 : memref<1x128x128xf32, #tpu.memory_space<vmem>> -> memref<128x128xf32, #tpu.memory_space<vmem>>
        %get3A_591 = arith.index_cast %add3A_476 : i32 to index
        %get3A_592 = arith.constant 112 : index
        %get3A_593 = tpu.vector_load %get3A_590[%get3A_591, %get3A_592] {strides = array<i32>} : memref<128x128xf32, #tpu.memory_space<vmem>>, vector<16xf32>,
        %get3A_594 = arith.constant 0 : i32
        %get3A_595 = arith.constant 0 : i32
        %get3A_596 = tpu.memref_slice %arg10[%scan3A_278, %get3A_594, %get3A_595] : memref<3x128x128xf32, #tpu.memory_space<vmem>> -> memref<1x128x128xf32, #tpu.memory_space<vmem>>
        %get3A_597 = tpu.memref_squeeze %get3A_596 : memref<1x128x128xf32, #tpu.memory_space<vmem>> -> memref<128x128xf32, #tpu.memory_space<vmem>>
        %get3A_598 = arith.index_cast %add3A_476 : i32 to index
        %get3A_599 = arith.constant 112 : index
        %get3A_600 = tpu.vector_load %get3A_597[%get3A_598, %get3A_599] {strides = array<i32>} : memref<128x128xf32, #tpu.memory_space<vmem>>, vector<16xf32>,
        %mul3A_601 = arith.mulf %get3A_593, %get3A_600 : vector<16xf32>
        %add3A_602 = arith.addf %add3A_570, %mul3A_601 : vector<16xf32>
        %add3A_603 = arith.addf %add3A_586, %add3A_602 : vector<16xf32>
        %eq3A_604 = vector.broadcast %scan3A_475 : i32 to vector<16xi32>
        %eq3A_605 = arith.cmpi eq, %iota3A, %eq3A_604 : vector<16xi32>
        %reduce_sum3A_606 = arith.constant true
        %reduce_sum3A_607 = vector.broadcast %reduce_sum3A_606 : i1 to vector<16xi1>
        %reduce_sum3A_608 = tpu.scan <sum>, %add3A_603 masked %reduce_sum3A_607 : vector<16xf32>, vector<16xi1> -> vector<16xf32>
        %reduce_sum3A_609 = vector.extract %reduce_sum3A_608[15] : f32 from vector<16xf32>
        %broadcast_in_dim3A_610 = vector.broadcast %reduce_sum3A_609 : f32 to vector<16xf32>
        %select_n3A_611 = arith.select %eq3A_605, %broadcast_in_dim3A_610, %select_n3A : vector<16xi1>, vector<16xf32>
        %scan3A_612 = arith.constant 2 : i32
        %scan3A_613 = arith.addi %scan3A_340, %scan3A_612 : i32
        %add3A_614 = arith.addi %mul3A_328, %scan3A_613 : i32
        %get3A_615 = arith.constant 0 : i32
        %get3A_616 = arith.constant 0 : i32
        %get3A_617 = tpu.memref_slice %arg9[%scan3A_277, %get3A_615, %get3A_616] : memref<3x128x128xf32, #tpu.memory_space<vmem>> -> memref<1x128x128xf32, #tpu.memory_space<vmem>>
        %get3A_618 = tpu.memref_squeeze %get3A_617 : memref<1x128x128xf32, #tpu.memory_space<vmem>> -> memref<128x128xf32, #tpu.memory_space<vmem>>
        %get3A_619 = arith.index_cast %add3A_614 : i32 to index
        %get3A_620 = arith.constant 0 : index
        %get3A_621 = tpu.vector_load %get3A_618[%get3A_619, %get3A_620] {strides = array<i32>} : memref<128x128xf32, #tpu.memory_space<vmem>>, vector<16xf32>,
        %get3A_622 = arith.constant 0 : i32
        %get3A_623 = arith.constant 0 : i32
        %get3A_624 = tpu.memref_slice %arg10[%scan3A_278, %get3A_622, %get3A_623] : memref<3x128x128xf32, #tpu.memory_space<vmem>> -> memref<1x128x128xf32, #tpu.memory_space<vmem>>
        %get3A_625 = tpu.memref_squeeze %get3A_624 : memref<1x128x128xf32, #tpu.memory_space<vmem>> -> memref<128x128xf32, #tpu.memory_space<vmem>>
        %get3A_626 = arith.index_cast %add3A_614 : i32 to index
        %get3A_627 = arith.constant 0 : index
        %get3A_628 = tpu.vector_load %get3A_625[%get3A_626, %get3A_627] {strides = array<i32>} : memref<128x128xf32, #tpu.memory_space<vmem>>, vector<16xf32>,
        %mul3A_629 = arith.mulf %get3A_621, %get3A_628 : vector<16xf32>
        %get3A_630 = arith.constant 0 : i32
        %get3A_631 = arith.constant 0 : i32
        %get3A_632 = tpu.memref_slice %arg9[%scan3A_277, %get3A_630, %get3A_631] : memref<3x128x128xf32, #tpu.memory_space<vmem>> -> memref<1x128x128xf32, #tpu.memory_space<vmem>>
        %get3A_633 = tpu.memref_squeeze %get3A_632 : memref<1x128x128xf32, #tpu.memory_space<vmem>> -> memref<128x128xf32, #tpu.memory_space<vmem>>
        %get3A_634 = arith.index_cast %add3A_614 : i32 to index
        %get3A_635 = arith.constant 16 : index
        %get3A_636 = tpu.vector_load %get3A_633[%get3A_634, %get3A_635] {strides = array<i32>} : memref<128x128xf32, #tpu.memory_space<vmem>>, vector<16xf32>,
        %get3A_637 = arith.constant 0 : i32
        %get3A_638 = arith.constant 0 : i32
        %get3A_639 = tpu.memref_slice %arg10[%scan3A_278, %get3A_637, %get3A_638] : memref<3x128x128xf32, #tpu.memory_space<vmem>> -> memref<1x128x128xf32, #tpu.memory_space<vmem>>
        %get3A_640 = tpu.memref_squeeze %get3A_639 : memref<1x128x128xf32, #tpu.memory_space<vmem>> -> memref<128x128xf32, #tpu.memory_space<vmem>>
        %get3A_641 = arith.index_cast %add3A_614 : i32 to index
        %get3A_642 = arith.constant 16 : index
        %get3A_643 = tpu.vector_load %get3A_640[%get3A_641, %get3A_642] {strides = array<i32>} : memref<128x128xf32, #tpu.memory_space<vmem>>, vector<16xf32>,
        %mul3A_644 = arith.mulf %get3A_636, %get3A_643 : vector<16xf32>
        %get3A_645 = arith.constant 0 : i32
        %get3A_646 = arith.constant 0 : i32
        %get3A_647 = tpu.memref_slice %arg9[%scan3A_277, %get3A_645, %get3A_646] : memref<3x128x128xf32, #tpu.memory_space<vmem>> -> memref<1x128x128xf32, #tpu.memory_space<vmem>>
        %get3A_648 = tpu.memref_squeeze %get3A_647 : memref<1x128x128xf32, #tpu.memory_space<vmem>> -> memref<128x128xf32, #tpu.memory_space<vmem>>
        %get3A_649 = arith.index_cast %add3A_614 : i32 to index
        %get3A_650 = arith.constant 32 : index
        %get3A_651 = tpu.vector_load %get3A_648[%get3A_649, %get3A_650] {strides = array<i32>} : memref<128x128xf32, #tpu.memory_space<vmem>>, vector<16xf32>,
        %get3A_652 = arith.constant 0 : i32
        %get3A_653 = arith.constant 0 : i32
        %get3A_654 = tpu.memref_slice %arg10[%scan3A_278, %get3A_652, %get3A_653] : memref<3x128x128xf32, #tpu.memory_space<vmem>> -> memref<1x128x128xf32, #tpu.memory_space<vmem>>
        %get3A_655 = tpu.memref_squeeze %get3A_654 : memref<1x128x128xf32, #tpu.memory_space<vmem>> -> memref<128x128xf32, #tpu.memory_space<vmem>>
        %get3A_656 = arith.index_cast %add3A_614 : i32 to index
        %get3A_657 = arith.constant 32 : index
        %get3A_658 = tpu.vector_load %get3A_655[%get3A_656, %get3A_657] {strides = array<i32>} : memref<128x128xf32, #tpu.memory_space<vmem>>, vector<16xf32>,
        %mul3A_659 = arith.mulf %get3A_651, %get3A_658 : vector<16xf32>
        %add3A_660 = arith.addf %mul3A_629, %mul3A_659 : vector<16xf32>
        %get3A_661 = arith.constant 0 : i32
        %get3A_662 = arith.constant 0 : i32
        %get3A_663 = tpu.memref_slice %arg9[%scan3A_277, %get3A_661, %get3A_662] : memref<3x128x128xf32, #tpu.memory_space<vmem>> -> memref<1x128x128xf32, #tpu.memory_space<vmem>>
        %get3A_664 = tpu.memref_squeeze %get3A_663 : memref<1x128x128xf32, #tpu.memory_space<vmem>> -> memref<128x128xf32, #tpu.memory_space<vmem>>
        %get3A_665 = arith.index_cast %add3A_614 : i32 to index
        %get3A_666 = arith.constant 48 : index
        %get3A_667 = tpu.vector_load %get3A_664[%get3A_665, %get3A_666] {strides = array<i32>} : memref<128x128xf32, #tpu.memory_space<vmem>>, vector<16xf32>,
        %get3A_668 = arith.constant 0 : i32
        %get3A_669 = arith.constant 0 : i32
        %get3A_670 = tpu.memref_slice %arg10[%scan3A_278, %get3A_668, %get3A_669] : memref<3x128x128xf32, #tpu.memory_space<vmem>> -> memref<1x128x128xf32, #tpu.memory_space<vmem>>
        %get3A_671 = tpu.memref_squeeze %get3A_670 : memref<1x128x128xf32, #tpu.memory_space<vmem>> -> memref<128x128xf32, #tpu.memory_space<vmem>>
        %get3A_672 = arith.index_cast %add3A_614 : i32 to index
        %get3A_673 = arith.constant 48 : index
        %get3A_674 = tpu.vector_load %get3A_671[%get3A_672, %get3A_673] {strides = array<i32>} : memref<128x128xf32, #tpu.memory_space<vmem>>, vector<16xf32>,
        %mul3A_675 = arith.mulf %get3A_667, %get3A_674 : vector<16xf32>
        %add3A_676 = arith.addf %mul3A_644, %mul3A_675 : vector<16xf32>
        %get3A_677 = arith.constant 0 : i32
        %get3A_678 = arith.constant 0 : i32
        %get3A_679 = tpu.memref_slice %arg9[%scan3A_277, %get3A_677, %get3A_678] : memref<3x128x128xf32, #tpu.memory_space<vmem>> -> memref<1x128x128xf32, #tpu.memory_space<vmem>>
        %get3A_680 = tpu.memref_squeeze %get3A_679 : memref<1x128x128xf32, #tpu.memory_space<vmem>> -> memref<128x128xf32, #tpu.memory_space<vmem>>
        %get3A_681 = arith.index_cast %add3A_614 : i32 to index
        %get3A_682 = arith.constant 64 : index
        %get3A_683 = tpu.vector_load %get3A_680[%get3A_681, %get3A_682] {strides = array<i32>} : memref<128x128xf32, #tpu.memory_space<vmem>>, vector<16xf32>,
        %get3A_684 = arith.constant 0 : i32
        %get3A_685 = arith.constant 0 : i32
        %get3A_686 = tpu.memref_slice %arg10[%scan3A_278, %get3A_684, %get3A_685] : memref<3x128x128xf32, #tpu.memory_space<vmem>> -> memref<1x128x128xf32, #tpu.memory_space<vmem>>
        %get3A_687 = tpu.memref_squeeze %get3A_686 : memref<1x128x128xf32, #tpu.memory_space<vmem>> -> memref<128x128xf32, #tpu.memory_space<vmem>>
        %get3A_688 = arith.index_cast %add3A_614 : i32 to index
        %get3A_689 = arith.constant 64 : index
        %get3A_690 = tpu.vector_load %get3A_687[%get3A_688, %get3A_689] {strides = array<i32>} : memref<128x128xf32, #tpu.memory_space<vmem>>, vector<16xf32>,
        %mul3A_691 = arith.mulf %get3A_683, %get3A_690 : vector<16xf32>
        %add3A_692 = arith.addf %add3A_660, %mul3A_691 : vector<16xf32>
        %get3A_693 = arith.constant 0 : i32
        %get3A_694 = arith.constant 0 : i32
        %get3A_695 = tpu.memref_slice %arg9[%scan3A_277, %get3A_693, %get3A_694] : memref<3x128x128xf32, #tpu.memory_space<vmem>> -> memref<1x128x128xf32, #tpu.memory_space<vmem>>
        %get3A_696 = tpu.memref_squeeze %get3A_695 : memref<1x128x128xf32, #tpu.memory_space<vmem>> -> memref<128x128xf32, #tpu.memory_space<vmem>>
        %get3A_697 = arith.index_cast %add3A_614 : i32 to index
        %get3A_698 = arith.constant 80 : index
        %get3A_699 = tpu.vector_load %get3A_696[%get3A_697, %get3A_698] {strides = array<i32>} : memref<128x128xf32, #tpu.memory_space<vmem>>, vector<16xf32>,
        %get3A_700 = arith.constant 0 : i32
        %get3A_701 = arith.constant 0 : i32
        %get3A_702 = tpu.memref_slice %arg10[%scan3A_278, %get3A_700, %get3A_701] : memref<3x128x128xf32, #tpu.memory_space<vmem>> -> memref<1x128x128xf32, #tpu.memory_space<vmem>>
        %get3A_703 = tpu.memref_squeeze %get3A_702 : memref<1x128x128xf32, #tpu.memory_space<vmem>> -> memref<128x128xf32, #tpu.memory_space<vmem>>
        %get3A_704 = arith.index_cast %add3A_614 : i32 to index
        %get3A_705 = arith.constant 80 : index
        %get3A_706 = tpu.vector_load %get3A_703[%get3A_704, %get3A_705] {strides = array<i32>} : memref<128x128xf32, #tpu.memory_space<vmem>>, vector<16xf32>,
        %mul3A_707 = arith.mulf %get3A_699, %get3A_706 : vector<16xf32>
        %add3A_708 = arith.addf %add3A_676, %mul3A_707 : vector<16xf32>
        %get3A_709 = arith.constant 0 : i32
        %get3A_710 = arith.constant 0 : i32
        %get3A_711 = tpu.memref_slice %arg9[%scan3A_277, %get3A_709, %get3A_710] : memref<3x128x128xf32, #tpu.memory_space<vmem>> -> memref<1x128x128xf32, #tpu.memory_space<vmem>>
        %get3A_712 = tpu.memref_squeeze %get3A_711 : memref<1x128x128xf32, #tpu.memory_space<vmem>> -> memref<128x128xf32, #tpu.memory_space<vmem>>
        %get3A_713 = arith.index_cast %add3A_614 : i32 to index
        %get3A_714 = arith.constant 96 : index
        %get3A_715 = tpu.vector_load %get3A_712[%get3A_713, %get3A_714] {strides = array<i32>} : memref<128x128xf32, #tpu.memory_space<vmem>>, vector<16xf32>,
        %get3A_716 = arith.constant 0 : i32
        %get3A_717 = arith.constant 0 : i32
        %get3A_718 = tpu.memref_slice %arg10[%scan3A_278, %get3A_716, %get3A_717] : memref<3x128x128xf32, #tpu.memory_space<vmem>> -> memref<1x128x128xf32, #tpu.memory_space<vmem>>
        %get3A_719 = tpu.memref_squeeze %get3A_718 : memref<1x128x128xf32, #tpu.memory_space<vmem>> -> memref<128x128xf32, #tpu.memory_space<vmem>>
        %get3A_720 = arith.index_cast %add3A_614 : i32 to index
        %get3A_721 = arith.constant 96 : index
        %get3A_722 = tpu.vector_load %get3A_719[%get3A_720, %get3A_721] {strides = array<i32>} : memref<128x128xf32, #tpu.memory_space<vmem>>, vector<16xf32>,
        %mul3A_723 = arith.mulf %get3A_715, %get3A_722 : vector<16xf32>
        %add3A_724 = arith.addf %add3A_692, %mul3A_723 : vector<16xf32>
        %get3A_725 = arith.constant 0 : i32
        %get3A_726 = arith.constant 0 : i32
        %get3A_727 = tpu.memref_slice %arg9[%scan3A_277, %get3A_725, %get3A_726] : memref<3x128x128xf32, #tpu.memory_space<vmem>> -> memref<1x128x128xf32, #tpu.memory_space<vmem>>
        %get3A_728 = tpu.memref_squeeze %get3A_727 : memref<1x128x128xf32, #tpu.memory_space<vmem>> -> memref<128x128xf32, #tpu.memory_space<vmem>>
        %get3A_729 = arith.index_cast %add3A_614 : i32 to index
        %get3A_730 = arith.constant 112 : index
        %get3A_731 = tpu.vector_load %get3A_728[%get3A_729, %get3A_730] {strides = array<i32>} : memref<128x128xf32, #tpu.memory_space<vmem>>, vector<16xf32>,
        %get3A_732 = arith.constant 0 : i32
        %get3A_733 = arith.constant 0 : i32
        %get3A_734 = tpu.memref_slice %arg10[%scan3A_278, %get3A_732, %get3A_733] : memref<3x128x128xf32, #tpu.memory_space<vmem>> -> memref<1x128x128xf32, #tpu.memory_space<vmem>>
        %get3A_735 = tpu.memref_squeeze %get3A_734 : memref<1x128x128xf32, #tpu.memory_space<vmem>> -> memref<128x128xf32, #tpu.memory_space<vmem>>
        %get3A_736 = arith.index_cast %add3A_614 : i32 to index
        %get3A_737 = arith.constant 112 : index
        %get3A_738 = tpu.vector_load %get3A_735[%get3A_736, %get3A_737] {strides = array<i32>} : memref<128x128xf32, #tpu.memory_space<vmem>>, vector<16xf32>,
        %mul3A_739 = arith.mulf %get3A_731, %get3A_738 : vector<16xf32>
        %add3A_740 = arith.addf %add3A_708, %mul3A_739 : vector<16xf32>
        %add3A_741 = arith.addf %add3A_724, %add3A_740 : vector<16xf32>
        %eq3A_742 = vector.broadcast %scan3A_613 : i32 to vector<16xi32>
        %eq3A_743 = arith.cmpi eq, %iota3A, %eq3A_742 : vector<16xi32>
        %reduce_sum3A_744 = arith.constant true
        %reduce_sum3A_745 = vector.broadcast %reduce_sum3A_744 : i1 to vector<16xi1>
        %reduce_sum3A_746 = tpu.scan <sum>, %add3A_741 masked %reduce_sum3A_745 : vector<16xf32>, vector<16xi1> -> vector<16xf32>
        %reduce_sum3A_747 = vector.extract %reduce_sum3A_746[15] : f32 from vector<16xf32>
        %broadcast_in_dim3A_748 = vector.broadcast %reduce_sum3A_747 : f32 to vector<16xf32>
        %select_n3A_749 = arith.select %eq3A_743, %broadcast_in_dim3A_748, %select_n3A_611 : vector<16xi1>, vector<16xf32>
        %scan3A_750 = arith.constant 3 : i32
        %scan3A_751 = arith.addi %scan3A_340, %scan3A_750 : i32
        %add3A_752 = arith.addi %mul3A_328, %scan3A_751 : i32
        %get3A_753 = arith.constant 0 : i32
        %get3A_754 = arith.constant 0 : i32
        %get3A_755 = tpu.memref_slice %arg9[%scan3A_277, %get3A_753, %get3A_754] : memref<3x128x128xf32, #tpu.memory_space<vmem>> -> memref<1x128x128xf32, #tpu.memory_space<vmem>>
        %get3A_756 = tpu.memref_squeeze %get3A_755 : memref<1x128x128xf32, #tpu.memory_space<vmem>> -> memref<128x128xf32, #tpu.memory_space<vmem>>
        %get3A_757 = arith.index_cast %add3A_752 : i32 to index
        %get3A_758 = arith.constant 0 : index
        %get3A_759 = tpu.vector_load %get3A_756[%get3A_757, %get3A_758] {strides = array<i32>} : memref<128x128xf32, #tpu.memory_space<vmem>>, vector<16xf32>,
        %get3A_760 = arith.constant 0 : i32
        %get3A_761 = arith.constant 0 : i32
        %get3A_762 = tpu.memref_slice %arg10[%scan3A_278, %get3A_760, %get3A_761] : memref<3x128x128xf32, #tpu.memory_space<vmem>> -> memref<1x128x128xf32, #tpu.memory_space<vmem>>
        %get3A_763 = tpu.memref_squeeze %get3A_762 : memref<1x128x128xf32, #tpu.memory_space<vmem>> -> memref<128x128xf32, #tpu.memory_space<vmem>>
        %get3A_764 = arith.index_cast %add3A_752 : i32 to index
        %get3A_765 = arith.constant 0 : index
        %get3A_766 = tpu.vector_load %get3A_763[%get3A_764, %get3A_765] {strides = array<i32>} : memref<128x128xf32, #tpu.memory_space<vmem>>, vector<16xf32>,
        %mul3A_767 = arith.mulf %get3A_759, %get3A_766 : vector<16xf32>
        %get3A_768 = arith.constant 0 : i32
        %get3A_769 = arith.constant 0 : i32
        %get3A_770 = tpu.memref_slice %arg9[%scan3A_277, %get3A_768, %get3A_769] : memref<3x128x128xf32, #tpu.memory_space<vmem>> -> memref<1x128x128xf32, #tpu.memory_space<vmem>>
        %get3A_771 = tpu.memref_squeeze %get3A_770 : memref<1x128x128xf32, #tpu.memory_space<vmem>> -> memref<128x128xf32, #tpu.memory_space<vmem>>
        %get3A_772 = arith.index_cast %add3A_752 : i32 to index
        %get3A_773 = arith.constant 16 : index
        %get3A_774 = tpu.vector_load %get3A_771[%get3A_772, %get3A_773] {strides = array<i32>} : memref<128x128xf32, #tpu.memory_space<vmem>>, vector<16xf32>,
        %get3A_775 = arith.constant 0 : i32
        %get3A_776 = arith.constant 0 : i32
        %get3A_777 = tpu.memref_slice %arg10[%scan3A_278, %get3A_775, %get3A_776] : memref<3x128x128xf32, #tpu.memory_space<vmem>> -> memref<1x128x128xf32, #tpu.memory_space<vmem>>
        %get3A_778 = tpu.memref_squeeze %get3A_777 : memref<1x128x128xf32, #tpu.memory_space<vmem>> -> memref<128x128xf32, #tpu.memory_space<vmem>>
        %get3A_779 = arith.index_cast %add3A_752 : i32 to index
        %get3A_780 = arith.constant 16 : index
        %get3A_781 = tpu.vector_load %get3A_778[%get3A_779, %get3A_780] {strides = array<i32>} : memref<128x128xf32, #tpu.memory_space<vmem>>, vector<16xf32>,
        %mul3A_782 = arith.mulf %get3A_774, %get3A_781 : vector<16xf32>
        %get3A_783 = arith.constant 0 : i32
        %get3A_784 = arith.constant 0 : i32
        %get3A_785 = tpu.memref_slice %arg9[%scan3A_277, %get3A_783, %get3A_784] : memref<3x128x128xf32, #tpu.memory_space<vmem>> -> memref<1x128x128xf32, #tpu.memory_space<vmem>>
        %get3A_786 = tpu.memref_squeeze %get3A_785 : memref<1x128x128xf32, #tpu.memory_space<vmem>> -> memref<128x128xf32, #tpu.memory_space<vmem>>
        %get3A_787 = arith.index_cast %add3A_752 : i32 to index
        %get3A_788 = arith.constant 32 : index
        %get3A_789 = tpu.vector_load %get3A_786[%get3A_787, %get3A_788] {strides = array<i32>} : memref<128x128xf32, #tpu.memory_space<vmem>>, vector<16xf32>,
        %get3A_790 = arith.constant 0 : i32
        %get3A_791 = arith.constant 0 : i32
        %get3A_792 = tpu.memref_slice %arg10[%scan3A_278, %get3A_790, %get3A_791] : memref<3x128x128xf32, #tpu.memory_space<vmem>> -> memref<1x128x128xf32, #tpu.memory_space<vmem>>
        %get3A_793 = tpu.memref_squeeze %get3A_792 : memref<1x128x128xf32, #tpu.memory_space<vmem>> -> memref<128x128xf32, #tpu.memory_space<vmem>>
        %get3A_794 = arith.index_cast %add3A_752 : i32 to index
        %get3A_795 = arith.constant 32 : index
        %get3A_796 = tpu.vector_load %get3A_793[%get3A_794, %get3A_795] {strides = array<i32>} : memref<128x128xf32, #tpu.memory_space<vmem>>, vector<16xf32>,
        %mul3A_797 = arith.mulf %get3A_789, %get3A_796 : vector<16xf32>
        %add3A_798 = arith.addf %mul3A_767, %mul3A_797 : vector<16xf32>
        %get3A_799 = arith.constant 0 : i32
        %get3A_800 = arith.constant 0 : i32
        %get3A_801 = tpu.memref_slice %arg9[%scan3A_277, %get3A_799, %get3A_800] : memref<3x128x128xf32, #tpu.memory_space<vmem>> -> memref<1x128x128xf32, #tpu.memory_space<vmem>>
        %get3A_802 = tpu.memref_squeeze %get3A_801 : memref<1x128x128xf32, #tpu.memory_space<vmem>> -> memref<128x128xf32, #tpu.memory_space<vmem>>
        %get3A_803 = arith.index_cast %add3A_752 : i32 to index
        %get3A_804 = arith.constant 48 : index
        %get3A_805 = tpu.vector_load %get3A_802[%get3A_803, %get3A_804] {strides = array<i32>} : memref<128x128xf32, #tpu.memory_space<vmem>>, vector<16xf32>,
        %get3A_806 = arith.constant 0 : i32
        %get3A_807 = arith.constant 0 : i32
        %get3A_808 = tpu.memref_slice %arg10[%scan3A_278, %get3A_806, %get3A_807] : memref<3x128x128xf32, #tpu.memory_space<vmem>> -> memref<1x128x128xf32, #tpu.memory_space<vmem>>
        %get3A_809 = tpu.memref_squeeze %get3A_808 : memref<1x128x128xf32, #tpu.memory_space<vmem>> -> memref<128x128xf32, #tpu.memory_space<vmem>>
        %get3A_810 = arith.index_cast %add3A_752 : i32 to index
        %get3A_811 = arith.constant 48 : index
        %get3A_812 = tpu.vector_load %get3A_809[%get3A_810, %get3A_811] {strides = array<i32>} : memref<128x128xf32, #tpu.memory_space<vmem>>, vector<16xf32>,
        %mul3A_813 = arith.mulf %get3A_805, %get3A_812 : vector<16xf32>
        %add3A_814 = arith.addf %mul3A_782, %mul3A_813 : vector<16xf32>
        %get3A_815 = arith.constant 0 : i32
        %get3A_816 = arith.constant 0 : i32
        %get3A_817 = tpu.memref_slice %arg9[%scan3A_277, %get3A_815, %get3A_816] : memref<3x128x128xf32, #tpu.memory_space<vmem>> -> memref<1x128x128xf32, #tpu.memory_space<vmem>>
        %get3A_818 = tpu.memref_squeeze %get3A_817 : memref<1x128x128xf32, #tpu.memory_space<vmem>> -> memref<128x128xf32, #tpu.memory_space<vmem>>
        %get3A_819 = arith.index_cast %add3A_752 : i32 to index
        %get3A_820 = arith.constant 64 : index
        %get3A_821 = tpu.vector_load %get3A_818[%get3A_819, %get3A_820] {strides = array<i32>} : memref<128x128xf32, #tpu.memory_space<vmem>>, vector<16xf32>,
        %get3A_822 = arith.constant 0 : i32
        %get3A_823 = arith.constant 0 : i32
        %get3A_824 = tpu.memref_slice %arg10[%scan3A_278, %get3A_822, %get3A_823] : memref<3x128x128xf32, #tpu.memory_space<vmem>> -> memref<1x128x128xf32, #tpu.memory_space<vmem>>
        %get3A_825 = tpu.memref_squeeze %get3A_824 : memref<1x128x128xf32, #tpu.memory_space<vmem>> -> memref<128x128xf32, #tpu.memory_space<vmem>>
        %get3A_826 = arith.index_cast %add3A_752 : i32 to index
        %get3A_827 = arith.constant 64 : index
        %get3A_828 = tpu.vector_load %get3A_825[%get3A_826, %get3A_827] {strides = array<i32>} : memref<128x128xf32, #tpu.memory_space<vmem>>, vector<16xf32>,
        %mul3A_829 = arith.mulf %get3A_821, %get3A_828 : vector<16xf32>
        %add3A_830 = arith.addf %add3A_798, %mul3A_829 : vector<16xf32>
        %get3A_831 = arith.constant 0 : i32
        %get3A_832 = arith.constant 0 : i32
        %get3A_833 = tpu.memref_slice %arg9[%scan3A_277, %get3A_831, %get3A_832] : memref<3x128x128xf32, #tpu.memory_space<vmem>> -> memref<1x128x128xf32, #tpu.memory_space<vmem>>
        %get3A_834 = tpu.memref_squeeze %get3A_833 : memref<1x128x128xf32, #tpu.memory_space<vmem>> -> memref<128x128xf32, #tpu.memory_space<vmem>>
        %get3A_835 = arith.index_cast %add3A_752 : i32 to index
        %get3A_836 = arith.constant 80 : index
        %get3A_837 = tpu.vector_load %get3A_834[%get3A_835, %get3A_836] {strides = array<i32>} : memref<128x128xf32, #tpu.memory_space<vmem>>, vector<16xf32>,
        %get3A_838 = arith.constant 0 : i32
        %get3A_839 = arith.constant 0 : i32
        %get3A_840 = tpu.memref_slice %arg10[%scan3A_278, %get3A_838, %get3A_839] : memref<3x128x128xf32, #tpu.memory_space<vmem>> -> memref<1x128x128xf32, #tpu.memory_space<vmem>>
        %get3A_841 = tpu.memref_squeeze %get3A_840 : memref<1x128x128xf32, #tpu.memory_space<vmem>> -> memref<128x128xf32, #tpu.memory_space<vmem>>
        %get3A_842 = arith.index_cast %add3A_752 : i32 to index
        %get3A_843 = arith.constant 80 : index
        %get3A_844 = tpu.vector_load %get3A_841[%get3A_842, %get3A_843] {strides = array<i32>} : memref<128x128xf32, #tpu.memory_space<vmem>>, vector<16xf32>,
        %mul3A_845 = arith.mulf %get3A_837, %get3A_844 : vector<16xf32>
        %add3A_846 = arith.addf %add3A_814, %mul3A_845 : vector<16xf32>
        %get3A_847 = arith.constant 0 : i32
        %get3A_848 = arith.constant 0 : i32
        %get3A_849 = tpu.memref_slice %arg9[%scan3A_277, %get3A_847, %get3A_848] : memref<3x128x128xf32, #tpu.memory_space<vmem>> -> memref<1x128x128xf32, #tpu.memory_space<vmem>>
        %get3A_850 = tpu.memref_squeeze %get3A_849 : memref<1x128x128xf32, #tpu.memory_space<vmem>> -> memref<128x128xf32, #tpu.memory_space<vmem>>
        %get3A_851 = arith.index_cast %add3A_752 : i32 to index
        %get3A_852 = arith.constant 96 : index
        %get3A_853 = tpu.vector_load %get3A_850[%get3A_851, %get3A_852] {strides = array<i32>} : memref<128x128xf32, #tpu.memory_space<vmem>>, vector<16xf32>,
        %get3A_854 = arith.constant 0 : i32
        %get3A_855 = arith.constant 0 : i32
        %get3A_856 = tpu.memref_slice %arg10[%scan3A_278, %get3A_854, %get3A_855] : memref<3x128x128xf32, #tpu.memory_space<vmem>> -> memref<1x128x128xf32, #tpu.memory_space<vmem>>
        %get3A_857 = tpu.memref_squeeze %get3A_856 : memref<1x128x128xf32, #tpu.memory_space<vmem>> -> memref<128x128xf32, #tpu.memory_space<vmem>>
        %get3A_858 = arith.index_cast %add3A_752 : i32 to index
        %get3A_859 = arith.constant 96 : index
        %get3A_860 = tpu.vector_load %get3A_857[%get3A_858, %get3A_859] {strides = array<i32>} : memref<128x128xf32, #tpu.memory_space<vmem>>, vector<16xf32>,
        %mul3A_861 = arith.mulf %get3A_853, %get3A_860 : vector<16xf32>
        %add3A_862 = arith.addf %add3A_830, %mul3A_861 : vector<16xf32>
        %get3A_863 = arith.constant 0 : i32
        %get3A_864 = arith.constant 0 : i32
        %get3A_865 = tpu.memref_slice %arg9[%scan3A_277, %get3A_863, %get3A_864] : memref<3x128x128xf32, #tpu.memory_space<vmem>> -> memref<1x128x128xf32, #tpu.memory_space<vmem>>
        %get3A_866 = tpu.memref_squeeze %get3A_865 : memref<1x128x128xf32, #tpu.memory_space<vmem>> -> memref<128x128xf32, #tpu.memory_space<vmem>>
        %get3A_867 = arith.index_cast %add3A_752 : i32 to index
        %get3A_868 = arith.constant 112 : index
        %get3A_869 = tpu.vector_load %get3A_866[%get3A_867, %get3A_868] {strides = array<i32>} : memref<128x128xf32, #tpu.memory_space<vmem>>, vector<16xf32>,
        %get3A_870 = arith.constant 0 : i32
        %get3A_871 = arith.constant 0 : i32
        %get3A_872 = tpu.memref_slice %arg10[%scan3A_278, %get3A_870, %get3A_871] : memref<3x128x128xf32, #tpu.memory_space<vmem>> -> memref<1x128x128xf32, #tpu.memory_space<vmem>>
        %get3A_873 = tpu.memref_squeeze %get3A_872 : memref<1x128x128xf32, #tpu.memory_space<vmem>> -> memref<128x128xf32, #tpu.memory_space<vmem>>
        %get3A_874 = arith.index_cast %add3A_752 : i32 to index
        %get3A_875 = arith.constant 112 : index
        %get3A_876 = tpu.vector_load %get3A_873[%get3A_874, %get3A_875] {strides = array<i32>} : memref<128x128xf32, #tpu.memory_space<vmem>>, vector<16xf32>,
        %mul3A_877 = arith.mulf %get3A_869, %get3A_876 : vector<16xf32>
        %add3A_878 = arith.addf %add3A_846, %mul3A_877 : vector<16xf32>
        %add3A_879 = arith.addf %add3A_862, %add3A_878 : vector<16xf32>
        %eq3A_880 = vector.broadcast %scan3A_751 : i32 to vector<16xi32>
        %eq3A_881 = arith.cmpi eq, %iota3A, %eq3A_880 : vector<16xi32>
        %reduce_sum3A_882 = arith.constant true
        %reduce_sum3A_883 = vector.broadcast %reduce_sum3A_882 : i1 to vector<16xi1>
        %reduce_sum3A_884 = tpu.scan <sum>, %add3A_879 masked %reduce_sum3A_883 : vector<16xf32>, vector<16xi1> -> vector<16xf32>
        %reduce_sum3A_885 = vector.extract %reduce_sum3A_884[15] : f32 from vector<16xf32>
        %broadcast_in_dim3A_886 = vector.broadcast %reduce_sum3A_885 : f32 to vector<16xf32>
        %select_n3A_887 = arith.select %eq3A_881, %broadcast_in_dim3A_886, %select_n3A_749 : vector<16xi1>, vector<16xf32>
        scf.yield %select_n3A_887 : vector<16xf32>
      }
      %scan3A_335 = arith.constant 16 : i32
      %add3A_336 = arith.constant 256 : i32
      %add3A_337 = arith.addi %add3A_336, %mul3A_328 : i32
      %swap3A = arith.index_cast %add3A_337 : i32 to index
      %swap3A_338 = tpu.vector_load %arg11[%swap3A] {strides = array<i32>} : memref<512xf32, #tpu.memory_space<vmem>>, vector<16xf32>,
      tpu.vector_store %arg11[%swap3A], %scan3A_334 {strides = array<i32>} : memref<512xf32, #tpu.memory_space<vmem>>, vector<16xf32>,
      %scan3A_339 = arith.constant 0 : i32
      scf.yield %scan3A_339 : i32
    }
    %scan3A_285 = arith.constant 8 : i32
    %dma_wait3A_286 = arith.constant 1 : i32
    %dma_wait3A_287 = arith.constant 1 : i32
    %dma_wait3A_288 = arith.constant 0 : i32
    %dma_wait3A_289 = arith.constant 0 : i32
    %dma_wait3A_290 = arith.constant 0 : i32
    %dma_wait3A_291 = tpu.memref_slice %arg9[%dma_wait3A_286, %dma_wait3A_289, %dma_wait3A_290] : memref<3x128x128xf32, #tpu.memory_space<vmem>> -> memref<1x128x128xf32, #tpu.memory_space<vmem>>
    %dma_wait3A_292 = tpu.memref_squeeze %dma_wait3A_291 : memref<1x128x128xf32, #tpu.memory_space<vmem>> -> memref<128x128xf32, #tpu.memory_space<vmem>>
    %dma_wait3A_293 = arith.constant 384 : i32
    %dma_wait3A_294 = tpu.memref_slice %arg7[%dma_wait3A_293] : memref<512xi32, #tpu.memory_space<vmem>> -> memref<128xi32, #tpu.memory_space<vmem>>
    %dma_wait3A_295 = arith.constant 0 : i32
    %dma_wait3A_296 = arith.constant 0 : i32
    %dma_wait3A_297 = tpu.memref_slice %arg4[%dma_wait3A_295, %dma_wait3A_296] : memref<100000x128xf32, #tpu.memory_space<hbm>> -> memref<100000x128xf32, #tpu.memory_space<hbm>>
    %dma_wait3A_298 = tpu.memref_slice %arg12[%dma_wait3A_287, %dma_wait3A_288] : memref<3x2x!tpu.dma_semaphore, #tpu.memory_space<semaphore_mem>> -> memref<1x1x!tpu.dma_semaphore, #tpu.memory_space<semaphore_mem>>
    %dma_wait3A_299 = tpu.memref_squeeze %dma_wait3A_298 : memref<1x1x!tpu.dma_semaphore, #tpu.memory_space<semaphore_mem>> -> memref<!tpu.dma_semaphore, #tpu.memory_space<semaphore_mem>>
    tpu.wait_indirect_dma semaphore(%dma_wait3A_299 : memref<!tpu.dma_semaphore, #tpu.memory_space<semaphore_mem>>) src(%dma_wait3A_297 : memref<100000x128xf32, #tpu.memory_space<hbm>>) dst(%dma_wait3A_292 : memref<128x128xf32, #tpu.memory_space<vmem>>)
    %dma_wait3A_300 = arith.constant 1 : i32
    %dma_wait3A_301 = arith.constant 1 : i32
    %dma_wait3A_302 = arith.constant 1 : i32
    %dma_wait3A_303 = arith.constant 0 : i32
    %dma_wait3A_304 = arith.constant 0 : i32
    %dma_wait3A_305 = tpu.memref_slice %arg10[%dma_wait3A_300, %dma_wait3A_303, %dma_wait3A_304] : memref<3x128x128xf32, #tpu.memory_space<vmem>> -> memref<1x128x128xf32, #tpu.memory_space<vmem>>
    %dma_wait3A_306 = tpu.memref_squeeze %dma_wait3A_305 : memref<1x128x128xf32, #tpu.memory_space<vmem>> -> memref<128x128xf32, #tpu.memory_space<vmem>>
    %dma_wait3A_307 = arith.constant 384 : i32
    %dma_wait3A_308 = tpu.memref_slice %arg8[%dma_wait3A_307] : memref<512xi32, #tpu.memory_space<vmem>> -> memref<128xi32, #tpu.memory_space<vmem>>
    %dma_wait3A_309 = arith.constant 0 : i32
    %dma_wait3A_310 = arith.constant 0 : i32
    %dma_wait3A_311 = tpu.memref_slice %arg5[%dma_wait3A_309, %dma_wait3A_310] : memref<100000x128xf32, #tpu.memory_space<hbm>> -> memref<100000x128xf32, #tpu.memory_space<hbm>>
    %dma_wait3A_312 = tpu.memref_slice %arg12[%dma_wait3A_301, %dma_wait3A_302] : memref<3x2x!tpu.dma_semaphore, #tpu.memory_space<semaphore_mem>> -> memref<1x1x!tpu.dma_semaphore, #tpu.memory_space<semaphore_mem>>
    %dma_wait3A_313 = tpu.memref_squeeze %dma_wait3A_312 : memref<1x1x!tpu.dma_semaphore, #tpu.memory_space<semaphore_mem>> -> memref<!tpu.dma_semaphore, #tpu.memory_space<semaphore_mem>>
    tpu.wait_indirect_dma semaphore(%dma_wait3A_313 : memref<!tpu.dma_semaphore, #tpu.memory_space<semaphore_mem>>) src(%dma_wait3A_311 : memref<100000x128xf32, #tpu.memory_space<hbm>>) dst(%dma_wait3A_306 : memref<128x128xf32, #tpu.memory_space<vmem>>)
    %scan3A_314 = arith.constant 1 : i32
    %scan3A_315 = arith.constant 1 : i32
    %scan3A_316 = arith.constant 0 : i32
    %scan3A_317 = arith.constant 0 : i32
    %scan3A_318 = arith.constant 8 : i32
    %scan3A_319 = arith.addi %scan3A_317, %scan3A_318 : i32
    %scan3A_320 = arith.constant 1 : i32
    %scan3A_321 = scf.for %scan3A_325 = %scan3A_317 to %scan3A_319 step %scan3A_320 iter_args(%scan3A_326 = %scan3A_316) -> (i32)  : i32 {
      %mul3A_327 = arith.constant 16 : i32
      %mul3A_328 = arith.muli %scan3A_325, %mul3A_327 : i32
      %broadcast_in_dim3A = arith.constant 0.000000e+00 : f32
      %broadcast_in_dim3A_329 = vector.broadcast %broadcast_in_dim3A : f32 to vector<16xf32>
      %scan3A_330 = arith.constant 0 : i32
      %scan3A_331 = arith.constant 16 : i32
      %scan3A_332 = arith.addi %scan3A_330, %scan3A_331 : i32
      %scan3A_333 = arith.constant 4 : i32
      %scan3A_334 = scf.for %scan3A_340 = %scan3A_330 to %scan3A_332 step %scan3A_333 iter_args(%scan3A_341 = %broadcast_in_dim3A_329) -> (vector<16xf32>)  : i32 {
        %add3A_342 = arith.addi %mul3A_328, %scan3A_340 : i32
        %get3A = arith.constant 0 : i32
        %get3A_343 = arith.constant 0 : i32
        %get3A_344 = tpu.memref_slice %arg9[%scan3A_314, %get3A, %get3A_343] : memref<3x128x128xf32, #tpu.memory_space<vmem>> -> memref<1x128x128xf32, #tpu.memory_space<vmem>>
        %get3A_345 = tpu.memref_squeeze %get3A_344 : memref<1x128x128xf32, #tpu.memory_space<vmem>> -> memref<128x128xf32, #tpu.memory_space<vmem>>
        %get3A_346 = arith.index_cast %add3A_342 : i32 to index
        %get3A_347 = arith.constant 0 : index
        %get3A_348 = tpu.vector_load %get3A_345[%get3A_346, %get3A_347] {strides = array<i32>} : memref<128x128xf32, #tpu.memory_space<vmem>>, vector<16xf32>,
        %get3A_349 = arith.constant 0 : i32
        %get3A_350 = arith.constant 0 : i32
        %get3A_351 = tpu.memref_slice %arg10[%scan3A_315, %get3A_349, %get3A_350] : memref<3x128x128xf32, #tpu.memory_space<vmem>> -> memref<1x128x128xf32, #tpu.memory_space<vmem>>
        %get3A_352 = tpu.memref_squeeze %get3A_351 : memref<1x128x128xf32, #tpu.memory_space<vmem>> -> memref<128x128xf32, #tpu.memory_space<vmem>>
        %get3A_353 = arith.index_cast %add3A_342 : i32 to index
        %get3A_354 = arith.constant 0 : index
        %get3A_355 = tpu.vector_load %get3A_352[%get3A_353, %get3A_354] {strides = array<i32>} : memref<128x128xf32, #tpu.memory_space<vmem>>, vector<16xf32>,
        %mul3A_356 = arith.mulf %get3A_348, %get3A_355 : vector<16xf32>
        %get3A_357 = arith.constant 0 : i32
        %get3A_358 = arith.constant 0 : i32
        %get3A_359 = tpu.memref_slice %arg9[%scan3A_314, %get3A_357, %get3A_358] : memref<3x128x128xf32, #tpu.memory_space<vmem>> -> memref<1x128x128xf32, #tpu.memory_space<vmem>>
        %get3A_360 = tpu.memref_squeeze %get3A_359 : memref<1x128x128xf32, #tpu.memory_space<vmem>> -> memref<128x128xf32, #tpu.memory_space<vmem>>
        %get3A_361 = arith.index_cast %add3A_342 : i32 to index
        %get3A_362 = arith.constant 16 : index
        %get3A_363 = tpu.vector_load %get3A_360[%get3A_361, %get3A_362] {strides = array<i32>} : memref<128x128xf32, #tpu.memory_space<vmem>>, vector<16xf32>,
        %get3A_364 = arith.constant 0 : i32
        %get3A_365 = arith.constant 0 : i32
        %get3A_366 = tpu.memref_slice %arg10[%scan3A_315, %get3A_364, %get3A_365] : memref<3x128x128xf32, #tpu.memory_space<vmem>> -> memref<1x128x128xf32, #tpu.memory_space<vmem>>
        %get3A_367 = tpu.memref_squeeze %get3A_366 : memref<1x128x128xf32, #tpu.memory_space<vmem>> -> memref<128x128xf32, #tpu.memory_space<vmem>>
        %get3A_368 = arith.index_cast %add3A_342 : i32 to index
        %get3A_369 = arith.constant 16 : index
        %get3A_370 = tpu.vector_load %get3A_367[%get3A_368, %get3A_369] {strides = array<i32>} : memref<128x128xf32, #tpu.memory_space<vmem>>, vector<16xf32>,
        %mul3A_371 = arith.mulf %get3A_363, %get3A_370 : vector<16xf32>
        %get3A_372 = arith.constant 0 : i32
        %get3A_373 = arith.constant 0 : i32
        %get3A_374 = tpu.memref_slice %arg9[%scan3A_314, %get3A_372, %get3A_373] : memref<3x128x128xf32, #tpu.memory_space<vmem>> -> memref<1x128x128xf32, #tpu.memory_space<vmem>>
        %get3A_375 = tpu.memref_squeeze %get3A_374 : memref<1x128x128xf32, #tpu.memory_space<vmem>> -> memref<128x128xf32, #tpu.memory_space<vmem>>
        %get3A_376 = arith.index_cast %add3A_342 : i32 to index
        %get3A_377 = arith.constant 32 : index
        %get3A_378 = tpu.vector_load %get3A_375[%get3A_376, %get3A_377] {strides = array<i32>} : memref<128x128xf32, #tpu.memory_space<vmem>>, vector<16xf32>,
        %get3A_379 = arith.constant 0 : i32
        %get3A_380 = arith.constant 0 : i32
        %get3A_381 = tpu.memref_slice %arg10[%scan3A_315, %get3A_379, %get3A_380] : memref<3x128x128xf32, #tpu.memory_space<vmem>> -> memref<1x128x128xf32, #tpu.memory_space<vmem>>
        %get3A_382 = tpu.memref_squeeze %get3A_381 : memref<1x128x128xf32, #tpu.memory_space<vmem>> -> memref<128x128xf32, #tpu.memory_space<vmem>>
        %get3A_383 = arith.index_cast %add3A_342 : i32 to index
        %get3A_384 = arith.constant 32 : index
        %get3A_385 = tpu.vector_load %get3A_382[%get3A_383, %get3A_384] {strides = array<i32>} : memref<128x128xf32, #tpu.memory_space<vmem>>, vector<16xf32>,
        %mul3A_386 = arith.mulf %get3A_378, %get3A_385 : vector<16xf32>
        %add3A_387 = arith.addf %mul3A_356, %mul3A_386 : vector<16xf32>
        %get3A_388 = arith.constant 0 : i32
        %get3A_389 = arith.constant 0 : i32
        %get3A_390 = tpu.memref_slice %arg9[%scan3A_314, %get3A_388, %get3A_389] : memref<3x128x128xf32, #tpu.memory_space<vmem>> -> memref<1x128x128xf32, #tpu.memory_space<vmem>>
        %get3A_391 = tpu.memref_squeeze %get3A_390 : memref<1x128x128xf32, #tpu.memory_space<vmem>> -> memref<128x128xf32, #tpu.memory_space<vmem>>
        %get3A_392 = arith.index_cast %add3A_342 : i32 to index
        %get3A_393 = arith.constant 48 : index
        %get3A_394 = tpu.vector_load %get3A_391[%get3A_392, %get3A_393] {strides = array<i32>} : memref<128x128xf32, #tpu.memory_space<vmem>>, vector<16xf32>,
        %get3A_395 = arith.constant 0 : i32
        %get3A_396 = arith.constant 0 : i32
        %get3A_397 = tpu.memref_slice %arg10[%scan3A_315, %get3A_395, %get3A_396] : memref<3x128x128xf32, #tpu.memory_space<vmem>> -> memref<1x128x128xf32, #tpu.memory_space<vmem>>
        %get3A_398 = tpu.memref_squeeze %get3A_397 : memref<1x128x128xf32, #tpu.memory_space<vmem>> -> memref<128x128xf32, #tpu.memory_space<vmem>>
        %get3A_399 = arith.index_cast %add3A_342 : i32 to index
        %get3A_400 = arith.constant 48 : index
        %get3A_401 = tpu.vector_load %get3A_398[%get3A_399, %get3A_400] {strides = array<i32>} : memref<128x128xf32, #tpu.memory_space<vmem>>, vector<16xf32>,
        %mul3A_402 = arith.mulf %get3A_394, %get3A_401 : vector<16xf32>
        %add3A_403 = arith.addf %mul3A_371, %mul3A_402 : vector<16xf32>
        %get3A_404 = arith.constant 0 : i32
        %get3A_405 = arith.constant 0 : i32
        %get3A_406 = tpu.memref_slice %arg9[%scan3A_314, %get3A_404, %get3A_405] : memref<3x128x128xf32, #tpu.memory_space<vmem>> -> memref<1x128x128xf32, #tpu.memory_space<vmem>>
        %get3A_407 = tpu.memref_squeeze %get3A_406 : memref<1x128x128xf32, #tpu.memory_space<vmem>> -> memref<128x128xf32, #tpu.memory_space<vmem>>
        %get3A_408 = arith.index_cast %add3A_342 : i32 to index
        %get3A_409 = arith.constant 64 : index
        %get3A_410 = tpu.vector_load %get3A_407[%get3A_408, %get3A_409] {strides = array<i32>} : memref<128x128xf32, #tpu.memory_space<vmem>>, vector<16xf32>,
        %get3A_411 = arith.constant 0 : i32
        %get3A_412 = arith.constant 0 : i32
        %get3A_413 = tpu.memref_slice %arg10[%scan3A_315, %get3A_411, %get3A_412] : memref<3x128x128xf32, #tpu.memory_space<vmem>> -> memref<1x128x128xf32, #tpu.memory_space<vmem>>
        %get3A_414 = tpu.memref_squeeze %get3A_413 : memref<1x128x128xf32, #tpu.memory_space<vmem>> -> memref<128x128xf32, #tpu.memory_space<vmem>>
        %get3A_415 = arith.index_cast %add3A_342 : i32 to index
        %get3A_416 = arith.constant 64 : index
        %get3A_417 = tpu.vector_load %get3A_414[%get3A_415, %get3A_416] {strides = array<i32>} : memref<128x128xf32, #tpu.memory_space<vmem>>, vector<16xf32>,
        %mul3A_418 = arith.mulf %get3A_410, %get3A_417 : vector<16xf32>
        %add3A_419 = arith.addf %add3A_387, %mul3A_418 : vector<16xf32>
        %get3A_420 = arith.constant 0 : i32
        %get3A_421 = arith.constant 0 : i32
        %get3A_422 = tpu.memref_slice %arg9[%scan3A_314, %get3A_420, %get3A_421] : memref<3x128x128xf32, #tpu.memory_space<vmem>> -> memref<1x128x128xf32, #tpu.memory_space<vmem>>
        %get3A_423 = tpu.memref_squeeze %get3A_422 : memref<1x128x128xf32, #tpu.memory_space<vmem>> -> memref<128x128xf32, #tpu.memory_space<vmem>>
        %get3A_424 = arith.index_cast %add3A_342 : i32 to index
        %get3A_425 = arith.constant 80 : index
        %get3A_426 = tpu.vector_load %get3A_423[%get3A_424, %get3A_425] {strides = array<i32>} : memref<128x128xf32, #tpu.memory_space<vmem>>, vector<16xf32>,
        %get3A_427 = arith.constant 0 : i32
        %get3A_428 = arith.constant 0 : i32
        %get3A_429 = tpu.memref_slice %arg10[%scan3A_315, %get3A_427, %get3A_428] : memref<3x128x128xf32, #tpu.memory_space<vmem>> -> memref<1x128x128xf32, #tpu.memory_space<vmem>>
        %get3A_430 = tpu.memref_squeeze %get3A_429 : memref<1x128x128xf32, #tpu.memory_space<vmem>> -> memref<128x128xf32, #tpu.memory_space<vmem>>
        %get3A_431 = arith.index_cast %add3A_342 : i32 to index
        %get3A_432 = arith.constant 80 : index
        %get3A_433 = tpu.vector_load %get3A_430[%get3A_431, %get3A_432] {strides = array<i32>} : memref<128x128xf32, #tpu.memory_space<vmem>>, vector<16xf32>,
        %mul3A_434 = arith.mulf %get3A_426, %get3A_433 : vector<16xf32>
        %add3A_435 = arith.addf %add3A_403, %mul3A_434 : vector<16xf32>
        %get3A_436 = arith.constant 0 : i32
        %get3A_437 = arith.constant 0 : i32
        %get3A_438 = tpu.memref_slice %arg9[%scan3A_314, %get3A_436, %get3A_437] : memref<3x128x128xf32, #tpu.memory_space<vmem>> -> memref<1x128x128xf32, #tpu.memory_space<vmem>>
        %get3A_439 = tpu.memref_squeeze %get3A_438 : memref<1x128x128xf32, #tpu.memory_space<vmem>> -> memref<128x128xf32, #tpu.memory_space<vmem>>
        %get3A_440 = arith.index_cast %add3A_342 : i32 to index
        %get3A_441 = arith.constant 96 : index
        %get3A_442 = tpu.vector_load %get3A_439[%get3A_440, %get3A_441] {strides = array<i32>} : memref<128x128xf32, #tpu.memory_space<vmem>>, vector<16xf32>,
        %get3A_443 = arith.constant 0 : i32
        %get3A_444 = arith.constant 0 : i32
        %get3A_445 = tpu.memref_slice %arg10[%scan3A_315, %get3A_443, %get3A_444] : memref<3x128x128xf32, #tpu.memory_space<vmem>> -> memref<1x128x128xf32, #tpu.memory_space<vmem>>
        %get3A_446 = tpu.memref_squeeze %get3A_445 : memref<1x128x128xf32, #tpu.memory_space<vmem>> -> memref<128x128xf32, #tpu.memory_space<vmem>>
        %get3A_447 = arith.index_cast %add3A_342 : i32 to index
        %get3A_448 = arith.constant 96 : index
        %get3A_449 = tpu.vector_load %get3A_446[%get3A_447, %get3A_448] {strides = array<i32>} : memref<128x128xf32, #tpu.memory_space<vmem>>, vector<16xf32>,
        %mul3A_450 = arith.mulf %get3A_442, %get3A_449 : vector<16xf32>
        %add3A_451 = arith.addf %add3A_419, %mul3A_450 : vector<16xf32>
        %get3A_452 = arith.constant 0 : i32
        %get3A_453 = arith.constant 0 : i32
        %get3A_454 = tpu.memref_slice %arg9[%scan3A_314, %get3A_452, %get3A_453] : memref<3x128x128xf32, #tpu.memory_space<vmem>> -> memref<1x128x128xf32, #tpu.memory_space<vmem>>
        %get3A_455 = tpu.memref_squeeze %get3A_454 : memref<1x128x128xf32, #tpu.memory_space<vmem>> -> memref<128x128xf32, #tpu.memory_space<vmem>>
        %get3A_456 = arith.index_cast %add3A_342 : i32 to index
        %get3A_457 = arith.constant 112 : index
        %get3A_458 = tpu.vector_load %get3A_455[%get3A_456, %get3A_457] {strides = array<i32>} : memref<128x128xf32, #tpu.memory_space<vmem>>, vector<16xf32>,
        %get3A_459 = arith.constant 0 : i32
        %get3A_460 = arith.constant 0 : i32
        %get3A_461 = tpu.memref_slice %arg10[%scan3A_315, %get3A_459, %get3A_460] : memref<3x128x128xf32, #tpu.memory_space<vmem>> -> memref<1x128x128xf32, #tpu.memory_space<vmem>>
        %get3A_462 = tpu.memref_squeeze %get3A_461 : memref<1x128x128xf32, #tpu.memory_space<vmem>> -> memref<128x128xf32, #tpu.memory_space<vmem>>
        %get3A_463 = arith.index_cast %add3A_342 : i32 to index
        %get3A_464 = arith.constant 112 : index
        %get3A_465 = tpu.vector_load %get3A_462[%get3A_463, %get3A_464] {strides = array<i32>} : memref<128x128xf32, #tpu.memory_space<vmem>>, vector<16xf32>,
        %mul3A_466 = arith.mulf %get3A_458, %get3A_465 : vector<16xf32>
        %add3A_467 = arith.addf %add3A_435, %mul3A_466 : vector<16xf32>
        %add3A_468 = arith.addf %add3A_451, %add3A_467 : vector<16xf32>
        %eq3A = vector.broadcast %scan3A_340 : i32 to vector<16xi32>
        %eq3A_469 = arith.cmpi eq, %iota3A, %eq3A : vector<16xi32>
        %reduce_sum3A = arith.constant true
        %reduce_sum3A_470 = vector.broadcast %reduce_sum3A : i1 to vector<16xi1>
        %reduce_sum3A_471 = tpu.scan <sum>, %add3A_468 masked %reduce_sum3A_470 : vector<16xf32>, vector<16xi1> -> vector<16xf32>
        %reduce_sum3A_472 = vector.extract %reduce_sum3A_471[15] : f32 from vector<16xf32>
        %broadcast_in_dim3A_473 = vector.broadcast %reduce_sum3A_472 : f32 to vector<16xf32>
        %select_n3A = arith.select %eq3A_469, %broadcast_in_dim3A_473, %scan3A_341 : vector<16xi1>, vector<16xf32>
        %scan3A_474 = arith.constant 1 : i32
        %scan3A_475 = arith.addi %scan3A_340, %scan3A_474 : i32
        %add3A_476 = arith.addi %mul3A_328, %scan3A_475 : i32
        %get3A_477 = arith.constant 0 : i32
        %get3A_478 = arith.constant 0 : i32
        %get3A_479 = tpu.memref_slice %arg9[%scan3A_314, %get3A_477, %get3A_478] : memref<3x128x128xf32, #tpu.memory_space<vmem>> -> memref<1x128x128xf32, #tpu.memory_space<vmem>>
        %get3A_480 = tpu.memref_squeeze %get3A_479 : memref<1x128x128xf32, #tpu.memory_space<vmem>> -> memref<128x128xf32, #tpu.memory_space<vmem>>
        %get3A_481 = arith.index_cast %add3A_476 : i32 to index
        %get3A_482 = arith.constant 0 : index
        %get3A_483 = tpu.vector_load %get3A_480[%get3A_481, %get3A_482] {strides = array<i32>} : memref<128x128xf32, #tpu.memory_space<vmem>>, vector<16xf32>,
        %get3A_484 = arith.constant 0 : i32
        %get3A_485 = arith.constant 0 : i32
        %get3A_486 = tpu.memref_slice %arg10[%scan3A_315, %get3A_484, %get3A_485] : memref<3x128x128xf32, #tpu.memory_space<vmem>> -> memref<1x128x128xf32, #tpu.memory_space<vmem>>
        %get3A_487 = tpu.memref_squeeze %get3A_486 : memref<1x128x128xf32, #tpu.memory_space<vmem>> -> memref<128x128xf32, #tpu.memory_space<vmem>>
        %get3A_488 = arith.index_cast %add3A_476 : i32 to index
        %get3A_489 = arith.constant 0 : index
        %get3A_490 = tpu.vector_load %get3A_487[%get3A_488, %get3A_489] {strides = array<i32>} : memref<128x128xf32, #tpu.memory_space<vmem>>, vector<16xf32>,
        %mul3A_491 = arith.mulf %get3A_483, %get3A_490 : vector<16xf32>
        %get3A_492 = arith.constant 0 : i32
        %get3A_493 = arith.constant 0 : i32
        %get3A_494 = tpu.memref_slice %arg9[%scan3A_314, %get3A_492, %get3A_493] : memref<3x128x128xf32, #tpu.memory_space<vmem>> -> memref<1x128x128xf32, #tpu.memory_space<vmem>>
        %get3A_495 = tpu.memref_squeeze %get3A_494 : memref<1x128x128xf32, #tpu.memory_space<vmem>> -> memref<128x128xf32, #tpu.memory_space<vmem>>
        %get3A_496 = arith.index_cast %add3A_476 : i32 to index
        %get3A_497 = arith.constant 16 : index
        %get3A_498 = tpu.vector_load %get3A_495[%get3A_496, %get3A_497] {strides = array<i32>} : memref<128x128xf32, #tpu.memory_space<vmem>>, vector<16xf32>,
        %get3A_499 = arith.constant 0 : i32
        %get3A_500 = arith.constant 0 : i32
        %get3A_501 = tpu.memref_slice %arg10[%scan3A_315, %get3A_499, %get3A_500] : memref<3x128x128xf32, #tpu.memory_space<vmem>> -> memref<1x128x128xf32, #tpu.memory_space<vmem>>
        %get3A_502 = tpu.memref_squeeze %get3A_501 : memref<1x128x128xf32, #tpu.memory_space<vmem>> -> memref<128x128xf32, #tpu.memory_space<vmem>>
        %get3A_503 = arith.index_cast %add3A_476 : i32 to index
        %get3A_504 = arith.constant 16 : index
        %get3A_505 = tpu.vector_load %get3A_502[%get3A_503, %get3A_504] {strides = array<i32>} : memref<128x128xf32, #tpu.memory_space<vmem>>, vector<16xf32>,
        %mul3A_506 = arith.mulf %get3A_498, %get3A_505 : vector<16xf32>
        %get3A_507 = arith.constant 0 : i32
        %get3A_508 = arith.constant 0 : i32
        %get3A_509 = tpu.memref_slice %arg9[%scan3A_314, %get3A_507, %get3A_508] : memref<3x128x128xf32, #tpu.memory_space<vmem>> -> memref<1x128x128xf32, #tpu.memory_space<vmem>>
        %get3A_510 = tpu.memref_squeeze %get3A_509 : memref<1x128x128xf32, #tpu.memory_space<vmem>> -> memref<128x128xf32, #tpu.memory_space<vmem>>
        %get3A_511 = arith.index_cast %add3A_476 : i32 to index
        %get3A_512 = arith.constant 32 : index
        %get3A_513 = tpu.vector_load %get3A_510[%get3A_511, %get3A_512] {strides = array<i32>} : memref<128x128xf32, #tpu.memory_space<vmem>>, vector<16xf32>,
        %get3A_514 = arith.constant 0 : i32
        %get3A_515 = arith.constant 0 : i32
        %get3A_516 = tpu.memref_slice %arg10[%scan3A_315, %get3A_514, %get3A_515] : memref<3x128x128xf32, #tpu.memory_space<vmem>> -> memref<1x128x128xf32, #tpu.memory_space<vmem>>
        %get3A_517 = tpu.memref_squeeze %get3A_516 : memref<1x128x128xf32, #tpu.memory_space<vmem>> -> memref<128x128xf32, #tpu.memory_space<vmem>>
        %get3A_518 = arith.index_cast %add3A_476 : i32 to index
        %get3A_519 = arith.constant 32 : index
        %get3A_520 = tpu.vector_load %get3A_517[%get3A_518, %get3A_519] {strides = array<i32>} : memref<128x128xf32, #tpu.memory_space<vmem>>, vector<16xf32>,
        %mul3A_521 = arith.mulf %get3A_513, %get3A_520 : vector<16xf32>
        %add3A_522 = arith.addf %mul3A_491, %mul3A_521 : vector<16xf32>
        %get3A_523 = arith.constant 0 : i32
        %get3A_524 = arith.constant 0 : i32
        %get3A_525 = tpu.memref_slice %arg9[%scan3A_314, %get3A_523, %get3A_524] : memref<3x128x128xf32, #tpu.memory_space<vmem>> -> memref<1x128x128xf32, #tpu.memory_space<vmem>>
        %get3A_526 = tpu.memref_squeeze %get3A_525 : memref<1x128x128xf32, #tpu.memory_space<vmem>> -> memref<128x128xf32, #tpu.memory_space<vmem>>
        %get3A_527 = arith.index_cast %add3A_476 : i32 to index
        %get3A_528 = arith.constant 48 : index
        %get3A_529 = tpu.vector_load %get3A_526[%get3A_527, %get3A_528] {strides = array<i32>} : memref<128x128xf32, #tpu.memory_space<vmem>>, vector<16xf32>,
        %get3A_530 = arith.constant 0 : i32
        %get3A_531 = arith.constant 0 : i32
        %get3A_532 = tpu.memref_slice %arg10[%scan3A_315, %get3A_530, %get3A_531] : memref<3x128x128xf32, #tpu.memory_space<vmem>> -> memref<1x128x128xf32, #tpu.memory_space<vmem>>
        %get3A_533 = tpu.memref_squeeze %get3A_532 : memref<1x128x128xf32, #tpu.memory_space<vmem>> -> memref<128x128xf32, #tpu.memory_space<vmem>>
        %get3A_534 = arith.index_cast %add3A_476 : i32 to index
        %get3A_535 = arith.constant 48 : index
        %get3A_536 = tpu.vector_load %get3A_533[%get3A_534, %get3A_535] {strides = array<i32>} : memref<128x128xf32, #tpu.memory_space<vmem>>, vector<16xf32>,
        %mul3A_537 = arith.mulf %get3A_529, %get3A_536 : vector<16xf32>
        %add3A_538 = arith.addf %mul3A_506, %mul3A_537 : vector<16xf32>
        %get3A_539 = arith.constant 0 : i32
        %get3A_540 = arith.constant 0 : i32
        %get3A_541 = tpu.memref_slice %arg9[%scan3A_314, %get3A_539, %get3A_540] : memref<3x128x128xf32, #tpu.memory_space<vmem>> -> memref<1x128x128xf32, #tpu.memory_space<vmem>>
        %get3A_542 = tpu.memref_squeeze %get3A_541 : memref<1x128x128xf32, #tpu.memory_space<vmem>> -> memref<128x128xf32, #tpu.memory_space<vmem>>
        %get3A_543 = arith.index_cast %add3A_476 : i32 to index
        %get3A_544 = arith.constant 64 : index
        %get3A_545 = tpu.vector_load %get3A_542[%get3A_543, %get3A_544] {strides = array<i32>} : memref<128x128xf32, #tpu.memory_space<vmem>>, vector<16xf32>,
        %get3A_546 = arith.constant 0 : i32
        %get3A_547 = arith.constant 0 : i32
        %get3A_548 = tpu.memref_slice %arg10[%scan3A_315, %get3A_546, %get3A_547] : memref<3x128x128xf32, #tpu.memory_space<vmem>> -> memref<1x128x128xf32, #tpu.memory_space<vmem>>
        %get3A_549 = tpu.memref_squeeze %get3A_548 : memref<1x128x128xf32, #tpu.memory_space<vmem>> -> memref<128x128xf32, #tpu.memory_space<vmem>>
        %get3A_550 = arith.index_cast %add3A_476 : i32 to index
        %get3A_551 = arith.constant 64 : index
        %get3A_552 = tpu.vector_load %get3A_549[%get3A_550, %get3A_551] {strides = array<i32>} : memref<128x128xf32, #tpu.memory_space<vmem>>, vector<16xf32>,
        %mul3A_553 = arith.mulf %get3A_545, %get3A_552 : vector<16xf32>
        %add3A_554 = arith.addf %add3A_522, %mul3A_553 : vector<16xf32>
        %get3A_555 = arith.constant 0 : i32
        %get3A_556 = arith.constant 0 : i32
        %get3A_557 = tpu.memref_slice %arg9[%scan3A_314, %get3A_555, %get3A_556] : memref<3x128x128xf32, #tpu.memory_space<vmem>> -> memref<1x128x128xf32, #tpu.memory_space<vmem>>
        %get3A_558 = tpu.memref_squeeze %get3A_557 : memref<1x128x128xf32, #tpu.memory_space<vmem>> -> memref<128x128xf32, #tpu.memory_space<vmem>>
        %get3A_559 = arith.index_cast %add3A_476 : i32 to index
        %get3A_560 = arith.constant 80 : index
        %get3A_561 = tpu.vector_load %get3A_558[%get3A_559, %get3A_560] {strides = array<i32>} : memref<128x128xf32, #tpu.memory_space<vmem>>, vector<16xf32>,
        %get3A_562 = arith.constant 0 : i32
        %get3A_563 = arith.constant 0 : i32
        %get3A_564 = tpu.memref_slice %arg10[%scan3A_315, %get3A_562, %get3A_563] : memref<3x128x128xf32, #tpu.memory_space<vmem>> -> memref<1x128x128xf32, #tpu.memory_space<vmem>>
        %get3A_565 = tpu.memref_squeeze %get3A_564 : memref<1x128x128xf32, #tpu.memory_space<vmem>> -> memref<128x128xf32, #tpu.memory_space<vmem>>
        %get3A_566 = arith.index_cast %add3A_476 : i32 to index
        %get3A_567 = arith.constant 80 : index
        %get3A_568 = tpu.vector_load %get3A_565[%get3A_566, %get3A_567] {strides = array<i32>} : memref<128x128xf32, #tpu.memory_space<vmem>>, vector<16xf32>,
        %mul3A_569 = arith.mulf %get3A_561, %get3A_568 : vector<16xf32>
        %add3A_570 = arith.addf %add3A_538, %mul3A_569 : vector<16xf32>
        %get3A_571 = arith.constant 0 : i32
        %get3A_572 = arith.constant 0 : i32
        %get3A_573 = tpu.memref_slice %arg9[%scan3A_314, %get3A_571, %get3A_572] : memref<3x128x128xf32, #tpu.memory_space<vmem>> -> memref<1x128x128xf32, #tpu.memory_space<vmem>>
        %get3A_574 = tpu.memref_squeeze %get3A_573 : memref<1x128x128xf32, #tpu.memory_space<vmem>> -> memref<128x128xf32, #tpu.memory_space<vmem>>
        %get3A_575 = arith.index_cast %add3A_476 : i32 to index
        %get3A_576 = arith.constant 96 : index
        %get3A_577 = tpu.vector_load %get3A_574[%get3A_575, %get3A_576] {strides = array<i32>} : memref<128x128xf32, #tpu.memory_space<vmem>>, vector<16xf32>,
        %get3A_578 = arith.constant 0 : i32
        %get3A_579 = arith.constant 0 : i32
        %get3A_580 = tpu.memref_slice %arg10[%scan3A_315, %get3A_578, %get3A_579] : memref<3x128x128xf32, #tpu.memory_space<vmem>> -> memref<1x128x128xf32, #tpu.memory_space<vmem>>
        %get3A_581 = tpu.memref_squeeze %get3A_580 : memref<1x128x128xf32, #tpu.memory_space<vmem>> -> memref<128x128xf32, #tpu.memory_space<vmem>>
        %get3A_582 = arith.index_cast %add3A_476 : i32 to index
        %get3A_583 = arith.constant 96 : index
        %get3A_584 = tpu.vector_load %get3A_581[%get3A_582, %get3A_583] {strides = array<i32>} : memref<128x128xf32, #tpu.memory_space<vmem>>, vector<16xf32>,
        %mul3A_585 = arith.mulf %get3A_577, %get3A_584 : vector<16xf32>
        %add3A_586 = arith.addf %add3A_554, %mul3A_585 : vector<16xf32>
        %get3A_587 = arith.constant 0 : i32
        %get3A_588 = arith.constant 0 : i32
        %get3A_589 = tpu.memref_slice %arg9[%scan3A_314, %get3A_587, %get3A_588] : memref<3x128x128xf32, #tpu.memory_space<vmem>> -> memref<1x128x128xf32, #tpu.memory_space<vmem>>
        %get3A_590 = tpu.memref_squeeze %get3A_589 : memref<1x128x128xf32, #tpu.memory_space<vmem>> -> memref<128x128xf32, #tpu.memory_space<vmem>>
        %get3A_591 = arith.index_cast %add3A_476 : i32 to index
        %get3A_592 = arith.constant 112 : index
        %get3A_593 = tpu.vector_load %get3A_590[%get3A_591, %get3A_592] {strides = array<i32>} : memref<128x128xf32, #tpu.memory_space<vmem>>, vector<16xf32>,
        %get3A_594 = arith.constant 0 : i32
        %get3A_595 = arith.constant 0 : i32
        %get3A_596 = tpu.memref_slice %arg10[%scan3A_315, %get3A_594, %get3A_595] : memref<3x128x128xf32, #tpu.memory_space<vmem>> -> memref<1x128x128xf32, #tpu.memory_space<vmem>>
        %get3A_597 = tpu.memref_squeeze %get3A_596 : memref<1x128x128xf32, #tpu.memory_space<vmem>> -> memref<128x128xf32, #tpu.memory_space<vmem>>
        %get3A_598 = arith.index_cast %add3A_476 : i32 to index
        %get3A_599 = arith.constant 112 : index
        %get3A_600 = tpu.vector_load %get3A_597[%get3A_598, %get3A_599] {strides = array<i32>} : memref<128x128xf32, #tpu.memory_space<vmem>>, vector<16xf32>,
        %mul3A_601 = arith.mulf %get3A_593, %get3A_600 : vector<16xf32>
        %add3A_602 = arith.addf %add3A_570, %mul3A_601 : vector<16xf32>
        %add3A_603 = arith.addf %add3A_586, %add3A_602 : vector<16xf32>
        %eq3A_604 = vector.broadcast %scan3A_475 : i32 to vector<16xi32>
        %eq3A_605 = arith.cmpi eq, %iota3A, %eq3A_604 : vector<16xi32>
        %reduce_sum3A_606 = arith.constant true
        %reduce_sum3A_607 = vector.broadcast %reduce_sum3A_606 : i1 to vector<16xi1>
        %reduce_sum3A_608 = tpu.scan <sum>, %add3A_603 masked %reduce_sum3A_607 : vector<16xf32>, vector<16xi1> -> vector<16xf32>
        %reduce_sum3A_609 = vector.extract %reduce_sum3A_608[15] : f32 from vector<16xf32>
        %broadcast_in_dim3A_610 = vector.broadcast %reduce_sum3A_609 : f32 to vector<16xf32>
        %select_n3A_611 = arith.select %eq3A_605, %broadcast_in_dim3A_610, %select_n3A : vector<16xi1>, vector<16xf32>
        %scan3A_612 = arith.constant 2 : i32
        %scan3A_613 = arith.addi %scan3A_340, %scan3A_612 : i32
        %add3A_614 = arith.addi %mul3A_328, %scan3A_613 : i32
        %get3A_615 = arith.constant 0 : i32
        %get3A_616 = arith.constant 0 : i32
        %get3A_617 = tpu.memref_slice %arg9[%scan3A_314, %get3A_615, %get3A_616] : memref<3x128x128xf32, #tpu.memory_space<vmem>> -> memref<1x128x128xf32, #tpu.memory_space<vmem>>
        %get3A_618 = tpu.memref_squeeze %get3A_617 : memref<1x128x128xf32, #tpu.memory_space<vmem>> -> memref<128x128xf32, #tpu.memory_space<vmem>>
        %get3A_619 = arith.index_cast %add3A_614 : i32 to index
        %get3A_620 = arith.constant 0 : index
        %get3A_621 = tpu.vector_load %get3A_618[%get3A_619, %get3A_620] {strides = array<i32>} : memref<128x128xf32, #tpu.memory_space<vmem>>, vector<16xf32>,
        %get3A_622 = arith.constant 0 : i32
        %get3A_623 = arith.constant 0 : i32
        %get3A_624 = tpu.memref_slice %arg10[%scan3A_315, %get3A_622, %get3A_623] : memref<3x128x128xf32, #tpu.memory_space<vmem>> -> memref<1x128x128xf32, #tpu.memory_space<vmem>>
        %get3A_625 = tpu.memref_squeeze %get3A_624 : memref<1x128x128xf32, #tpu.memory_space<vmem>> -> memref<128x128xf32, #tpu.memory_space<vmem>>
        %get3A_626 = arith.index_cast %add3A_614 : i32 to index
        %get3A_627 = arith.constant 0 : index
        %get3A_628 = tpu.vector_load %get3A_625[%get3A_626, %get3A_627] {strides = array<i32>} : memref<128x128xf32, #tpu.memory_space<vmem>>, vector<16xf32>,
        %mul3A_629 = arith.mulf %get3A_621, %get3A_628 : vector<16xf32>
        %get3A_630 = arith.constant 0 : i32
        %get3A_631 = arith.constant 0 : i32
        %get3A_632 = tpu.memref_slice %arg9[%scan3A_314, %get3A_630, %get3A_631] : memref<3x128x128xf32, #tpu.memory_space<vmem>> -> memref<1x128x128xf32, #tpu.memory_space<vmem>>
        %get3A_633 = tpu.memref_squeeze %get3A_632 : memref<1x128x128xf32, #tpu.memory_space<vmem>> -> memref<128x128xf32, #tpu.memory_space<vmem>>
        %get3A_634 = arith.index_cast %add3A_614 : i32 to index
        %get3A_635 = arith.constant 16 : index
        %get3A_636 = tpu.vector_load %get3A_633[%get3A_634, %get3A_635] {strides = array<i32>} : memref<128x128xf32, #tpu.memory_space<vmem>>, vector<16xf32>,
        %get3A_637 = arith.constant 0 : i32
        %get3A_638 = arith.constant 0 : i32
        %get3A_639 = tpu.memref_slice %arg10[%scan3A_315, %get3A_637, %get3A_638] : memref<3x128x128xf32, #tpu.memory_space<vmem>> -> memref<1x128x128xf32, #tpu.memory_space<vmem>>
        %get3A_640 = tpu.memref_squeeze %get3A_639 : memref<1x128x128xf32, #tpu.memory_space<vmem>> -> memref<128x128xf32, #tpu.memory_space<vmem>>
        %get3A_641 = arith.index_cast %add3A_614 : i32 to index
        %get3A_642 = arith.constant 16 : index
        %get3A_643 = tpu.vector_load %get3A_640[%get3A_641, %get3A_642] {strides = array<i32>} : memref<128x128xf32, #tpu.memory_space<vmem>>, vector<16xf32>,
        %mul3A_644 = arith.mulf %get3A_636, %get3A_643 : vector<16xf32>
        %get3A_645 = arith.constant 0 : i32
        %get3A_646 = arith.constant 0 : i32
        %get3A_647 = tpu.memref_slice %arg9[%scan3A_314, %get3A_645, %get3A_646] : memref<3x128x128xf32, #tpu.memory_space<vmem>> -> memref<1x128x128xf32, #tpu.memory_space<vmem>>
        %get3A_648 = tpu.memref_squeeze %get3A_647 : memref<1x128x128xf32, #tpu.memory_space<vmem>> -> memref<128x128xf32, #tpu.memory_space<vmem>>
        %get3A_649 = arith.index_cast %add3A_614 : i32 to index
        %get3A_650 = arith.constant 32 : index
        %get3A_651 = tpu.vector_load %get3A_648[%get3A_649, %get3A_650] {strides = array<i32>} : memref<128x128xf32, #tpu.memory_space<vmem>>, vector<16xf32>,
        %get3A_652 = arith.constant 0 : i32
        %get3A_653 = arith.constant 0 : i32
        %get3A_654 = tpu.memref_slice %arg10[%scan3A_315, %get3A_652, %get3A_653] : memref<3x128x128xf32, #tpu.memory_space<vmem>> -> memref<1x128x128xf32, #tpu.memory_space<vmem>>
        %get3A_655 = tpu.memref_squeeze %get3A_654 : memref<1x128x128xf32, #tpu.memory_space<vmem>> -> memref<128x128xf32, #tpu.memory_space<vmem>>
        %get3A_656 = arith.index_cast %add3A_614 : i32 to index
        %get3A_657 = arith.constant 32 : index
        %get3A_658 = tpu.vector_load %get3A_655[%get3A_656, %get3A_657] {strides = array<i32>} : memref<128x128xf32, #tpu.memory_space<vmem>>, vector<16xf32>,
        %mul3A_659 = arith.mulf %get3A_651, %get3A_658 : vector<16xf32>
        %add3A_660 = arith.addf %mul3A_629, %mul3A_659 : vector<16xf32>
        %get3A_661 = arith.constant 0 : i32
        %get3A_662 = arith.constant 0 : i32
        %get3A_663 = tpu.memref_slice %arg9[%scan3A_314, %get3A_661, %get3A_662] : memref<3x128x128xf32, #tpu.memory_space<vmem>> -> memref<1x128x128xf32, #tpu.memory_space<vmem>>
        %get3A_664 = tpu.memref_squeeze %get3A_663 : memref<1x128x128xf32, #tpu.memory_space<vmem>> -> memref<128x128xf32, #tpu.memory_space<vmem>>
        %get3A_665 = arith.index_cast %add3A_614 : i32 to index
        %get3A_666 = arith.constant 48 : index
        %get3A_667 = tpu.vector_load %get3A_664[%get3A_665, %get3A_666] {strides = array<i32>} : memref<128x128xf32, #tpu.memory_space<vmem>>, vector<16xf32>,
        %get3A_668 = arith.constant 0 : i32
        %get3A_669 = arith.constant 0 : i32
        %get3A_670 = tpu.memref_slice %arg10[%scan3A_315, %get3A_668, %get3A_669] : memref<3x128x128xf32, #tpu.memory_space<vmem>> -> memref<1x128x128xf32, #tpu.memory_space<vmem>>
        %get3A_671 = tpu.memref_squeeze %get3A_670 : memref<1x128x128xf32, #tpu.memory_space<vmem>> -> memref<128x128xf32, #tpu.memory_space<vmem>>
        %get3A_672 = arith.index_cast %add3A_614 : i32 to index
        %get3A_673 = arith.constant 48 : index
        %get3A_674 = tpu.vector_load %get3A_671[%get3A_672, %get3A_673] {strides = array<i32>} : memref<128x128xf32, #tpu.memory_space<vmem>>, vector<16xf32>,
        %mul3A_675 = arith.mulf %get3A_667, %get3A_674 : vector<16xf32>
        %add3A_676 = arith.addf %mul3A_644, %mul3A_675 : vector<16xf32>
        %get3A_677 = arith.constant 0 : i32
        %get3A_678 = arith.constant 0 : i32
        %get3A_679 = tpu.memref_slice %arg9[%scan3A_314, %get3A_677, %get3A_678] : memref<3x128x128xf32, #tpu.memory_space<vmem>> -> memref<1x128x128xf32, #tpu.memory_space<vmem>>
        %get3A_680 = tpu.memref_squeeze %get3A_679 : memref<1x128x128xf32, #tpu.memory_space<vmem>> -> memref<128x128xf32, #tpu.memory_space<vmem>>
        %get3A_681 = arith.index_cast %add3A_614 : i32 to index
        %get3A_682 = arith.constant 64 : index
        %get3A_683 = tpu.vector_load %get3A_680[%get3A_681, %get3A_682] {strides = array<i32>} : memref<128x128xf32, #tpu.memory_space<vmem>>, vector<16xf32>,
        %get3A_684 = arith.constant 0 : i32
        %get3A_685 = arith.constant 0 : i32
        %get3A_686 = tpu.memref_slice %arg10[%scan3A_315, %get3A_684, %get3A_685] : memref<3x128x128xf32, #tpu.memory_space<vmem>> -> memref<1x128x128xf32, #tpu.memory_space<vmem>>
        %get3A_687 = tpu.memref_squeeze %get3A_686 : memref<1x128x128xf32, #tpu.memory_space<vmem>> -> memref<128x128xf32, #tpu.memory_space<vmem>>
        %get3A_688 = arith.index_cast %add3A_614 : i32 to index
        %get3A_689 = arith.constant 64 : index
        %get3A_690 = tpu.vector_load %get3A_687[%get3A_688, %get3A_689] {strides = array<i32>} : memref<128x128xf32, #tpu.memory_space<vmem>>, vector<16xf32>,
        %mul3A_691 = arith.mulf %get3A_683, %get3A_690 : vector<16xf32>
        %add3A_692 = arith.addf %add3A_660, %mul3A_691 : vector<16xf32>
        %get3A_693 = arith.constant 0 : i32
        %get3A_694 = arith.constant 0 : i32
        %get3A_695 = tpu.memref_slice %arg9[%scan3A_314, %get3A_693, %get3A_694] : memref<3x128x128xf32, #tpu.memory_space<vmem>> -> memref<1x128x128xf32, #tpu.memory_space<vmem>>
        %get3A_696 = tpu.memref_squeeze %get3A_695 : memref<1x128x128xf32, #tpu.memory_space<vmem>> -> memref<128x128xf32, #tpu.memory_space<vmem>>
        %get3A_697 = arith.index_cast %add3A_614 : i32 to index
        %get3A_698 = arith.constant 80 : index
        %get3A_699 = tpu.vector_load %get3A_696[%get3A_697, %get3A_698] {strides = array<i32>} : memref<128x128xf32, #tpu.memory_space<vmem>>, vector<16xf32>,
        %get3A_700 = arith.constant 0 : i32
        %get3A_701 = arith.constant 0 : i32
        %get3A_702 = tpu.memref_slice %arg10[%scan3A_315, %get3A_700, %get3A_701] : memref<3x128x128xf32, #tpu.memory_space<vmem>> -> memref<1x128x128xf32, #tpu.memory_space<vmem>>
        %get3A_703 = tpu.memref_squeeze %get3A_702 : memref<1x128x128xf32, #tpu.memory_space<vmem>> -> memref<128x128xf32, #tpu.memory_space<vmem>>
        %get3A_704 = arith.index_cast %add3A_614 : i32 to index
        %get3A_705 = arith.constant 80 : index
        %get3A_706 = tpu.vector_load %get3A_703[%get3A_704, %get3A_705] {strides = array<i32>} : memref<128x128xf32, #tpu.memory_space<vmem>>, vector<16xf32>,
        %mul3A_707 = arith.mulf %get3A_699, %get3A_706 : vector<16xf32>
        %add3A_708 = arith.addf %add3A_676, %mul3A_707 : vector<16xf32>
        %get3A_709 = arith.constant 0 : i32
        %get3A_710 = arith.constant 0 : i32
        %get3A_711 = tpu.memref_slice %arg9[%scan3A_314, %get3A_709, %get3A_710] : memref<3x128x128xf32, #tpu.memory_space<vmem>> -> memref<1x128x128xf32, #tpu.memory_space<vmem>>
        %get3A_712 = tpu.memref_squeeze %get3A_711 : memref<1x128x128xf32, #tpu.memory_space<vmem>> -> memref<128x128xf32, #tpu.memory_space<vmem>>
        %get3A_713 = arith.index_cast %add3A_614 : i32 to index
        %get3A_714 = arith.constant 96 : index
        %get3A_715 = tpu.vector_load %get3A_712[%get3A_713, %get3A_714] {strides = array<i32>} : memref<128x128xf32, #tpu.memory_space<vmem>>, vector<16xf32>,
        %get3A_716 = arith.constant 0 : i32
        %get3A_717 = arith.constant 0 : i32
        %get3A_718 = tpu.memref_slice %arg10[%scan3A_315, %get3A_716, %get3A_717] : memref<3x128x128xf32, #tpu.memory_space<vmem>> -> memref<1x128x128xf32, #tpu.memory_space<vmem>>
        %get3A_719 = tpu.memref_squeeze %get3A_718 : memref<1x128x128xf32, #tpu.memory_space<vmem>> -> memref<128x128xf32, #tpu.memory_space<vmem>>
        %get3A_720 = arith.index_cast %add3A_614 : i32 to index
        %get3A_721 = arith.constant 96 : index
        %get3A_722 = tpu.vector_load %get3A_719[%get3A_720, %get3A_721] {strides = array<i32>} : memref<128x128xf32, #tpu.memory_space<vmem>>, vector<16xf32>,
        %mul3A_723 = arith.mulf %get3A_715, %get3A_722 : vector<16xf32>
        %add3A_724 = arith.addf %add3A_692, %mul3A_723 : vector<16xf32>
        %get3A_725 = arith.constant 0 : i32
        %get3A_726 = arith.constant 0 : i32
        %get3A_727 = tpu.memref_slice %arg9[%scan3A_314, %get3A_725, %get3A_726] : memref<3x128x128xf32, #tpu.memory_space<vmem>> -> memref<1x128x128xf32, #tpu.memory_space<vmem>>
        %get3A_728 = tpu.memref_squeeze %get3A_727 : memref<1x128x128xf32, #tpu.memory_space<vmem>> -> memref<128x128xf32, #tpu.memory_space<vmem>>
        %get3A_729 = arith.index_cast %add3A_614 : i32 to index
        %get3A_730 = arith.constant 112 : index
        %get3A_731 = tpu.vector_load %get3A_728[%get3A_729, %get3A_730] {strides = array<i32>} : memref<128x128xf32, #tpu.memory_space<vmem>>, vector<16xf32>,
        %get3A_732 = arith.constant 0 : i32
        %get3A_733 = arith.constant 0 : i32
        %get3A_734 = tpu.memref_slice %arg10[%scan3A_315, %get3A_732, %get3A_733] : memref<3x128x128xf32, #tpu.memory_space<vmem>> -> memref<1x128x128xf32, #tpu.memory_space<vmem>>
        %get3A_735 = tpu.memref_squeeze %get3A_734 : memref<1x128x128xf32, #tpu.memory_space<vmem>> -> memref<128x128xf32, #tpu.memory_space<vmem>>
        %get3A_736 = arith.index_cast %add3A_614 : i32 to index
        %get3A_737 = arith.constant 112 : index
        %get3A_738 = tpu.vector_load %get3A_735[%get3A_736, %get3A_737] {strides = array<i32>} : memref<128x128xf32, #tpu.memory_space<vmem>>, vector<16xf32>,
        %mul3A_739 = arith.mulf %get3A_731, %get3A_738 : vector<16xf32>
        %add3A_740 = arith.addf %add3A_708, %mul3A_739 : vector<16xf32>
        %add3A_741 = arith.addf %add3A_724, %add3A_740 : vector<16xf32>
        %eq3A_742 = vector.broadcast %scan3A_613 : i32 to vector<16xi32>
        %eq3A_743 = arith.cmpi eq, %iota3A, %eq3A_742 : vector<16xi32>
        %reduce_sum3A_744 = arith.constant true
        %reduce_sum3A_745 = vector.broadcast %reduce_sum3A_744 : i1 to vector<16xi1>
        %reduce_sum3A_746 = tpu.scan <sum>, %add3A_741 masked %reduce_sum3A_745 : vector<16xf32>, vector<16xi1> -> vector<16xf32>
        %reduce_sum3A_747 = vector.extract %reduce_sum3A_746[15] : f32 from vector<16xf32>
        %broadcast_in_dim3A_748 = vector.broadcast %reduce_sum3A_747 : f32 to vector<16xf32>
        %select_n3A_749 = arith.select %eq3A_743, %broadcast_in_dim3A_748, %select_n3A_611 : vector<16xi1>, vector<16xf32>
        %scan3A_750 = arith.constant 3 : i32
        %scan3A_751 = arith.addi %scan3A_340, %scan3A_750 : i32
        %add3A_752 = arith.addi %mul3A_328, %scan3A_751 : i32
        %get3A_753 = arith.constant 0 : i32
        %get3A_754 = arith.constant 0 : i32
        %get3A_755 = tpu.memref_slice %arg9[%scan3A_314, %get3A_753, %get3A_754] : memref<3x128x128xf32, #tpu.memory_space<vmem>> -> memref<1x128x128xf32, #tpu.memory_space<vmem>>
        %get3A_756 = tpu.memref_squeeze %get3A_755 : memref<1x128x128xf32, #tpu.memory_space<vmem>> -> memref<128x128xf32, #tpu.memory_space<vmem>>
        %get3A_757 = arith.index_cast %add3A_752 : i32 to index
        %get3A_758 = arith.constant 0 : index
        %get3A_759 = tpu.vector_load %get3A_756[%get3A_757, %get3A_758] {strides = array<i32>} : memref<128x128xf32, #tpu.memory_space<vmem>>, vector<16xf32>,
        %get3A_760 = arith.constant 0 : i32
        %get3A_761 = arith.constant 0 : i32
        %get3A_762 = tpu.memref_slice %arg10[%scan3A_315, %get3A_760, %get3A_761] : memref<3x128x128xf32, #tpu.memory_space<vmem>> -> memref<1x128x128xf32, #tpu.memory_space<vmem>>
        %get3A_763 = tpu.memref_squeeze %get3A_762 : memref<1x128x128xf32, #tpu.memory_space<vmem>> -> memref<128x128xf32, #tpu.memory_space<vmem>>
        %get3A_764 = arith.index_cast %add3A_752 : i32 to index
        %get3A_765 = arith.constant 0 : index
        %get3A_766 = tpu.vector_load %get3A_763[%get3A_764, %get3A_765] {strides = array<i32>} : memref<128x128xf32, #tpu.memory_space<vmem>>, vector<16xf32>,
        %mul3A_767 = arith.mulf %get3A_759, %get3A_766 : vector<16xf32>
        %get3A_768 = arith.constant 0 : i32
        %get3A_769 = arith.constant 0 : i32
        %get3A_770 = tpu.memref_slice %arg9[%scan3A_314, %get3A_768, %get3A_769] : memref<3x128x128xf32, #tpu.memory_space<vmem>> -> memref<1x128x128xf32, #tpu.memory_space<vmem>>
        %get3A_771 = tpu.memref_squeeze %get3A_770 : memref<1x128x128xf32, #tpu.memory_space<vmem>> -> memref<128x128xf32, #tpu.memory_space<vmem>>
        %get3A_772 = arith.index_cast %add3A_752 : i32 to index
        %get3A_773 = arith.constant 16 : index
        %get3A_774 = tpu.vector_load %get3A_771[%get3A_772, %get3A_773] {strides = array<i32>} : memref<128x128xf32, #tpu.memory_space<vmem>>, vector<16xf32>,
        %get3A_775 = arith.constant 0 : i32
        %get3A_776 = arith.constant 0 : i32
        %get3A_777 = tpu.memref_slice %arg10[%scan3A_315, %get3A_775, %get3A_776] : memref<3x128x128xf32, #tpu.memory_space<vmem>> -> memref<1x128x128xf32, #tpu.memory_space<vmem>>
        %get3A_778 = tpu.memref_squeeze %get3A_777 : memref<1x128x128xf32, #tpu.memory_space<vmem>> -> memref<128x128xf32, #tpu.memory_space<vmem>>
        %get3A_779 = arith.index_cast %add3A_752 : i32 to index
        %get3A_780 = arith.constant 16 : index
        %get3A_781 = tpu.vector_load %get3A_778[%get3A_779, %get3A_780] {strides = array<i32>} : memref<128x128xf32, #tpu.memory_space<vmem>>, vector<16xf32>,
        %mul3A_782 = arith.mulf %get3A_774, %get3A_781 : vector<16xf32>
        %get3A_783 = arith.constant 0 : i32
        %get3A_784 = arith.constant 0 : i32
        %get3A_785 = tpu.memref_slice %arg9[%scan3A_314, %get3A_783, %get3A_784] : memref<3x128x128xf32, #tpu.memory_space<vmem>> -> memref<1x128x128xf32, #tpu.memory_space<vmem>>
        %get3A_786 = tpu.memref_squeeze %get3A_785 : memref<1x128x128xf32, #tpu.memory_space<vmem>> -> memref<128x128xf32, #tpu.memory_space<vmem>>
        %get3A_787 = arith.index_cast %add3A_752 : i32 to index
        %get3A_788 = arith.constant 32 : index
        %get3A_789 = tpu.vector_load %get3A_786[%get3A_787, %get3A_788] {strides = array<i32>} : memref<128x128xf32, #tpu.memory_space<vmem>>, vector<16xf32>,
        %get3A_790 = arith.constant 0 : i32
        %get3A_791 = arith.constant 0 : i32
        %get3A_792 = tpu.memref_slice %arg10[%scan3A_315, %get3A_790, %get3A_791] : memref<3x128x128xf32, #tpu.memory_space<vmem>> -> memref<1x128x128xf32, #tpu.memory_space<vmem>>
        %get3A_793 = tpu.memref_squeeze %get3A_792 : memref<1x128x128xf32, #tpu.memory_space<vmem>> -> memref<128x128xf32, #tpu.memory_space<vmem>>
        %get3A_794 = arith.index_cast %add3A_752 : i32 to index
        %get3A_795 = arith.constant 32 : index
        %get3A_796 = tpu.vector_load %get3A_793[%get3A_794, %get3A_795] {strides = array<i32>} : memref<128x128xf32, #tpu.memory_space<vmem>>, vector<16xf32>,
        %mul3A_797 = arith.mulf %get3A_789, %get3A_796 : vector<16xf32>
        %add3A_798 = arith.addf %mul3A_767, %mul3A_797 : vector<16xf32>
        %get3A_799 = arith.constant 0 : i32
        %get3A_800 = arith.constant 0 : i32
        %get3A_801 = tpu.memref_slice %arg9[%scan3A_314, %get3A_799, %get3A_800] : memref<3x128x128xf32, #tpu.memory_space<vmem>> -> memref<1x128x128xf32, #tpu.memory_space<vmem>>
        %get3A_802 = tpu.memref_squeeze %get3A_801 : memref<1x128x128xf32, #tpu.memory_space<vmem>> -> memref<128x128xf32, #tpu.memory_space<vmem>>
        %get3A_803 = arith.index_cast %add3A_752 : i32 to index
        %get3A_804 = arith.constant 48 : index
        %get3A_805 = tpu.vector_load %get3A_802[%get3A_803, %get3A_804] {strides = array<i32>} : memref<128x128xf32, #tpu.memory_space<vmem>>, vector<16xf32>,
        %get3A_806 = arith.constant 0 : i32
        %get3A_807 = arith.constant 0 : i32
        %get3A_808 = tpu.memref_slice %arg10[%scan3A_315, %get3A_806, %get3A_807] : memref<3x128x128xf32, #tpu.memory_space<vmem>> -> memref<1x128x128xf32, #tpu.memory_space<vmem>>
        %get3A_809 = tpu.memref_squeeze %get3A_808 : memref<1x128x128xf32, #tpu.memory_space<vmem>> -> memref<128x128xf32, #tpu.memory_space<vmem>>
        %get3A_810 = arith.index_cast %add3A_752 : i32 to index
        %get3A_811 = arith.constant 48 : index
        %get3A_812 = tpu.vector_load %get3A_809[%get3A_810, %get3A_811] {strides = array<i32>} : memref<128x128xf32, #tpu.memory_space<vmem>>, vector<16xf32>,
        %mul3A_813 = arith.mulf %get3A_805, %get3A_812 : vector<16xf32>
        %add3A_814 = arith.addf %mul3A_782, %mul3A_813 : vector<16xf32>
        %get3A_815 = arith.constant 0 : i32
        %get3A_816 = arith.constant 0 : i32
        %get3A_817 = tpu.memref_slice %arg9[%scan3A_314, %get3A_815, %get3A_816] : memref<3x128x128xf32, #tpu.memory_space<vmem>> -> memref<1x128x128xf32, #tpu.memory_space<vmem>>
        %get3A_818 = tpu.memref_squeeze %get3A_817 : memref<1x128x128xf32, #tpu.memory_space<vmem>> -> memref<128x128xf32, #tpu.memory_space<vmem>>
        %get3A_819 = arith.index_cast %add3A_752 : i32 to index
        %get3A_820 = arith.constant 64 : index
        %get3A_821 = tpu.vector_load %get3A_818[%get3A_819, %get3A_820] {strides = array<i32>} : memref<128x128xf32, #tpu.memory_space<vmem>>, vector<16xf32>,
        %get3A_822 = arith.constant 0 : i32
        %get3A_823 = arith.constant 0 : i32
        %get3A_824 = tpu.memref_slice %arg10[%scan3A_315, %get3A_822, %get3A_823] : memref<3x128x128xf32, #tpu.memory_space<vmem>> -> memref<1x128x128xf32, #tpu.memory_space<vmem>>
        %get3A_825 = tpu.memref_squeeze %get3A_824 : memref<1x128x128xf32, #tpu.memory_space<vmem>> -> memref<128x128xf32, #tpu.memory_space<vmem>>
        %get3A_826 = arith.index_cast %add3A_752 : i32 to index
        %get3A_827 = arith.constant 64 : index
        %get3A_828 = tpu.vector_load %get3A_825[%get3A_826, %get3A_827] {strides = array<i32>} : memref<128x128xf32, #tpu.memory_space<vmem>>, vector<16xf32>,
        %mul3A_829 = arith.mulf %get3A_821, %get3A_828 : vector<16xf32>
        %add3A_830 = arith.addf %add3A_798, %mul3A_829 : vector<16xf32>
        %get3A_831 = arith.constant 0 : i32
        %get3A_832 = arith.constant 0 : i32
        %get3A_833 = tpu.memref_slice %arg9[%scan3A_314, %get3A_831, %get3A_832] : memref<3x128x128xf32, #tpu.memory_space<vmem>> -> memref<1x128x128xf32, #tpu.memory_space<vmem>>
        %get3A_834 = tpu.memref_squeeze %get3A_833 : memref<1x128x128xf32, #tpu.memory_space<vmem>> -> memref<128x128xf32, #tpu.memory_space<vmem>>
        %get3A_835 = arith.index_cast %add3A_752 : i32 to index
        %get3A_836 = arith.constant 80 : index
        %get3A_837 = tpu.vector_load %get3A_834[%get3A_835, %get3A_836] {strides = array<i32>} : memref<128x128xf32, #tpu.memory_space<vmem>>, vector<16xf32>,
        %get3A_838 = arith.constant 0 : i32
        %get3A_839 = arith.constant 0 : i32
        %get3A_840 = tpu.memref_slice %arg10[%scan3A_315, %get3A_838, %get3A_839] : memref<3x128x128xf32, #tpu.memory_space<vmem>> -> memref<1x128x128xf32, #tpu.memory_space<vmem>>
        %get3A_841 = tpu.memref_squeeze %get3A_840 : memref<1x128x128xf32, #tpu.memory_space<vmem>> -> memref<128x128xf32, #tpu.memory_space<vmem>>
        %get3A_842 = arith.index_cast %add3A_752 : i32 to index
        %get3A_843 = arith.constant 80 : index
        %get3A_844 = tpu.vector_load %get3A_841[%get3A_842, %get3A_843] {strides = array<i32>} : memref<128x128xf32, #tpu.memory_space<vmem>>, vector<16xf32>,
        %mul3A_845 = arith.mulf %get3A_837, %get3A_844 : vector<16xf32>
        %add3A_846 = arith.addf %add3A_814, %mul3A_845 : vector<16xf32>
        %get3A_847 = arith.constant 0 : i32
        %get3A_848 = arith.constant 0 : i32
        %get3A_849 = tpu.memref_slice %arg9[%scan3A_314, %get3A_847, %get3A_848] : memref<3x128x128xf32, #tpu.memory_space<vmem>> -> memref<1x128x128xf32, #tpu.memory_space<vmem>>
        %get3A_850 = tpu.memref_squeeze %get3A_849 : memref<1x128x128xf32, #tpu.memory_space<vmem>> -> memref<128x128xf32, #tpu.memory_space<vmem>>
        %get3A_851 = arith.index_cast %add3A_752 : i32 to index
        %get3A_852 = arith.constant 96 : index
        %get3A_853 = tpu.vector_load %get3A_850[%get3A_851, %get3A_852] {strides = array<i32>} : memref<128x128xf32, #tpu.memory_space<vmem>>, vector<16xf32>,
        %get3A_854 = arith.constant 0 : i32
        %get3A_855 = arith.constant 0 : i32
        %get3A_856 = tpu.memref_slice %arg10[%scan3A_315, %get3A_854, %get3A_855] : memref<3x128x128xf32, #tpu.memory_space<vmem>> -> memref<1x128x128xf32, #tpu.memory_space<vmem>>
        %get3A_857 = tpu.memref_squeeze %get3A_856 : memref<1x128x128xf32, #tpu.memory_space<vmem>> -> memref<128x128xf32, #tpu.memory_space<vmem>>
        %get3A_858 = arith.index_cast %add3A_752 : i32 to index
        %get3A_859 = arith.constant 96 : index
        %get3A_860 = tpu.vector_load %get3A_857[%get3A_858, %get3A_859] {strides = array<i32>} : memref<128x128xf32, #tpu.memory_space<vmem>>, vector<16xf32>,
        %mul3A_861 = arith.mulf %get3A_853, %get3A_860 : vector<16xf32>
        %add3A_862 = arith.addf %add3A_830, %mul3A_861 : vector<16xf32>
        %get3A_863 = arith.constant 0 : i32
        %get3A_864 = arith.constant 0 : i32
        %get3A_865 = tpu.memref_slice %arg9[%scan3A_314, %get3A_863, %get3A_864] : memref<3x128x128xf32, #tpu.memory_space<vmem>> -> memref<1x128x128xf32, #tpu.memory_space<vmem>>
        %get3A_866 = tpu.memref_squeeze %get3A_865 : memref<1x128x128xf32, #tpu.memory_space<vmem>> -> memref<128x128xf32, #tpu.memory_space<vmem>>
        %get3A_867 = arith.index_cast %add3A_752 : i32 to index
        %get3A_868 = arith.constant 112 : index
        %get3A_869 = tpu.vector_load %get3A_866[%get3A_867, %get3A_868] {strides = array<i32>} : memref<128x128xf32, #tpu.memory_space<vmem>>, vector<16xf32>,
        %get3A_870 = arith.constant 0 : i32
        %get3A_871 = arith.constant 0 : i32
        %get3A_872 = tpu.memref_slice %arg10[%scan3A_315, %get3A_870, %get3A_871] : memref<3x128x128xf32, #tpu.memory_space<vmem>> -> memref<1x128x128xf32, #tpu.memory_space<vmem>>
        %get3A_873 = tpu.memref_squeeze %get3A_872 : memref<1x128x128xf32, #tpu.memory_space<vmem>> -> memref<128x128xf32, #tpu.memory_space<vmem>>
        %get3A_874 = arith.index_cast %add3A_752 : i32 to index
        %get3A_875 = arith.constant 112 : index
        %get3A_876 = tpu.vector_load %get3A_873[%get3A_874, %get3A_875] {strides = array<i32>} : memref<128x128xf32, #tpu.memory_space<vmem>>, vector<16xf32>,
        %mul3A_877 = arith.mulf %get3A_869, %get3A_876 : vector<16xf32>
        %add3A_878 = arith.addf %add3A_846, %mul3A_877 : vector<16xf32>
        %add3A_879 = arith.addf %add3A_862, %add3A_878 : vector<16xf32>
        %eq3A_880 = vector.broadcast %scan3A_751 : i32 to vector<16xi32>
        %eq3A_881 = arith.cmpi eq, %iota3A, %eq3A_880 : vector<16xi32>
        %reduce_sum3A_882 = arith.constant true
        %reduce_sum3A_883 = vector.broadcast %reduce_sum3A_882 : i1 to vector<16xi1>
        %reduce_sum3A_884 = tpu.scan <sum>, %add3A_879 masked %reduce_sum3A_883 : vector<16xf32>, vector<16xi1> -> vector<16xf32>
        %reduce_sum3A_885 = vector.extract %reduce_sum3A_884[15] : f32 from vector<16xf32>
        %broadcast_in_dim3A_886 = vector.broadcast %reduce_sum3A_885 : f32 to vector<16xf32>
        %select_n3A_887 = arith.select %eq3A_881, %broadcast_in_dim3A_886, %select_n3A_749 : vector<16xi1>, vector<16xf32>
        scf.yield %select_n3A_887 : vector<16xf32>
      }
      %scan3A_335 = arith.constant 16 : i32
      %add3A_336 = arith.constant 384 : i32
      %add3A_337 = arith.addi %add3A_336, %mul3A_328 : i32
      %swap3A = arith.index_cast %add3A_337 : i32 to index
      %swap3A_338 = tpu.vector_load %arg11[%swap3A] {strides = array<i32>} : memref<512xf32, #tpu.memory_space<vmem>>, vector<16xf32>,
      tpu.vector_store %arg11[%swap3A], %scan3A_334 {strides = array<i32>} : memref<512xf32, #tpu.memory_space<vmem>>, vector<16xf32>,
      %scan3A_339 = arith.constant 0 : i32
      scf.yield %scan3A_339 : i32
    }
    %scan3A_322 = arith.constant 8 : i32
    %mul3A_323 = arith.constant 512 : i32
    %mul3A_324 = arith.muli %add3A, %mul3A_323 : i32
    "tpu.region"() ({
      %run_scoped3A = tpu.sem_alloc : memref<!tpu.dma_semaphore, #tpu.memory_space<semaphore_mem>>
      %dma_start3A_325 = tpu.memref_slice %arg6[%mul3A_324] : memref<16384xf32, #tpu.memory_space<hbm>> -> memref<512xf32, #tpu.memory_space<hbm>>
      %dma_start3A_326 = tpu.memref_slice %arg6[%mul3A_324] : memref<16384xf32, #tpu.memory_space<hbm>> -> memref<512xf32, #tpu.memory_space<hbm>>
      tpu.enqueue_dma source(%arg11 : memref<512xf32, #tpu.memory_space<vmem>>) target(%dma_start3A_326 : memref<512xf32, #tpu.memory_space<hbm>>) target_semaphore(%run_scoped3A : memref<!tpu.dma_semaphore, #tpu.memory_space<semaphore_mem>>)
      %dma_wait3A_327 = tpu.memref_slice %arg6[%mul3A_324] : memref<16384xf32, #tpu.memory_space<hbm>> -> memref<512xf32, #tpu.memory_space<hbm>>
      %dma_wait3A_328 = tpu.memref_slice %arg6[%mul3A_324] : memref<16384xf32, #tpu.memory_space<hbm>> -> memref<512xf32, #tpu.memory_space<hbm>>
      tpu.wait_dma2 semaphore(%run_scoped3A : memref<!tpu.dma_semaphore, #tpu.memory_space<semaphore_mem>>) src(%arg11 : memref<512xf32, #tpu.memory_space<vmem>>) dst(%dma_wait3A_328 : memref<512xf32, #tpu.memory_space<hbm>>)
      tpu.yield
    }) : () -> ()
    return
  }
}

</mosaic_0001>

<sc_bundles>
// kernel: _run.3.cloned.1.call-start
scs
__scs_entry_jumppad:
0x0: {  	(pc) =	sbr.rel $0x88, $3  }
0x1: {  	(tag) =	ssettag $0x0;
	lr =	simm.s32 $0x1  }
0x2: {  	[smem:$0x3F9D] =	sst lr;
	_ =	strace $0xD0000000  }
0x3: {  	_ = 	snop  }
0x4: {  	_ = 	snop  }
0x5: {  	_ = 	snop  }
0x6: {  	_ = 	snop  }
0x7: {  	_ = 	snop  }
__scs_overlays_trampoline_lowered:
0x8: {  	[smem:$0x3FAC] =	sst s0  }
0x9: {  	[smem:$0x3FAD] =	sst s1  }
0xa: {  	[smem:$0x3FAE] =	sst s2  }
0xb: {  	[smem:$0x3FAF] =	sst s3  }
0xc: {  	[smem:$0x3FB0] =	sst s4  }
0xd: {  	[smem:$0x3FB1] =	sst s5  }
0xe: {  	[smem:$0x3FB2] =	sst s6  }
0xf: {  	[smem:$0x3FB3] =	sst s7  }
0x10: {  	[smem:$0x3FB4] =	sst s8  }
0x11: {  	[smem:$0x3FB5] =	sst s9;
	s0 =	simm.s32 @!p0 $0x0  }
0x12: {  	s1 =	sld [smem:$0x3F9B];
	s0 =	simm.s32 @p0 $0x1  }
0x13: {  	[smem:$0x3FB6] =	sst s0;
	s0 =	simm.s32 @!p1 $0x0  }
0x14: {  	s2 =	sld [smem:$0x3F9A];
	s0 =	simm.s32 @p1 $0x1  }
0x15: {  	[smem:$0x3FB7] =	sst s0;
	s0 =	simm.s32 @!p2 $0x0  }
0x16: {  	s3 =	sld [smem:$0x3FDB];
	s0 =	simm.s32 @p2 $0x1  }
0x17: {  	s4 =	simm.s32 $0x1BF5;
	[smem:$0x3FB9] =	sst s0  }
0x18: {  	s0 =	sld [smem:$0x3F9C];
	_ =	swait.ge [sflag:s4], $0x0  }
0x19: {  	s7 =	sld [smem:$0x3F9D]  }
0x1a: {  	s8 =	sadd.s32 $0xFFFFE003, lr  }
0x1b: {  	s9 =	sadd.s32 $0xFFFFFEF7, lr;
	s5 =	simm.s32 $0xFFFFFFFF;
	p2 =	slt.u32 s8, $0xFFFFF086  }
0x1c: {  	p1 =	slt.u32 s9, $0xF7A;
	s5 =	simm.s32 @!p2 $0x0  }
0x1d: {  	s5 =	simm.s32 @p1 $0x1;
	p0 =	seq.s32 s7, s2  }
0x1e: {  	s7 =	smul.u32 @!p0 $0xF7A, s2;
	p2 =	seq.s32 @!p0 s5, $0x0  }
0x1f: {  	s9 =	smul.u32 $0xF7A, s1;
	s8 =	simm.s32 @!p0 $0x1BF5;
	p2 =	por !p2, p0  }
0x20: {  	[sflag:s8] =	ssyncset.s32 @!p0 $0xFFFFF086;
	s6 =	sadd.s32 @!p0 s3, s7;
	s7 =	simm.s32 @!p0 $0x108  }
0x21: {  	s3 =	sadd.s32 s3, s9;
	s6 =	sadd.s32 @!p0 $0x88, s6;
	s7 =	simm.s32 @p2 $0x1082  }
0x22: {  	[simem:s7], [sflag:s8] =	dma.local @!p0 [hbm:s6], $0xF7A  }
0x23: {  	s9 =	sor.u32 $0xD0000000, s2;
	s6 =	simm.s32 $0x108;
	_ =	swait.ge @!p0 [sflag:s8], $0x0  }
0x24: {  	s3 =	sadd.s32 $0x88, s3;
	s6 =	simm.s32 @!p1 $0x1082;
	[sflag:s4] =	ssyncset.s32 $0xFFFFF086  }
0x25: {  	[simem:s6], [sflag:s4] =	dma.local [hbm:s3], $0xF7A  }
0x26: {  	[smem:$0x3F9D] =	sst s1;
	(tag) =	ssettag s2;
	_ =	strace s9  }
0x27: {  	s1 =	sld [smem:$0x3FAD]  }
0x28: {  	s2 =	sld [smem:$0x3FAE]  }
0x29: {  	s4 =	sld [smem:$0x3FB0]  }
0x2a: {  	p0 =	seq.s32 s5, $0x0;
	s5 =	sld [smem:$0x3FB1]  }
0x2b: {  	s6 =	sld [smem:$0x3FB2]  }
0x2c: {  	s7 =	sld [smem:$0x3FB3]  }
0x2d: {  	s3 =	simm.s32 $0x108;
	s8 =	sld [smem:$0x3FB4]  }
0x2e: {  	s3 =	simm.s32 @!p0 $0x1082;
	s9 =	sld [smem:$0x3FB5]  }
0x2f: {  	lr =	sadd.s32 s0, s3;
	s0 =	sld [smem:$0x3FAC]  }
0x30: {  	s3 =	sld [smem:$0x3FAF]  }
0x31: {  	[smem:$0x3FB8] =	sst s10  }
0x32: {  	s10 =	sld [smem:$0x3FB6];
	_ =	sdelay $0x3  }
0x33: {  	p0 =	seq.s32 s10, $0x1;
	s10 =	sld [smem:$0x3FB8];
	_ =	sdelay $0x3  }
0x34: {  	[smem:$0x3FB8] =	sst s10  }
0x35: {  	s10 =	sld [smem:$0x3FB7];
	_ =	sdelay $0x3  }
0x36: {  	p1 =	seq.s32 s10, $0x1;
	s10 =	sld [smem:$0x3FB8];
	_ =	sdelay $0x3  }
0x37: {  	[smem:$0x3FB8] =	sst s10  }
0x38: {  	s10 =	sld [smem:$0x3FB9]  }
0x39: {  	_ = 	snop;
	(pc) =	sbr.ind lr, $3  }
0x3a: {  	_ = 	snop  }
0x3b: {  	_ = 	snop  }
0x3c: {  	p2 =	seq.s32 s10, $0x1;
	s10 =	sld [smem:$0x3FB8]  }
0x3d: {  	_ =	shalt  }
0x3e: {  	_ =	shalt  }
0x3f: {  	_ =	shalt  }
0x40: {  	_ =	shalt  }
0x41: {  	_ =	shalt  }
0x42: {  	_ =	shalt  }
0x43: {  	_ =	shalt  }
0x44: {  	_ =	shalt  }
0x45: {  	_ =	shalt  }
0x46: {  	_ =	shalt  }
0x47: {  	_ =	shalt  }
0x48: {  	_ =	shalt  }
0x49: {  	_ =	shalt  }
0x4a: {  	_ =	shalt  }
0x4b: {  	_ =	shalt  }
0x4c: {  	_ =	shalt  }
0x4d: {  	_ =	shalt  }
0x4e: {  	_ =	shalt  }
0x4f: {  	_ =	shalt  }
0x50: {  	_ =	shalt  }
0x51: {  	_ =	shalt  }
0x52: {  	_ =	shalt  }
0x53: {  	_ =	shalt  }
0x54: {  	_ =	shalt  }
0x55: {  	_ =	shalt  }
0x56: {  	_ =	shalt  }
0x57: {  	_ =	shalt  }
0x58: {  	_ =	shalt  }
0x59: {  	_ =	shalt  }
0x5a: {  	_ =	shalt  }
0x5b: {  	_ =	shalt  }
0x5c: {  	_ =	shalt  }
0x5d: {  	_ =	shalt  }
0x5e: {  	_ =	shalt  }
0x5f: {  	_ =	shalt  }
0x60: {  	_ =	shalt  }
0x61: {  	_ =	shalt  }
0x62: {  	_ =	shalt  }
0x63: {  	_ =	shalt  }
0x64: {  	_ =	shalt  }
0x65: {  	_ =	shalt  }
0x66: {  	_ =	shalt  }
0x67: {  	_ =	shalt  }
0x68: {  	_ =	shalt  }
0x69: {  	_ =	shalt  }
0x6a: {  	_ =	shalt  }
0x6b: {  	_ =	shalt  }
0x6c: {  	_ =	shalt  }
0x6d: {  	_ =	shalt  }
0x6e: {  	_ =	shalt  }
0x6f: {  	_ =	shalt  }
0x70: {  	_ =	shalt  }
0x71: {  	_ =	shalt  }
0x72: {  	_ =	shalt  }
0x73: {  	_ =	shalt  }
0x74: {  	_ =	shalt  }
0x75: {  	_ =	shalt  }
0x76: {  	_ =	shalt  }
0x77: {  	_ =	shalt  }
0x78: {  	_ =	shalt  }
0x79: {  	_ =	shalt  }
0x7a: {  	_ =	shalt  }
0x7b: {  	_ =	shalt  }
0x7c: {  	_ =	shalt  }
0x7d: {  	_ =	shalt  }
0x7e: {  	_ =	shalt  }
0x7f: {  	_ =	shalt  }
0x80: {  	_ =	shalt  }
0x81: {  	_ =	shalt  }
0x82: {  	_ =	shalt  }
0x83: {  	_ =	shalt  }
0x84: {  	_ =	shalt  }
0x85: {  	_ =	shalt  }
0x86: {  	_ =	shalt  }
0x87: {  	_ =	shalt  }
.Lfunc_end0:
.L_simem_size_0:
called_computation_lowered:
.L_overlay_start_0:
0x88: {  	s2 =	sld [smem:$0x3FD9]  }
0x89: {  	s3 =	sld [smem:$0x3FFE];
	_ =	sdelay $0x1  }
0x8a: {  	s1 =	srdreg.scid  }
0x8b: {  	s0 =	sand.u32 $0x1, s1  }
0x8c: {  	s18 =	sshll.u32 s0, $0xA;
	s2 =	sadd.s32 s3, s2  }
0x8d: {  	s2 =	sadd.s32 s2, s18  }
0x8e: {  	[smem:$0x3FC4] =	sst s2  }
0x8f: {  	_ = 	snop  }
0x90: {  	s2 =	sld [smem:$0x3FC9]  }
0x91: {  	s19 =	sld [smem:$0x3FC8]  }
0x92: {  	s4 =	sld [smem:$0x3FC7]  }
0x93: {  	s5 =	sld [smem:$0x3FC6]  }
0x94: {  	s6 =	sld [smem:$0x3FD0];
	(tm) =	ssettm $0x1  }
0x95: {  	s7 =	sld [smem:$0x3FFB];
	_ =	sdelay $0x3  }
0x96: {  	_ =	strace s7  }
0x97: {  	s7 =	sld [smem:$0x3FFC];
	_ =	sdelay $0x3  }
0x98: {  	_ =	strace s7  }
0x99: {  	s7 =	sld [smem:$0x3FFD];
	_ =	sdelay $0x3  }
0x9a: {  	_ =	strace s7  }
0x9b: {  	_ =	strace $0x8FFFFFFF  }
0x9c: {  	s20 =	sld [smem:$0x3FDB];
	_ =	sdelay $0x1  }
0x9d: {  	s8 =	simm.s32 $_scs_section_size  }
0x9e: {  	s9 =	simm.s32 $_size__tile_overlayer_lowered;
	s10 =	simm.s32 $_tile_overlayer_lowered  }
0x9f: {  	s23 =	simm.s32 $0x1BFF;
	s22 =	sshll.u32 s10, $0x1;
	s7 =	sadd.s32 s8, s20  }
0xa0: {  	s11 =	simm.s32 $0x0;
	s21 =	sshll.u32 s9, $0x1;
	s9 =	sadd.s32 s22, s7  }
0xa1: {  	[timem:s11], [sflag:s23] =	dma.local [hbm:s9], s21  }
0xa2: {  	_ =	swait.ge [sflag:s23], s21  }
0xa3: {  	s8 =	ssub.s32 $0x0, s21;
	[sflag:s23] =	ssyncset.done $0x0  }
0xa4: {  	[sflag:s23] =	ssyncadd.s32 s8;
	_ =	sdelay $0x1  }
0xa5: {  	s24 =	simm.s32 $0x1B8B  }
0xa6: {  	_ =	swait.ge [sflag:s24], $0x1  }
0xa7: {  	[sflag:s24] =	ssyncset.done $0x0  }
0xa8: {  	s25 =	simm.s32 $0x1B8E;
	[sflag:s24] =	ssyncadd.s32 $0xFFFFFFFF  }
0xa9: {  	s26 =	simm.s32 $execute0_lowered;
	[smem:$0x3FD2] =	sst s25  }
0xaa: {  	s8 =	sshll.u32 s26, $0x1;
	_ =	strace $0x80000046;
	[dreg:$0x1] =	wrdreg $0xFFFFFFFF  }
0xab: {  	s28 =	simm.s32 $_size_execute0_lowered;
	s7 =	sadd.s32 s7, s8;
	[dreg:$0x0] =	wrdreg $0x0  }
0xac: {  	s8 =	sshll.u32 s28, $0x1;
	[dreg:$0x2] =	wrdreg s7  }
0xad: {  	[dreg:$0x3] =	wrdreg s8  }
0xae: {  	[dreg:$0x4] =	wrdreg $0xC0  }
0xaf: {  	_ =	task [dreg:s11], $0x5FFFF  }
0xb0: {  	[dreg:$0x1] =	wrdreg $0xFFFFFFFF  }
0xb1: {  	[dreg:$0x0] =	wrdreg $0x60  }
0xb2: {  	[dreg:$0x2] =	wrdreg s2  }
0xb3: {  	[dreg:$0x3] =	wrdreg s19  }
0xb4: {  	[dreg:$0x4] =	wrdreg s4  }
0xb5: {  	[dreg:$0x5] =	wrdreg s5  }
0xb6: {  	[dreg:$0x6] =	wrdreg s6  }
0xb7: {  	[dreg:$0x7] =	wrdreg $0x9  }
0xb8: {  	_ =	task.clear_ibuf [dreg:s11], $0x8FFFF;
	_ =	strace $0x90000046  }
0xb9: {  	s29 =	simm.s32 $0x9;
	_ =	strace $0x80000048  }
0xba: {  	_ =	swait.ge [sflag:s29], $0x1  }
0xbb: {  	[sflag:s29] =	ssyncadd.s32 $0xFFFFFFFF  }
0xbc: {  	_ =	strace $0x90000048  }
0xbd: {  	_ =	sfence  }
0xbe: {  	s30 =	sld [smem:$0x0];
	_ =	sdelay $0x2  }
0xbf: {  	s31 =	sshll.u32 s1, $0xD;
	s1 =	sshrl.u32 s1, $0x2  }
0xc0: {  	s3 =	sand.u32 $0x4000, s31;
	s1 =	sadd.s32 s1, s30  }
0xc1: {  	s0 =	sor.u32 s3, s0;
	s1 =	sshll.u32 s1, $0x11  }
0xc2: {  	s0 =	sor.u32 s1, s0  }
0xc3: {  	s0 =	sadd.s32 $0x8F2B, s0  }
0xc4: {  	[sflag:s0] =	ssyncadd.remote.s32 $0x1  }
0xc5: {  	_ =	sfence.sel $0xFFFF  }
0xc6: {  	[dreg:$0x0] =	wrdreg $0xFFFFFFFF;
	(pc) =	sbr.abs _section_cstart, $3  }
0xc7: {  	[dreg:$0x1] =	wrdreg $0xFFFFFFFF  }
0xc8: {  	_ =	task.clear_ibuf [dreg:s11], $0x2FFFF;
	_ =	strace $0x9FFFFFFF  }
0xc9: {  	(tm) =	ssettm $0x7FFFFFFF  }
tec
execute0_lowered:
.L_overlay_start_1:
0x0: {  	(tag) =	ssettag $0x1  }
0x1: {  	s0 =	rddreg [dreg:$0x0]  }
0x2: {  	s2 =	rddreg [dreg:$0x1]  }
0x3: {  	s1 =	rddreg [dreg:$0x2]  }
0x4: {  	s3 =	rddreg [dreg:$0x3]  }
0x5: {  	s4 =	srdreg.scid;
	s9 =	stileid.u32  }
0x6: {  	s7 =	rddreg [dreg:$0x4];
	s11 =	simm.s32 $0x7;
	s13 =	simm.s32 $0x20  }
0x7: {  	s12 =	simm.s32 $0xC400;
	s16 =	simm.s32 $0x4400;
	s18 =	simm.s32 $0x10400  }
0x8: {  	s22 =	simm.s32 $0x1;
	s23 =	simm.s32 $0x2;
	s28 =	simm.s32 $0x4  }
0x9: {  	s31 =	simm.s32 $0x5;
	s17 =	simm.s32 $0x0;
	s5 =	sand.u32 $0x1, s4  }
0xa: {  	s6 =	sshll.u32 s9, $0x1;
	s4 =	simm.s32 $0x0;
	s25 =	sshll.u32 s9, $0x7  }
0xb: {  	s9 =	simm.s32 $0x80;
	s8 =	sor.u32 s5, s6;
	s5 =	ssub.s32 $0x2, s5  }
0xc: {  	[smem:$0x7FF] =	sst s4;
	s26 =	sshll.u32 s8, $0x4;
	s10 =	sshrl.u32 s5, $0x1  }
0xd: {  	_ =	strace $0x80000047;
	s30 =	sshll.u32 s8, $0x6;
	s6 =	sor.u32 s25, s26  }
0xe: {  	s29 =	ssub.s32 s5, s10;
	s7 =	sadd.s32 s7, s30;
	s10 =	simm.s32 $0x400  }
0xf: {  	s26 =	simm.s32 $0x3;
	s6 =	sand.u32 $0x670, s6;
	s8 =	smax.u32 s29, $0x1  }
0x10: {  	v0 =	vlaneseq.u32;
	s5 =	sadd.s32 s0, s6;
	s6 =	sadd.s32 s2, s6;
	s2 =	simm.s32 $0x6  }
.LBB2_1:
0x11: {  	[tilespmem:s4], [sflag:$0x7] =	stream.strided.gather [hbm4b:s5+s9], $0x200, s10, s9, $0x38;
	[tilespmem:$0x18600] =	vst v63  }
0x12: {  	_ =	swait.ge [sflag:s11], $0x200  }
0x13: {  	[sflag:s11] =	ssyncset.done $0x0  }
0x14: {  	s0 =	simm.s32 $0x200;
	[sflag:s11] =	ssyncadd.s32 $0xFFFFFE00  }
0x15: {  	[tilespmem:s0], [sflag:$0x7] =	stream.strided.gather [hbm4b:s6+s9], $0x200, s10, s9, $0x38;
	[tilespmem:$0x18600] =	vst v63  }
0x16: {  	_ =	swait.ge [sflag:s11], $0x200  }
0x17: {  	[sflag:s11] =	ssyncset.done $0x0  }
0x18: {  	[sflag:s11] =	ssyncadd.s32 $0xFFFFFE00  }
0x19: {  	[tilespmem:s10], [sflag:$0x1] =	stream.indirect.gather [hbm4b:s1+s13], $0x80, s4, s13, $0xb8;
	[tilespmem:$0x18600] =	vst v63  }
0x1a: {  	_ = 	snop  }
0x1b: {  	[tilespmem:s12], [sflag:$0x2] =	stream.indirect.gather [hbm4b:s3+s13], $0x80, s0, s13, $0xb8;
	[tilespmem:$0x18600] =	vst v63  }
0x1c: {  	s24 =	simm.s32 $0x60  }
0x1d: {  	[tilespmem:s16], [sflag:$0x3] =	stream.indirect.gather [hbm4b:s1+s24], $0x80, s13, s24, $0xb8;
	[tilespmem:$0x18600] =	vst v63  }
0x1e: {  	s14 =	simm.s32 $0x220  }
0x1f: {  	[tilespmem:s18], [sflag:$0x4] =	stream.indirect.gather [hbm4b:s3+s24], $0x80, s14, s24, $0xb8;
	[tilespmem:$0x18600] =	vst v63  }
0x20: {  	s25 =	simm.s32 $0x8400  }
0x21: {  	[tilespmem:s25], [sflag:$0x5] =	stream.indirect.gather [hbm4b:s1+s9], $0x80, s9, s9, $0xb8;
	[tilespmem:$0x18600] =	vst v63  }
0x22: {  	s29 =	simm.s32 $0x280;
	s30 =	simm.s32 $0x14400  }
0x23: {  	[tilespmem:s30], [sflag:$0x6] =	stream.indirect.gather [hbm4b:s3+s9], $0x80, s29, s9, $0xb8;
	[tilespmem:$0x18600] =	vst v63  }
0x24: {  	_ =	swait.ge [sflag:s22], $0x1000  }
0x25: {  	[sflag:s22] =	ssyncset.done $0x0  }
0x26: {  	[sflag:s22] =	ssyncadd.s32 $0xFFFFF000  }
0x27: {  	_ =	swait.ge [sflag:s23], $0x1000  }
0x28: {  	[sflag:s23] =	ssyncset.done $0x0  }
0x29: {  	p1 =	por $0x1, $0x1;
	s19 =	simm.s32 $0x0;
	[sflag:s23] =	ssyncadd.s32 $0xFFFFF000  }
.LBB2_2:
0x2a: {  	s0 =	sshll.u32 s19, $0x7  }
0x2b: {  	s0 =	sand.u32 $0x3FFFFF80, s0  }
0x2c: {  	s21 =	sadd.s32 $0x500, s0  }
0x2d: {  	s20 =	sadd.s32 $0xC500, s0;
	v1 =	vld [tilespmem:s21+$0xE0]  }
0x2e: {  	v2 =	vld [tilespmem:s20+$0xE0]  }
0x2f: {  	v4 =	vld [tilespmem:s21+$0x60]  }
0x30: {  	v11 =	vld [tilespmem:s20+$0x60]  }
0x31: {  	v12 =	vld [tilespmem:s21+$0x70]  }
0x32: {  	v13 =	vld [tilespmem:s20+$0x70]  }
0x33: {  	v14 =	vld [tilespmem:s21+$0xFFFFFFE0]  }
0x34: {  	v17 =	vld [tilespmem:s20+$0xFFFFFFE0]  }
0x35: {  	v18 =	vld [tilespmem:s21+$0xFFFFFFF0]  }
0x36: {  	v19 =	vld [tilespmem:s20+$0xFFFFFFF0]  }
0x37: {  	v20 =	vld [tilespmem:s21+$0xC0]  }
0x38: {  	v21 =	vld [tilespmem:s20+$0xC0]  }
0x39: {  	v3 =	vld [tilespmem:s21+$0xD0]  }
0x3a: {  	v23 =	vld [tilespmem:s21+$0xFFFFFF60]  }
0x3b: {  	v24 =	vld [tilespmem:s20+$0xFFFFFF60]  }
0x3c: {  	v5 =	vld [tilespmem:s21+$0xFFFFFF70]  }
0x3d: {  	v25 =	vld [tilespmem:s21+$0x40]  }
0x3e: {  	v26 =	vld [tilespmem:s20+$0x40]  }
0x3f: {  	v27 =	vld [tilespmem:s21+$0x50]  }
0x40: {  	v28 =	vld [tilespmem:s20+$0x50]  }
0x41: {  	v29 =	vld [tilespmem:s21+$0xFFFFFFC0]  }
0x42: {  	v30 =	vld [tilespmem:s20+$0xFFFFFFC0]  }
0x43: {  	v31 =	vld [tilespmem:s21+$0xFFFFFFD0]  }
0x44: {  	v32 =	vld [tilespmem:s20+$0xFFFFFFD0]  }
0x45: {  	v33 =	vld [tilespmem:s21+$0x80]  }
0x46: {  	v34 =	vld [tilespmem:s20+$0x80]  }
0x47: {  	v9 =	vld [tilespmem:s21+$0x90]  }
0x48: {  	v10 =	vld [tilespmem:s20+$0x90]  }
0x49: {  	v35 =	vld [tilespmem:s21+$0xA0]  }
0x4a: {  	v36 =	vld [tilespmem:s20+$0xA0]  }
0x4b: {  	v6 =	vld [tilespmem:s21+$0xB0]  }
0x4c: {  	v7 =	vld [tilespmem:s21+$0xFFFFFF40]  }
0x4d: {  	v8 =	vld [tilespmem:s20+$0xFFFFFF40]  }
0x4e: {  	v37 =	vld [tilespmem:s21+$0x0]  }
0x4f: {  	v38 =	vld [tilespmem:s20+$0x0]  }
0x50: {  	v39 =	vld [tilespmem:s21+$0x10]  }
0x51: {  	v40 =	vld [tilespmem:s20+$0x10]  }
0x52: {  	v41 =	vld [tilespmem:s21+$0x20]  }
0x53: {  	v42 =	vld [tilespmem:s20+$0x20]  }
0x54: {  	v43 =	vld [tilespmem:s21+$0x30]  }
0x55: {  	v44 =	vld [tilespmem:s20+$0x30]  }
0x56: {  	v45 =	vld [tilespmem:s21+$0xFFFFFF80]  }
0x57: {  	v46 =	vld [tilespmem:s20+$0xFFFFFF80]  }
0x58: {  	v47 =	vld [tilespmem:s21+$0xFFFFFF90]  }
0x59: {  	v48 =	vld [tilespmem:s20+$0xFFFFFF90]  }
0x5a: {  	v49 =	vld [tilespmem:s21+$0xFFFFFFA0]  }
0x5b: {  	v50 =	vld [tilespmem:s20+$0xFFFFFFA0]  }
0x5c: {  	v51 =	vld [tilespmem:s21+$0xFFFFFFB0];
	v15 =	vmul.f32 v11, v4;
	v16 =	vmul.f32 v13, v12  }
0x5d: {  	v52 =	vld [tilespmem:s20+$0xFFFFFFB0];
	v13 =	vmul.f32 v17, v14;
	v14 =	vmul.f32 v19, v18  }
0x5e: {  	v22 =	vld [tilespmem:s21+$0xFFFFFF00];
	v12 =	vmul.f32 v24, v23;
	v11 =	vmul.f32 v21, v20  }
0x5f: {  	v24 =	vld [tilespmem:s20+$0xFFFFFF00];
	v20 =	vmul.f32 v26, v25;
	v21 =	vmul.f32 v28, v27  }
0x60: {  	v19 =	vld [tilespmem:s21+$0xFFFFFF10];
	v17 =	vmul.f32 v30, v29;
	v18 =	vmul.f32 v32, v31  }
0x61: {  	v28 =	vld [tilespmem:s21+$0xFFFFFF20];
	v25 =	vmul.f32 v34, v33;
	v27 =	vmul.f32 v36, v35  }
0x62: {  	v31 =	vld [tilespmem:s20+$0xFFFFFF20];
	v33 =	vmul.f32 v38, v37;
	v34 =	vmul.f32 v40, v39  }
0x63: {  	v26 =	vld [tilespmem:s20+$0xFFFFFF10];
	v36 =	vmul.f32 v42, v41;
	v37 =	vmul.f32 v44, v43  }
0x64: {  	v23 =	vld [tilespmem:s21+$0xFFFFFF30];
	v35 =	vmul.f32 v46, v45;
	v29 =	vmul.f32 v48, v47  }
0x65: {  	p0 =	por p1, p1;
	s24 =	simm.s32 $0x0;
	s0 =	simm.s32 $0x4;
	v4 =	vimm.f32 $0.0e+00;
	v30 =	vld [tilespmem:s20+$0xFFFFFF30];
	v38 =	vmul.f32 v50, v49;
	v32 =	vmul.f32 v52, v51  }
.LBB2_3:
0x66: {  	p1 =	slt.u32 s0, $0xC;
	v22 =	vmul.f32 v24, v22;
	v24 =	vld [tilespmem:s21+$0xFFFFFF50];
	v33 =	vadd.f32 v36, v33;
	v34 =	vadd.f32 v37, v34  }
0x67: {  	v25 =	vadd.f32 v27, v25;
	v28 =	vmul.f32 v31, v28;
	v31 =	vld [tilespmem:s20+$0xFFFFFF50];
	v35 =	vadd.f32 v38, v35  }
0x68: {  	v9 =	vmul.f32 v10, v9;
	v20 =	vadd.f32 v20, v33;
	v21 =	vadd.f32 v21, v34;
	v10 =	vld [tilespmem:s20+$0xB0]  }
0x69: {  	v27 =	vadd.f32 v32, v29;
	v19 =	vmul.f32 v26, v19;
	v22 =	vadd.f32 v28, v22;
	v26 =	vld [tilespmem:s20+$0xFFFFFF70]  }
0x6a: {  	v23 =	vmul.f32 v30, v23;
	v15 =	vadd.f32 v15, v20;
	v16 =	vadd.f32 v16, v21;
	v20 =	vld [tilespmem:s20+$0xD0]  }
0x6b: {  	v7 =	vmul.f32 v8, v7;
	v8 =	vadd.f32 v17, v35;
	v17 =	vadd.f32 v18, v27;
	v18 =	vld [tilespmem:s21+$0xF0]  }
0x6c: {  	s21 =	sadd.s32 $0x200, s21;
	v19 =	vadd.f32 v23, v19;
	v21 =	vmul.f32 v31, v24;
	v15 =	vadd.f32 v16, v15;
	v16 =	vld [tilespmem:s20+$0xF0]  }
0x6d: {  	v8 =	vadd.f32 v13, v8;
	v14 =	vadd.f32 v14, v17;
	s20 =	sadd.s32 $0x200, s20;
	v23 =	vld [tilespmem:s21+$0xE0];
	v6 =	vmul.f32 v10, v6  }
0x6e: {  	v7 =	vadd.f32 v7, v22;
	v10 =	vld [tilespmem:s20+$0xE0];
	v17 =	vadd.f32 v21, v19;
	v5 =	vmul.f32 v26, v5;
	(xrf2) =	vadd.scan.msk.f32 $0xffff, v15  }
0x6f: {  	v8 =	vadd.f32 v14, v8;
	v13 =	vld [tilespmem:s21+$0x60];
	v6 =	vadd.f32 v6, v9;
	v3 =	vmul.f32 v20, v3  }
0x70: {  	v7 =	vadd.f32 v12, v7;
	v15 =	vmul.f32 v2, v1;
	v14 =	vld [tilespmem:s20+$0x60];
	v5 =	vadd.f32 v5, v17  }
0x71: {  	v9 =	vadd.f32 v11, v25;
	v12 =	vld [tilespmem:s21+$0x70];
	v3 =	vadd.f32 v3, v6;
	v6 =	vmul.f32 v16, v18;
	(xrf2) =	vadd.scan.msk.f32 $0xffff, v8  }
0x72: {  	v11 =	vld [tilespmem:s20+$0x70];
	v5 =	vadd.f32 v5, v7;
	v1 =	vmov v23  }
0x73: {  	v7 =	vadd.f32 v15, v9;
	v17 =	vld [tilespmem:s21+$0xFFFFFFE0];
	v3 =	vadd.f32 v6, v3;
	v2 =	vmov v10  }
0x74: {  	v18 =	vld [tilespmem:s20+$0xFFFFFFE0];
	(xrf2) =	vadd.scan.msk.f32 $0xffff, v5  }
0x75: {  	v19 =	vld [tilespmem:s21+$0xFFFFFFF0];
	v3 =	vadd.f32 v3, v7  }
0x76: {  	v20 =	vld [tilespmem:s20+$0xFFFFFFF0]  }
0x77: {  	v21 =	vld [tilespmem:s21+$0xC0];
	(xrf2) =	vadd.scan.msk.f32 $0xffff, v3  }
0x78: {  	v23 =	vld [tilespmem:s20+$0xC0];
	v6, _, _ =	vpop (xrf2)  }
0x79: {  	v3 =	vld [tilespmem:s21+$0xD0]  }
0x7a: {  	v24 =	vld [tilespmem:s21+$0xFFFFFF60]  }
0x7b: {  	v25 =	vld [tilespmem:s20+$0xFFFFFF60];
	v7, _, _ =	vpop (xrf2)  }
0x7c: {  	v5 =	vld [tilespmem:s21+$0xFFFFFF70]  }
0x7d: {  	v26 =	vld [tilespmem:s21+$0x40]  }
0x7e: {  	s25 =	sadd.s32 $0x2, s24;
	s29 =	sadd.s32 $0x3, s24;
	v8 =	vmov s24;
	v27 =	vld [tilespmem:s20+$0x40];
	v9, _, _ =	vpop (xrf2)  }
0x7f: {  	s30 =	sadd.s32 $0x1, s24;
	s24 =	smov.u32 s0;
	v15 =	vmov s29;
	v10 =	vmov s25;
	v28 =	vld [tilespmem:s21+$0x50];
	v9 =	vbroadcast v9, $0xF  }
0x80: {  	v16 =	vmov s30;
	vm0 =	veq.s32 v8, v0;
	v7 =	vbroadcast v7, $0xF;
	v29 =	vld [tilespmem:s20+$0x50]  }
0x81: {  	v6 =	vbroadcast v6, $0xF;
	v30 =	vld [tilespmem:s21+$0xFFFFFFC0];
	v4 =	vsel vm0, v9, v4;
	vm0 =	veq.s32 v16, v0;
	v8, _, _ =	vpop (xrf2)  }
0x82: {  	v31 =	vld [tilespmem:s20+$0xFFFFFFC0];
	v4 =	vsel vm0, v7, v4;
	vm0 =	veq.s32 v10, v0;
	v7 =	vbroadcast v8, $0xF  }
0x83: {  	v32 =	vld [tilespmem:s21+$0xFFFFFFD0];
	v4 =	vsel vm0, v6, v4;
	vm0 =	veq.s32 v15, v0  }
0x84: {  	v33 =	vld [tilespmem:s20+$0xFFFFFFD0];
	v4 =	vsel vm0, v7, v4  }
0x85: {  	v34 =	vld [tilespmem:s21+$0x80]  }
0x86: {  	v35 =	vld [tilespmem:s20+$0x80]  }
0x87: {  	v9 =	vld [tilespmem:s21+$0x90]  }
0x88: {  	v10 =	vld [tilespmem:s20+$0x90]  }
0x89: {  	v36 =	vld [tilespmem:s21+$0xA0]  }
0x8a: {  	v37 =	vld [tilespmem:s20+$0xA0]  }
0x8b: {  	v6 =	vld [tilespmem:s21+$0xB0]  }
0x8c: {  	v7 =	vld [tilespmem:s21+$0xFFFFFF40]  }
0x8d: {  	v8 =	vld [tilespmem:s20+$0xFFFFFF40]  }
0x8e: {  	v38 =	vld [tilespmem:s21+$0x0]  }
0x8f: {  	v39 =	vld [tilespmem:s20+$0x0]  }
0x90: {  	v40 =	vld [tilespmem:s21+$0x10]  }
0x91: {  	v41 =	vld [tilespmem:s20+$0x10]  }
0x92: {  	v42 =	vld [tilespmem:s21+$0x20]  }
0x93: {  	v43 =	vld [tilespmem:s20+$0x20]  }
0x94: {  	v44 =	vld [tilespmem:s21+$0x30]  }
0x95: {  	v45 =	vld [tilespmem:s20+$0x30]  }
0x96: {  	v46 =	vld [tilespmem:s21+$0xFFFFFF80]  }
0x97: {  	v47 =	vld [tilespmem:s20+$0xFFFFFF80]  }
0x98: {  	v48 =	vld [tilespmem:s21+$0xFFFFFF90]  }
0x99: {  	v49 =	vld [tilespmem:s20+$0xFFFFFF90]  }
0x9a: {  	v50 =	vld [tilespmem:s21+$0xFFFFFFA0]  }
0x9b: {  	v51 =	vld [tilespmem:s20+$0xFFFFFFA0]  }
0x9c: {  	v16 =	vmul.f32 v11, v12;
	v15 =	vmul.f32 v14, v13;
	v52 =	vld [tilespmem:s21+$0xFFFFFFB0]  }
0x9d: {  	v13 =	vmul.f32 v18, v17;
	v14 =	vmul.f32 v20, v19;
	v53 =	vld [tilespmem:s20+$0xFFFFFFB0]  }
0x9e: {  	v12 =	vmul.f32 v25, v24;
	v11 =	vmul.f32 v23, v21;
	v22 =	vld [tilespmem:s21+$0xFFFFFF00]  }
0x9f: {  	v20 =	vmul.f32 v27, v26;
	v21 =	vmul.f32 v29, v28;
	v24 =	vld [tilespmem:s20+$0xFFFFFF00]  }
0xa0: {  	v17 =	vmul.f32 v31, v30;
	v18 =	vmul.f32 v33, v32;
	v19 =	vld [tilespmem:s21+$0xFFFFFF10]  }
.Ltmp0:
0xa1: {  	v25 =	vmul.f32 v35, v34;
	v27 =	vmul.f32 v37, v36;
	v28 =	vld [tilespmem:s21+$0xFFFFFF20];
	(pc) =	sbr.rel @p1 .LBB2_3-.Ltmp0, $4  }
0xa2: {  	v33 =	vmul.f32 v39, v38;
	v34 =	vmul.f32 v41, v40;
	v31 =	vld [tilespmem:s20+$0xFFFFFF20]  }
0xa3: {  	v36 =	vmul.f32 v43, v42;
	v37 =	vmul.f32 v45, v44;
	v26 =	vld [tilespmem:s20+$0xFFFFFF10]  }
0xa4: {  	v35 =	vmul.f32 v47, v46;
	v29 =	vmul.f32 v49, v48;
	v23 =	vld [tilespmem:s21+$0xFFFFFF30]  }
0xa5: {  	s0 =	sadd.s32 $0x4, s0;
	v38 =	vmul.f32 v51, v50;
	v32 =	vmul.f32 v53, v52;
	v30 =	vld [tilespmem:s20+$0xFFFFFF30]  }
0xa6: {  	v33 =	vadd.f32 v36, v33  }
0xa7: {  	v22 =	vmul.f32 v24, v22;
	v48 =	vld [tilespmem:s21+$0xFFFFFF50];
	v34 =	vadd.f32 v37, v34;
	v25 =	vadd.f32 v27, v25  }
0xa8: {  	v49 =	vld [tilespmem:s20+$0xFFFFFF50];
	v9 =	vmul.f32 v10, v9;
	v1 =	vmul.f32 v2, v1;
	v35 =	vadd.f32 v38, v35  }
0xa9: {  	v50 =	vld [tilespmem:s20+$0xB0];
	v28 =	vmul.f32 v31, v28;
	v52 =	vadd.f32 v32, v29;
	v20 =	vadd.f32 v20, v33  }
0xaa: {  	v51 =	vld [tilespmem:s20+$0xFFFFFF70];
	v21 =	vadd.f32 v21, v34;
	v19 =	vmul.f32 v26, v19;
	v2 =	vadd.f32 v11, v25  }
0xab: {  	v53 =	vld [tilespmem:s20+$0xD0];
	v22 =	vadd.f32 v28, v22;
	v54 =	vadd.f32 v17, v35;
	v23 =	vmul.f32 v30, v23  }
0xac: {  	v7 =	vmul.f32 v8, v7;
	v56 =	vld [tilespmem:s21+$0xF0];
	v55 =	vadd.f32 v18, v52;
	v15 =	vadd.f32 v15, v20  }
0xad: {  	v58 =	vld [tilespmem:s20+$0xF0];
	v16 =	vadd.f32 v16, v21;
	v57 =	vmul.f32 v49, v48;
	v19 =	vadd.f32 v23, v19  }
0xae: {  	v8 =	vadd.f32 v13, v54;
	v59 =	vadd.f32 v14, v55;
	v6 =	vmul.f32 v50, v6  }
0xaf: {  	v7 =	vadd.f32 v7, v22;
	v5 =	vmul.f32 v51, v5;
	v60 =	vadd.f32 v57, v19  }
0xb0: {  	v3 =	vmul.f32 v53, v3;
	v15 =	vadd.f32 v16, v15;
	v6 =	vadd.f32 v6, v9  }
0xb1: {  	v7 =	vadd.f32 v12, v7;
	v5 =	vadd.f32 v5, v60  }
0xb2: {  	v61 =	vmul.f32 v58, v56;
	v8 =	vadd.f32 v59, v8;
	v3 =	vadd.f32 v3, v6  }
0xb3: {  	(xrf2) =	vadd.scan.msk.f32 $0xffff, v15;
	v5 =	vadd.f32 v5, v7  }
0xb4: {  	v1 =	vadd.f32 v1, v2;
	(xrf2) =	vadd.scan.msk.f32 $0xffff, v8;
	v2 =	vadd.f32 v61, v3  }
0xb5: {  	(xrf2) =	vadd.scan.msk.f32 $0xffff, v5  }
0xb6: {  	v1 =	vadd.f32 v2, v1;
	_ =	sdelay $0x1  }
0xb7: {  	(xrf2) =	vadd.scan.msk.f32 $0xffff, v1;
	_ =	sdelay $0x4  }
0xb8: {  	v1, _, _ =	vpop (xrf2)  }
0xb9: {  	s30 =	sadd.s32 $0x1, s24;
	v3 =	vmov s24;
	v2, _, _ =	vpop (xrf2)  }
0xba: {  	vm0 =	veq.s32 v3, v0;
	v3 =	vmov s30;
	v5, _, _ =	vpop (xrf2)  }
0xbb: {  	s0 =	sadd.s32 $0x2, s24;
	s29 =	sadd.s32 $0x3, s24;
	v5 =	vbroadcast v5, $0xF  }
0xbc: {  	v62 =	vmov s0;
	v63 =	vmov s29;
	v2 =	vbroadcast v2, $0xF  }
.Ltmp1:
0xbd: {  	vm13 =	veq.s32 v3, v0;
	v1 =	vbroadcast v1, $0xF;
	v3, _, _ =	vpop (xrf2);
	v4 =	vsel vm0, v5, v4;
	(pc) =	sbr.rel @p0 .LBB2_2-.Ltmp1, $4  }
0xbe: {  	vm14 =	veq.s32 v62, v0;
	v3 =	vbroadcast v3, $0xF;
	v2 =	vsel vm13, v2, v4  }
0xbf: {  	vm15 =	veq.s32 v63, v0;
	v1 =	vsel vm14, v1, v2  }
0xc0: {  	v1 =	vsel vm15, v3, v1  }
0xc1: {  	p1 =	por $0x0, $0x0;
	[tilespmem:s19+$0x18400] =	vst v1;
	s19 =	simm.s32 $0x10  }
0xc2: {  	s0 =	simm.s32 $0x100  }
0xc3: {  	[tilespmem:s10], [sflag:$0x1] =	stream.indirect.gather [hbm4b:s1+s9], $0x80, s0, s9, $0xb8;
	[tilespmem:$0x18600] =	vst v63  }
0xc4: {  	s30 =	simm.s32 $0x300  }
0xc5: {  	[tilespmem:s12], [sflag:$0x2] =	stream.indirect.gather [hbm4b:s3+s9], $0x80, s30, s9, $0xb8;
	[tilespmem:$0x18600] =	vst v63  }
0xc6: {  	_ =	swait.ge [sflag:s26], $0x3000  }
0xc7: {  	[sflag:s26] =	ssyncset.done $0x0  }
0xc8: {  	[sflag:s26] =	ssyncadd.s32 $0xFFFFD000  }
0xc9: {  	_ =	swait.ge [sflag:s28], $0x3000  }
0xca: {  	[sflag:s28] =	ssyncset.done $0x0  }
0xcb: {  	s19 =	simm.s32 $0x0;
	s20 =	simm.s32 $0x0;
	[sflag:s28] =	ssyncadd.s32 $0xFFFFD000  }
.LBB2_6:
0xcc: {  	s21 =	sshra.s32 s19, $0x2  }
0xcd: {  	v1 =	vld [tilespmem:s21+$0x45E0]  }
0xce: {  	v2 =	vld [tilespmem:s21+$0x105E0]  }
0xcf: {  	v4 =	vld [tilespmem:s21+$0x4560]  }
0xd0: {  	v11 =	vld [tilespmem:s21+$0x10560]  }
0xd1: {  	v12 =	vld [tilespmem:s21+$0x4570]  }
0xd2: {  	v13 =	vld [tilespmem:s21+$0x10570]  }
0xd3: {  	v14 =	vld [tilespmem:s21+$0x44E0]  }
0xd4: {  	v17 =	vld [tilespmem:s21+$0x104E0]  }
0xd5: {  	v18 =	vld [tilespmem:s21+$0x44F0]  }
0xd6: {  	v20 =	vld [tilespmem:s21+$0x104F0]  }
0xd7: {  	v23 =	vld [tilespmem:s21+$0x45C0]  }
0xd8: {  	v24 =	vld [tilespmem:s21+$0x105C0]  }
0xd9: {  	v3 =	vld [tilespmem:s21+$0x45D0]  }
0xda: {  	v27 =	vld [tilespmem:s21+$0x4460]  }
0xdb: {  	v28 =	vld [tilespmem:s21+$0x10460]  }
0xdc: {  	v5 =	vld [tilespmem:s21+$0x4470]  }
0xdd: {  	v29 =	vld [tilespmem:s21+$0x4540]  }
0xde: {  	v30 =	vld [tilespmem:s21+$0x10540]  }
0xdf: {  	v31 =	vld [tilespmem:s21+$0x4550]  }
0xe0: {  	v32 =	vld [tilespmem:s21+$0x10550]  }
0xe1: {  	v33 =	vld [tilespmem:s21+$0x44C0]  }
0xe2: {  	v34 =	vld [tilespmem:s21+$0x104C0]  }
0xe3: {  	v35 =	vld [tilespmem:s21+$0x44D0]  }
0xe4: {  	v36 =	vld [tilespmem:s21+$0x104D0]  }
0xe5: {  	v37 =	vld [tilespmem:s21+$0x4580]  }
0xe6: {  	v38 =	vld [tilespmem:s21+$0x10580]  }
0xe7: {  	v9 =	vld [tilespmem:s21+$0x4590]  }
0xe8: {  	v10 =	vld [tilespmem:s21+$0x10590]  }
0xe9: {  	v39 =	vld [tilespmem:s21+$0x45A0]  }
0xea: {  	v40 =	vld [tilespmem:s21+$0x105A0]  }
0xeb: {  	v6 =	vld [tilespmem:s21+$0x45B0]  }
0xec: {  	v7 =	vld [tilespmem:s21+$0x4440]  }
0xed: {  	v8 =	vld [tilespmem:s21+$0x10440]  }
0xee: {  	v41 =	vld [tilespmem:s21+$0x4500]  }
0xef: {  	v42 =	vld [tilespmem:s21+$0x10500]  }
0xf0: {  	v43 =	vld [tilespmem:s21+$0x4510]  }
0xf1: {  	v44 =	vld [tilespmem:s21+$0x10510]  }
0xf2: {  	v45 =	vld [tilespmem:s21+$0x4520]  }
0xf3: {  	v46 =	vld [tilespmem:s21+$0x10520]  }
0xf4: {  	v47 =	vld [tilespmem:s21+$0x4530]  }
0xf5: {  	v48 =	vld [tilespmem:s21+$0x10530]  }
0xf6: {  	v49 =	vld [tilespmem:s21+$0x4480]  }
0xf7: {  	v50 =	vld [tilespmem:s21+$0x10480]  }
0xf8: {  	v51 =	vld [tilespmem:s21+$0x4490]  }
0xf9: {  	v52 =	vld [tilespmem:s21+$0x10490]  }
0xfa: {  	v19 =	vld [tilespmem:s21+$0x44A0]  }
0xfb: {  	v21 =	vld [tilespmem:s21+$0x104A0]  }
0xfc: {  	v22 =	vld [tilespmem:s21+$0x44B0];
	v15 =	vmul.f32 v11, v4;
	v16 =	vmul.f32 v13, v12  }
0xfd: {  	v25 =	vld [tilespmem:s21+$0x104B0];
	v13 =	vmul.f32 v17, v14;
	v14 =	vmul.f32 v20, v18  }
0xfe: {  	v26 =	vld [tilespmem:s21+$0x4400];
	v12 =	vmul.f32 v28, v27;
	v11 =	vmul.f32 v24, v23  }
0xff: {  	v27 =	vld [tilespmem:s21+$0x10400];
	v23 =	vmul.f32 v30, v29;
	v24 =	vmul.f32 v32, v31  }
0x100: {  	v20 =	vld [tilespmem:s21+$0x4410];
	v17 =	vmul.f32 v34, v33;
	v18 =	vmul.f32 v36, v35  }
0x101: {  	v32 =	vld [tilespmem:s21+$0x4420];
	v28 =	vmul.f32 v38, v37;
	v31 =	vmul.f32 v40, v39  }
0x102: {  	v34 =	vld [tilespmem:s21+$0x10420];
	v35 =	vmul.f32 v42, v41;
	v36 =	vmul.f32 v44, v43  }
0x103: {  	s24 =	sshll.u32 s20, $0x4;
	v29 =	vld [tilespmem:s21+$0x10410];
	v37 =	vmul.f32 v46, v45;
	v38 =	vmul.f32 v48, v47  }
0x104: {  	s0 =	simm.s32 $0x4;
	s29 =	smov.u32 s19;
	s25 =	simm.s32 $0x0;
	v4 =	vimm.f32 $0.0e+00;
	v30 =	vld [tilespmem:s21+$0x4430];
	v39 =	vmul.f32 v50, v49;
	v33 =	vmul.f32 v52, v51  }
.LBB2_7:
0x105: {  	p0 =	slt.u32 s0, $0xC;
	v40 =	vld [tilespmem:s21+$0x10430];
	v19 =	vmul.f32 v21, v19;
	v21 =	vmul.f32 v25, v22  }
0x106: {  	v22 =	vmul.f32 v27, v26;
	v26 =	vadd.f32 v37, v35;
	v27 =	vadd.f32 v38, v36;
	v25 =	vld [tilespmem:s21+$0x4450]  }
0x107: {  	v28 =	vadd.f32 v31, v28;
	v32 =	vmul.f32 v34, v32;
	v34 =	vld [tilespmem:s21+$0x10450];
	v19 =	vadd.f32 v19, v39  }
0x108: {  	v9 =	vmul.f32 v10, v9;
	v23 =	vadd.f32 v23, v26;
	v24 =	vadd.f32 v24, v27;
	v10 =	vld [tilespmem:s21+$0x105B0]  }
0x109: {  	v21 =	vadd.f32 v21, v33;
	v20 =	vmul.f32 v29, v20;
	v22 =	vadd.f32 v32, v22;
	v26 =	vld [tilespmem:s21+$0x10470]  }
0x10a: {  	v15 =	vadd.f32 v15, v23;
	v16 =	vadd.f32 v16, v24;
	v27 =	vmul.f32 v40, v30;
	v23 =	vld [tilespmem:s21+$0x105D0]  }
0x10b: {  	v7 =	vmul.f32 v8, v7;
	s29 =	sadd.s32 $0x800, s29;
	v8 =	vadd.f32 v17, v19;
	v17 =	vadd.f32 v18, v21;
	v18 =	vld [tilespmem:s21+$0x45F0]  }
0x10c: {  	v15 =	vadd.f32 v16, v15;
	v19 =	vadd.f32 v27, v20;
	v20 =	vmul.f32 v34, v25;
	v16 =	vld [tilespmem:s21+$0x105F0];
	s21 =	sshra.s32 s29, $0x2  }
0x10d: {  	v8 =	vadd.f32 v13, v8;
	v14 =	vadd.f32 v14, v17;
	v21 =	vld [tilespmem:s21+$0x45E0];
	v6 =	vmul.f32 v10, v6  }
0x10e: {  	v7 =	vadd.f32 v7, v22;
	v10 =	vld [tilespmem:s21+$0x105E0];
	v17 =	vadd.f32 v20, v19;
	v5 =	vmul.f32 v26, v5;
	(xrf2) =	vadd.scan.msk.f32 $0xffff, v15  }
0x10f: {  	v8 =	vadd.f32 v14, v8;
	v13 =	vld [tilespmem:s21+$0x4560];
	v6 =	vadd.f32 v6, v9;
	v3 =	vmul.f32 v23, v3  }
0x110: {  	v7 =	vadd.f32 v12, v7;
	v15 =	vmul.f32 v2, v1;
	v14 =	vld [tilespmem:s21+$0x10560];
	v5 =	vadd.f32 v5, v17  }
0x111: {  	v9 =	vadd.f32 v11, v28;
	v12 =	vld [tilespmem:s21+$0x4570];
	v3 =	vadd.f32 v3, v6;
	v6 =	vmul.f32 v16, v18;
	(xrf2) =	vadd.scan.msk.f32 $0xffff, v8  }
0x112: {  	v11 =	vld [tilespmem:s21+$0x10570];
	v5 =	vadd.f32 v5, v7;
	v1 =	vmov v21  }
0x113: {  	v7 =	vadd.f32 v15, v9;
	v17 =	vld [tilespmem:s21+$0x44E0];
	v3 =	vadd.f32 v6, v3;
	v2 =	vmov v10  }
0x114: {  	v18 =	vld [tilespmem:s21+$0x104E0];
	(xrf2) =	vadd.scan.msk.f32 $0xffff, v5  }
0x115: {  	v20 =	vld [tilespmem:s21+$0x44F0];
	v3 =	vadd.f32 v3, v7  }
0x116: {  	v23 =	vld [tilespmem:s21+$0x104F0]  }
0x117: {  	v24 =	vld [tilespmem:s21+$0x45C0];
	(xrf2) =	vadd.scan.msk.f32 $0xffff, v3  }
0x118: {  	v27 =	vld [tilespmem:s21+$0x105C0];
	v6, _, _ =	vpop (xrf2)  }
0x119: {  	v3 =	vld [tilespmem:s21+$0x45D0]  }
0x11a: {  	v28 =	vld [tilespmem:s21+$0x4460]  }
0x11b: {  	v29 =	vld [tilespmem:s21+$0x10460];
	v7, _, _ =	vpop (xrf2)  }
0x11c: {  	v5 =	vld [tilespmem:s21+$0x4470]  }
0x11d: {  	v30 =	vld [tilespmem:s21+$0x4540]  }
0x11e: {  	s30 =	sadd.s32 $0x2, s25;
	s12 =	sadd.s32 $0x3, s25;
	v8 =	vmov s25;
	v31 =	vld [tilespmem:s21+$0x10540];
	v9, _, _ =	vpop (xrf2)  }
0x11f: {  	s14 =	sadd.s32 $0x1, s25;
	s25 =	smov.u32 s0;
	v15 =	vmov s12;
	v10 =	vmov s30;
	v32 =	vld [tilespmem:s21+$0x4550];
	v9 =	vbroadcast v9, $0xF  }
0x120: {  	v16 =	vmov s14;
	vm0 =	veq.s32 v8, v0;
	v7 =	vbroadcast v7, $0xF;
	v33 =	vld [tilespmem:s21+$0x10550]  }
0x121: {  	v6 =	vbroadcast v6, $0xF;
	v34 =	vld [tilespmem:s21+$0x44C0];
	v4 =	vsel vm0, v9, v4;
	vm0 =	veq.s32 v16, v0;
	v8, _, _ =	vpop (xrf2)  }
0x122: {  	v35 =	vld [tilespmem:s21+$0x104C0];
	v4 =	vsel vm0, v7, v4;
	vm0 =	veq.s32 v10, v0;
	v7 =	vbroadcast v8, $0xF  }
0x123: {  	v36 =	vld [tilespmem:s21+$0x44D0];
	v4 =	vsel vm0, v6, v4;
	vm0 =	veq.s32 v15, v0  }
0x124: {  	v37 =	vld [tilespmem:s21+$0x104D0];
	v4 =	vsel vm0, v7, v4  }
0x125: {  	v38 =	vld [tilespmem:s21+$0x4580]  }
0x126: {  	v39 =	vld [tilespmem:s21+$0x10580]  }
0x127: {  	v9 =	vld [tilespmem:s21+$0x4590]  }
0x128: {  	v10 =	vld [tilespmem:s21+$0x10590]  }
0x129: {  	v40 =	vld [tilespmem:s21+$0x45A0]  }
0x12a: {  	v41 =	vld [tilespmem:s21+$0x105A0]  }
0x12b: {  	v6 =	vld [tilespmem:s21+$0x45B0]  }
0x12c: {  	v7 =	vld [tilespmem:s21+$0x4440]  }
0x12d: {  	v8 =	vld [tilespmem:s21+$0x10440]  }
0x12e: {  	v42 =	vld [tilespmem:s21+$0x4500]  }
0x12f: {  	v43 =	vld [tilespmem:s21+$0x10500]  }
0x130: {  	v44 =	vld [tilespmem:s21+$0x4510]  }
0x131: {  	v45 =	vld [tilespmem:s21+$0x10510]  }
0x132: {  	v46 =	vld [tilespmem:s21+$0x4520]  }
0x133: {  	v47 =	vld [tilespmem:s21+$0x10520]  }
0x134: {  	v48 =	vld [tilespmem:s21+$0x4530]  }
0x135: {  	v49 =	vld [tilespmem:s21+$0x10530]  }
0x136: {  	v50 =	vld [tilespmem:s21+$0x4480]  }
0x137: {  	v51 =	vld [tilespmem:s21+$0x10480]  }
0x138: {  	v52 =	vld [tilespmem:s21+$0x4490]  }
0x139: {  	v53 =	vld [tilespmem:s21+$0x10490]  }
0x13a: {  	v19 =	vld [tilespmem:s21+$0x44A0]  }
0x13b: {  	v21 =	vld [tilespmem:s21+$0x104A0]  }
0x13c: {  	v16 =	vmul.f32 v11, v12;
	v15 =	vmul.f32 v14, v13;
	v22 =	vld [tilespmem:s21+$0x44B0]  }
0x13d: {  	v13 =	vmul.f32 v18, v17;
	v14 =	vmul.f32 v23, v20;
	v25 =	vld [tilespmem:s21+$0x104B0]  }
0x13e: {  	v12 =	vmul.f32 v29, v28;
	v11 =	vmul.f32 v27, v24;
	v26 =	vld [tilespmem:s21+$0x4400]  }
0x13f: {  	v23 =	vmul.f32 v31, v30;
	v24 =	vmul.f32 v33, v32;
	v27 =	vld [tilespmem:s21+$0x10400]  }
.Ltmp2:
0x140: {  	v17 =	vmul.f32 v35, v34;
	v18 =	vmul.f32 v37, v36;
	v20 =	vld [tilespmem:s21+$0x4410];
	(pc) =	sbr.rel @p0 .LBB2_7-.Ltmp2, $4  }
0x141: {  	v28 =	vmul.f32 v39, v38;
	v31 =	vmul.f32 v41, v40;
	v32 =	vld [tilespmem:s21+$0x4420]  }
0x142: {  	v35 =	vmul.f32 v43, v42;
	v36 =	vmul.f32 v45, v44;
	v34 =	vld [tilespmem:s21+$0x10420]  }
0x143: {  	v37 =	vmul.f32 v47, v46;
	v38 =	vmul.f32 v49, v48;
	v29 =	vld [tilespmem:s21+$0x10410]  }
0x144: {  	s0 =	sadd.s32 $0x4, s0;
	v39 =	vmul.f32 v51, v50;
	v33 =	vmul.f32 v53, v52;
	v30 =	vld [tilespmem:s21+$0x4430]  }
0x145: {  	v40 =	vld [tilespmem:s21+$0x10430];
	v19 =	vmul.f32 v21, v19;
	v43 =	vmul.f32 v25, v22;
	v46 =	vadd.f32 v37, v35  }
0x146: {  	v44 =	vmul.f32 v27, v26;
	v45 =	vld [tilespmem:s21+$0x4450];
	v47 =	vadd.f32 v38, v36;
	v28 =	vadd.f32 v31, v28  }
0x147: {  	v48 =	vld [tilespmem:s21+$0x10450];
	v9 =	vmul.f32 v10, v9;
	v1 =	vmul.f32 v2, v1;
	v19 =	vadd.f32 v19, v39  }
0x148: {  	v49 =	vld [tilespmem:s21+$0x105B0];
	v32 =	vmul.f32 v34, v32;
	v23 =	vadd.f32 v23, v46;
	v24 =	vadd.f32 v24, v47  }
0x149: {  	v50 =	vld [tilespmem:s21+$0x10470];
	v21 =	vadd.f32 v43, v33;
	v2 =	vadd.f32 v11, v28;
	v20 =	vmul.f32 v29, v20  }
0x14a: {  	v52 =	vld [tilespmem:s21+$0x105D0];
	v22 =	vadd.f32 v32, v44;
	v15 =	vadd.f32 v15, v23;
	v51 =	vmul.f32 v40, v30  }
0x14b: {  	v7 =	vmul.f32 v8, v7;
	v55 =	vld [tilespmem:s21+$0x45F0];
	v16 =	vadd.f32 v16, v24;
	v53 =	vadd.f32 v17, v19  }
0x14c: {  	v58 =	vld [tilespmem:s21+$0x105F0];
	v54 =	vadd.f32 v18, v21;
	v57 =	vmul.f32 v48, v45;
	v56 =	vadd.f32 v51, v20  }
0x14d: {  	v6 =	vmul.f32 v49, v6;
	v15 =	vadd.f32 v16, v15;
	v8 =	vadd.f32 v13, v53  }
0x14e: {  	v5 =	vmul.f32 v50, v5;
	v7 =	vadd.f32 v7, v22;
	v60 =	vadd.f32 v57, v56  }
0x14f: {  	v3 =	vmul.f32 v52, v3;
	v59 =	vadd.f32 v14, v54;
	v6 =	vadd.f32 v6, v9  }
0x150: {  	v7 =	vadd.f32 v12, v7;
	v5 =	vadd.f32 v5, v60  }
0x151: {  	v61 =	vmul.f32 v58, v55;
	v8 =	vadd.f32 v59, v8;
	v3 =	vadd.f32 v3, v6  }
0x152: {  	(xrf2) =	vadd.scan.msk.f32 $0xffff, v15;
	v5 =	vadd.f32 v5, v7  }
0x153: {  	v1 =	vadd.f32 v1, v2;
	(xrf2) =	vadd.scan.msk.f32 $0xffff, v8;
	v2 =	vadd.f32 v61, v3  }
0x154: {  	(xrf2) =	vadd.scan.msk.f32 $0xffff, v5  }
0x155: {  	v1 =	vadd.f32 v2, v1;
	_ =	sdelay $0x1  }
0x156: {  	(xrf2) =	vadd.scan.msk.f32 $0xffff, v1;
	_ =	sdelay $0x4  }
0x157: {  	v1, _, _ =	vpop (xrf2)  }
0x158: {  	s14 =	sadd.s32 $0x1, s25;
	v3 =	vmov s25;
	v2, _, _ =	vpop (xrf2)  }
0x159: {  	vm0 =	veq.s32 v3, v0;
	v3 =	vmov s14;
	v5, _, _ =	vpop (xrf2)  }
0x15a: {  	s0 =	sadd.s32 $0x2, s25;
	s12 =	sadd.s32 $0x3, s25;
	s20 =	sadd.s32 $0x1, s20;
	v5 =	vbroadcast v5, $0xF  }
0x15b: {  	v62 =	vmov s0;
	v63 =	vmov s12;
	p0 =	sne.s32 s20, $0x6;
	v2 =	vbroadcast v2, $0xF  }
.Ltmp3:
0x15c: {  	vm13 =	veq.s32 v3, v0;
	v1 =	vbroadcast v1, $0xF;
	v3, _, _ =	vpop (xrf2);
	v4 =	vsel vm0, v5, v4;
	(pc) =	sbr.rel @p0 .LBB2_6-.Ltmp3, $4  }
0x15d: {  	vm14 =	veq.s32 v62, v0;
	v3 =	vbroadcast v3, $0xF;
	v2 =	vsel vm13, v2, v4  }
0x15e: {  	vm15 =	veq.s32 v63, v0;
	v1 =	vsel vm14, v1, v2  }
0x15f: {  	v1 =	vsel vm15, v3, v1  }
0x160: {  	s19 =	sadd.s32 $0x2000, s19;
	[tilespmem:s24+$0x18420] =	vst v1  }
0x161: {  	s0 =	simm.s32 $0x180  }
0x162: {  	[tilespmem:s16], [sflag:$0x3] =	stream.indirect.gather [hbm4b:s1+s9], $0x80, s0, s9, $0xb8;
	[tilespmem:$0x18600] =	vst v63  }
0x163: {  	s30 =	simm.s32 $0x380  }
0x164: {  	[tilespmem:s18], [sflag:$0x4] =	stream.indirect.gather [hbm4b:s3+s9], $0x80, s30, s9, $0xb8;
	[tilespmem:$0x18600] =	vst v63  }
0x165: {  	_ =	swait.ge [sflag:s31], $0x4000  }
0x166: {  	[sflag:s31] =	ssyncset.done $0x0  }
0x167: {  	[sflag:s31] =	ssyncadd.s32 $0xFFFFC000  }
0x168: {  	_ =	swait.ge [sflag:s2], $0x4000  }
0x169: {  	[sflag:s2] =	ssyncset.done $0x0  }
0x16a: {  	s19 =	simm.s32 $0x0;
	s20 =	simm.s32 $0x0;
	[sflag:s2] =	ssyncadd.s32 $0xFFFFC000  }
.LBB2_10:
0x16b: {  	s21 =	sshra.s32 s19, $0x2  }
0x16c: {  	v1 =	vld [tilespmem:s21+$0x85E0]  }
0x16d: {  	v2 =	vld [tilespmem:s21+$0x145E0]  }
0x16e: {  	v4 =	vld [tilespmem:s21+$0x8560]  }
0x16f: {  	v11 =	vld [tilespmem:s21+$0x14560]  }
0x170: {  	v12 =	vld [tilespmem:s21+$0x8570]  }
0x171: {  	v13 =	vld [tilespmem:s21+$0x14570]  }
0x172: {  	v14 =	vld [tilespmem:s21+$0x84E0]  }
0x173: {  	v17 =	vld [tilespmem:s21+$0x144E0]  }
0x174: {  	v18 =	vld [tilespmem:s21+$0x84F0]  }
0x175: {  	v20 =	vld [tilespmem:s21+$0x144F0]  }
0x176: {  	v23 =	vld [tilespmem:s21+$0x85C0]  }
0x177: {  	v24 =	vld [tilespmem:s21+$0x145C0]  }
0x178: {  	v3 =	vld [tilespmem:s21+$0x85D0]  }
0x179: {  	v27 =	vld [tilespmem:s21+$0x8460]  }
0x17a: {  	v28 =	vld [tilespmem:s21+$0x14460]  }
0x17b: {  	v5 =	vld [tilespmem:s21+$0x8470]  }
0x17c: {  	v29 =	vld [tilespmem:s21+$0x8540]  }
0x17d: {  	v30 =	vld [tilespmem:s21+$0x14540]  }
0x17e: {  	v31 =	vld [tilespmem:s21+$0x8550]  }
0x17f: {  	v32 =	vld [tilespmem:s21+$0x14550]  }
0x180: {  	v33 =	vld [tilespmem:s21+$0x84C0]  }
0x181: {  	v34 =	vld [tilespmem:s21+$0x144C0]  }
0x182: {  	v35 =	vld [tilespmem:s21+$0x84D0]  }
0x183: {  	v36 =	vld [tilespmem:s21+$0x144D0]  }
0x184: {  	v37 =	vld [tilespmem:s21+$0x8580]  }
0x185: {  	v38 =	vld [tilespmem:s21+$0x14580]  }
0x186: {  	v9 =	vld [tilespmem:s21+$0x8590]  }
0x187: {  	v10 =	vld [tilespmem:s21+$0x14590]  }
0x188: {  	v39 =	vld [tilespmem:s21+$0x85A0]  }
0x189: {  	v40 =	vld [tilespmem:s21+$0x145A0]  }
0x18a: {  	v6 =	vld [tilespmem:s21+$0x85B0]  }
0x18b: {  	v7 =	vld [tilespmem:s21+$0x8440]  }
0x18c: {  	v8 =	vld [tilespmem:s21+$0x14440]  }
0x18d: {  	v41 =	vld [tilespmem:s21+$0x8500]  }
0x18e: {  	v42 =	vld [tilespmem:s21+$0x14500]  }
0x18f: {  	v43 =	vld [tilespmem:s21+$0x8510]  }
0x190: {  	v44 =	vld [tilespmem:s21+$0x14510]  }
0x191: {  	v45 =	vld [tilespmem:s21+$0x8520]  }
0x192: {  	v46 =	vld [tilespmem:s21+$0x14520]  }
0x193: {  	v47 =	vld [tilespmem:s21+$0x8530]  }
0x194: {  	v48 =	vld [tilespmem:s21+$0x14530]  }
0x195: {  	v49 =	vld [tilespmem:s21+$0x8480]  }
0x196: {  	v50 =	vld [tilespmem:s21+$0x14480]  }
0x197: {  	v51 =	vld [tilespmem:s21+$0x8490]  }
0x198: {  	v52 =	vld [tilespmem:s21+$0x14490]  }
0x199: {  	v19 =	vld [tilespmem:s21+$0x84A0]  }
0x19a: {  	v21 =	vld [tilespmem:s21+$0x144A0]  }
0x19b: {  	v22 =	vld [tilespmem:s21+$0x84B0];
	v15 =	vmul.f32 v11, v4;
	v16 =	vmul.f32 v13, v12  }
0x19c: {  	v25 =	vld [tilespmem:s21+$0x144B0];
	v13 =	vmul.f32 v17, v14;
	v14 =	vmul.f32 v20, v18  }
0x19d: {  	v26 =	vld [tilespmem:s21+$0x8400];
	v12 =	vmul.f32 v28, v27;
	v11 =	vmul.f32 v24, v23  }
0x19e: {  	v27 =	vld [tilespmem:s21+$0x14400];
	v23 =	vmul.f32 v30, v29;
	v24 =	vmul.f32 v32, v31  }
0x19f: {  	v20 =	vld [tilespmem:s21+$0x8410];
	v17 =	vmul.f32 v34, v33;
	v18 =	vmul.f32 v36, v35  }
0x1a0: {  	v32 =	vld [tilespmem:s21+$0x8420];
	v28 =	vmul.f32 v38, v37;
	v31 =	vmul.f32 v40, v39  }
0x1a1: {  	v34 =	vld [tilespmem:s21+$0x14420];
	v35 =	vmul.f32 v42, v41;
	v36 =	vmul.f32 v44, v43  }
0x1a2: {  	s24 =	sshll.u32 s20, $0x4;
	v29 =	vld [tilespmem:s21+$0x14410];
	v37 =	vmul.f32 v46, v45;
	v38 =	vmul.f32 v48, v47  }
0x1a3: {  	s0 =	simm.s32 $0x4;
	s29 =	smov.u32 s19;
	s25 =	simm.s32 $0x0;
	v4 =	vimm.f32 $0.0e+00;
	v30 =	vld [tilespmem:s21+$0x8430];
	v39 =	vmul.f32 v50, v49;
	v33 =	vmul.f32 v52, v51  }
.LBB2_11:
0x1a4: {  	p0 =	slt.u32 s0, $0xC;
	v40 =	vld [tilespmem:s21+$0x14430];
	v19 =	vmul.f32 v21, v19;
	v21 =	vmul.f32 v25, v22  }
0x1a5: {  	v22 =	vmul.f32 v27, v26;
	v26 =	vadd.f32 v37, v35;
	v27 =	vadd.f32 v38, v36;
	v25 =	vld [tilespmem:s21+$0x8450]  }
0x1a6: {  	v28 =	vadd.f32 v31, v28;
	v32 =	vmul.f32 v34, v32;
	v34 =	vld [tilespmem:s21+$0x14450];
	v19 =	vadd.f32 v19, v39  }
0x1a7: {  	v9 =	vmul.f32 v10, v9;
	v23 =	vadd.f32 v23, v26;
	v24 =	vadd.f32 v24, v27;
	v10 =	vld [tilespmem:s21+$0x145B0]  }
0x1a8: {  	v21 =	vadd.f32 v21, v33;
	v20 =	vmul.f32 v29, v20;
	v22 =	vadd.f32 v32, v22;
	v26 =	vld [tilespmem:s21+$0x14470]  }
0x1a9: {  	v15 =	vadd.f32 v15, v23;
	v16 =	vadd.f32 v16, v24;
	v27 =	vmul.f32 v40, v30;
	v23 =	vld [tilespmem:s21+$0x145D0]  }
0x1aa: {  	v7 =	vmul.f32 v8, v7;
	s29 =	sadd.s32 $0x800, s29;
	v8 =	vadd.f32 v17, v19;
	v17 =	vadd.f32 v18, v21;
	v18 =	vld [tilespmem:s21+$0x85F0]  }
0x1ab: {  	v15 =	vadd.f32 v16, v15;
	v19 =	vadd.f32 v27, v20;
	v20 =	vmul.f32 v34, v25;
	v16 =	vld [tilespmem:s21+$0x145F0];
	s21 =	sshra.s32 s29, $0x2  }
0x1ac: {  	v8 =	vadd.f32 v13, v8;
	v14 =	vadd.f32 v14, v17;
	v21 =	vld [tilespmem:s21+$0x85E0];
	v6 =	vmul.f32 v10, v6  }
0x1ad: {  	v7 =	vadd.f32 v7, v22;
	v10 =	vld [tilespmem:s21+$0x145E0];
	v17 =	vadd.f32 v20, v19;
	v5 =	vmul.f32 v26, v5;
	(xrf2) =	vadd.scan.msk.f32 $0xffff, v15  }
0x1ae: {  	v8 =	vadd.f32 v14, v8;
	v13 =	vld [tilespmem:s21+$0x8560];
	v6 =	vadd.f32 v6, v9;
	v3 =	vmul.f32 v23, v3  }
0x1af: {  	v7 =	vadd.f32 v12, v7;
	v15 =	vmul.f32 v2, v1;
	v14 =	vld [tilespmem:s21+$0x14560];
	v5 =	vadd.f32 v5, v17  }
0x1b0: {  	v9 =	vadd.f32 v11, v28;
	v12 =	vld [tilespmem:s21+$0x8570];
	v3 =	vadd.f32 v3, v6;
	v6 =	vmul.f32 v16, v18;
	(xrf2) =	vadd.scan.msk.f32 $0xffff, v8  }
0x1b1: {  	v11 =	vld [tilespmem:s21+$0x14570];
	v5 =	vadd.f32 v5, v7;
	v1 =	vmov v21  }
0x1b2: {  	v7 =	vadd.f32 v15, v9;
	v17 =	vld [tilespmem:s21+$0x84E0];
	v3 =	vadd.f32 v6, v3;
	v2 =	vmov v10  }
0x1b3: {  	v18 =	vld [tilespmem:s21+$0x144E0];
	(xrf2) =	vadd.scan.msk.f32 $0xffff, v5  }
0x1b4: {  	v20 =	vld [tilespmem:s21+$0x84F0];
	v3 =	vadd.f32 v3, v7  }
0x1b5: {  	v23 =	vld [tilespmem:s21+$0x144F0]  }
0x1b6: {  	v24 =	vld [tilespmem:s21+$0x85C0];
	(xrf2) =	vadd.scan.msk.f32 $0xffff, v3  }
0x1b7: {  	v27 =	vld [tilespmem:s21+$0x145C0];
	v6, _, _ =	vpop (xrf2)  }
0x1b8: {  	v3 =	vld [tilespmem:s21+$0x85D0]  }
0x1b9: {  	v28 =	vld [tilespmem:s21+$0x8460]  }
0x1ba: {  	v29 =	vld [tilespmem:s21+$0x14460];
	v7, _, _ =	vpop (xrf2)  }
0x1bb: {  	v5 =	vld [tilespmem:s21+$0x8470]  }
0x1bc: {  	v30 =	vld [tilespmem:s21+$0x8540]  }
0x1bd: {  	s12 =	sadd.s32 $0x2, s25;
	s14 =	sadd.s32 $0x3, s25;
	v8 =	vmov s25;
	v31 =	vld [tilespmem:s21+$0x14540];
	v9, _, _ =	vpop (xrf2)  }
0x1be: {  	s30 =	sadd.s32 $0x1, s25;
	s25 =	smov.u32 s0;
	v15 =	vmov s14;
	v10 =	vmov s12;
	v32 =	vld [tilespmem:s21+$0x8550];
	v9 =	vbroadcast v9, $0xF  }
0x1bf: {  	v16 =	vmov s30;
	vm0 =	veq.s32 v8, v0;
	v7 =	vbroadcast v7, $0xF;
	v33 =	vld [tilespmem:s21+$0x14550]  }
0x1c0: {  	v6 =	vbroadcast v6, $0xF;
	v34 =	vld [tilespmem:s21+$0x84C0];
	v4 =	vsel vm0, v9, v4;
	vm0 =	veq.s32 v16, v0;
	v8, _, _ =	vpop (xrf2)  }
0x1c1: {  	v35 =	vld [tilespmem:s21+$0x144C0];
	v4 =	vsel vm0, v7, v4;
	vm0 =	veq.s32 v10, v0;
	v7 =	vbroadcast v8, $0xF  }
0x1c2: {  	v36 =	vld [tilespmem:s21+$0x84D0];
	v4 =	vsel vm0, v6, v4;
	vm0 =	veq.s32 v15, v0  }
0x1c3: {  	v37 =	vld [tilespmem:s21+$0x144D0];
	v4 =	vsel vm0, v7, v4  }
0x1c4: {  	v38 =	vld [tilespmem:s21+$0x8580]  }
0x1c5: {  	v39 =	vld [tilespmem:s21+$0x14580]  }
0x1c6: {  	v9 =	vld [tilespmem:s21+$0x8590]  }
0x1c7: {  	v10 =	vld [tilespmem:s21+$0x14590]  }
0x1c8: {  	v40 =	vld [tilespmem:s21+$0x85A0]  }
0x1c9: {  	v41 =	vld [tilespmem:s21+$0x145A0]  }
0x1ca: {  	v6 =	vld [tilespmem:s21+$0x85B0]  }
0x1cb: {  	v7 =	vld [tilespmem:s21+$0x8440]  }
0x1cc: {  	v8 =	vld [tilespmem:s21+$0x14440]  }
0x1cd: {  	v42 =	vld [tilespmem:s21+$0x8500]  }
0x1ce: {  	v43 =	vld [tilespmem:s21+$0x14500]  }
0x1cf: {  	v44 =	vld [tilespmem:s21+$0x8510]  }
0x1d0: {  	v45 =	vld [tilespmem:s21+$0x14510]  }
0x1d1: {  	v46 =	vld [tilespmem:s21+$0x8520]  }
0x1d2: {  	v47 =	vld [tilespmem:s21+$0x14520]  }
0x1d3: {  	v48 =	vld [tilespmem:s21+$0x8530]  }
0x1d4: {  	v49 =	vld [tilespmem:s21+$0x14530]  }
0x1d5: {  	v50 =	vld [tilespmem:s21+$0x8480]  }
0x1d6: {  	v51 =	vld [tilespmem:s21+$0x14480]  }
0x1d7: {  	v52 =	vld [tilespmem:s21+$0x8490]  }
0x1d8: {  	v53 =	vld [tilespmem:s21+$0x14490]  }
0x1d9: {  	v19 =	vld [tilespmem:s21+$0x84A0]  }
0x1da: {  	v21 =	vld [tilespmem:s21+$0x144A0]  }
0x1db: {  	v16 =	vmul.f32 v11, v12;
	v15 =	vmul.f32 v14, v13;
	v22 =	vld [tilespmem:s21+$0x84B0]  }
0x1dc: {  	v13 =	vmul.f32 v18, v17;
	v14 =	vmul.f32 v23, v20;
	v25 =	vld [tilespmem:s21+$0x144B0]  }
0x1dd: {  	v12 =	vmul.f32 v29, v28;
	v11 =	vmul.f32 v27, v24;
	v26 =	vld [tilespmem:s21+$0x8400]  }
0x1de: {  	v23 =	vmul.f32 v31, v30;
	v24 =	vmul.f32 v33, v32;
	v27 =	vld [tilespmem:s21+$0x14400]  }
.Ltmp4:
0x1df: {  	v17 =	vmul.f32 v35, v34;
	v18 =	vmul.f32 v37, v36;
	v20 =	vld [tilespmem:s21+$0x8410];
	(pc) =	sbr.rel @p0 .LBB2_11-.Ltmp4, $4  }
0x1e0: {  	v28 =	vmul.f32 v39, v38;
	v31 =	vmul.f32 v41, v40;
	v32 =	vld [tilespmem:s21+$0x8420]  }
0x1e1: {  	v35 =	vmul.f32 v43, v42;
	v36 =	vmul.f32 v45, v44;
	v34 =	vld [tilespmem:s21+$0x14420]  }
0x1e2: {  	v37 =	vmul.f32 v47, v46;
	v38 =	vmul.f32 v49, v48;
	v29 =	vld [tilespmem:s21+$0x14410]  }
0x1e3: {  	s0 =	sadd.s32 $0x4, s0;
	v39 =	vmul.f32 v51, v50;
	v33 =	vmul.f32 v53, v52;
	v30 =	vld [tilespmem:s21+$0x8430]  }
0x1e4: {  	v40 =	vld [tilespmem:s21+$0x14430];
	v19 =	vmul.f32 v21, v19;
	v43 =	vmul.f32 v25, v22;
	v46 =	vadd.f32 v37, v35  }
0x1e5: {  	v44 =	vmul.f32 v27, v26;
	v45 =	vld [tilespmem:s21+$0x8450];
	v47 =	vadd.f32 v38, v36;
	v28 =	vadd.f32 v31, v28  }
0x1e6: {  	v48 =	vld [tilespmem:s21+$0x14450];
	v9 =	vmul.f32 v10, v9;
	v1 =	vmul.f32 v2, v1;
	v19 =	vadd.f32 v19, v39  }
0x1e7: {  	v49 =	vld [tilespmem:s21+$0x145B0];
	v32 =	vmul.f32 v34, v32;
	v23 =	vadd.f32 v23, v46;
	v24 =	vadd.f32 v24, v47  }
0x1e8: {  	v50 =	vld [tilespmem:s21+$0x14470];
	v21 =	vadd.f32 v43, v33;
	v2 =	vadd.f32 v11, v28;
	v20 =	vmul.f32 v29, v20  }
0x1e9: {  	v52 =	vld [tilespmem:s21+$0x145D0];
	v22 =	vadd.f32 v32, v44;
	v15 =	vadd.f32 v15, v23;
	v51 =	vmul.f32 v40, v30  }
0x1ea: {  	v7 =	vmul.f32 v8, v7;
	v55 =	vld [tilespmem:s21+$0x85F0];
	v16 =	vadd.f32 v16, v24;
	v53 =	vadd.f32 v17, v19  }
0x1eb: {  	v58 =	vld [tilespmem:s21+$0x145F0];
	v54 =	vadd.f32 v18, v21;
	v57 =	vmul.f32 v48, v45;
	v56 =	vadd.f32 v51, v20  }
0x1ec: {  	v6 =	vmul.f32 v49, v6;
	v15 =	vadd.f32 v16, v15;
	v8 =	vadd.f32 v13, v53  }
0x1ed: {  	v5 =	vmul.f32 v50, v5;
	v7 =	vadd.f32 v7, v22;
	v60 =	vadd.f32 v57, v56  }
0x1ee: {  	v3 =	vmul.f32 v52, v3;
	v59 =	vadd.f32 v14, v54;
	v6 =	vadd.f32 v6, v9  }
0x1ef: {  	v7 =	vadd.f32 v12, v7;
	v5 =	vadd.f32 v5, v60  }
0x1f0: {  	v61 =	vmul.f32 v58, v55;
	v8 =	vadd.f32 v59, v8;
	v3 =	vadd.f32 v3, v6  }
0x1f1: {  	(xrf2) =	vadd.scan.msk.f32 $0xffff, v15;
	v5 =	vadd.f32 v5, v7  }
0x1f2: {  	v1 =	vadd.f32 v1, v2;
	(xrf2) =	vadd.scan.msk.f32 $0xffff, v8;
	v2 =	vadd.f32 v61, v3  }
0x1f3: {  	(xrf2) =	vadd.scan.msk.f32 $0xffff, v5  }
0x1f4: {  	v1 =	vadd.f32 v2, v1;
	_ =	sdelay $0x1  }
0x1f5: {  	(xrf2) =	vadd.scan.msk.f32 $0xffff, v1;
	_ =	sdelay $0x4  }
0x1f6: {  	v1, _, _ =	vpop (xrf2)  }
0x1f7: {  	s14 =	sadd.s32 $0x1, s25;
	v3 =	vmov s25;
	v2, _, _ =	vpop (xrf2)  }
0x1f8: {  	vm0 =	veq.s32 v3, v0;
	v3 =	vmov s14;
	v5, _, _ =	vpop (xrf2)  }
0x1f9: {  	s0 =	sadd.s32 $0x2, s25;
	s12 =	sadd.s32 $0x3, s25;
	s20 =	sadd.s32 $0x1, s20;
	v5 =	vbroadcast v5, $0xF  }
0x1fa: {  	v62 =	vmov s0;
	v63 =	vmov s12;
	p0 =	sne.s32 s20, $0x8;
	v2 =	vbroadcast v2, $0xF  }
.Ltmp5:
0x1fb: {  	vm13 =	veq.s32 v3, v0;
	v1 =	vbroadcast v1, $0xF;
	v3, _, _ =	vpop (xrf2);
	v4 =	vsel vm0, v5, v4;
	(pc) =	sbr.rel @p0 .LBB2_10-.Ltmp5, $4  }
0x1fc: {  	vm14 =	veq.s32 v62, v0;
	v3 =	vbroadcast v3, $0xF;
	v2 =	vsel vm13, v2, v4  }
0x1fd: {  	vm15 =	veq.s32 v63, v0;
	v1 =	vsel vm14, v1, v2  }
0x1fe: {  	v1 =	vsel vm15, v3, v1  }
0x1ff: {  	s19 =	sadd.s32 $0x2000, s19;
	[tilespmem:s24+$0x18480] =	vst v1  }
0x200: {  	_ =	swait.ge [sflag:s22], $0x4000  }
0x201: {  	[sflag:s22] =	ssyncset.done $0x0  }
0x202: {  	[sflag:s22] =	ssyncadd.s32 $0xFFFFC000  }
0x203: {  	_ =	swait.ge [sflag:s23], $0x4000  }
0x204: {  	s19 =	simm.s32 $0x0;
	[sflag:s23] =	ssyncset.done $0x0  }
0x205: {  	s29 =	simm.s32 $0xC500;
	s30 =	simm.s32 $0x500;
	[sflag:s23] =	ssyncadd.s32 $0xFFFFC000  }
.LBB2_14:
0x206: {  	v1 =	vld [tilespmem:s30+$0xE0]  }
0x207: {  	v2 =	vld [tilespmem:s29+$0xE0]  }
0x208: {  	v4 =	vld [tilespmem:s30+$0x60]  }
0x209: {  	v11 =	vld [tilespmem:s29+$0x60]  }
0x20a: {  	v12 =	vld [tilespmem:s30+$0x70]  }
0x20b: {  	v13 =	vld [tilespmem:s29+$0x70]  }
0x20c: {  	v14 =	vld [tilespmem:s30+$0xFFFFFFE0]  }
0x20d: {  	v17 =	vld [tilespmem:s29+$0xFFFFFFE0]  }
0x20e: {  	v18 =	vld [tilespmem:s30+$0xFFFFFFF0]  }
0x20f: {  	v19 =	vld [tilespmem:s29+$0xFFFFFFF0]  }
0x210: {  	v20 =	vld [tilespmem:s30+$0xC0]  }
0x211: {  	v21 =	vld [tilespmem:s29+$0xC0]  }
0x212: {  	v3 =	vld [tilespmem:s30+$0xD0]  }
0x213: {  	v23 =	vld [tilespmem:s30+$0xFFFFFF60]  }
0x214: {  	v24 =	vld [tilespmem:s29+$0xFFFFFF60]  }
0x215: {  	v5 =	vld [tilespmem:s30+$0xFFFFFF70]  }
0x216: {  	v25 =	vld [tilespmem:s30+$0x40]  }
0x217: {  	v26 =	vld [tilespmem:s29+$0x40]  }
0x218: {  	v27 =	vld [tilespmem:s30+$0x50]  }
0x219: {  	v28 =	vld [tilespmem:s29+$0x50]  }
0x21a: {  	v29 =	vld [tilespmem:s30+$0xFFFFFFC0]  }
0x21b: {  	v30 =	vld [tilespmem:s29+$0xFFFFFFC0]  }
0x21c: {  	v31 =	vld [tilespmem:s30+$0xFFFFFFD0]  }
0x21d: {  	v32 =	vld [tilespmem:s29+$0xFFFFFFD0]  }
0x21e: {  	v33 =	vld [tilespmem:s30+$0x80]  }
0x21f: {  	v34 =	vld [tilespmem:s29+$0x80]  }
0x220: {  	v9 =	vld [tilespmem:s30+$0x90]  }
0x221: {  	v10 =	vld [tilespmem:s29+$0x90]  }
0x222: {  	v35 =	vld [tilespmem:s30+$0xA0]  }
0x223: {  	v36 =	vld [tilespmem:s29+$0xA0]  }
0x224: {  	v6 =	vld [tilespmem:s30+$0xB0]  }
0x225: {  	v7 =	vld [tilespmem:s30+$0xFFFFFF40]  }
0x226: {  	v8 =	vld [tilespmem:s29+$0xFFFFFF40]  }
0x227: {  	v37 =	vld [tilespmem:s30+$0x0]  }
0x228: {  	v38 =	vld [tilespmem:s29+$0x0]  }
0x229: {  	v39 =	vld [tilespmem:s30+$0x10]  }
0x22a: {  	v40 =	vld [tilespmem:s29+$0x10]  }
0x22b: {  	v41 =	vld [tilespmem:s30+$0x20]  }
0x22c: {  	v42 =	vld [tilespmem:s29+$0x20]  }
0x22d: {  	v43 =	vld [tilespmem:s30+$0x30]  }
0x22e: {  	v44 =	vld [tilespmem:s29+$0x30]  }
0x22f: {  	v45 =	vld [tilespmem:s30+$0xFFFFFF80]  }
0x230: {  	v46 =	vld [tilespmem:s29+$0xFFFFFF80]  }
0x231: {  	v47 =	vld [tilespmem:s30+$0xFFFFFF90]  }
0x232: {  	v48 =	vld [tilespmem:s29+$0xFFFFFF90]  }
0x233: {  	v49 =	vld [tilespmem:s30+$0xFFFFFFA0]  }
0x234: {  	v50 =	vld [tilespmem:s29+$0xFFFFFFA0]  }
0x235: {  	v51 =	vld [tilespmem:s30+$0xFFFFFFB0];
	v15 =	vmul.f32 v11, v4;
	v16 =	vmul.f32 v13, v12  }
0x236: {  	v52 =	vld [tilespmem:s29+$0xFFFFFFB0];
	v13 =	vmul.f32 v17, v14;
	v14 =	vmul.f32 v19, v18  }
0x237: {  	v22 =	vld [tilespmem:s30+$0xFFFFFF00];
	v12 =	vmul.f32 v24, v23;
	v11 =	vmul.f32 v21, v20  }
0x238: {  	v24 =	vld [tilespmem:s29+$0xFFFFFF00];
	v20 =	vmul.f32 v26, v25;
	v21 =	vmul.f32 v28, v27  }
0x239: {  	v19 =	vld [tilespmem:s30+$0xFFFFFF10];
	v17 =	vmul.f32 v30, v29;
	v18 =	vmul.f32 v32, v31  }
0x23a: {  	v28 =	vld [tilespmem:s30+$0xFFFFFF20];
	v25 =	vmul.f32 v34, v33;
	v27 =	vmul.f32 v36, v35  }
0x23b: {  	v31 =	vld [tilespmem:s29+$0xFFFFFF20];
	v33 =	vmul.f32 v38, v37;
	v34 =	vmul.f32 v40, v39  }
0x23c: {  	v26 =	vld [tilespmem:s29+$0xFFFFFF10];
	v36 =	vmul.f32 v42, v41;
	v37 =	vmul.f32 v44, v43  }
0x23d: {  	s24 =	sshll.u32 s19, $0x4;
	s0 =	simm.s32 $0x4;
	v23 =	vld [tilespmem:s30+$0xFFFFFF30];
	v35 =	vmul.f32 v46, v45;
	v29 =	vmul.f32 v48, v47  }
0x23e: {  	s21 =	smov.u32 s30;
	s20 =	smov.u32 s29;
	s25 =	simm.s32 $0x0;
	v4 =	vimm.f32 $0.0e+00;
	v30 =	vld [tilespmem:s29+$0xFFFFFF30];
	v38 =	vmul.f32 v50, v49;
	v32 =	vmul.f32 v52, v51  }
.LBB2_15:
0x23f: {  	p0 =	slt.u32 s0, $0xC;
	v22 =	vmul.f32 v24, v22;
	v24 =	vld [tilespmem:s21+$0xFFFFFF50];
	v33 =	vadd.f32 v36, v33;
	v34 =	vadd.f32 v37, v34  }
0x240: {  	v25 =	vadd.f32 v27, v25;
	v28 =	vmul.f32 v31, v28;
	v31 =	vld [tilespmem:s20+$0xFFFFFF50];
	v35 =	vadd.f32 v38, v35  }
0x241: {  	v9 =	vmul.f32 v10, v9;
	v20 =	vadd.f32 v20, v33;
	v21 =	vadd.f32 v21, v34;
	v10 =	vld [tilespmem:s20+$0xB0]  }
0x242: {  	v27 =	vadd.f32 v32, v29;
	v19 =	vmul.f32 v26, v19;
	v22 =	vadd.f32 v28, v22;
	v26 =	vld [tilespmem:s20+$0xFFFFFF70]  }
0x243: {  	v23 =	vmul.f32 v30, v23;
	v15 =	vadd.f32 v15, v20;
	v16 =	vadd.f32 v16, v21;
	v20 =	vld [tilespmem:s20+$0xD0]  }
0x244: {  	v7 =	vmul.f32 v8, v7;
	v8 =	vadd.f32 v17, v35;
	v17 =	vadd.f32 v18, v27;
	v18 =	vld [tilespmem:s21+$0xF0]  }
0x245: {  	s21 =	sadd.s32 $0x200, s21;
	v19 =	vadd.f32 v23, v19;
	v21 =	vmul.f32 v31, v24;
	v15 =	vadd.f32 v16, v15;
	v16 =	vld [tilespmem:s20+$0xF0]  }
0x246: {  	v8 =	vadd.f32 v13, v8;
	v14 =	vadd.f32 v14, v17;
	s20 =	sadd.s32 $0x200, s20;
	v23 =	vld [tilespmem:s21+$0xE0];
	v6 =	vmul.f32 v10, v6  }
0x247: {  	v7 =	vadd.f32 v7, v22;
	v10 =	vld [tilespmem:s20+$0xE0];
	v17 =	vadd.f32 v21, v19;
	v5 =	vmul.f32 v26, v5;
	(xrf2) =	vadd.scan.msk.f32 $0xffff, v15  }
0x248: {  	v8 =	vadd.f32 v14, v8;
	v13 =	vld [tilespmem:s21+$0x60];
	v6 =	vadd.f32 v6, v9;
	v3 =	vmul.f32 v20, v3  }
0x249: {  	v7 =	vadd.f32 v12, v7;
	v15 =	vmul.f32 v2, v1;
	v14 =	vld [tilespmem:s20+$0x60];
	v5 =	vadd.f32 v5, v17  }
0x24a: {  	v9 =	vadd.f32 v11, v25;
	v12 =	vld [tilespmem:s21+$0x70];
	v3 =	vadd.f32 v3, v6;
	v6 =	vmul.f32 v16, v18;
	(xrf2) =	vadd.scan.msk.f32 $0xffff, v8  }
0x24b: {  	v11 =	vld [tilespmem:s20+$0x70];
	v5 =	vadd.f32 v5, v7;
	v1 =	vmov v23  }
0x24c: {  	v7 =	vadd.f32 v15, v9;
	v17 =	vld [tilespmem:s21+$0xFFFFFFE0];
	v3 =	vadd.f32 v6, v3;
	v2 =	vmov v10  }
0x24d: {  	v18 =	vld [tilespmem:s20+$0xFFFFFFE0];
	(xrf2) =	vadd.scan.msk.f32 $0xffff, v5  }
0x24e: {  	v19 =	vld [tilespmem:s21+$0xFFFFFFF0];
	v3 =	vadd.f32 v3, v7  }
0x24f: {  	v20 =	vld [tilespmem:s20+$0xFFFFFFF0]  }
0x250: {  	v21 =	vld [tilespmem:s21+$0xC0];
	(xrf2) =	vadd.scan.msk.f32 $0xffff, v3  }
0x251: {  	v23 =	vld [tilespmem:s20+$0xC0];
	v6, _, _ =	vpop (xrf2)  }
0x252: {  	v3 =	vld [tilespmem:s21+$0xD0]  }
0x253: {  	v24 =	vld [tilespmem:s21+$0xFFFFFF60]  }
0x254: {  	v25 =	vld [tilespmem:s20+$0xFFFFFF60];
	v7, _, _ =	vpop (xrf2)  }
0x255: {  	v5 =	vld [tilespmem:s21+$0xFFFFFF70]  }
0x256: {  	v26 =	vld [tilespmem:s21+$0x40]  }
0x257: {  	s12 =	sadd.s32 $0x2, s25;
	s14 =	sadd.s32 $0x3, s25;
	v8 =	vmov s25;
	v27 =	vld [tilespmem:s20+$0x40];
	v9, _, _ =	vpop (xrf2)  }
0x258: {  	s15 =	sadd.s32 $0x1, s25;
	s25 =	smov.u32 s0;
	v15 =	vmov s14;
	v10 =	vmov s12;
	v28 =	vld [tilespmem:s21+$0x50];
	v9 =	vbroadcast v9, $0xF  }
0x259: {  	v16 =	vmov s15;
	vm0 =	veq.s32 v8, v0;
	v7 =	vbroadcast v7, $0xF;
	v29 =	vld [tilespmem:s20+$0x50]  }
0x25a: {  	v6 =	vbroadcast v6, $0xF;
	v30 =	vld [tilespmem:s21+$0xFFFFFFC0];
	v4 =	vsel vm0, v9, v4;
	vm0 =	veq.s32 v16, v0;
	v8, _, _ =	vpop (xrf2)  }
0x25b: {  	v31 =	vld [tilespmem:s20+$0xFFFFFFC0];
	v4 =	vsel vm0, v7, v4;
	vm0 =	veq.s32 v10, v0;
	v7 =	vbroadcast v8, $0xF  }
0x25c: {  	v32 =	vld [tilespmem:s21+$0xFFFFFFD0];
	v4 =	vsel vm0, v6, v4;
	vm0 =	veq.s32 v15, v0  }
0x25d: {  	v33 =	vld [tilespmem:s20+$0xFFFFFFD0];
	v4 =	vsel vm0, v7, v4  }
0x25e: {  	v34 =	vld [tilespmem:s21+$0x80]  }
0x25f: {  	v35 =	vld [tilespmem:s20+$0x80]  }
0x260: {  	v9 =	vld [tilespmem:s21+$0x90]  }
0x261: {  	v10 =	vld [tilespmem:s20+$0x90]  }
0x262: {  	v36 =	vld [tilespmem:s21+$0xA0]  }
0x263: {  	v37 =	vld [tilespmem:s20+$0xA0]  }
0x264: {  	v6 =	vld [tilespmem:s21+$0xB0]  }
0x265: {  	v7 =	vld [tilespmem:s21+$0xFFFFFF40]  }
0x266: {  	v8 =	vld [tilespmem:s20+$0xFFFFFF40]  }
0x267: {  	v38 =	vld [tilespmem:s21+$0x0]  }
0x268: {  	v39 =	vld [tilespmem:s20+$0x0]  }
0x269: {  	v40 =	vld [tilespmem:s21+$0x10]  }
0x26a: {  	v41 =	vld [tilespmem:s20+$0x10]  }
0x26b: {  	v42 =	vld [tilespmem:s21+$0x20]  }
0x26c: {  	v43 =	vld [tilespmem:s20+$0x20]  }
0x26d: {  	v44 =	vld [tilespmem:s21+$0x30]  }
0x26e: {  	v45 =	vld [tilespmem:s20+$0x30]  }
0x26f: {  	v46 =	vld [tilespmem:s21+$0xFFFFFF80]  }
0x270: {  	v47 =	vld [tilespmem:s20+$0xFFFFFF80]  }
0x271: {  	v48 =	vld [tilespmem:s21+$0xFFFFFF90]  }
0x272: {  	v49 =	vld [tilespmem:s20+$0xFFFFFF90]  }
0x273: {  	v50 =	vld [tilespmem:s21+$0xFFFFFFA0]  }
0x274: {  	v51 =	vld [tilespmem:s20+$0xFFFFFFA0]  }
0x275: {  	v16 =	vmul.f32 v11, v12;
	v15 =	vmul.f32 v14, v13;
	v52 =	vld [tilespmem:s21+$0xFFFFFFB0]  }
0x276: {  	v13 =	vmul.f32 v18, v17;
	v14 =	vmul.f32 v20, v19;
	v53 =	vld [tilespmem:s20+$0xFFFFFFB0]  }
0x277: {  	v12 =	vmul.f32 v25, v24;
	v11 =	vmul.f32 v23, v21;
	v22 =	vld [tilespmem:s21+$0xFFFFFF00]  }
0x278: {  	v20 =	vmul.f32 v27, v26;
	v21 =	vmul.f32 v29, v28;
	v24 =	vld [tilespmem:s20+$0xFFFFFF00]  }
0x279: {  	v17 =	vmul.f32 v31, v30;
	v18 =	vmul.f32 v33, v32;
	v19 =	vld [tilespmem:s21+$0xFFFFFF10]  }
.Ltmp6:
0x27a: {  	v25 =	vmul.f32 v35, v34;
	v27 =	vmul.f32 v37, v36;
	v28 =	vld [tilespmem:s21+$0xFFFFFF20];
	(pc) =	sbr.rel @p0 .LBB2_15-.Ltmp6, $4  }
0x27b: {  	v33 =	vmul.f32 v39, v38;
	v34 =	vmul.f32 v41, v40;
	v31 =	vld [tilespmem:s20+$0xFFFFFF20]  }
0x27c: {  	v36 =	vmul.f32 v43, v42;
	v37 =	vmul.f32 v45, v44;
	v26 =	vld [tilespmem:s20+$0xFFFFFF10]  }
0x27d: {  	v35 =	vmul.f32 v47, v46;
	v29 =	vmul.f32 v49, v48;
	v23 =	vld [tilespmem:s21+$0xFFFFFF30]  }
0x27e: {  	s0 =	sadd.s32 $0x4, s0;
	v38 =	vmul.f32 v51, v50;
	v32 =	vmul.f32 v53, v52;
	v30 =	vld [tilespmem:s20+$0xFFFFFF30]  }
0x27f: {  	v33 =	vadd.f32 v36, v33  }
0x280: {  	v22 =	vmul.f32 v24, v22;
	v48 =	vld [tilespmem:s21+$0xFFFFFF50];
	v34 =	vadd.f32 v37, v34;
	v25 =	vadd.f32 v27, v25  }
0x281: {  	v49 =	vld [tilespmem:s20+$0xFFFFFF50];
	v9 =	vmul.f32 v10, v9;
	v1 =	vmul.f32 v2, v1;
	v35 =	vadd.f32 v38, v35  }
0x282: {  	v50 =	vld [tilespmem:s20+$0xB0];
	v28 =	vmul.f32 v31, v28;
	v52 =	vadd.f32 v32, v29;
	v20 =	vadd.f32 v20, v33  }
0x283: {  	v51 =	vld [tilespmem:s20+$0xFFFFFF70];
	v21 =	vadd.f32 v21, v34;
	v19 =	vmul.f32 v26, v19;
	v2 =	vadd.f32 v11, v25  }
0x284: {  	v53 =	vld [tilespmem:s20+$0xD0];
	v22 =	vadd.f32 v28, v22;
	v54 =	vadd.f32 v17, v35;
	v23 =	vmul.f32 v30, v23  }
0x285: {  	v7 =	vmul.f32 v8, v7;
	v56 =	vld [tilespmem:s21+$0xF0];
	v55 =	vadd.f32 v18, v52;
	v15 =	vadd.f32 v15, v20  }
0x286: {  	v58 =	vld [tilespmem:s20+$0xF0];
	v16 =	vadd.f32 v16, v21;
	v57 =	vmul.f32 v49, v48;
	v19 =	vadd.f32 v23, v19  }
0x287: {  	v8 =	vadd.f32 v13, v54;
	v59 =	vadd.f32 v14, v55;
	v6 =	vmul.f32 v50, v6  }
0x288: {  	v7 =	vadd.f32 v7, v22;
	v5 =	vmul.f32 v51, v5;
	v60 =	vadd.f32 v57, v19  }
0x289: {  	v3 =	vmul.f32 v53, v3;
	v15 =	vadd.f32 v16, v15;
	v6 =	vadd.f32 v6, v9  }
0x28a: {  	v7 =	vadd.f32 v12, v7;
	v5 =	vadd.f32 v5, v60  }
0x28b: {  	v61 =	vmul.f32 v58, v56;
	v8 =	vadd.f32 v59, v8;
	v3 =	vadd.f32 v3, v6  }
0x28c: {  	(xrf2) =	vadd.scan.msk.f32 $0xffff, v15;
	v5 =	vadd.f32 v5, v7  }
0x28d: {  	v1 =	vadd.f32 v1, v2;
	(xrf2) =	vadd.scan.msk.f32 $0xffff, v8;
	v2 =	vadd.f32 v61, v3  }
0x28e: {  	(xrf2) =	vadd.scan.msk.f32 $0xffff, v5  }
0x28f: {  	v1 =	vadd.f32 v2, v1;
	_ =	sdelay $0x1  }
0x290: {  	(xrf2) =	vadd.scan.msk.f32 $0xffff, v1;
	_ =	sdelay $0x4  }
0x291: {  	v1, _, _ =	vpop (xrf2)  }
0x292: {  	s14 =	sadd.s32 $0x1, s25;
	v3 =	vmov s25;
	v2, _, _ =	vpop (xrf2)  }
0x293: {  	vm0 =	veq.s32 v3, v0;
	v3 =	vmov s14;
	v5, _, _ =	vpop (xrf2)  }
0x294: {  	s0 =	sadd.s32 $0x2, s25;
	s12 =	sadd.s32 $0x3, s25;
	s19 =	sadd.s32 $0x1, s19;
	v5 =	vbroadcast v5, $0xF  }
0x295: {  	v62 =	vmov s0;
	v63 =	vmov s12;
	p0 =	sne.s32 s19, $0x8;
	v2 =	vbroadcast v2, $0xF  }
.Ltmp7:
0x296: {  	vm13 =	veq.s32 v3, v0;
	v1 =	vbroadcast v1, $0xF;
	v3, _, _ =	vpop (xrf2);
	v4 =	vsel vm0, v5, v4;
	(pc) =	sbr.rel @p0 .LBB2_14-.Ltmp7, $4  }
0x297: {  	vm14 =	veq.s32 v62, v0;
	v3 =	vbroadcast v3, $0xF;
	v2 =	vsel vm13, v2, v4  }
0x298: {  	vm15 =	veq.s32 v63, v0;
	v1 =	vsel vm14, v1, v2  }
0x299: {  	v1 =	vsel vm15, v3, v1  }
0x29a: {  	s29 =	sadd.s32 $0x800, s29;
	s30 =	sadd.s32 $0x800, s30;
	[tilespmem:s24+$0x18500] =	vst v1  }
0x29b: {  	_ =	swait.ge [sflag:s26], $0x4000  }
0x29c: {  	[sflag:s26] =	ssyncset.done $0x0  }
0x29d: {  	[sflag:s26] =	ssyncadd.s32 $0xFFFFC000  }
0x29e: {  	_ =	swait.ge [sflag:s28], $0x4000  }
0x29f: {  	[sflag:s28] =	ssyncset.done $0x0  }
0x2a0: {  	s19 =	simm.s32 $0x0;
	s20 =	simm.s32 $0x0;
	[sflag:s28] =	ssyncadd.s32 $0xFFFFC000  }
.LBB2_18:
0x2a1: {  	s21 =	sshra.s32 s19, $0x2  }
0x2a2: {  	v1 =	vld [tilespmem:s21+$0x45E0]  }
0x2a3: {  	v2 =	vld [tilespmem:s21+$0x105E0]  }
0x2a4: {  	v4 =	vld [tilespmem:s21+$0x4560]  }
0x2a5: {  	v11 =	vld [tilespmem:s21+$0x10560]  }
0x2a6: {  	v12 =	vld [tilespmem:s21+$0x4570]  }
0x2a7: {  	v13 =	vld [tilespmem:s21+$0x10570]  }
0x2a8: {  	v14 =	vld [tilespmem:s21+$0x44E0]  }
0x2a9: {  	v17 =	vld [tilespmem:s21+$0x104E0]  }
0x2aa: {  	v18 =	vld [tilespmem:s21+$0x44F0]  }
0x2ab: {  	v20 =	vld [tilespmem:s21+$0x104F0]  }
0x2ac: {  	v23 =	vld [tilespmem:s21+$0x45C0]  }
0x2ad: {  	v24 =	vld [tilespmem:s21+$0x105C0]  }
0x2ae: {  	v3 =	vld [tilespmem:s21+$0x45D0]  }
0x2af: {  	v27 =	vld [tilespmem:s21+$0x4460]  }
0x2b0: {  	v28 =	vld [tilespmem:s21+$0x10460]  }
0x2b1: {  	v5 =	vld [tilespmem:s21+$0x4470]  }
0x2b2: {  	v29 =	vld [tilespmem:s21+$0x4540]  }
0x2b3: {  	v30 =	vld [tilespmem:s21+$0x10540]  }
0x2b4: {  	v31 =	vld [tilespmem:s21+$0x4550]  }
0x2b5: {  	v32 =	vld [tilespmem:s21+$0x10550]  }
0x2b6: {  	v33 =	vld [tilespmem:s21+$0x44C0]  }
0x2b7: {  	v34 =	vld [tilespmem:s21+$0x104C0]  }
0x2b8: {  	v35 =	vld [tilespmem:s21+$0x44D0]  }
0x2b9: {  	v36 =	vld [tilespmem:s21+$0x104D0]  }
0x2ba: {  	v37 =	vld [tilespmem:s21+$0x4580]  }
0x2bb: {  	v38 =	vld [tilespmem:s21+$0x10580]  }
0x2bc: {  	v9 =	vld [tilespmem:s21+$0x4590]  }
0x2bd: {  	v10 =	vld [tilespmem:s21+$0x10590]  }
0x2be: {  	v39 =	vld [tilespmem:s21+$0x45A0]  }
0x2bf: {  	v40 =	vld [tilespmem:s21+$0x105A0]  }
0x2c0: {  	v6 =	vld [tilespmem:s21+$0x45B0]  }
0x2c1: {  	v7 =	vld [tilespmem:s21+$0x4440]  }
0x2c2: {  	v8 =	vld [tilespmem:s21+$0x10440]  }
0x2c3: {  	v41 =	vld [tilespmem:s21+$0x4500]  }
0x2c4: {  	v42 =	vld [tilespmem:s21+$0x10500]  }
0x2c5: {  	v43 =	vld [tilespmem:s21+$0x4510]  }
0x2c6: {  	v44 =	vld [tilespmem:s21+$0x10510]  }
0x2c7: {  	v45 =	vld [tilespmem:s21+$0x4520]  }
0x2c8: {  	v46 =	vld [tilespmem:s21+$0x10520]  }
0x2c9: {  	v47 =	vld [tilespmem:s21+$0x4530]  }
0x2ca: {  	v48 =	vld [tilespmem:s21+$0x10530]  }
0x2cb: {  	v49 =	vld [tilespmem:s21+$0x4480]  }
0x2cc: {  	v50 =	vld [tilespmem:s21+$0x10480]  }
0x2cd: {  	v51 =	vld [tilespmem:s21+$0x4490]  }
0x2ce: {  	v52 =	vld [tilespmem:s21+$0x10490]  }
0x2cf: {  	v19 =	vld [tilespmem:s21+$0x44A0]  }
0x2d0: {  	v21 =	vld [tilespmem:s21+$0x104A0]  }
0x2d1: {  	v22 =	vld [tilespmem:s21+$0x44B0];
	v15 =	vmul.f32 v11, v4;
	v16 =	vmul.f32 v13, v12  }
0x2d2: {  	v25 =	vld [tilespmem:s21+$0x104B0];
	v13 =	vmul.f32 v17, v14;
	v14 =	vmul.f32 v20, v18  }
0x2d3: {  	v26 =	vld [tilespmem:s21+$0x4400];
	v12 =	vmul.f32 v28, v27;
	v11 =	vmul.f32 v24, v23  }
0x2d4: {  	v27 =	vld [tilespmem:s21+$0x10400];
	v23 =	vmul.f32 v30, v29;
	v24 =	vmul.f32 v32, v31  }
0x2d5: {  	v20 =	vld [tilespmem:s21+$0x4410];
	v17 =	vmul.f32 v34, v33;
	v18 =	vmul.f32 v36, v35  }
0x2d6: {  	v32 =	vld [tilespmem:s21+$0x4420];
	v28 =	vmul.f32 v38, v37;
	v31 =	vmul.f32 v40, v39  }
0x2d7: {  	v34 =	vld [tilespmem:s21+$0x10420];
	v35 =	vmul.f32 v42, v41;
	v36 =	vmul.f32 v44, v43  }
0x2d8: {  	s24 =	sshll.u32 s20, $0x4;
	v29 =	vld [tilespmem:s21+$0x10410];
	v37 =	vmul.f32 v46, v45;
	v38 =	vmul.f32 v48, v47  }
0x2d9: {  	s0 =	simm.s32 $0x4;
	s29 =	smov.u32 s19;
	s25 =	simm.s32 $0x0;
	v4 =	vimm.f32 $0.0e+00;
	v30 =	vld [tilespmem:s21+$0x4430];
	v39 =	vmul.f32 v50, v49;
	v33 =	vmul.f32 v52, v51  }
.LBB2_19:
0x2da: {  	p0 =	slt.u32 s0, $0xC;
	v40 =	vld [tilespmem:s21+$0x10430];
	v19 =	vmul.f32 v21, v19;
	v21 =	vmul.f32 v25, v22  }
0x2db: {  	v22 =	vmul.f32 v27, v26;
	v26 =	vadd.f32 v37, v35;
	v27 =	vadd.f32 v38, v36;
	v25 =	vld [tilespmem:s21+$0x4450]  }
0x2dc: {  	v28 =	vadd.f32 v31, v28;
	v32 =	vmul.f32 v34, v32;
	v34 =	vld [tilespmem:s21+$0x10450];
	v19 =	vadd.f32 v19, v39  }
0x2dd: {  	v9 =	vmul.f32 v10, v9;
	v23 =	vadd.f32 v23, v26;
	v24 =	vadd.f32 v24, v27;
	v10 =	vld [tilespmem:s21+$0x105B0]  }
0x2de: {  	v21 =	vadd.f32 v21, v33;
	v20 =	vmul.f32 v29, v20;
	v22 =	vadd.f32 v32, v22;
	v26 =	vld [tilespmem:s21+$0x10470]  }
0x2df: {  	v15 =	vadd.f32 v15, v23;
	v16 =	vadd.f32 v16, v24;
	v27 =	vmul.f32 v40, v30;
	v23 =	vld [tilespmem:s21+$0x105D0]  }
0x2e0: {  	v7 =	vmul.f32 v8, v7;
	s29 =	sadd.s32 $0x800, s29;
	v8 =	vadd.f32 v17, v19;
	v17 =	vadd.f32 v18, v21;
	v18 =	vld [tilespmem:s21+$0x45F0]  }
0x2e1: {  	v15 =	vadd.f32 v16, v15;
	v19 =	vadd.f32 v27, v20;
	v20 =	vmul.f32 v34, v25;
	v16 =	vld [tilespmem:s21+$0x105F0];
	s21 =	sshra.s32 s29, $0x2  }
0x2e2: {  	v8 =	vadd.f32 v13, v8;
	v14 =	vadd.f32 v14, v17;
	v21 =	vld [tilespmem:s21+$0x45E0];
	v6 =	vmul.f32 v10, v6  }
0x2e3: {  	v7 =	vadd.f32 v7, v22;
	v10 =	vld [tilespmem:s21+$0x105E0];
	v17 =	vadd.f32 v20, v19;
	v5 =	vmul.f32 v26, v5;
	(xrf2) =	vadd.scan.msk.f32 $0xffff, v15  }
0x2e4: {  	v8 =	vadd.f32 v14, v8;
	v13 =	vld [tilespmem:s21+$0x4560];
	v6 =	vadd.f32 v6, v9;
	v3 =	vmul.f32 v23, v3  }
0x2e5: {  	v7 =	vadd.f32 v12, v7;
	v15 =	vmul.f32 v2, v1;
	v14 =	vld [tilespmem:s21+$0x10560];
	v5 =	vadd.f32 v5, v17  }
0x2e6: {  	v9 =	vadd.f32 v11, v28;
	v12 =	vld [tilespmem:s21+$0x4570];
	v3 =	vadd.f32 v3, v6;
	v6 =	vmul.f32 v16, v18;
	(xrf2) =	vadd.scan.msk.f32 $0xffff, v8  }
0x2e7: {  	v11 =	vld [tilespmem:s21+$0x10570];
	v5 =	vadd.f32 v5, v7;
	v1 =	vmov v21  }
0x2e8: {  	v7 =	vadd.f32 v15, v9;
	v17 =	vld [tilespmem:s21+$0x44E0];
	v3 =	vadd.f32 v6, v3;
	v2 =	vmov v10  }
0x2e9: {  	v18 =	vld [tilespmem:s21+$0x104E0];
	(xrf2) =	vadd.scan.msk.f32 $0xffff, v5  }
0x2ea: {  	v20 =	vld [tilespmem:s21+$0x44F0];
	v3 =	vadd.f32 v3, v7  }
0x2eb: {  	v23 =	vld [tilespmem:s21+$0x104F0]  }
0x2ec: {  	v24 =	vld [tilespmem:s21+$0x45C0];
	(xrf2) =	vadd.scan.msk.f32 $0xffff, v3  }
0x2ed: {  	v27 =	vld [tilespmem:s21+$0x105C0];
	v6, _, _ =	vpop (xrf2)  }
0x2ee: {  	v3 =	vld [tilespmem:s21+$0x45D0]  }
0x2ef: {  	v28 =	vld [tilespmem:s21+$0x4460]  }
0x2f0: {  	v29 =	vld [tilespmem:s21+$0x10460];
	v7, _, _ =	vpop (xrf2)  }
0x2f1: {  	v5 =	vld [tilespmem:s21+$0x4470]  }
0x2f2: {  	v30 =	vld [tilespmem:s21+$0x4540]  }
0x2f3: {  	s12 =	sadd.s32 $0x2, s25;
	s14 =	sadd.s32 $0x3, s25;
	v8 =	vmov s25;
	v31 =	vld [tilespmem:s21+$0x10540];
	v9, _, _ =	vpop (xrf2)  }
0x2f4: {  	s15 =	sadd.s32 $0x1, s25;
	s25 =	smov.u32 s0;
	v15 =	vmov s14;
	v10 =	vmov s12;
	v32 =	vld [tilespmem:s21+$0x4550];
	v9 =	vbroadcast v9, $0xF  }
0x2f5: {  	v16 =	vmov s15;
	vm0 =	veq.s32 v8, v0;
	v7 =	vbroadcast v7, $0xF;
	v33 =	vld [tilespmem:s21+$0x10550]  }
0x2f6: {  	v6 =	vbroadcast v6, $0xF;
	v34 =	vld [tilespmem:s21+$0x44C0];
	v4 =	vsel vm0, v9, v4;
	vm0 =	veq.s32 v16, v0;
	v8, _, _ =	vpop (xrf2)  }
0x2f7: {  	v35 =	vld [tilespmem:s21+$0x104C0];
	v4 =	vsel vm0, v7, v4;
	vm0 =	veq.s32 v10, v0;
	v7 =	vbroadcast v8, $0xF  }
0x2f8: {  	v36 =	vld [tilespmem:s21+$0x44D0];
	v4 =	vsel vm0, v6, v4;
	vm0 =	veq.s32 v15, v0  }
0x2f9: {  	v37 =	vld [tilespmem:s21+$0x104D0];
	v4 =	vsel vm0, v7, v4  }
0x2fa: {  	v38 =	vld [tilespmem:s21+$0x4580]  }
0x2fb: {  	v39 =	vld [tilespmem:s21+$0x10580]  }
0x2fc: {  	v9 =	vld [tilespmem:s21+$0x4590]  }
0x2fd: {  	v10 =	vld [tilespmem:s21+$0x10590]  }
0x2fe: {  	v40 =	vld [tilespmem:s21+$0x45A0]  }
0x2ff: {  	v41 =	vld [tilespmem:s21+$0x105A0]  }
0x300: {  	v6 =	vld [tilespmem:s21+$0x45B0]  }
0x301: {  	v7 =	vld [tilespmem:s21+$0x4440]  }
0x302: {  	v8 =	vld [tilespmem:s21+$0x10440]  }
0x303: {  	v42 =	vld [tilespmem:s21+$0x4500]  }
0x304: {  	v43 =	vld [tilespmem:s21+$0x10500]  }
0x305: {  	v44 =	vld [tilespmem:s21+$0x4510]  }
0x306: {  	v45 =	vld [tilespmem:s21+$0x10510]  }
0x307: {  	v46 =	vld [tilespmem:s21+$0x4520]  }
0x308: {  	v47 =	vld [tilespmem:s21+$0x10520]  }
0x309: {  	v48 =	vld [tilespmem:s21+$0x4530]  }
0x30a: {  	v49 =	vld [tilespmem:s21+$0x10530]  }
0x30b: {  	v50 =	vld [tilespmem:s21+$0x4480]  }
0x30c: {  	v51 =	vld [tilespmem:s21+$0x10480]  }
0x30d: {  	v52 =	vld [tilespmem:s21+$0x4490]  }
0x30e: {  	v53 =	vld [tilespmem:s21+$0x10490]  }
0x30f: {  	v19 =	vld [tilespmem:s21+$0x44A0]  }
0x310: {  	v21 =	vld [tilespmem:s21+$0x104A0]  }
0x311: {  	v16 =	vmul.f32 v11, v12;
	v15 =	vmul.f32 v14, v13;
	v22 =	vld [tilespmem:s21+$0x44B0]  }
0x312: {  	v13 =	vmul.f32 v18, v17;
	v14 =	vmul.f32 v23, v20;
	v25 =	vld [tilespmem:s21+$0x104B0]  }
0x313: {  	v12 =	vmul.f32 v29, v28;
	v11 =	vmul.f32 v27, v24;
	v26 =	vld [tilespmem:s21+$0x4400]  }
0x314: {  	v23 =	vmul.f32 v31, v30;
	v24 =	vmul.f32 v33, v32;
	v27 =	vld [tilespmem:s21+$0x10400]  }
.Ltmp8:
0x315: {  	v17 =	vmul.f32 v35, v34;
	v18 =	vmul.f32 v37, v36;
	v20 =	vld [tilespmem:s21+$0x4410];
	(pc) =	sbr.rel @p0 .LBB2_19-.Ltmp8, $4  }
0x316: {  	v28 =	vmul.f32 v39, v38;
	v31 =	vmul.f32 v41, v40;
	v32 =	vld [tilespmem:s21+$0x4420]  }
0x317: {  	v35 =	vmul.f32 v43, v42;
	v36 =	vmul.f32 v45, v44;
	v34 =	vld [tilespmem:s21+$0x10420]  }
0x318: {  	v37 =	vmul.f32 v47, v46;
	v38 =	vmul.f32 v49, v48;
	v29 =	vld [tilespmem:s21+$0x10410]  }
0x319: {  	s0 =	sadd.s32 $0x4, s0;
	v39 =	vmul.f32 v51, v50;
	v33 =	vmul.f32 v53, v52;
	v30 =	vld [tilespmem:s21+$0x4430]  }
0x31a: {  	v40 =	vld [tilespmem:s21+$0x10430];
	v19 =	vmul.f32 v21, v19;
	v43 =	vmul.f32 v25, v22;
	v46 =	vadd.f32 v37, v35  }
0x31b: {  	v44 =	vmul.f32 v27, v26;
	v45 =	vld [tilespmem:s21+$0x4450];
	v47 =	vadd.f32 v38, v36;
	v28 =	vadd.f32 v31, v28  }
0x31c: {  	v48 =	vld [tilespmem:s21+$0x10450];
	v9 =	vmul.f32 v10, v9;
	v1 =	vmul.f32 v2, v1;
	v19 =	vadd.f32 v19, v39  }
0x31d: {  	v49 =	vld [tilespmem:s21+$0x105B0];
	v32 =	vmul.f32 v34, v32;
	v23 =	vadd.f32 v23, v46;
	v24 =	vadd.f32 v24, v47  }
0x31e: {  	v50 =	vld [tilespmem:s21+$0x10470];
	v21 =	vadd.f32 v43, v33;
	v2 =	vadd.f32 v11, v28;
	v20 =	vmul.f32 v29, v20  }
0x31f: {  	v52 =	vld [tilespmem:s21+$0x105D0];
	v22 =	vadd.f32 v32, v44;
	v15 =	vadd.f32 v15, v23;
	v51 =	vmul.f32 v40, v30  }
0x320: {  	v7 =	vmul.f32 v8, v7;
	v55 =	vld [tilespmem:s21+$0x45F0];
	v16 =	vadd.f32 v16, v24;
	v53 =	vadd.f32 v17, v19  }
0x321: {  	v58 =	vld [tilespmem:s21+$0x105F0];
	v54 =	vadd.f32 v18, v21;
	v57 =	vmul.f32 v48, v45;
	v56 =	vadd.f32 v51, v20  }
0x322: {  	v6 =	vmul.f32 v49, v6;
	v15 =	vadd.f32 v16, v15;
	v8 =	vadd.f32 v13, v53  }
0x323: {  	v5 =	vmul.f32 v50, v5;
	v7 =	vadd.f32 v7, v22;
	v60 =	vadd.f32 v57, v56  }
0x324: {  	v3 =	vmul.f32 v52, v3;
	v59 =	vadd.f32 v14, v54;
	v6 =	vadd.f32 v6, v9  }
0x325: {  	v7 =	vadd.f32 v12, v7;
	v5 =	vadd.f32 v5, v60  }
0x326: {  	v61 =	vmul.f32 v58, v55;
	v8 =	vadd.f32 v59, v8;
	v3 =	vadd.f32 v3, v6  }
0x327: {  	(xrf2) =	vadd.scan.msk.f32 $0xffff, v15;
	v5 =	vadd.f32 v5, v7  }
0x328: {  	v1 =	vadd.f32 v1, v2;
	(xrf2) =	vadd.scan.msk.f32 $0xffff, v8;
	v2 =	vadd.f32 v61, v3  }
0x329: {  	(xrf2) =	vadd.scan.msk.f32 $0xffff, v5  }
0x32a: {  	v1 =	vadd.f32 v2, v1;
	_ =	sdelay $0x1  }
0x32b: {  	(xrf2) =	vadd.scan.msk.f32 $0xffff, v1;
	_ =	sdelay $0x4  }
0x32c: {  	v1, _, _ =	vpop (xrf2)  }
0x32d: {  	s14 =	sadd.s32 $0x1, s25;
	v3 =	vmov s25;
	v2, _, _ =	vpop (xrf2)  }
0x32e: {  	vm0 =	veq.s32 v3, v0;
	v3 =	vmov s14;
	v5, _, _ =	vpop (xrf2)  }
0x32f: {  	s0 =	sadd.s32 $0x2, s25;
	s12 =	sadd.s32 $0x3, s25;
	s20 =	sadd.s32 $0x1, s20;
	v5 =	vbroadcast v5, $0xF  }
0x330: {  	v62 =	vmov s0;
	v63 =	vmov s12;
	p0 =	sne.s32 s20, $0x8;
	v2 =	vbroadcast v2, $0xF  }
.Ltmp9:
0x331: {  	vm13 =	veq.s32 v3, v0;
	v1 =	vbroadcast v1, $0xF;
	v3, _, _ =	vpop (xrf2);
	v4 =	vsel vm0, v5, v4;
	(pc) =	sbr.rel @p0 .LBB2_18-.Ltmp9, $4  }
0x332: {  	vm14 =	veq.s32 v62, v0;
	v3 =	vbroadcast v3, $0xF;
	v2 =	vsel vm13, v2, v4  }
0x333: {  	vm15 =	veq.s32 v63, v0;
	v1 =	vsel vm14, v1, v2  }
0x334: {  	v1 =	vsel vm15, v3, v1  }
0x335: {  	s19 =	sadd.s32 $0x2000, s19;
	[tilespmem:s24+$0x18580] =	vst v1  }
0x336: {  	s17 =	sadd.s32 $0x1, s17  }
0x337: {  	p0 =	sne.s32 s17, s8  }
.Ltmp10:
0x338: {  	s0 =	simm.s32 $0x18400;
	(pc) =	sbr.rel @p0 .LBB2_1-.Ltmp10, $4  }
0x339: {  	[hbm4b:s7+s4] =	stream.linear.scatter [tilespmem:s0], [sflag:$0x7], $0x200, $0x38;
	[tilespmem:$0x18600] =	vst v63  }
0x33a: {  	_ =	swait.ge [sflag:s11], $0x200  }
0x33b: {  	[sflag:s11] =	ssyncset.done $0x0  }
0x33c: {  	s12 =	simm.s32 $0xC400;
	[sflag:s11] =	ssyncadd.s32 $0xFFFFFE00  }
0x33d: {  	_ =	sfence.sel $0x180000  }
0x33e: {  	[bflag:$0x0] =	sbarrier.arrive $0xFFFF  }
0x33f: {  	_ =	strace $0x90000047  }
0x340: {  	s0 =	stileid.u32;
	[bflag:$0x2] =	sbarrier.arrive $0xFFFF  }
0x341: {  	p0 =	sne.s32 s0, $0x0;
	s0 =	rddreg [dreg:$0x5]  }
0x342: {  	s0 =	sadd.s32 @!p0 $0x100000, s0  }
0x343: {  	[sflag:s0] =	ssyncadd.tile.s32 @!p0 $0x1;
	_ =	shalt  }
.Lfunc_end2:
_tile_overlayer_lowered:
.L_overlay_start_2:
0x344: {  	(tag) =	ssettag $0x2  }
0x345: {  	s0 =	rddreg [dreg:$0x0];
	s2 =	stileid.u32  }
0x346: {  	s1 =	rddreg [dreg:$0x1];
	p0 =	sne.s32 s2, $0x0  }
0x347: {  	s3 =	rddreg [dreg:$0x2];
	[bflag:$0x3] =	sbarrier.arrive $0xFFFF;
	s2 =	simm.s32 @!p0 $0x1C07  }
0x348: {  	[timem:s3], [sflag:s2] =	dma.local @!p0 [hbm:s0], s1  }
0x349: {  	s0 =	simm.s32 @!p0 $0x7  }
0x34a: {  	_ =	swait.ge @!p0 [sflag:s0], s1  }
0x34b: {  	s1 =	ssub.s32 @!p0 $0x0, s1;
	[sflag:s0] =	ssyncset.done @!p0 $0x0  }
0x34c: {  	[sflag:s0] =	ssyncadd.s32 @!p0 s1  }
0x34d: {  	[bflag:$0x3] =	sbarrier.arrive $0xFFFF  }
0x34e: {  	_ =	shalt  }

</sc_bundles>
